<compile_context>
chip_gen: v7x
topology: tpu7x:2x2x1
jax: 0.10.2.dev20260603
libtpu: 0.0.44.dev20260713+nightly
codegen_flags: <defaults>
</compile_context>

<pallas_src>
import functools

import jax
import jax.numpy as jnp
from jax import lax
from jax.experimental import pallas as pl
from jax.experimental.pallas import tpu as pltpu
from jax.experimental.pallas import tpu_sc as plsc

N = 10000
E = 160000
D = 256
H = 16
DH = 128

NC = 2
NS = 16
NW = NC * NS
CHUNK = 125
NROWS = E // CHUNK
ROWS_PER_W = NROWS // NW
K3_RPS = NROWS // NS
NPAD = 10240
NPS = NPAD // NS
OUTCH = 128
ROW_BLK = 1000



def _k1_body(h_ref, winT_ref, bin_ref, wuv_ref, buv_ref,
             h1a_ref, h1b_ref, su_ref, sv_ref, m_ref, acc_ref):
    i = pl.program_id(0)
    h1 = lax.dot_general(h_ref[...], winT_ref[...],
                         (((1,), (1,)), ((), ())),
                         preferred_element_type=jnp.float32) + bin_ref[...]
    h1a_ref[...] = h1[:, :DH]
    h1b_ref[...] = h1[:, DH:]
    suv = jnp.dot(h1, wuv_ref[...],
                  preferred_element_type=jnp.float32) + buv_ref[...]
    su_ref[...] = suv[:, :H]
    sv_ref[...] = suv[:, H:]
    blkmax = jnp.max(suv, axis=0, keepdims=True)

    @pl.when(i == 0)
    def _():
        acc_ref[...] = blkmax

    @pl.when(i > 0)
    def _():
        acc_ref[...] = jnp.maximum(acc_ref[...], blkmax)

    m = acc_ref[...]
    mm = m[:, :H] + m[:, H:]
    m_ref[...] = jnp.where(mm >= 0, mm, 0.2 * mm)


def _k1(h, winT, bin2, wuv, buv):
    nblk = N // ROW_BLK
    return pl.pallas_call(
        _k1_body,
        grid=(nblk,),
        in_specs=[
            pl.BlockSpec((ROW_BLK, D), lambda i: (i, 0)),
            pl.BlockSpec((D, D), lambda i: (0, 0)),
            pl.BlockSpec((1, D), lambda i: (0, 0)),
            pl.BlockSpec((D, 2 * H), lambda i: (0, 0)),
            pl.BlockSpec((1, 2 * H), lambda i: (0, 0)),
        ],
        out_specs=[
            pl.BlockSpec((ROW_BLK, DH), lambda i: (i, 0)),
            pl.BlockSpec((ROW_BLK, DH), lambda i: (i, 0)),
            pl.BlockSpec((ROW_BLK, H), lambda i: (i, 0)),
            pl.BlockSpec((ROW_BLK, H), lambda i: (i, 0)),
            pl.BlockSpec((1, H), lambda i: (0, 0)),
        ],
        out_shape=[
            jax.ShapeDtypeStruct((N, DH), jnp.float32),
            jax.ShapeDtypeStruct((N, DH), jnp.float32),
            jax.ShapeDtypeStruct((N, H), jnp.float32),
            jax.ShapeDtypeStruct((N, H), jnp.float32),
            jax.ShapeDtypeStruct((1, H), jnp.float32),
        ],
        scratch_shapes=[pltpu.VMEM((1, 2 * H), jnp.float32)],
    )(h, winT, bin2, wuv, buv)



def _k2_body(src2, dst2, su_hbm, sv_hbm, m_hbm, z16_hbm,
             ex_hbm, den_hbm,
             sidx0, sidx1, sidx2, sidx3, didx0, didx1, didx2, didx3,
             surow0, svrow0, p0, surow1, svrow1, p1,
             mvec, den_sh,
             isem0, isem1, isem2, isem3, gsem0, gsem1, wsem0, wsem1):
    c = lax.axis_index("c")
    s = lax.axis_index("s")
    wid = c * NS + s
    base = wid * ROWS_PER_W
    pltpu.sync_copy(z16_hbm, den_sh.at[pl.ds(s * NPS, NPS)])
    pltpu.sync_copy(m_hbm.at[0], mvec)
    plsc.subcore_barrier()
    mval = mvec[...]

    sidx_b = (sidx0, sidx1, sidx2, sidx3)
    didx_b = (didx0, didx1, didx2, didx3)
    isem_b = (isem0, isem1, isem2, isem3)
    surow_b = (surow0, surow1)
    svrow_b = (svrow0, svrow1)
    p_b = (p0, p1)
    gsem_b = (gsem0, gsem1)
    wsem_b = (wsem0, wsem1)

    def idx_load(j, q):
        pltpu.async_copy(src2.at[base + j, 0], sidx_b[q], isem_b[q])
        pltpu.async_copy(dst2.at[base + j, 0], didx_b[q], isem_b[q])

    def wait_idx(q):
        pltpu.make_async_copy(src2.at[base, 0], sidx_b[q], isem_b[q]).wait()
        pltpu.make_async_copy(dst2.at[base, 0], didx_b[q], isem_b[q]).wait()

    def gathers(d, q):
        pltpu.async_copy(su_hbm.at[sidx_b[q]], surow_b[d], gsem_b[d])
        pltpu.async_copy(sv_hbm.at[didx_b[q]], svrow_b[d], gsem_b[d])

    def wait_g(d, q):
        pltpu.make_async_copy(su_hbm.at[sidx_b[q]], surow_b[d],
                              gsem_b[d]).wait()
        pltpu.make_async_copy(sv_hbm.at[didx_b[q]], svrow_b[d],
                              gsem_b[d]).wait()

    def stores(j, d, q):
        pltpu.async_copy(p_b[d], ex_hbm.at[base + j], wsem_b[d])
        pltpu.sync_copy(p_b[d], den_sh.at[didx_b[q]], add=True)

    def wait_w(d):
        pltpu.make_async_copy(p_b[d], ex_hbm.at[base], wsem_b[d]).wait()

    idx_load(0, 0)
    idx_load(1, 1)
    wait_idx(0)
    gathers(0, 0)

    def quad(jj, _):
        for t in range(4):
            j = 4 * jj + t
            d = t % 2
            u = 1 - d
            surow, svrow, p = surow_b[d], svrow_b[d], p_b[d]
            wait_g(d, t)
            if t < 2:
                @pl.when(jj > 0)
                def _():
                    wait_w(d)
            else:
                wait_w(d)

            @plsc.parallel_loop(0, CHUNK, unroll=5)
            def _(e):
                v = surow[e] + svrow[e]
                v = jnp.where(v >= 0, v, 0.2 * v) - mval
                p[e] = jnp.exp(v)

            if t == 0:
                wait_idx(1)
                gathers(u, 1)
                idx_load(j + 2, 2)
            elif t == 3:
                @pl.when(jj < ROWS_PER_W // 4 - 1)
                def _():
                    wait_idx(0)
                    gathers(u, 0)
                    idx_load(j + 2, 1)
            else:
                wait_idx(t + 1)
                gathers(u, t + 1)
                if t == 2:
                    @pl.when(jj < ROWS_PER_W // 4 - 1)
                    def _():
                        idx_load(j + 2, 0)
                else:
                    idx_load(j + 2, 3)

            stores(j, d, t)
        return 0

    lax.fori_loop(0, ROWS_PER_W // 4, quad, 0)
    wait_w(0)
    wait_w(1)
    plsc.subcore_barrier()
    pltpu.sync_copy(den_sh.at[pl.ds(s * NPS, NPS)],
                    den_hbm.at[c, pl.ds(s * NPS, NPS)])


@functools.lru_cache(maxsize=None)
def _k2():
    mesh = plsc.VectorSubcoreMesh(core_axis_name="c", subcore_axis_name="s")
    return functools.partial(
        pl.kernel,
        out_type=[
            jax.ShapeDtypeStruct((NROWS, CHUNK, H), jnp.float32),
            jax.ShapeDtypeStruct((NC, NPAD, H), jnp.float32),
        ],
        mesh=mesh,
        compiler_params=pltpu.CompilerParams(use_tc_tiling_on_sc=False),
        scratch_types=[
            pltpu.VMEM((CHUNK,), jnp.int32),
            pltpu.VMEM((CHUNK,), jnp.int32),
            pltpu.VMEM((CHUNK,), jnp.int32),
            pltpu.VMEM((CHUNK,), jnp.int32),
            pltpu.VMEM((CHUNK,), jnp.int32),
            pltpu.VMEM((CHUNK,), jnp.int32),
            pltpu.VMEM((CHUNK,), jnp.int32),
            pltpu.VMEM((CHUNK,), jnp.int32),
            pltpu.VMEM((CHUNK, H), jnp.float32),
            pltpu.VMEM((CHUNK, H), jnp.float32),
            pltpu.VMEM((CHUNK, H), jnp.float32),
            pltpu.VMEM((CHUNK, H), jnp.float32),
            pltpu.VMEM((CHUNK, H), jnp.float32),
            pltpu.VMEM((CHUNK, H), jnp.float32),
            pltpu.VMEM((H,), jnp.float32),
            pltpu.VMEM_SHARED((NPAD, H), jnp.float32),
            pltpu.SemaphoreType.DMA,
            pltpu.SemaphoreType.DMA,
            pltpu.SemaphoreType.DMA,
            pltpu.SemaphoreType.DMA,
            pltpu.SemaphoreType.DMA,
            pltpu.SemaphoreType.DMA,
            pltpu.SemaphoreType.DMA,
            pltpu.SemaphoreType.DMA,
        ],
    )(_k2_body)



def _k3_body(src2, dst2, ex_hbm, den_hbm, h1a_hbm, h1b_hbm, z128_hbm,
             agg_hbm,
             sidx0, sidx1, sidx2, sidx3, didx0, didx1, didx2, didx3,
             rows0, rows1, exv0, exv1, slab,
             isem0, isem1, isem2, isem3, gsem0, gsem1, ssem0, ssem1):
    c = lax.axis_index("c")
    s = lax.axis_index("s")
    base = s * K3_RPS
    pltpu.sync_copy(z128_hbm, slab.at[pl.ds(s * NPS, NPS)])
    plsc.subcore_barrier()

    sidx_b = (sidx0, sidx1, sidx2, sidx3)
    didx_b = (didx0, didx1, didx2, didx3)
    isem_b = (isem0, isem1, isem2, isem3)
    rows_b = (rows0, rows1)
    exv_b = (exv0, exv1)
    gsem_b = (gsem0, gsem1)
    ssem_b = (ssem0, ssem1)

    def idx_load(j, q):
        pltpu.async_copy(src2.at[base + j, 0], sidx_b[q], isem_b[q])
        pltpu.async_copy(dst2.at[base + j, 0], didx_b[q], isem_b[q])

    def wait_idx(q):
        pltpu.make_async_copy(src2.at[base, 0], sidx_b[q], isem_b[q]).wait()
        pltpu.make_async_copy(dst2.at[base, 0], didx_b[q], isem_b[q]).wait()

    def gathers(j, d, q):
        dst = rows_b[d].at[pl.ds(0, CHUNK)]

        @pl.when(c == 0)
        def _():
            pltpu.async_copy(h1a_hbm.at[sidx_b[q]], dst, gsem_b[d])

        @pl.when(c == 1)
        def _():
            pltpu.async_copy(h1b_hbm.at[sidx_b[q]], dst, gsem_b[d])

        pltpu.async_copy(ex_hbm.at[base + j], exv_b[d].at[pl.ds(0, CHUNK)],
                         gsem_b[d])

    def wait_g(d, q):
        pltpu.make_async_copy(h1a_hbm.at[sidx_b[q]],
                              rows_b[d].at[pl.ds(0, CHUNK)],
                              gsem_b[d]).wait()
        pltpu.make_async_copy(ex_hbm.at[base], exv_b[d].at[pl.ds(0, CHUNK)],
                              gsem_b[d]).wait()

    def scatter(d, q):
        return pltpu.async_copy(rows_b[d].at[pl.ds(0, CHUNK)],
                                slab.at[didx_b[q]], ssem_b[d], add=True)

    idx_load(0, 0)
    idx_load(1, 1)
    wait_idx(0)
    gathers(0, 0, 0)

    def quad(jj, _):
        pend = []
        for t in range(4):
            j = 4 * jj + t
            d = t % 2
            u = 1 - d
            rows, exv = rows_b[d], exv_b[d]
            wait_g(d, t)

            @plsc.parallel_loop(0, CHUNK, unroll=5)
            def _(e):
                w = exv[e]
                for qf in range(DH // 16):
                    sl = pl.ds(16 * qf, 16)
                    rows[e, sl] = rows[e, sl] * w

            if t == 0:
                @pl.when(jj > 0)
                def _():
                    wait_idx(1)
                    gathers(j + 1, u, 1)
                    idx_load(j + 2, 2)

                @pl.when(jj == 0)
                def _():
                    wait_idx(1)
                    gathers(j + 1, u, 1)
                    idx_load(j + 2, 2)
            elif t == 3:
                pend[2].wait()

                @pl.when(jj < K3_RPS // 4 - 1)
                def _():
                    wait_idx(0)
                    gathers(j + 1, u, 0)
                    idx_load(j + 2, 1)
            else:
                pend[t - 1].wait()
                wait_idx(t + 1)
                gathers(j + 1, u, t + 1)
                if t == 2:
                    @pl.when(jj < K3_RPS // 4 - 1)
                    def _():
                        idx_load(j + 2, 0)
                else:
                    idx_load(j + 2, 3)

            pend.append(scatter(d, t))
        pend[3].wait()
        return 0

    lax.fori_loop(0, K3_RPS // 4, quad, 0)
    plsc.subcore_barrier()

    outbuf, d0, d1 = rows0, exv0, exv1

    def outchunk(k, _):
        nbase = s * NPS + k * OUTCH
        pltpu.sync_copy(slab.at[pl.ds(nbase, OUTCH)], outbuf)
        pltpu.sync_copy(den_hbm.at[0, pl.ds(nbase, OUTCH)], d0)
        pltpu.sync_copy(den_hbm.at[1, pl.ds(nbase, OUTCH)], d1)

        @plsc.parallel_loop(0, OUTCH, unroll=4)
        def _(e):
            dsum = d0[e] + d1[e]
            rd = jnp.where(dsum > 0, 1.0 / dsum, 0.0)
            for q in range(DH // 16):
                sl = pl.ds(16 * q, 16)
                outbuf[e, sl] = outbuf[e, sl] * rd

        pltpu.sync_copy(outbuf, agg_hbm.at[c, pl.ds(nbase, OUTCH)])
        return 0

    lax.fori_loop(0, NPS // OUTCH, outchunk, 0)


@functools.lru_cache(maxsize=None)
def _k3():
    mesh = plsc.VectorSubcoreMesh(core_axis_name="c", subcore_axis_name="s")
    return functools.partial(
        pl.kernel,
        out_type=jax.ShapeDtypeStruct((NC, NPAD, DH), jnp.float32),
        mesh=mesh,
        compiler_params=pltpu.CompilerParams(use_tc_tiling_on_sc=False),
        scratch_types=[
            pltpu.VMEM((CHUNK,), jnp.int32),
            pltpu.VMEM((CHUNK,), jnp.int32),
            pltpu.VMEM((CHUNK,), jnp.int32),
            pltpu.VMEM((CHUNK,), jnp.int32),
            pltpu.VMEM((CHUNK,), jnp.int32),
            pltpu.VMEM((CHUNK,), jnp.int32),
            pltpu.VMEM((CHUNK,), jnp.int32),
            pltpu.VMEM((CHUNK,), jnp.int32),
            pltpu.VMEM((OUTCH, DH), jnp.float32),
            pltpu.VMEM((OUTCH, DH), jnp.float32),
            pltpu.VMEM((OUTCH, H), jnp.float32),
            pltpu.VMEM((OUTCH, H), jnp.float32),
            pltpu.VMEM_SHARED((NPAD, DH), jnp.float32),
            pltpu.SemaphoreType.DMA,
            pltpu.SemaphoreType.DMA,
            pltpu.SemaphoreType.DMA,
            pltpu.SemaphoreType.DMA,
            pltpu.SemaphoreType.DMA,
            pltpu.SemaphoreType.DMA,
            pltpu.SemaphoreType.DMA,
            pltpu.SemaphoreType.DMA,
        ],
    )(_k3_body)



def _k4_body(aggA_ref, aggB_ref, w1aT_ref, w1bT_ref, b1_ref, w2T_ref, b2_ref,
             out_ref):
    dn = (((1,), (1,)), ((), ()))
    z = (lax.dot_general(aggA_ref[...].astype(jnp.bfloat16), w1aT_ref[...],
                         dn, preferred_element_type=jnp.float32)
         + lax.dot_general(aggB_ref[...].astype(jnp.bfloat16), w1bT_ref[...],
                           dn, preferred_element_type=jnp.float32)
         + b1_ref[...])
    z = 0.5 * z * (1.0 + lax.erf(z * 0.7071067811865476))
    out_ref[...] = lax.dot_general(z.astype(jnp.bfloat16), w2T_ref[...],
                                   dn,
                                   preferred_element_type=jnp.float32
                                   ) + b2_ref[...]


def _k4(aggA, aggB, w1aT, w1bT, b12, w2T, b22, hidden):
    nblk = N // ROW_BLK
    return pl.pallas_call(
        _k4_body,
        grid=(nblk,),
        in_specs=[
            pl.BlockSpec((ROW_BLK, DH), lambda i: (i, 0)),
            pl.BlockSpec((ROW_BLK, DH), lambda i: (i, 0)),
            pl.BlockSpec((hidden, DH), lambda i: (0, 0)),
            pl.BlockSpec((hidden, DH), lambda i: (0, 0)),
            pl.BlockSpec((1, hidden), lambda i: (0, 0)),
            pl.BlockSpec((D, hidden), lambda i: (0, 0)),
            pl.BlockSpec((1, D), lambda i: (0, 0)),
        ],
        out_specs=pl.BlockSpec((ROW_BLK, D), lambda i: (i, 0)),
        out_shape=jax.ShapeDtypeStruct((N, D), jnp.float32),
    )(aggA, aggB, w1aT, w1bT, b12, w2T, b22)



def kernel(h, edge_index, W_in, b_in, W_u, b_u, W_v, W1, b1, W2, b2):
    hidden = W1.shape[0]
    winT = W_in
    bin2 = b_in.reshape(1, D)
    wuv = jnp.concatenate([jnp.tile(W_u.T, (1, 2)), jnp.tile(W_v.T, (1, 2))],
                          axis=1)
    buv = jnp.concatenate([jnp.tile(b_u, 2), jnp.zeros((H,), jnp.float32)]
                          ).reshape(1, 2 * H)
    src2 = edge_index[0].reshape(NROWS, 1, CHUNK)
    dst2 = edge_index[1].reshape(NROWS, 1, CHUNK)
    z16 = jnp.zeros((NPS, H), jnp.float32)
    z128 = jnp.zeros((NPS, DH), jnp.float32)
    w1aT = W1[:, :DH].astype(jnp.bfloat16)
    w1bT = W1[:, DH:].astype(jnp.bfloat16)
    b12 = b1.reshape(1, hidden)
    w2T = W2.astype(jnp.bfloat16)
    b22 = b2.reshape(1, D)

    h1a, h1b, su_t, sv_t, m_t = _k1(h, winT, bin2, wuv, buv)
    ex, den = _k2()(src2, dst2, su_t, sv_t, m_t, z16)
    agg = _k3()(src2, dst2, ex, den, h1a, h1b, z128)
    out = _k4(agg[0], agg[1], w1aT, w1bT, b12, w2T, b22, hidden)
    return out

# --- scband reference (transcript-rebuilt; emitter-appended) ---
"""Pipeline reference for scband-gatmodule-10273561772508 (READ-ONLY COPY).

The authoritative reference and input builder live on the scoring server;
editing this copy changes nothing except your own understanding.
"""

import jax, jax.numpy as jnp
import numpy as np

N_NODES = 10000
N_EDGES = 160000
DIM = 256
NUM_HEADS = 8
HEAD_DIM = DIM // NUM_HEADS
HIDDEN = DIM * 4


def setup_inputs(seed: int = 0):
    key = jax.random.key(seed)
    ks = jax.random.split(key, 12)
    h = jax.random.normal(ks[0], (N_NODES, DIM), dtype=jnp.float32)
    edge_index = jax.random.randint(ks[1], (2, N_EDGES), 0, N_NODES).astype(jnp.int32)
    s = 1.0 / np.sqrt(DIM)
    sh = 1.0 / np.sqrt(HIDDEN)
    W_in = jax.random.uniform(ks[2], (DIM, DIM), minval=-s, maxval=s, dtype=jnp.float32)
    b_in = jax.random.uniform(ks[3], (DIM,), minval=-s, maxval=s, dtype=jnp.float32)
    W_u = jax.random.uniform(ks[4], (NUM_HEADS, DIM), minval=-s, maxval=s, dtype=jnp.float32)
    b_u = jax.random.uniform(ks[5], (NUM_HEADS,), minval=-s, maxval=s, dtype=jnp.float32)
    W_v = jax.random.uniform(ks[6], (NUM_HEADS, DIM), minval=-s, maxval=s, dtype=jnp.float32)
    W1 = jax.random.uniform(ks[7], (HIDDEN, DIM), minval=-s, maxval=s, dtype=jnp.float32)
    b1 = jax.random.uniform(ks[8], (HIDDEN,), minval=-s, maxval=s, dtype=jnp.float32)
    W2 = jax.random.uniform(ks[9], (DIM, HIDDEN), minval=-sh, maxval=sh, dtype=jnp.float32)
    b2 = jax.random.uniform(ks[10], (DIM,), minval=-sh, maxval=sh, dtype=jnp.float32)
    return {"h": h, "edge_index": edge_index, "W_in": W_in, "b_in": b_in, "W_u": W_u, "b_u": b_u, "W_v": W_v, "W1": W1, "b1": b1, "W2": W2, "b2": b2}


def reference(h, edge_index, W_in, b_in, W_u, b_u, W_v, W1, b1, W2, b2):
    src = edge_index[0]
    dst = edge_index[1]
    n = h.shape[0]
    # input linear
    h1 = h @ W_in.T + b_in
    # per-node attention scores
    su = h1 @ W_u.T + b_u          # [N, H]
    sv = h1 @ W_v.T                # [N, H]
    # u_add_v: gather to edges (u = source, v = destination)
    scores = su[src] + sv[dst]     # [E, H]
    # LeakyReLU(0.2)
    scores = jnp.where(scores >= 0, scores, 0.2 * scores)
    # edge_softmax: normalize over incoming edges per destination node
    smax = jax.ops.segment_max(scores, dst, num_segments=n)
    scores = scores - smax[dst]
    ex = jnp.exp(scores)
    denom = jax.ops.segment_sum(ex, dst, num_segments=n)
    attn_probs = ex / denom[dst]   # [E, H]
    # u_mul_e_sum
    hr = h1.reshape(-1, HEAD_DIM, NUM_HEADS)       # [N, hd, H]
    msg = hr[src] * attn_probs[:, None, :]          # [E, hd, H]
    agg = jax.ops.segment_sum(msg, dst, num_segments=n)  # [N, hd, H]
    hflat = agg.reshape(-1, DIM)
    # feed forward (GELU, exact)
    z = hflat @ W1.T + b1
    z = jax.nn.gelu(z, approximate=False)
    out = z @ W2.T + b2
    return out

if __name__ == "__main__":
    import jax
    _d = setup_inputs()
    print(jax.jit(kernel)(*tuple(_d.values())))

</pallas_src>

<mosaic_0001>
#map = affine_map<(d0, d1) -> (0, 0, 0)>
#map1 = affine_map<(d0, d1) -> (0, 0)>
module attributes {stable_mosaic.version = 14 : i64} {
  func.func @_k2_body(%arg0: i32, %arg1: i32, %arg2: memref<1280x1x125xi32, #tpu.memory_space<hbm>>, %arg3: memref<1280x1x125xi32, #tpu.memory_space<hbm>>, %arg4: memref<10000x16xf32, #tpu.memory_space<hbm>>, %arg5: memref<10000x16xf32, #tpu.memory_space<hbm>>, %arg6: memref<1x16xf32, #tpu.memory_space<hbm>>, %arg7: memref<640x16xf32, #tpu.memory_space<hbm>>, %arg8: memref<1280x125x16xf32, #tpu.memory_space<hbm>>, %arg9: memref<2x10240x16xf32, #tpu.memory_space<hbm>>, %arg10: memref<125xi32, #tpu.memory_space<vmem>>, %arg11: memref<125xi32, #tpu.memory_space<vmem>>, %arg12: memref<125xi32, #tpu.memory_space<vmem>>, %arg13: memref<125xi32, #tpu.memory_space<vmem>>, %arg14: memref<125xi32, #tpu.memory_space<vmem>>, %arg15: memref<125xi32, #tpu.memory_space<vmem>>, %arg16: memref<125xi32, #tpu.memory_space<vmem>>, %arg17: memref<125xi32, #tpu.memory_space<vmem>>, %arg18: memref<125x16xf32, #tpu.memory_space<vmem>>, %arg19: memref<125x16xf32, #tpu.memory_space<vmem>>, %arg20: memref<125x16xf32, #tpu.memory_space<vmem>>, %arg21: memref<125x16xf32, #tpu.memory_space<vmem>>, %arg22: memref<125x16xf32, #tpu.memory_space<vmem>>, %arg23: memref<125x16xf32, #tpu.memory_space<vmem>>, %arg24: memref<16xf32, #tpu.memory_space<vmem>>, %arg25: memref<10240x16xf32, #tpu.memory_space<vmem_shared>>, %arg26: memref<!tpu.dma_semaphore, #tpu.memory_space<semaphore_mem>>, %arg27: memref<!tpu.dma_semaphore, #tpu.memory_space<semaphore_mem>>, %arg28: memref<!tpu.dma_semaphore, #tpu.memory_space<semaphore_mem>>, %arg29: memref<!tpu.dma_semaphore, #tpu.memory_space<semaphore_mem>>, %arg30: memref<!tpu.dma_semaphore, #tpu.memory_space<semaphore_mem>>, %arg31: memref<!tpu.dma_semaphore, #tpu.memory_space<semaphore_mem>>, %arg32: memref<!tpu.dma_semaphore, #tpu.memory_space<semaphore_mem>>, %arg33: memref<!tpu.dma_semaphore, #tpu.memory_space<semaphore_mem>>) attributes {dimension_semantics = [#tpu.dimension_semantics<core_parallel>, #tpu.dimension_semantics<subcore_parallel>], iteration_bounds = array<i64: 2, 16>, scalar_prefetch = 0 : i64, scratch_operands = 24 : i64, tpu.core_type = #tpu.core_type<sc_vector_subcore>, window_params = [{transform_indices = #map}, {transform_indices = #map}, {transform_indices = #map1}, {transform_indices = #map1}, {transform_indices = #map1}, {transform_indices = #map1}, {transform_indices = #map}, {transform_indices = #map}]} {
    %mul3A = arith.constant 16 : i32
    %mul3A_0 = arith.muli %arg0, %mul3A : i32
    %add3A = arith.addi %mul3A_0, %arg1 : i32
    %mul3A_1 = arith.constant 40 : i32
    %mul3A_2 = arith.muli %add3A, %mul3A_1 : i32
    %mul3A_3 = arith.constant 640 : i32
    %mul3A_4 = arith.muli %arg1, %mul3A_3 : i32
    "tpu.region"() ({
      %run_scoped3A_88 = tpu.sem_alloc : memref<!tpu.dma_semaphore, #tpu.memory_space<semaphore_mem>>
      %dma_start3A_89 = arith.constant 0 : i32
      %dma_start3A_90 = tpu.memref_slice %arg25[%mul3A_4, %dma_start3A_89] : memref<10240x16xf32, #tpu.memory_space<vmem_shared>> -> memref<640x16xf32, #tpu.memory_space<vmem_shared>>
      tpu.enqueue_dma source(%arg7 : memref<640x16xf32, #tpu.memory_space<hbm>>) target(%dma_start3A_90 : memref<640x16xf32, #tpu.memory_space<vmem_shared>>) target_semaphore(%run_scoped3A_88 : memref<!tpu.dma_semaphore, #tpu.memory_space<semaphore_mem>>)
      %dma_wait3A_91 = arith.constant 0 : i32
      %dma_wait3A_92 = tpu.memref_slice %arg25[%mul3A_4, %dma_wait3A_91] : memref<10240x16xf32, #tpu.memory_space<vmem_shared>> -> memref<640x16xf32, #tpu.memory_space<vmem_shared>>
      tpu.wait_dma2 semaphore(%run_scoped3A_88 : memref<!tpu.dma_semaphore, #tpu.memory_space<semaphore_mem>>) src(%arg7 : memref<640x16xf32, #tpu.memory_space<hbm>>) dst(%dma_wait3A_92 : memref<640x16xf32, #tpu.memory_space<vmem_shared>>)
      tpu.yield
    }) : () -> ()
    %run_scoped3A = arith.constant 0 : i32
    "tpu.region"() ({
      %run_scoped3A_88 = tpu.sem_alloc : memref<!tpu.dma_semaphore, #tpu.memory_space<semaphore_mem>>
      %dma_start3A_89 = arith.constant 0 : i32
      %dma_start3A_90 = tpu.memref_slice %arg6[%run_scoped3A, %dma_start3A_89] : memref<1x16xf32, #tpu.memory_space<hbm>> -> memref<1x16xf32, #tpu.memory_space<hbm>>
      %dma_start3A_91 = tpu.memref_squeeze %dma_start3A_90 : memref<1x16xf32, #tpu.memory_space<hbm>> -> memref<16xf32, #tpu.memory_space<hbm>>
      %dma_start3A_92 = arith.constant 0 : i32
      %dma_start3A_93 = tpu.memref_slice %arg6[%run_scoped3A, %dma_start3A_92] : memref<1x16xf32, #tpu.memory_space<hbm>> -> memref<1x16xf32, #tpu.memory_space<hbm>>
      %dma_start3A_94 = tpu.memref_squeeze %dma_start3A_93 : memref<1x16xf32, #tpu.memory_space<hbm>> -> memref<16xf32, #tpu.memory_space<hbm>>
      tpu.enqueue_dma source(%dma_start3A_94 : memref<16xf32, #tpu.memory_space<hbm>>) target(%arg24 : memref<16xf32, #tpu.memory_space<vmem>>) target_semaphore(%run_scoped3A_88 : memref<!tpu.dma_semaphore, #tpu.memory_space<semaphore_mem>>)
      %dma_wait3A_95 = arith.constant 0 : i32
      %dma_wait3A_96 = tpu.memref_slice %arg6[%run_scoped3A, %dma_wait3A_95] : memref<1x16xf32, #tpu.memory_space<hbm>> -> memref<1x16xf32, #tpu.memory_space<hbm>>
      %dma_wait3A_97 = tpu.memref_squeeze %dma_wait3A_96 : memref<1x16xf32, #tpu.memory_space<hbm>> -> memref<16xf32, #tpu.memory_space<hbm>>
      %dma_wait3A_98 = arith.constant 0 : i32
      %dma_wait3A_99 = tpu.memref_slice %arg6[%run_scoped3A, %dma_wait3A_98] : memref<1x16xf32, #tpu.memory_space<hbm>> -> memref<1x16xf32, #tpu.memory_space<hbm>>
      %dma_wait3A_100 = tpu.memref_squeeze %dma_wait3A_99 : memref<1x16xf32, #tpu.memory_space<hbm>> -> memref<16xf32, #tpu.memory_space<hbm>>
      tpu.wait_dma2 semaphore(%run_scoped3A_88 : memref<!tpu.dma_semaphore, #tpu.memory_space<semaphore_mem>>) src(%dma_wait3A_100 : memref<16xf32, #tpu.memory_space<hbm>>) dst(%arg24 : memref<16xf32, #tpu.memory_space<vmem>>)
      tpu.yield
    }) : () -> ()
    %barrier3A = arith.constant 0 : index
    tpu.barrier barrier_id(%barrier3A)
    %get3A = arith.constant 0 : index
    %get3A_5 = tpu.vector_load %arg24[%get3A] {strides = array<i32>} : memref<16xf32, #tpu.memory_space<vmem>>, vector<16xf32>,
    %get3A_6 = vector.shape_cast %get3A_5 : vector<16xf32> to vector<16xf32>
    %add3A_7 = arith.constant 0 : i32
    %add3A_8 = arith.addi %mul3A_2, %add3A_7 : i32
    %dma_start3A = arith.constant 0 : i32
    %dma_start3A_9 = arith.constant 0 : i32
    %dma_start3A_10 = tpu.memref_slice %arg2[%add3A_8, %dma_start3A, %dma_start3A_9] : memref<1280x1x125xi32, #tpu.memory_space<hbm>> -> memref<1x1x125xi32, #tpu.memory_space<hbm>>
    %dma_start3A_11 = tpu.memref_squeeze %dma_start3A_10 : memref<1x1x125xi32, #tpu.memory_space<hbm>> -> memref<125xi32, #tpu.memory_space<hbm>>
    %dma_start3A_12 = arith.constant 0 : i32
    %dma_start3A_13 = tpu.memref_slice %arg2[%add3A_8, %dma_start3A, %dma_start3A_12] : memref<1280x1x125xi32, #tpu.memory_space<hbm>> -> memref<1x1x125xi32, #tpu.memory_space<hbm>>
    %dma_start3A_14 = tpu.memref_squeeze %dma_start3A_13 : memref<1x1x125xi32, #tpu.memory_space<hbm>> -> memref<125xi32, #tpu.memory_space<hbm>>
    tpu.enqueue_dma source(%dma_start3A_14 : memref<125xi32, #tpu.memory_space<hbm>>) target(%arg10 : memref<125xi32, #tpu.memory_space<vmem>>) target_semaphore(%arg26 : memref<!tpu.dma_semaphore, #tpu.memory_space<semaphore_mem>>)
    %add3A_15 = arith.constant 0 : i32
    %add3A_16 = arith.addi %mul3A_2, %add3A_15 : i32
    %dma_start3A_17 = arith.constant 0 : i32
    %dma_start3A_18 = arith.constant 0 : i32
    %dma_start3A_19 = tpu.memref_slice %arg3[%add3A_16, %dma_start3A_17, %dma_start3A_18] : memref<1280x1x125xi32, #tpu.memory_space<hbm>> -> memref<1x1x125xi32, #tpu.memory_space<hbm>>
    %dma_start3A_20 = tpu.memref_squeeze %dma_start3A_19 : memref<1x1x125xi32, #tpu.memory_space<hbm>> -> memref<125xi32, #tpu.memory_space<hbm>>
    %dma_start3A_21 = arith.constant 0 : i32
    %dma_start3A_22 = tpu.memref_slice %arg3[%add3A_16, %dma_start3A_17, %dma_start3A_21] : memref<1280x1x125xi32, #tpu.memory_space<hbm>> -> memref<1x1x125xi32, #tpu.memory_space<hbm>>
    %dma_start3A_23 = tpu.memref_squeeze %dma_start3A_22 : memref<1x1x125xi32, #tpu.memory_space<hbm>> -> memref<125xi32, #tpu.memory_space<hbm>>
    tpu.enqueue_dma source(%dma_start3A_23 : memref<125xi32, #tpu.memory_space<hbm>>) target(%arg14 : memref<125xi32, #tpu.memory_space<vmem>>) target_semaphore(%arg26 : memref<!tpu.dma_semaphore, #tpu.memory_space<semaphore_mem>>)
    %add3A_24 = arith.constant 1 : i32
    %add3A_25 = arith.addi %mul3A_2, %add3A_24 : i32
    %dma_start3A_26 = arith.constant 0 : i32
    %dma_start3A_27 = arith.constant 0 : i32
    %dma_start3A_28 = tpu.memref_slice %arg2[%add3A_25, %dma_start3A_26, %dma_start3A_27] : memref<1280x1x125xi32, #tpu.memory_space<hbm>> -> memref<1x1x125xi32, #tpu.memory_space<hbm>>
    %dma_start3A_29 = tpu.memref_squeeze %dma_start3A_28 : memref<1x1x125xi32, #tpu.memory_space<hbm>> -> memref<125xi32, #tpu.memory_space<hbm>>
    %dma_start3A_30 = arith.constant 0 : i32
    %dma_start3A_31 = tpu.memref_slice %arg2[%add3A_25, %dma_start3A_26, %dma_start3A_30] : memref<1280x1x125xi32, #tpu.memory_space<hbm>> -> memref<1x1x125xi32, #tpu.memory_space<hbm>>
    %dma_start3A_32 = tpu.memref_squeeze %dma_start3A_31 : memref<1x1x125xi32, #tpu.memory_space<hbm>> -> memref<125xi32, #tpu.memory_space<hbm>>
    tpu.enqueue_dma source(%dma_start3A_32 : memref<125xi32, #tpu.memory_space<hbm>>) target(%arg11 : memref<125xi32, #tpu.memory_space<vmem>>) target_semaphore(%arg27 : memref<!tpu.dma_semaphore, #tpu.memory_space<semaphore_mem>>)
    %add3A_33 = arith.constant 1 : i32
    %add3A_34 = arith.addi %mul3A_2, %add3A_33 : i32
    %dma_start3A_35 = arith.constant 0 : i32
    %dma_start3A_36 = arith.constant 0 : i32
    %dma_start3A_37 = tpu.memref_slice %arg3[%add3A_34, %dma_start3A_35, %dma_start3A_36] : memref<1280x1x125xi32, #tpu.memory_space<hbm>> -> memref<1x1x125xi32, #tpu.memory_space<hbm>>
    %dma_start3A_38 = tpu.memref_squeeze %dma_start3A_37 : memref<1x1x125xi32, #tpu.memory_space<hbm>> -> memref<125xi32, #tpu.memory_space<hbm>>
    %dma_start3A_39 = arith.constant 0 : i32
    %dma_start3A_40 = tpu.memref_slice %arg3[%add3A_34, %dma_start3A_35, %dma_start3A_39] : memref<1280x1x125xi32, #tpu.memory_space<hbm>> -> memref<1x1x125xi32, #tpu.memory_space<hbm>>
    %dma_start3A_41 = tpu.memref_squeeze %dma_start3A_40 : memref<1x1x125xi32, #tpu.memory_space<hbm>> -> memref<125xi32, #tpu.memory_space<hbm>>
    tpu.enqueue_dma source(%dma_start3A_41 : memref<125xi32, #tpu.memory_space<hbm>>) target(%arg15 : memref<125xi32, #tpu.memory_space<vmem>>) target_semaphore(%arg27 : memref<!tpu.dma_semaphore, #tpu.memory_space<semaphore_mem>>)
    %dma_wait3A = arith.constant 0 : i32
    %dma_wait3A_42 = arith.constant 0 : i32
    %dma_wait3A_43 = tpu.memref_slice %arg2[%mul3A_2, %dma_wait3A, %dma_wait3A_42] : memref<1280x1x125xi32, #tpu.memory_space<hbm>> -> memref<1x1x125xi32, #tpu.memory_space<hbm>>
    %dma_wait3A_44 = tpu.memref_squeeze %dma_wait3A_43 : memref<1x1x125xi32, #tpu.memory_space<hbm>> -> memref<125xi32, #tpu.memory_space<hbm>>
    %dma_wait3A_45 = arith.constant 0 : i32
    %dma_wait3A_46 = tpu.memref_slice %arg2[%mul3A_2, %dma_wait3A, %dma_wait3A_45] : memref<1280x1x125xi32, #tpu.memory_space<hbm>> -> memref<1x1x125xi32, #tpu.memory_space<hbm>>
    %dma_wait3A_47 = tpu.memref_squeeze %dma_wait3A_46 : memref<1x1x125xi32, #tpu.memory_space<hbm>> -> memref<125xi32, #tpu.memory_space<hbm>>
    tpu.wait_dma2 semaphore(%arg26 : memref<!tpu.dma_semaphore, #tpu.memory_space<semaphore_mem>>) src(%dma_wait3A_47 : memref<125xi32, #tpu.memory_space<hbm>>) dst(%arg10 : memref<125xi32, #tpu.memory_space<vmem>>)
    %dma_wait3A_48 = arith.constant 0 : i32
    %dma_wait3A_49 = arith.constant 0 : i32
    %dma_wait3A_50 = tpu.memref_slice %arg3[%mul3A_2, %dma_wait3A_48, %dma_wait3A_49] : memref<1280x1x125xi32, #tpu.memory_space<hbm>> -> memref<1x1x125xi32, #tpu.memory_space<hbm>>
    %dma_wait3A_51 = tpu.memref_squeeze %dma_wait3A_50 : memref<1x1x125xi32, #tpu.memory_space<hbm>> -> memref<125xi32, #tpu.memory_space<hbm>>
    %dma_wait3A_52 = arith.constant 0 : i32
    %dma_wait3A_53 = tpu.memref_slice %arg3[%mul3A_2, %dma_wait3A_48, %dma_wait3A_52] : memref<1280x1x125xi32, #tpu.memory_space<hbm>> -> memref<1x1x125xi32, #tpu.memory_space<hbm>>
    %dma_wait3A_54 = tpu.memref_squeeze %dma_wait3A_53 : memref<1x1x125xi32, #tpu.memory_space<hbm>> -> memref<125xi32, #tpu.memory_space<hbm>>
    tpu.wait_dma2 semaphore(%arg26 : memref<!tpu.dma_semaphore, #tpu.memory_space<semaphore_mem>>) src(%dma_wait3A_54 : memref<125xi32, #tpu.memory_space<hbm>>) dst(%arg14 : memref<125xi32, #tpu.memory_space<vmem>>)
    %dma_start3A_55 = arith.constant 0 : i32
    %dma_start3A_56 = arith.constant 0 : i32
    %dma_start3A_57 = tpu.memref_slice %arg4[%dma_start3A_55, %dma_start3A_56] : memref<10000x16xf32, #tpu.memory_space<hbm>> -> memref<10000x16xf32, #tpu.memory_space<hbm>>
    tpu.enqueue_indirect_dma source(%dma_start3A_57 : memref<10000x16xf32, #tpu.memory_space<hbm>>) target(%arg18 : memref<125x16xf32, #tpu.memory_space<vmem>>) offsets(%arg10 : memref<125xi32, #tpu.memory_space<vmem>>) semaphore(%arg30 : memref<!tpu.dma_semaphore, #tpu.memory_space<semaphore_mem>>)
    %dma_start3A_58 = arith.constant 0 : i32
    %dma_start3A_59 = arith.constant 0 : i32
    %dma_start3A_60 = tpu.memref_slice %arg5[%dma_start3A_58, %dma_start3A_59] : memref<10000x16xf32, #tpu.memory_space<hbm>> -> memref<10000x16xf32, #tpu.memory_space<hbm>>
    tpu.enqueue_indirect_dma source(%dma_start3A_60 : memref<10000x16xf32, #tpu.memory_space<hbm>>) target(%arg19 : memref<125x16xf32, #tpu.memory_space<vmem>>) offsets(%arg14 : memref<125xi32, #tpu.memory_space<vmem>>) semaphore(%arg30 : memref<!tpu.dma_semaphore, #tpu.memory_space<semaphore_mem>>)
    %scan3A = arith.constant 0 : i32
    %scan3A_61 = arith.constant 0 : i32
    %scan3A_62 = arith.constant 10 : i32
    %scan3A_63 = arith.addi %scan3A_61, %scan3A_62 : i32
    %scan3A_64 = arith.constant 1 : i32
    %scan3A_65 = scf.for %scan3A_88 = %scan3A_61 to %scan3A_63 step %scan3A_64 iter_args(%scan3A_89 = %scan3A) -> (i32)  : i32 {
      %mul3A_90 = arith.constant 4 : i32
      %mul3A_91 = arith.muli %mul3A_90, %scan3A_88 : i32
      %add3A_92 = arith.constant 0 : i32
      %add3A_93 = arith.addi %mul3A_91, %add3A_92 : i32
      %dma_wait3A_94 = arith.constant 0 : i32
      %dma_wait3A_95 = arith.constant 0 : i32
      %dma_wait3A_96 = tpu.memref_slice %arg4[%dma_wait3A_94, %dma_wait3A_95] : memref<10000x16xf32, #tpu.memory_space<hbm>> -> memref<10000x16xf32, #tpu.memory_space<hbm>>
      tpu.wait_indirect_dma semaphore(%arg30 : memref<!tpu.dma_semaphore, #tpu.memory_space<semaphore_mem>>) src(%dma_wait3A_96 : memref<10000x16xf32, #tpu.memory_space<hbm>>) dst(%arg18 : memref<125x16xf32, #tpu.memory_space<vmem>>)
      %dma_wait3A_97 = arith.constant 0 : i32
      %dma_wait3A_98 = arith.constant 0 : i32
      %dma_wait3A_99 = tpu.memref_slice %arg5[%dma_wait3A_97, %dma_wait3A_98] : memref<10000x16xf32, #tpu.memory_space<hbm>> -> memref<10000x16xf32, #tpu.memory_space<hbm>>
      tpu.wait_indirect_dma semaphore(%arg30 : memref<!tpu.dma_semaphore, #tpu.memory_space<semaphore_mem>>) src(%dma_wait3A_99 : memref<10000x16xf32, #tpu.memory_space<hbm>>) dst(%arg19 : memref<125x16xf32, #tpu.memory_space<vmem>>)
      %gt3A = arith.constant 0 : i32
      %gt3A_100 = arith.cmpi sgt, %scan3A_88, %gt3A : i32
      %convert_element_type3A = arith.extui %gt3A_100 : i1 to i32
      %cond3A = arith.constant 0 : i32
      %cond3A_101 = arith.cmpi ne, %convert_element_type3A, %cond3A : i32
      scf.if %cond3A_101 {
        %dma_wait3A_306 = arith.constant 0 : i32
        %dma_wait3A_307 = arith.constant 0 : i32
        %dma_wait3A_308 = tpu.memref_slice %arg8[%mul3A_2, %dma_wait3A_306, %dma_wait3A_307] : memref<1280x125x16xf32, #tpu.memory_space<hbm>> -> memref<1x125x16xf32, #tpu.memory_space<hbm>>
        %dma_wait3A_309 = tpu.memref_squeeze %dma_wait3A_308 : memref<1x125x16xf32, #tpu.memory_space<hbm>> -> memref<125x16xf32, #tpu.memory_space<hbm>>
        %dma_wait3A_310 = arith.constant 0 : i32
        %dma_wait3A_311 = arith.constant 0 : i32
        %dma_wait3A_312 = tpu.memref_slice %arg8[%mul3A_2, %dma_wait3A_310, %dma_wait3A_311] : memref<1280x125x16xf32, #tpu.memory_space<hbm>> -> memref<1x125x16xf32, #tpu.memory_space<hbm>>
        %dma_wait3A_313 = tpu.memref_squeeze %dma_wait3A_312 : memref<1x125x16xf32, #tpu.memory_space<hbm>> -> memref<125x16xf32, #tpu.memory_space<hbm>>
        tpu.wait_dma2 semaphore(%arg32 : memref<!tpu.dma_semaphore, #tpu.memory_space<semaphore_mem>>) src(%arg20 : memref<125x16xf32, #tpu.memory_space<vmem>>) dst(%dma_wait3A_313 : memref<125x16xf32, #tpu.memory_space<hbm>>)
      } else {
      }
      %parallel_loop3A = arith.constant 0 : i32
      %parallel_loop3A_102 = arith.constant 125 : i32
      %parallel_loop3A_103 = arith.constant 1 : i32
      scf.for %parallel_loop3A_306 = %parallel_loop3A to %parallel_loop3A_102 step %parallel_loop3A_103  : i32 {
        %parallel_loop3A_307 = arith.index_cast %parallel_loop3A_306 : i32 to index
        %parallel_loop3A_308 = arith.constant 0 : index
        %parallel_loop3A_309 = tpu.vector_load %arg18[%parallel_loop3A_307, %parallel_loop3A_308] {strides = array<i32>} : memref<125x16xf32, #tpu.memory_space<vmem>>, vector<1x16xf32>,
        %parallel_loop3A_310 = vector.shape_cast %parallel_loop3A_309 : vector<1x16xf32> to vector<16xf32>
        %parallel_loop3A_311 = arith.index_cast %parallel_loop3A_306 : i32 to index
        %parallel_loop3A_312 = arith.constant 0 : index
        %parallel_loop3A_313 = tpu.vector_load %arg19[%parallel_loop3A_311, %parallel_loop3A_312] {strides = array<i32>} : memref<125x16xf32, #tpu.memory_space<vmem>>, vector<1x16xf32>,
        %parallel_loop3A_314 = vector.shape_cast %parallel_loop3A_313 : vector<1x16xf32> to vector<16xf32>
        %parallel_loop3A_315 = arith.addf %parallel_loop3A_310, %parallel_loop3A_314 : vector<16xf32>
        %parallel_loop3A_316 = arith.constant 0.000000e+00 : f32
        %parallel_loop3A_317 = vector.broadcast %parallel_loop3A_316 : f32 to vector<16xf32>
        %parallel_loop3A_318 = arith.cmpf oge, %parallel_loop3A_315, %parallel_loop3A_317 : vector<16xf32>
        %parallel_loop3A_319 = arith.constant 2.000000e-01 : f32
        %parallel_loop3A_320 = vector.broadcast %parallel_loop3A_319 : f32 to vector<16xf32>
        %parallel_loop3A_321 = arith.mulf %parallel_loop3A_320, %parallel_loop3A_315 : vector<16xf32>
        %parallel_loop3A_322 = arith.select %parallel_loop3A_318, %parallel_loop3A_315, %parallel_loop3A_321 : vector<16xi1>, vector<16xf32>
        %parallel_loop3A_323 = arith.subf %parallel_loop3A_322, %get3A_6 : vector<16xf32>
        %parallel_loop3A_324 = math.exp %parallel_loop3A_323 : vector<16xf32>
        %parallel_loop3A_325 = arith.index_cast %parallel_loop3A_306 : i32 to index
        %parallel_loop3A_326 = arith.constant 0 : index
        %parallel_loop3A_327 = tpu.vector_load %arg20[%parallel_loop3A_325, %parallel_loop3A_326] {strides = array<i32>} : memref<125x16xf32, #tpu.memory_space<vmem>>, vector<1x16xf32>,
        %parallel_loop3A_328 = vector.shape_cast %parallel_loop3A_327 : vector<1x16xf32> to vector<16xf32>
        %parallel_loop3A_329 = vector.shape_cast %parallel_loop3A_324 : vector<16xf32> to vector<1x16xf32>
        tpu.vector_store %arg20[%parallel_loop3A_325, %parallel_loop3A_326], %parallel_loop3A_329 {strides = array<i32>} : memref<125x16xf32, #tpu.memory_space<vmem>>, vector<1x16xf32>,
      } {sc.loop_unroll_factor = 5 : i64, sc.parallel_access}
      %dma_wait3A_104 = arith.constant 0 : i32
      %dma_wait3A_105 = arith.constant 0 : i32
      %dma_wait3A_106 = tpu.memref_slice %arg2[%mul3A_2, %dma_wait3A_104, %dma_wait3A_105] : memref<1280x1x125xi32, #tpu.memory_space<hbm>> -> memref<1x1x125xi32, #tpu.memory_space<hbm>>
      %dma_wait3A_107 = tpu.memref_squeeze %dma_wait3A_106 : memref<1x1x125xi32, #tpu.memory_space<hbm>> -> memref<125xi32, #tpu.memory_space<hbm>>
      %dma_wait3A_108 = arith.constant 0 : i32
      %dma_wait3A_109 = tpu.memref_slice %arg2[%mul3A_2, %dma_wait3A_104, %dma_wait3A_108] : memref<1280x1x125xi32, #tpu.memory_space<hbm>> -> memref<1x1x125xi32, #tpu.memory_space<hbm>>
      %dma_wait3A_110 = tpu.memref_squeeze %dma_wait3A_109 : memref<1x1x125xi32, #tpu.memory_space<hbm>> -> memref<125xi32, #tpu.memory_space<hbm>>
      tpu.wait_dma2 semaphore(%arg27 : memref<!tpu.dma_semaphore, #tpu.memory_space<semaphore_mem>>) src(%dma_wait3A_110 : memref<125xi32, #tpu.memory_space<hbm>>) dst(%arg11 : memref<125xi32, #tpu.memory_space<vmem>>)
      %dma_wait3A_111 = arith.constant 0 : i32
      %dma_wait3A_112 = arith.constant 0 : i32
      %dma_wait3A_113 = tpu.memref_slice %arg3[%mul3A_2, %dma_wait3A_111, %dma_wait3A_112] : memref<1280x1x125xi32, #tpu.memory_space<hbm>> -> memref<1x1x125xi32, #tpu.memory_space<hbm>>
      %dma_wait3A_114 = tpu.memref_squeeze %dma_wait3A_113 : memref<1x1x125xi32, #tpu.memory_space<hbm>> -> memref<125xi32, #tpu.memory_space<hbm>>
      %dma_wait3A_115 = arith.constant 0 : i32
      %dma_wait3A_116 = tpu.memref_slice %arg3[%mul3A_2, %dma_wait3A_111, %dma_wait3A_115] : memref<1280x1x125xi32, #tpu.memory_space<hbm>> -> memref<1x1x125xi32, #tpu.memory_space<hbm>>
      %dma_wait3A_117 = tpu.memref_squeeze %dma_wait3A_116 : memref<1x1x125xi32, #tpu.memory_space<hbm>> -> memref<125xi32, #tpu.memory_space<hbm>>
      tpu.wait_dma2 semaphore(%arg27 : memref<!tpu.dma_semaphore, #tpu.memory_space<semaphore_mem>>) src(%dma_wait3A_117 : memref<125xi32, #tpu.memory_space<hbm>>) dst(%arg15 : memref<125xi32, #tpu.memory_space<vmem>>)
      %dma_start3A_118 = arith.constant 0 : i32
      %dma_start3A_119 = arith.constant 0 : i32
      %dma_start3A_120 = tpu.memref_slice %arg4[%dma_start3A_118, %dma_start3A_119] : memref<10000x16xf32, #tpu.memory_space<hbm>> -> memref<10000x16xf32, #tpu.memory_space<hbm>>
      tpu.enqueue_indirect_dma source(%dma_start3A_120 : memref<10000x16xf32, #tpu.memory_space<hbm>>) target(%arg21 : memref<125x16xf32, #tpu.memory_space<vmem>>) offsets(%arg11 : memref<125xi32, #tpu.memory_space<vmem>>) semaphore(%arg31 : memref<!tpu.dma_semaphore, #tpu.memory_space<semaphore_mem>>)
      %dma_start3A_121 = arith.constant 0 : i32
      %dma_start3A_122 = arith.constant 0 : i32
      %dma_start3A_123 = tpu.memref_slice %arg5[%dma_start3A_121, %dma_start3A_122] : memref<10000x16xf32, #tpu.memory_space<hbm>> -> memref<10000x16xf32, #tpu.memory_space<hbm>>
      tpu.enqueue_indirect_dma source(%dma_start3A_123 : memref<10000x16xf32, #tpu.memory_space<hbm>>) target(%arg22 : memref<125x16xf32, #tpu.memory_space<vmem>>) offsets(%arg15 : memref<125xi32, #tpu.memory_space<vmem>>) semaphore(%arg31 : memref<!tpu.dma_semaphore, #tpu.memory_space<semaphore_mem>>)
      %add3A_124 = arith.constant 2 : i32
      %add3A_125 = arith.addi %add3A_93, %add3A_124 : i32
      %add3A_126 = arith.addi %mul3A_2, %add3A_125 : i32
      %dma_start3A_127 = arith.constant 0 : i32
      %dma_start3A_128 = arith.constant 0 : i32
      %dma_start3A_129 = tpu.memref_slice %arg2[%add3A_126, %dma_start3A_127, %dma_start3A_128] : memref<1280x1x125xi32, #tpu.memory_space<hbm>> -> memref<1x1x125xi32, #tpu.memory_space<hbm>>
      %dma_start3A_130 = tpu.memref_squeeze %dma_start3A_129 : memref<1x1x125xi32, #tpu.memory_space<hbm>> -> memref<125xi32, #tpu.memory_space<hbm>>
      %dma_start3A_131 = arith.constant 0 : i32
      %dma_start3A_132 = tpu.memref_slice %arg2[%add3A_126, %dma_start3A_127, %dma_start3A_131] : memref<1280x1x125xi32, #tpu.memory_space<hbm>> -> memref<1x1x125xi32, #tpu.memory_space<hbm>>
      %dma_start3A_133 = tpu.memref_squeeze %dma_start3A_132 : memref<1x1x125xi32, #tpu.memory_space<hbm>> -> memref<125xi32, #tpu.memory_space<hbm>>
      tpu.enqueue_dma source(%dma_start3A_133 : memref<125xi32, #tpu.memory_space<hbm>>) target(%arg12 : memref<125xi32, #tpu.memory_space<vmem>>) target_semaphore(%arg28 : memref<!tpu.dma_semaphore, #tpu.memory_space<semaphore_mem>>)
      %add3A_134 = arith.addi %mul3A_2, %add3A_125 : i32
      %dma_start3A_135 = arith.constant 0 : i32
      %dma_start3A_136 = arith.constant 0 : i32
      %dma_start3A_137 = tpu.memref_slice %arg3[%add3A_134, %dma_start3A_135, %dma_start3A_136] : memref<1280x1x125xi32, #tpu.memory_space<hbm>> -> memref<1x1x125xi32, #tpu.memory_space<hbm>>
      %dma_start3A_138 = tpu.memref_squeeze %dma_start3A_137 : memref<1x1x125xi32, #tpu.memory_space<hbm>> -> memref<125xi32, #tpu.memory_space<hbm>>
      %dma_start3A_139 = arith.constant 0 : i32
      %dma_start3A_140 = tpu.memref_slice %arg3[%add3A_134, %dma_start3A_135, %dma_start3A_139] : memref<1280x1x125xi32, #tpu.memory_space<hbm>> -> memref<1x1x125xi32, #tpu.memory_space<hbm>>
      %dma_start3A_141 = tpu.memref_squeeze %dma_start3A_140 : memref<1x1x125xi32, #tpu.memory_space<hbm>> -> memref<125xi32, #tpu.memory_space<hbm>>
      tpu.enqueue_dma source(%dma_start3A_141 : memref<125xi32, #tpu.memory_space<hbm>>) target(%arg16 : memref<125xi32, #tpu.memory_space<vmem>>) target_semaphore(%arg28 : memref<!tpu.dma_semaphore, #tpu.memory_space<semaphore_mem>>)
      %add3A_142 = arith.addi %mul3A_2, %add3A_93 : i32
      %dma_start3A_143 = arith.constant 0 : i32
      %dma_start3A_144 = arith.constant 0 : i32
      %dma_start3A_145 = tpu.memref_slice %arg8[%add3A_142, %dma_start3A_143, %dma_start3A_144] : memref<1280x125x16xf32, #tpu.memory_space<hbm>> -> memref<1x125x16xf32, #tpu.memory_space<hbm>>
      %dma_start3A_146 = tpu.memref_squeeze %dma_start3A_145 : memref<1x125x16xf32, #tpu.memory_space<hbm>> -> memref<125x16xf32, #tpu.memory_space<hbm>>
      %dma_start3A_147 = arith.constant 0 : i32
      %dma_start3A_148 = arith.constant 0 : i32
      %dma_start3A_149 = tpu.memref_slice %arg8[%add3A_142, %dma_start3A_147, %dma_start3A_148] : memref<1280x125x16xf32, #tpu.memory_space<hbm>> -> memref<1x125x16xf32, #tpu.memory_space<hbm>>
      %dma_start3A_150 = tpu.memref_squeeze %dma_start3A_149 : memref<1x125x16xf32, #tpu.memory_space<hbm>> -> memref<125x16xf32, #tpu.memory_space<hbm>>
      tpu.enqueue_dma source(%arg20 : memref<125x16xf32, #tpu.memory_space<vmem>>) target(%dma_start3A_150 : memref<125x16xf32, #tpu.memory_space<hbm>>) target_semaphore(%arg32 : memref<!tpu.dma_semaphore, #tpu.memory_space<semaphore_mem>>)
      "tpu.region"() ({
        %run_scoped3A_306 = tpu.sem_alloc : memref<!tpu.dma_semaphore, #tpu.memory_space<semaphore_mem>>
        %dma_start3A_307 = arith.constant 0 : i32
        %dma_start3A_308 = arith.constant 0 : i32
        %dma_start3A_309 = tpu.memref_slice %arg25[%dma_start3A_307, %dma_start3A_308] : memref<10240x16xf32, #tpu.memory_space<vmem_shared>> -> memref<10240x16xf32, #tpu.memory_space<vmem_shared>>
        tpu.enqueue_indirect_dma source(%arg20 : memref<125x16xf32, #tpu.memory_space<vmem>>) target(%dma_start3A_309 : memref<10240x16xf32, #tpu.memory_space<vmem_shared>>) offsets(%arg14 : memref<125xi32, #tpu.memory_space<vmem>>) semaphore(%run_scoped3A_306 : memref<!tpu.dma_semaphore, #tpu.memory_space<semaphore_mem>>) {add = true}
        %dma_wait3A_310 = arith.constant 0 : i32
        %dma_wait3A_311 = arith.constant 0 : i32
        %dma_wait3A_312 = tpu.memref_slice %arg25[%dma_wait3A_310, %dma_wait3A_311] : memref<10240x16xf32, #tpu.memory_space<vmem_shared>> -> memref<10240x16xf32, #tpu.memory_space<vmem_shared>>
        tpu.wait_indirect_dma semaphore(%run_scoped3A_306 : memref<!tpu.dma_semaphore, #tpu.memory_space<semaphore_mem>>) src(%arg20 : memref<125x16xf32, #tpu.memory_space<vmem>>) dst(%dma_wait3A_312 : memref<10240x16xf32, #tpu.memory_space<vmem_shared>>)
        tpu.yield
      }) : () -> ()
      %mul3A_151 = arith.constant 4 : i32
      %mul3A_152 = arith.muli %mul3A_151, %scan3A_88 : i32
      %add3A_153 = arith.constant 1 : i32
      %add3A_154 = arith.addi %mul3A_152, %add3A_153 : i32
      %dma_wait3A_155 = arith.constant 0 : i32
      %dma_wait3A_156 = arith.constant 0 : i32
      %dma_wait3A_157 = tpu.memref_slice %arg4[%dma_wait3A_155, %dma_wait3A_156] : memref<10000x16xf32, #tpu.memory_space<hbm>> -> memref<10000x16xf32, #tpu.memory_space<hbm>>
      tpu.wait_indirect_dma semaphore(%arg31 : memref<!tpu.dma_semaphore, #tpu.memory_space<semaphore_mem>>) src(%dma_wait3A_157 : memref<10000x16xf32, #tpu.memory_space<hbm>>) dst(%arg21 : memref<125x16xf32, #tpu.memory_space<vmem>>)
      %dma_wait3A_158 = arith.constant 0 : i32
      %dma_wait3A_159 = arith.constant 0 : i32
      %dma_wait3A_160 = tpu.memref_slice %arg5[%dma_wait3A_158, %dma_wait3A_159] : memref<10000x16xf32, #tpu.memory_space<hbm>> -> memref<10000x16xf32, #tpu.memory_space<hbm>>
      tpu.wait_indirect_dma semaphore(%arg31 : memref<!tpu.dma_semaphore, #tpu.memory_space<semaphore_mem>>) src(%dma_wait3A_160 : memref<10000x16xf32, #tpu.memory_space<hbm>>) dst(%arg22 : memref<125x16xf32, #tpu.memory_space<vmem>>)
      %gt3A_161 = arith.constant 0 : i32
      %gt3A_162 = arith.cmpi sgt, %scan3A_88, %gt3A_161 : i32
      %convert_element_type3A_163 = arith.extui %gt3A_162 : i1 to i32
      %cond3A_164 = arith.constant 0 : i32
      %cond3A_165 = arith.cmpi ne, %convert_element_type3A_163, %cond3A_164 : i32
      scf.if %cond3A_165 {
        %dma_wait3A_306 = arith.constant 0 : i32
        %dma_wait3A_307 = arith.constant 0 : i32
        %dma_wait3A_308 = tpu.memref_slice %arg8[%mul3A_2, %dma_wait3A_306, %dma_wait3A_307] : memref<1280x125x16xf32, #tpu.memory_space<hbm>> -> memref<1x125x16xf32, #tpu.memory_space<hbm>>
        %dma_wait3A_309 = tpu.memref_squeeze %dma_wait3A_308 : memref<1x125x16xf32, #tpu.memory_space<hbm>> -> memref<125x16xf32, #tpu.memory_space<hbm>>
        %dma_wait3A_310 = arith.constant 0 : i32
        %dma_wait3A_311 = arith.constant 0 : i32
        %dma_wait3A_312 = tpu.memref_slice %arg8[%mul3A_2, %dma_wait3A_310, %dma_wait3A_311] : memref<1280x125x16xf32, #tpu.memory_space<hbm>> -> memref<1x125x16xf32, #tpu.memory_space<hbm>>
        %dma_wait3A_313 = tpu.memref_squeeze %dma_wait3A_312 : memref<1x125x16xf32, #tpu.memory_space<hbm>> -> memref<125x16xf32, #tpu.memory_space<hbm>>
        tpu.wait_dma2 semaphore(%arg33 : memref<!tpu.dma_semaphore, #tpu.memory_space<semaphore_mem>>) src(%arg23 : memref<125x16xf32, #tpu.memory_space<vmem>>) dst(%dma_wait3A_313 : memref<125x16xf32, #tpu.memory_space<hbm>>)
      } else {
      }
      %parallel_loop3A_166 = arith.constant 0 : i32
      %parallel_loop3A_167 = arith.constant 125 : i32
      %parallel_loop3A_168 = arith.constant 1 : i32
      scf.for %parallel_loop3A_306 = %parallel_loop3A_166 to %parallel_loop3A_167 step %parallel_loop3A_168  : i32 {
        %parallel_loop3A_307 = arith.index_cast %parallel_loop3A_306 : i32 to index
        %parallel_loop3A_308 = arith.constant 0 : index
        %parallel_loop3A_309 = tpu.vector_load %arg21[%parallel_loop3A_307, %parallel_loop3A_308] {strides = array<i32>} : memref<125x16xf32, #tpu.memory_space<vmem>>, vector<1x16xf32>,
        %parallel_loop3A_310 = vector.shape_cast %parallel_loop3A_309 : vector<1x16xf32> to vector<16xf32>
        %parallel_loop3A_311 = arith.index_cast %parallel_loop3A_306 : i32 to index
        %parallel_loop3A_312 = arith.constant 0 : index
        %parallel_loop3A_313 = tpu.vector_load %arg22[%parallel_loop3A_311, %parallel_loop3A_312] {strides = array<i32>} : memref<125x16xf32, #tpu.memory_space<vmem>>, vector<1x16xf32>,
        %parallel_loop3A_314 = vector.shape_cast %parallel_loop3A_313 : vector<1x16xf32> to vector<16xf32>
        %parallel_loop3A_315 = arith.addf %parallel_loop3A_310, %parallel_loop3A_314 : vector<16xf32>
        %parallel_loop3A_316 = arith.constant 0.000000e+00 : f32
        %parallel_loop3A_317 = vector.broadcast %parallel_loop3A_316 : f32 to vector<16xf32>
        %parallel_loop3A_318 = arith.cmpf oge, %parallel_loop3A_315, %parallel_loop3A_317 : vector<16xf32>
        %parallel_loop3A_319 = arith.constant 2.000000e-01 : f32
        %parallel_loop3A_320 = vector.broadcast %parallel_loop3A_319 : f32 to vector<16xf32>
        %parallel_loop3A_321 = arith.mulf %parallel_loop3A_320, %parallel_loop3A_315 : vector<16xf32>
        %parallel_loop3A_322 = arith.select %parallel_loop3A_318, %parallel_loop3A_315, %parallel_loop3A_321 : vector<16xi1>, vector<16xf32>
        %parallel_loop3A_323 = arith.subf %parallel_loop3A_322, %get3A_6 : vector<16xf32>
        %parallel_loop3A_324 = math.exp %parallel_loop3A_323 : vector<16xf32>
        %parallel_loop3A_325 = arith.index_cast %parallel_loop3A_306 : i32 to index
        %parallel_loop3A_326 = arith.constant 0 : index
        %parallel_loop3A_327 = tpu.vector_load %arg23[%parallel_loop3A_325, %parallel_loop3A_326] {strides = array<i32>} : memref<125x16xf32, #tpu.memory_space<vmem>>, vector<1x16xf32>,
        %parallel_loop3A_328 = vector.shape_cast %parallel_loop3A_327 : vector<1x16xf32> to vector<16xf32>
        %parallel_loop3A_329 = vector.shape_cast %parallel_loop3A_324 : vector<16xf32> to vector<1x16xf32>
        tpu.vector_store %arg23[%parallel_loop3A_325, %parallel_loop3A_326], %parallel_loop3A_329 {strides = array<i32>} : memref<125x16xf32, #tpu.memory_space<vmem>>, vector<1x16xf32>,
      } {sc.loop_unroll_factor = 5 : i64, sc.parallel_access}
      %dma_wait3A_169 = arith.constant 0 : i32
      %dma_wait3A_170 = arith.constant 0 : i32
      %dma_wait3A_171 = tpu.memref_slice %arg2[%mul3A_2, %dma_wait3A_169, %dma_wait3A_170] : memref<1280x1x125xi32, #tpu.memory_space<hbm>> -> memref<1x1x125xi32, #tpu.memory_space<hbm>>
      %dma_wait3A_172 = tpu.memref_squeeze %dma_wait3A_171 : memref<1x1x125xi32, #tpu.memory_space<hbm>> -> memref<125xi32, #tpu.memory_space<hbm>>
      %dma_wait3A_173 = arith.constant 0 : i32
      %dma_wait3A_174 = tpu.memref_slice %arg2[%mul3A_2, %dma_wait3A_169, %dma_wait3A_173] : memref<1280x1x125xi32, #tpu.memory_space<hbm>> -> memref<1x1x125xi32, #tpu.memory_space<hbm>>
      %dma_wait3A_175 = tpu.memref_squeeze %dma_wait3A_174 : memref<1x1x125xi32, #tpu.memory_space<hbm>> -> memref<125xi32, #tpu.memory_space<hbm>>
      tpu.wait_dma2 semaphore(%arg28 : memref<!tpu.dma_semaphore, #tpu.memory_space<semaphore_mem>>) src(%dma_wait3A_175 : memref<125xi32, #tpu.memory_space<hbm>>) dst(%arg12 : memref<125xi32, #tpu.memory_space<vmem>>)
      %dma_wait3A_176 = arith.constant 0 : i32
      %dma_wait3A_177 = arith.constant 0 : i32
      %dma_wait3A_178 = tpu.memref_slice %arg3[%mul3A_2, %dma_wait3A_176, %dma_wait3A_177] : memref<1280x1x125xi32, #tpu.memory_space<hbm>> -> memref<1x1x125xi32, #tpu.memory_space<hbm>>
      %dma_wait3A_179 = tpu.memref_squeeze %dma_wait3A_178 : memref<1x1x125xi32, #tpu.memory_space<hbm>> -> memref<125xi32, #tpu.memory_space<hbm>>
      %dma_wait3A_180 = arith.constant 0 : i32
      %dma_wait3A_181 = tpu.memref_slice %arg3[%mul3A_2, %dma_wait3A_176, %dma_wait3A_180] : memref<1280x1x125xi32, #tpu.memory_space<hbm>> -> memref<1x1x125xi32, #tpu.memory_space<hbm>>
      %dma_wait3A_182 = tpu.memref_squeeze %dma_wait3A_181 : memref<1x1x125xi32, #tpu.memory_space<hbm>> -> memref<125xi32, #tpu.memory_space<hbm>>
      tpu.wait_dma2 semaphore(%arg28 : memref<!tpu.dma_semaphore, #tpu.memory_space<semaphore_mem>>) src(%dma_wait3A_182 : memref<125xi32, #tpu.memory_space<hbm>>) dst(%arg16 : memref<125xi32, #tpu.memory_space<vmem>>)
      %dma_start3A_183 = arith.constant 0 : i32
      %dma_start3A_184 = arith.constant 0 : i32
      %dma_start3A_185 = tpu.memref_slice %arg4[%dma_start3A_183, %dma_start3A_184] : memref<10000x16xf32, #tpu.memory_space<hbm>> -> memref<10000x16xf32, #tpu.memory_space<hbm>>
      tpu.enqueue_indirect_dma source(%dma_start3A_185 : memref<10000x16xf32, #tpu.memory_space<hbm>>) target(%arg18 : memref<125x16xf32, #tpu.memory_space<vmem>>) offsets(%arg12 : memref<125xi32, #tpu.memory_space<vmem>>) semaphore(%arg30 : memref<!tpu.dma_semaphore, #tpu.memory_space<semaphore_mem>>)
      %dma_start3A_186 = arith.constant 0 : i32
      %dma_start3A_187 = arith.constant 0 : i32
      %dma_start3A_188 = tpu.memref_slice %arg5[%dma_start3A_186, %dma_start3A_187] : memref<10000x16xf32, #tpu.memory_space<hbm>> -> memref<10000x16xf32, #tpu.memory_space<hbm>>
      tpu.enqueue_indirect_dma source(%dma_start3A_188 : memref<10000x16xf32, #tpu.memory_space<hbm>>) target(%arg19 : memref<125x16xf32, #tpu.memory_space<vmem>>) offsets(%arg16 : memref<125xi32, #tpu.memory_space<vmem>>) semaphore(%arg30 : memref<!tpu.dma_semaphore, #tpu.memory_space<semaphore_mem>>)
      %add3A_189 = arith.constant 2 : i32
      %add3A_190 = arith.addi %add3A_154, %add3A_189 : i32
      %add3A_191 = arith.addi %mul3A_2, %add3A_190 : i32
      %dma_start3A_192 = arith.constant 0 : i32
      %dma_start3A_193 = arith.constant 0 : i32
      %dma_start3A_194 = tpu.memref_slice %arg2[%add3A_191, %dma_start3A_192, %dma_start3A_193] : memref<1280x1x125xi32, #tpu.memory_space<hbm>> -> memref<1x1x125xi32, #tpu.memory_space<hbm>>
      %dma_start3A_195 = tpu.memref_squeeze %dma_start3A_194 : memref<1x1x125xi32, #tpu.memory_space<hbm>> -> memref<125xi32, #tpu.memory_space<hbm>>
      %dma_start3A_196 = arith.constant 0 : i32
      %dma_start3A_197 = tpu.memref_slice %arg2[%add3A_191, %dma_start3A_192, %dma_start3A_196] : memref<1280x1x125xi32, #tpu.memory_space<hbm>> -> memref<1x1x125xi32, #tpu.memory_space<hbm>>
      %dma_start3A_198 = tpu.memref_squeeze %dma_start3A_197 : memref<1x1x125xi32, #tpu.memory_space<hbm>> -> memref<125xi32, #tpu.memory_space<hbm>>
      tpu.enqueue_dma source(%dma_start3A_198 : memref<125xi32, #tpu.memory_space<hbm>>) target(%arg13 : memref<125xi32, #tpu.memory_space<vmem>>) target_semaphore(%arg29 : memref<!tpu.dma_semaphore, #tpu.memory_space<semaphore_mem>>)
      %add3A_199 = arith.addi %mul3A_2, %add3A_190 : i32
      %dma_start3A_200 = arith.constant 0 : i32
      %dma_start3A_201 = arith.constant 0 : i32
      %dma_start3A_202 = tpu.memref_slice %arg3[%add3A_199, %dma_start3A_200, %dma_start3A_201] : memref<1280x1x125xi32, #tpu.memory_space<hbm>> -> memref<1x1x125xi32, #tpu.memory_space<hbm>>
      %dma_start3A_203 = tpu.memref_squeeze %dma_start3A_202 : memref<1x1x125xi32, #tpu.memory_space<hbm>> -> memref<125xi32, #tpu.memory_space<hbm>>
      %dma_start3A_204 = arith.constant 0 : i32
      %dma_start3A_205 = tpu.memref_slice %arg3[%add3A_199, %dma_start3A_200, %dma_start3A_204] : memref<1280x1x125xi32, #tpu.memory_space<hbm>> -> memref<1x1x125xi32, #tpu.memory_space<hbm>>
      %dma_start3A_206 = tpu.memref_squeeze %dma_start3A_205 : memref<1x1x125xi32, #tpu.memory_space<hbm>> -> memref<125xi32, #tpu.memory_space<hbm>>
      tpu.enqueue_dma source(%dma_start3A_206 : memref<125xi32, #tpu.memory_space<hbm>>) target(%arg17 : memref<125xi32, #tpu.memory_space<vmem>>) target_semaphore(%arg29 : memref<!tpu.dma_semaphore, #tpu.memory_space<semaphore_mem>>)
      %add3A_207 = arith.addi %mul3A_2, %add3A_154 : i32
      %dma_start3A_208 = arith.constant 0 : i32
      %dma_start3A_209 = arith.constant 0 : i32
      %dma_start3A_210 = tpu.memref_slice %arg8[%add3A_207, %dma_start3A_208, %dma_start3A_209] : memref<1280x125x16xf32, #tpu.memory_space<hbm>> -> memref<1x125x16xf32, #tpu.memory_space<hbm>>
      %dma_start3A_211 = tpu.memref_squeeze %dma_start3A_210 : memref<1x125x16xf32, #tpu.memory_space<hbm>> -> memref<125x16xf32, #tpu.memory_space<hbm>>
      %dma_start3A_212 = arith.constant 0 : i32
      %dma_start3A_213 = arith.constant 0 : i32
      %dma_start3A_214 = tpu.memref_slice %arg8[%add3A_207, %dma_start3A_212, %dma_start3A_213] : memref<1280x125x16xf32, #tpu.memory_space<hbm>> -> memref<1x125x16xf32, #tpu.memory_space<hbm>>
      %dma_start3A_215 = tpu.memref_squeeze %dma_start3A_214 : memref<1x125x16xf32, #tpu.memory_space<hbm>> -> memref<125x16xf32, #tpu.memory_space<hbm>>
      tpu.enqueue_dma source(%arg23 : memref<125x16xf32, #tpu.memory_space<vmem>>) target(%dma_start3A_215 : memref<125x16xf32, #tpu.memory_space<hbm>>) target_semaphore(%arg33 : memref<!tpu.dma_semaphore, #tpu.memory_space<semaphore_mem>>)
      "tpu.region"() ({
        %run_scoped3A_306 = tpu.sem_alloc : memref<!tpu.dma_semaphore, #tpu.memory_space<semaphore_mem>>
        %dma_start3A_307 = arith.constant 0 : i32
        %dma_start3A_308 = arith.constant 0 : i32
        %dma_start3A_309 = tpu.memref_slice %arg25[%dma_start3A_307, %dma_start3A_308] : memref<10240x16xf32, #tpu.memory_space<vmem_shared>> -> memref<10240x16xf32, #tpu.memory_space<vmem_shared>>
        tpu.enqueue_indirect_dma source(%arg23 : memref<125x16xf32, #tpu.memory_space<vmem>>) target(%dma_start3A_309 : memref<10240x16xf32, #tpu.memory_space<vmem_shared>>) offsets(%arg15 : memref<125xi32, #tpu.memory_space<vmem>>) semaphore(%run_scoped3A_306 : memref<!tpu.dma_semaphore, #tpu.memory_space<semaphore_mem>>) {add = true}
        %dma_wait3A_310 = arith.constant 0 : i32
        %dma_wait3A_311 = arith.constant 0 : i32
        %dma_wait3A_312 = tpu.memref_slice %arg25[%dma_wait3A_310, %dma_wait3A_311] : memref<10240x16xf32, #tpu.memory_space<vmem_shared>> -> memref<10240x16xf32, #tpu.memory_space<vmem_shared>>
        tpu.wait_indirect_dma semaphore(%run_scoped3A_306 : memref<!tpu.dma_semaphore, #tpu.memory_space<semaphore_mem>>) src(%arg23 : memref<125x16xf32, #tpu.memory_space<vmem>>) dst(%dma_wait3A_312 : memref<10240x16xf32, #tpu.memory_space<vmem_shared>>)
        tpu.yield
      }) : () -> ()
      %mul3A_216 = arith.constant 4 : i32
      %mul3A_217 = arith.muli %mul3A_216, %scan3A_88 : i32
      %add3A_218 = arith.constant 2 : i32
      %add3A_219 = arith.addi %mul3A_217, %add3A_218 : i32
      %dma_wait3A_220 = arith.constant 0 : i32
      %dma_wait3A_221 = arith.constant 0 : i32
      %dma_wait3A_222 = tpu.memref_slice %arg4[%dma_wait3A_220, %dma_wait3A_221] : memref<10000x16xf32, #tpu.memory_space<hbm>> -> memref<10000x16xf32, #tpu.memory_space<hbm>>
      tpu.wait_indirect_dma semaphore(%arg30 : memref<!tpu.dma_semaphore, #tpu.memory_space<semaphore_mem>>) src(%dma_wait3A_222 : memref<10000x16xf32, #tpu.memory_space<hbm>>) dst(%arg18 : memref<125x16xf32, #tpu.memory_space<vmem>>)
      %dma_wait3A_223 = arith.constant 0 : i32
      %dma_wait3A_224 = arith.constant 0 : i32
      %dma_wait3A_225 = tpu.memref_slice %arg5[%dma_wait3A_223, %dma_wait3A_224] : memref<10000x16xf32, #tpu.memory_space<hbm>> -> memref<10000x16xf32, #tpu.memory_space<hbm>>
      tpu.wait_indirect_dma semaphore(%arg30 : memref<!tpu.dma_semaphore, #tpu.memory_space<semaphore_mem>>) src(%dma_wait3A_225 : memref<10000x16xf32, #tpu.memory_space<hbm>>) dst(%arg19 : memref<125x16xf32, #tpu.memory_space<vmem>>)
      %dma_wait3A_226 = arith.constant 0 : i32
      %dma_wait3A_227 = arith.constant 0 : i32
      %dma_wait3A_228 = tpu.memref_slice %arg8[%mul3A_2, %dma_wait3A_226, %dma_wait3A_227] : memref<1280x125x16xf32, #tpu.memory_space<hbm>> -> memref<1x125x16xf32, #tpu.memory_space<hbm>>
      %dma_wait3A_229 = tpu.memref_squeeze %dma_wait3A_228 : memref<1x125x16xf32, #tpu.memory_space<hbm>> -> memref<125x16xf32, #tpu.memory_space<hbm>>
      %dma_wait3A_230 = arith.constant 0 : i32
      %dma_wait3A_231 = arith.constant 0 : i32
      %dma_wait3A_232 = tpu.memref_slice %arg8[%mul3A_2, %dma_wait3A_230, %dma_wait3A_231] : memref<1280x125x16xf32, #tpu.memory_space<hbm>> -> memref<1x125x16xf32, #tpu.memory_space<hbm>>
      %dma_wait3A_233 = tpu.memref_squeeze %dma_wait3A_232 : memref<1x125x16xf32, #tpu.memory_space<hbm>> -> memref<125x16xf32, #tpu.memory_space<hbm>>
      tpu.wait_dma2 semaphore(%arg32 : memref<!tpu.dma_semaphore, #tpu.memory_space<semaphore_mem>>) src(%arg20 : memref<125x16xf32, #tpu.memory_space<vmem>>) dst(%dma_wait3A_233 : memref<125x16xf32, #tpu.memory_space<hbm>>)
      %parallel_loop3A_234 = arith.constant 0 : i32
      %parallel_loop3A_235 = arith.constant 125 : i32
      %parallel_loop3A_236 = arith.constant 1 : i32
      scf.for %parallel_loop3A_306 = %parallel_loop3A_234 to %parallel_loop3A_235 step %parallel_loop3A_236  : i32 {
        %parallel_loop3A_307 = arith.index_cast %parallel_loop3A_306 : i32 to index
        %parallel_loop3A_308 = arith.constant 0 : index
        %parallel_loop3A_309 = tpu.vector_load %arg18[%parallel_loop3A_307, %parallel_loop3A_308] {strides = array<i32>} : memref<125x16xf32, #tpu.memory_space<vmem>>, vector<1x16xf32>,
        %parallel_loop3A_310 = vector.shape_cast %parallel_loop3A_309 : vector<1x16xf32> to vector<16xf32>
        %parallel_loop3A_311 = arith.index_cast %parallel_loop3A_306 : i32 to index
        %parallel_loop3A_312 = arith.constant 0 : index
        %parallel_loop3A_313 = tpu.vector_load %arg19[%parallel_loop3A_311, %parallel_loop3A_312] {strides = array<i32>} : memref<125x16xf32, #tpu.memory_space<vmem>>, vector<1x16xf32>,
        %parallel_loop3A_314 = vector.shape_cast %parallel_loop3A_313 : vector<1x16xf32> to vector<16xf32>
        %parallel_loop3A_315 = arith.addf %parallel_loop3A_310, %parallel_loop3A_314 : vector<16xf32>
        %parallel_loop3A_316 = arith.constant 0.000000e+00 : f32
        %parallel_loop3A_317 = vector.broadcast %parallel_loop3A_316 : f32 to vector<16xf32>
        %parallel_loop3A_318 = arith.cmpf oge, %parallel_loop3A_315, %parallel_loop3A_317 : vector<16xf32>
        %parallel_loop3A_319 = arith.constant 2.000000e-01 : f32
        %parallel_loop3A_320 = vector.broadcast %parallel_loop3A_319 : f32 to vector<16xf32>
        %parallel_loop3A_321 = arith.mulf %parallel_loop3A_320, %parallel_loop3A_315 : vector<16xf32>
        %parallel_loop3A_322 = arith.select %parallel_loop3A_318, %parallel_loop3A_315, %parallel_loop3A_321 : vector<16xi1>, vector<16xf32>
        %parallel_loop3A_323 = arith.subf %parallel_loop3A_322, %get3A_6 : vector<16xf32>
        %parallel_loop3A_324 = math.exp %parallel_loop3A_323 : vector<16xf32>
        %parallel_loop3A_325 = arith.index_cast %parallel_loop3A_306 : i32 to index
        %parallel_loop3A_326 = arith.constant 0 : index
        %parallel_loop3A_327 = tpu.vector_load %arg20[%parallel_loop3A_325, %parallel_loop3A_326] {strides = array<i32>} : memref<125x16xf32, #tpu.memory_space<vmem>>, vector<1x16xf32>,
        %parallel_loop3A_328 = vector.shape_cast %parallel_loop3A_327 : vector<1x16xf32> to vector<16xf32>
        %parallel_loop3A_329 = vector.shape_cast %parallel_loop3A_324 : vector<16xf32> to vector<1x16xf32>
        tpu.vector_store %arg20[%parallel_loop3A_325, %parallel_loop3A_326], %parallel_loop3A_329 {strides = array<i32>} : memref<125x16xf32, #tpu.memory_space<vmem>>, vector<1x16xf32>,
      } {sc.loop_unroll_factor = 5 : i64, sc.parallel_access}
      %dma_wait3A_237 = arith.constant 0 : i32
      %dma_wait3A_238 = arith.constant 0 : i32
      %dma_wait3A_239 = tpu.memref_slice %arg2[%mul3A_2, %dma_wait3A_237, %dma_wait3A_238] : memref<1280x1x125xi32, #tpu.memory_space<hbm>> -> memref<1x1x125xi32, #tpu.memory_space<hbm>>
      %dma_wait3A_240 = tpu.memref_squeeze %dma_wait3A_239 : memref<1x1x125xi32, #tpu.memory_space<hbm>> -> memref<125xi32, #tpu.memory_space<hbm>>
      %dma_wait3A_241 = arith.constant 0 : i32
      %dma_wait3A_242 = tpu.memref_slice %arg2[%mul3A_2, %dma_wait3A_237, %dma_wait3A_241] : memref<1280x1x125xi32, #tpu.memory_space<hbm>> -> memref<1x1x125xi32, #tpu.memory_space<hbm>>
      %dma_wait3A_243 = tpu.memref_squeeze %dma_wait3A_242 : memref<1x1x125xi32, #tpu.memory_space<hbm>> -> memref<125xi32, #tpu.memory_space<hbm>>
      tpu.wait_dma2 semaphore(%arg29 : memref<!tpu.dma_semaphore, #tpu.memory_space<semaphore_mem>>) src(%dma_wait3A_243 : memref<125xi32, #tpu.memory_space<hbm>>) dst(%arg13 : memref<125xi32, #tpu.memory_space<vmem>>)
      %dma_wait3A_244 = arith.constant 0 : i32
      %dma_wait3A_245 = arith.constant 0 : i32
      %dma_wait3A_246 = tpu.memref_slice %arg3[%mul3A_2, %dma_wait3A_244, %dma_wait3A_245] : memref<1280x1x125xi32, #tpu.memory_space<hbm>> -> memref<1x1x125xi32, #tpu.memory_space<hbm>>
      %dma_wait3A_247 = tpu.memref_squeeze %dma_wait3A_246 : memref<1x1x125xi32, #tpu.memory_space<hbm>> -> memref<125xi32, #tpu.memory_space<hbm>>
      %dma_wait3A_248 = arith.constant 0 : i32
      %dma_wait3A_249 = tpu.memref_slice %arg3[%mul3A_2, %dma_wait3A_244, %dma_wait3A_248] : memref<1280x1x125xi32, #tpu.memory_space<hbm>> -> memref<1x1x125xi32, #tpu.memory_space<hbm>>
      %dma_wait3A_250 = tpu.memref_squeeze %dma_wait3A_249 : memref<1x1x125xi32, #tpu.memory_space<hbm>> -> memref<125xi32, #tpu.memory_space<hbm>>
      tpu.wait_dma2 semaphore(%arg29 : memref<!tpu.dma_semaphore, #tpu.memory_space<semaphore_mem>>) src(%dma_wait3A_250 : memref<125xi32, #tpu.memory_space<hbm>>) dst(%arg17 : memref<125xi32, #tpu.memory_space<vmem>>)
      %dma_start3A_251 = arith.constant 0 : i32
      %dma_start3A_252 = arith.constant 0 : i32
      %dma_start3A_253 = tpu.memref_slice %arg4[%dma_start3A_251, %dma_start3A_252] : memref<10000x16xf32, #tpu.memory_space<hbm>> -> memref<10000x16xf32, #tpu.memory_space<hbm>>
      tpu.enqueue_indirect_dma source(%dma_start3A_253 : memref<10000x16xf32, #tpu.memory_space<hbm>>) target(%arg21 : memref<125x16xf32, #tpu.memory_space<vmem>>) offsets(%arg13 : memref<125xi32, #tpu.memory_space<vmem>>) semaphore(%arg31 : memref<!tpu.dma_semaphore, #tpu.memory_space<semaphore_mem>>)
      %dma_start3A_254 = arith.constant 0 : i32
      %dma_start3A_255 = arith.constant 0 : i32
      %dma_start3A_256 = tpu.memref_slice %arg5[%dma_start3A_254, %dma_start3A_255] : memref<10000x16xf32, #tpu.memory_space<hbm>> -> memref<10000x16xf32, #tpu.memory_space<hbm>>
      tpu.enqueue_indirect_dma source(%dma_start3A_256 : memref<10000x16xf32, #tpu.memory_space<hbm>>) target(%arg22 : memref<125x16xf32, #tpu.memory_space<vmem>>) offsets(%arg17 : memref<125xi32, #tpu.memory_space<vmem>>) semaphore(%arg31 : memref<!tpu.dma_semaphore, #tpu.memory_space<semaphore_mem>>)
      %lt3A = arith.constant 9 : i32
      %lt3A_257 = arith.cmpi slt, %scan3A_88, %lt3A : i32
      %convert_element_type3A_258 = arith.extui %lt3A_257 : i1 to i32
      %cond3A_259 = arith.constant 0 : i32
      %cond3A_260 = arith.cmpi ne, %convert_element_type3A_258, %cond3A_259 : i32
      scf.if %cond3A_260 {
        %add3A_306 = arith.constant 2 : i32
        %add3A_307 = arith.addi %add3A_219, %add3A_306 : i32
        %add3A_308 = arith.addi %mul3A_2, %add3A_307 : i32
        %dma_start3A_309 = arith.constant 0 : i32
        %dma_start3A_310 = arith.constant 0 : i32
        %dma_start3A_311 = tpu.memref_slice %arg2[%add3A_308, %dma_start3A_309, %dma_start3A_310] : memref<1280x1x125xi32, #tpu.memory_space<hbm>> -> memref<1x1x125xi32, #tpu.memory_space<hbm>>
        %dma_start3A_312 = tpu.memref_squeeze %dma_start3A_311 : memref<1x1x125xi32, #tpu.memory_space<hbm>> -> memref<125xi32, #tpu.memory_space<hbm>>
        %dma_start3A_313 = arith.constant 0 : i32
        %dma_start3A_314 = tpu.memref_slice %arg2[%add3A_308, %dma_start3A_309, %dma_start3A_313] : memref<1280x1x125xi32, #tpu.memory_space<hbm>> -> memref<1x1x125xi32, #tpu.memory_space<hbm>>
        %dma_start3A_315 = tpu.memref_squeeze %dma_start3A_314 : memref<1x1x125xi32, #tpu.memory_space<hbm>> -> memref<125xi32, #tpu.memory_space<hbm>>
        tpu.enqueue_dma source(%dma_start3A_315 : memref<125xi32, #tpu.memory_space<hbm>>) target(%arg10 : memref<125xi32, #tpu.memory_space<vmem>>) target_semaphore(%arg26 : memref<!tpu.dma_semaphore, #tpu.memory_space<semaphore_mem>>)
        %add3A_316 = arith.addi %mul3A_2, %add3A_307 : i32
        %dma_start3A_317 = arith.constant 0 : i32
        %dma_start3A_318 = arith.constant 0 : i32
        %dma_start3A_319 = tpu.memref_slice %arg3[%add3A_316, %dma_start3A_317, %dma_start3A_318] : memref<1280x1x125xi32, #tpu.memory_space<hbm>> -> memref<1x1x125xi32, #tpu.memory_space<hbm>>
        %dma_start3A_320 = tpu.memref_squeeze %dma_start3A_319 : memref<1x1x125xi32, #tpu.memory_space<hbm>> -> memref<125xi32, #tpu.memory_space<hbm>>
        %dma_start3A_321 = arith.constant 0 : i32
        %dma_start3A_322 = tpu.memref_slice %arg3[%add3A_316, %dma_start3A_317, %dma_start3A_321] : memref<1280x1x125xi32, #tpu.memory_space<hbm>> -> memref<1x1x125xi32, #tpu.memory_space<hbm>>
        %dma_start3A_323 = tpu.memref_squeeze %dma_start3A_322 : memref<1x1x125xi32, #tpu.memory_space<hbm>> -> memref<125xi32, #tpu.memory_space<hbm>>
        tpu.enqueue_dma source(%dma_start3A_323 : memref<125xi32, #tpu.memory_space<hbm>>) target(%arg14 : memref<125xi32, #tpu.memory_space<vmem>>) target_semaphore(%arg26 : memref<!tpu.dma_semaphore, #tpu.memory_space<semaphore_mem>>)
      } else {
      }
      %add3A_261 = arith.addi %mul3A_2, %add3A_219 : i32
      %dma_start3A_262 = arith.constant 0 : i32
      %dma_start3A_263 = arith.constant 0 : i32
      %dma_start3A_264 = tpu.memref_slice %arg8[%add3A_261, %dma_start3A_262, %dma_start3A_263] : memref<1280x125x16xf32, #tpu.memory_space<hbm>> -> memref<1x125x16xf32, #tpu.memory_space<hbm>>
      %dma_start3A_265 = tpu.memref_squeeze %dma_start3A_264 : memref<1x125x16xf32, #tpu.memory_space<hbm>> -> memref<125x16xf32, #tpu.memory_space<hbm>>
      %dma_start3A_266 = arith.constant 0 : i32
      %dma_start3A_267 = arith.constant 0 : i32
      %dma_start3A_268 = tpu.memref_slice %arg8[%add3A_261, %dma_start3A_266, %dma_start3A_267] : memref<1280x125x16xf32, #tpu.memory_space<hbm>> -> memref<1x125x16xf32, #tpu.memory_space<hbm>>
      %dma_start3A_269 = tpu.memref_squeeze %dma_start3A_268 : memref<1x125x16xf32, #tpu.memory_space<hbm>> -> memref<125x16xf32, #tpu.memory_space<hbm>>
      tpu.enqueue_dma source(%arg20 : memref<125x16xf32, #tpu.memory_space<vmem>>) target(%dma_start3A_269 : memref<125x16xf32, #tpu.memory_space<hbm>>) target_semaphore(%arg32 : memref<!tpu.dma_semaphore, #tpu.memory_space<semaphore_mem>>)
      "tpu.region"() ({
        %run_scoped3A_306 = tpu.sem_alloc : memref<!tpu.dma_semaphore, #tpu.memory_space<semaphore_mem>>
        %dma_start3A_307 = arith.constant 0 : i32
        %dma_start3A_308 = arith.constant 0 : i32
        %dma_start3A_309 = tpu.memref_slice %arg25[%dma_start3A_307, %dma_start3A_308] : memref<10240x16xf32, #tpu.memory_space<vmem_shared>> -> memref<10240x16xf32, #tpu.memory_space<vmem_shared>>
        tpu.enqueue_indirect_dma source(%arg20 : memref<125x16xf32, #tpu.memory_space<vmem>>) target(%dma_start3A_309 : memref<10240x16xf32, #tpu.memory_space<vmem_shared>>) offsets(%arg16 : memref<125xi32, #tpu.memory_space<vmem>>) semaphore(%run_scoped3A_306 : memref<!tpu.dma_semaphore, #tpu.memory_space<semaphore_mem>>) {add = true}
        %dma_wait3A_310 = arith.constant 0 : i32
        %dma_wait3A_311 = arith.constant 0 : i32
        %dma_wait3A_312 = tpu.memref_slice %arg25[%dma_wait3A_310, %dma_wait3A_311] : memref<10240x16xf32, #tpu.memory_space<vmem_shared>> -> memref<10240x16xf32, #tpu.memory_space<vmem_shared>>
        tpu.wait_indirect_dma semaphore(%run_scoped3A_306 : memref<!tpu.dma_semaphore, #tpu.memory_space<semaphore_mem>>) src(%arg20 : memref<125x16xf32, #tpu.memory_space<vmem>>) dst(%dma_wait3A_312 : memref<10240x16xf32, #tpu.memory_space<vmem_shared>>)
        tpu.yield
      }) : () -> ()
      %mul3A_270 = arith.constant 4 : i32
      %mul3A_271 = arith.muli %mul3A_270, %scan3A_88 : i32
      %add3A_272 = arith.constant 3 : i32
      %add3A_273 = arith.addi %mul3A_271, %add3A_272 : i32
      %dma_wait3A_274 = arith.constant 0 : i32
      %dma_wait3A_275 = arith.constant 0 : i32
      %dma_wait3A_276 = tpu.memref_slice %arg4[%dma_wait3A_274, %dma_wait3A_275] : memref<10000x16xf32, #tpu.memory_space<hbm>> -> memref<10000x16xf32, #tpu.memory_space<hbm>>
      tpu.wait_indirect_dma semaphore(%arg31 : memref<!tpu.dma_semaphore, #tpu.memory_space<semaphore_mem>>) src(%dma_wait3A_276 : memref<10000x16xf32, #tpu.memory_space<hbm>>) dst(%arg21 : memref<125x16xf32, #tpu.memory_space<vmem>>)
      %dma_wait3A_277 = arith.constant 0 : i32
      %dma_wait3A_278 = arith.constant 0 : i32
      %dma_wait3A_279 = tpu.memref_slice %arg5[%dma_wait3A_277, %dma_wait3A_278] : memref<10000x16xf32, #tpu.memory_space<hbm>> -> memref<10000x16xf32, #tpu.memory_space<hbm>>
      tpu.wait_indirect_dma semaphore(%arg31 : memref<!tpu.dma_semaphore, #tpu.memory_space<semaphore_mem>>) src(%dma_wait3A_279 : memref<10000x16xf32, #tpu.memory_space<hbm>>) dst(%arg22 : memref<125x16xf32, #tpu.memory_space<vmem>>)
      %dma_wait3A_280 = arith.constant 0 : i32
      %dma_wait3A_281 = arith.constant 0 : i32
      %dma_wait3A_282 = tpu.memref_slice %arg8[%mul3A_2, %dma_wait3A_280, %dma_wait3A_281] : memref<1280x125x16xf32, #tpu.memory_space<hbm>> -> memref<1x125x16xf32, #tpu.memory_space<hbm>>
      %dma_wait3A_283 = tpu.memref_squeeze %dma_wait3A_282 : memref<1x125x16xf32, #tpu.memory_space<hbm>> -> memref<125x16xf32, #tpu.memory_space<hbm>>
      %dma_wait3A_284 = arith.constant 0 : i32
      %dma_wait3A_285 = arith.constant 0 : i32
      %dma_wait3A_286 = tpu.memref_slice %arg8[%mul3A_2, %dma_wait3A_284, %dma_wait3A_285] : memref<1280x125x16xf32, #tpu.memory_space<hbm>> -> memref<1x125x16xf32, #tpu.memory_space<hbm>>
      %dma_wait3A_287 = tpu.memref_squeeze %dma_wait3A_286 : memref<1x125x16xf32, #tpu.memory_space<hbm>> -> memref<125x16xf32, #tpu.memory_space<hbm>>
      tpu.wait_dma2 semaphore(%arg33 : memref<!tpu.dma_semaphore, #tpu.memory_space<semaphore_mem>>) src(%arg23 : memref<125x16xf32, #tpu.memory_space<vmem>>) dst(%dma_wait3A_287 : memref<125x16xf32, #tpu.memory_space<hbm>>)
      %parallel_loop3A_288 = arith.constant 0 : i32
      %parallel_loop3A_289 = arith.constant 125 : i32
      %parallel_loop3A_290 = arith.constant 1 : i32
      scf.for %parallel_loop3A_306 = %parallel_loop3A_288 to %parallel_loop3A_289 step %parallel_loop3A_290  : i32 {
        %parallel_loop3A_307 = arith.index_cast %parallel_loop3A_306 : i32 to index
        %parallel_loop3A_308 = arith.constant 0 : index
        %parallel_loop3A_309 = tpu.vector_load %arg21[%parallel_loop3A_307, %parallel_loop3A_308] {strides = array<i32>} : memref<125x16xf32, #tpu.memory_space<vmem>>, vector<1x16xf32>,
        %parallel_loop3A_310 = vector.shape_cast %parallel_loop3A_309 : vector<1x16xf32> to vector<16xf32>
        %parallel_loop3A_311 = arith.index_cast %parallel_loop3A_306 : i32 to index
        %parallel_loop3A_312 = arith.constant 0 : index
        %parallel_loop3A_313 = tpu.vector_load %arg22[%parallel_loop3A_311, %parallel_loop3A_312] {strides = array<i32>} : memref<125x16xf32, #tpu.memory_space<vmem>>, vector<1x16xf32>,
        %parallel_loop3A_314 = vector.shape_cast %parallel_loop3A_313 : vector<1x16xf32> to vector<16xf32>
        %parallel_loop3A_315 = arith.addf %parallel_loop3A_310, %parallel_loop3A_314 : vector<16xf32>
        %parallel_loop3A_316 = arith.constant 0.000000e+00 : f32
        %parallel_loop3A_317 = vector.broadcast %parallel_loop3A_316 : f32 to vector<16xf32>
        %parallel_loop3A_318 = arith.cmpf oge, %parallel_loop3A_315, %parallel_loop3A_317 : vector<16xf32>
        %parallel_loop3A_319 = arith.constant 2.000000e-01 : f32
        %parallel_loop3A_320 = vector.broadcast %parallel_loop3A_319 : f32 to vector<16xf32>
        %parallel_loop3A_321 = arith.mulf %parallel_loop3A_320, %parallel_loop3A_315 : vector<16xf32>
        %parallel_loop3A_322 = arith.select %parallel_loop3A_318, %parallel_loop3A_315, %parallel_loop3A_321 : vector<16xi1>, vector<16xf32>
        %parallel_loop3A_323 = arith.subf %parallel_loop3A_322, %get3A_6 : vector<16xf32>
        %parallel_loop3A_324 = math.exp %parallel_loop3A_323 : vector<16xf32>
        %parallel_loop3A_325 = arith.index_cast %parallel_loop3A_306 : i32 to index
        %parallel_loop3A_326 = arith.constant 0 : index
        %parallel_loop3A_327 = tpu.vector_load %arg23[%parallel_loop3A_325, %parallel_loop3A_326] {strides = array<i32>} : memref<125x16xf32, #tpu.memory_space<vmem>>, vector<1x16xf32>,
        %parallel_loop3A_328 = vector.shape_cast %parallel_loop3A_327 : vector<1x16xf32> to vector<16xf32>
        %parallel_loop3A_329 = vector.shape_cast %parallel_loop3A_324 : vector<16xf32> to vector<1x16xf32>
        tpu.vector_store %arg23[%parallel_loop3A_325, %parallel_loop3A_326], %parallel_loop3A_329 {strides = array<i32>} : memref<125x16xf32, #tpu.memory_space<vmem>>, vector<1x16xf32>,
      } {sc.loop_unroll_factor = 5 : i64, sc.parallel_access}
      %lt3A_291 = arith.constant 9 : i32
      %lt3A_292 = arith.cmpi slt, %scan3A_88, %lt3A_291 : i32
      %convert_element_type3A_293 = arith.extui %lt3A_292 : i1 to i32
      %cond3A_294 = arith.constant 0 : i32
      %cond3A_295 = arith.cmpi ne, %convert_element_type3A_293, %cond3A_294 : i32
      scf.if %cond3A_295 {
        %dma_wait3A_306 = arith.constant 0 : i32
        %dma_wait3A_307 = arith.constant 0 : i32
        %dma_wait3A_308 = tpu.memref_slice %arg2[%mul3A_2, %dma_wait3A_306, %dma_wait3A_307] : memref<1280x1x125xi32, #tpu.memory_space<hbm>> -> memref<1x1x125xi32, #tpu.memory_space<hbm>>
        %dma_wait3A_309 = tpu.memref_squeeze %dma_wait3A_308 : memref<1x1x125xi32, #tpu.memory_space<hbm>> -> memref<125xi32, #tpu.memory_space<hbm>>
        %dma_wait3A_310 = arith.constant 0 : i32
        %dma_wait3A_311 = tpu.memref_slice %arg2[%mul3A_2, %dma_wait3A_306, %dma_wait3A_310] : memref<1280x1x125xi32, #tpu.memory_space<hbm>> -> memref<1x1x125xi32, #tpu.memory_space<hbm>>
        %dma_wait3A_312 = tpu.memref_squeeze %dma_wait3A_311 : memref<1x1x125xi32, #tpu.memory_space<hbm>> -> memref<125xi32, #tpu.memory_space<hbm>>
        tpu.wait_dma2 semaphore(%arg26 : memref<!tpu.dma_semaphore, #tpu.memory_space<semaphore_mem>>) src(%dma_wait3A_312 : memref<125xi32, #tpu.memory_space<hbm>>) dst(%arg10 : memref<125xi32, #tpu.memory_space<vmem>>)
        %dma_wait3A_313 = arith.constant 0 : i32
        %dma_wait3A_314 = arith.constant 0 : i32
        %dma_wait3A_315 = tpu.memref_slice %arg3[%mul3A_2, %dma_wait3A_313, %dma_wait3A_314] : memref<1280x1x125xi32, #tpu.memory_space<hbm>> -> memref<1x1x125xi32, #tpu.memory_space<hbm>>
        %dma_wait3A_316 = tpu.memref_squeeze %dma_wait3A_315 : memref<1x1x125xi32, #tpu.memory_space<hbm>> -> memref<125xi32, #tpu.memory_space<hbm>>
        %dma_wait3A_317 = arith.constant 0 : i32
        %dma_wait3A_318 = tpu.memref_slice %arg3[%mul3A_2, %dma_wait3A_313, %dma_wait3A_317] : memref<1280x1x125xi32, #tpu.memory_space<hbm>> -> memref<1x1x125xi32, #tpu.memory_space<hbm>>
        %dma_wait3A_319 = tpu.memref_squeeze %dma_wait3A_318 : memref<1x1x125xi32, #tpu.memory_space<hbm>> -> memref<125xi32, #tpu.memory_space<hbm>>
        tpu.wait_dma2 semaphore(%arg26 : memref<!tpu.dma_semaphore, #tpu.memory_space<semaphore_mem>>) src(%dma_wait3A_319 : memref<125xi32, #tpu.memory_space<hbm>>) dst(%arg14 : memref<125xi32, #tpu.memory_space<vmem>>)
        %dma_start3A_320 = arith.constant 0 : i32
        %dma_start3A_321 = arith.constant 0 : i32
        %dma_start3A_322 = tpu.memref_slice %arg4[%dma_start3A_320, %dma_start3A_321] : memref<10000x16xf32, #tpu.memory_space<hbm>> -> memref<10000x16xf32, #tpu.memory_space<hbm>>
        tpu.enqueue_indirect_dma source(%dma_start3A_322 : memref<10000x16xf32, #tpu.memory_space<hbm>>) target(%arg18 : memref<125x16xf32, #tpu.memory_space<vmem>>) offsets(%arg10 : memref<125xi32, #tpu.memory_space<vmem>>) semaphore(%arg30 : memref<!tpu.dma_semaphore, #tpu.memory_space<semaphore_mem>>)
        %dma_start3A_323 = arith.constant 0 : i32
        %dma_start3A_324 = arith.constant 0 : i32
        %dma_start3A_325 = tpu.memref_slice %arg5[%dma_start3A_323, %dma_start3A_324] : memref<10000x16xf32, #tpu.memory_space<hbm>> -> memref<10000x16xf32, #tpu.memory_space<hbm>>
        tpu.enqueue_indirect_dma source(%dma_start3A_325 : memref<10000x16xf32, #tpu.memory_space<hbm>>) target(%arg19 : memref<125x16xf32, #tpu.memory_space<vmem>>) offsets(%arg14 : memref<125xi32, #tpu.memory_space<vmem>>) semaphore(%arg30 : memref<!tpu.dma_semaphore, #tpu.memory_space<semaphore_mem>>)
        %add3A_326 = arith.constant 2 : i32
        %add3A_327 = arith.addi %add3A_273, %add3A_326 : i32
        %add3A_328 = arith.addi %mul3A_2, %add3A_327 : i32
        %dma_start3A_329 = arith.constant 0 : i32
        %dma_start3A_330 = arith.constant 0 : i32
        %dma_start3A_331 = tpu.memref_slice %arg2[%add3A_328, %dma_start3A_329, %dma_start3A_330] : memref<1280x1x125xi32, #tpu.memory_space<hbm>> -> memref<1x1x125xi32, #tpu.memory_space<hbm>>
        %dma_start3A_332 = tpu.memref_squeeze %dma_start3A_331 : memref<1x1x125xi32, #tpu.memory_space<hbm>> -> memref<125xi32, #tpu.memory_space<hbm>>
        %dma_start3A_333 = arith.constant 0 : i32
        %dma_start3A_334 = tpu.memref_slice %arg2[%add3A_328, %dma_start3A_329, %dma_start3A_333] : memref<1280x1x125xi32, #tpu.memory_space<hbm>> -> memref<1x1x125xi32, #tpu.memory_space<hbm>>
        %dma_start3A_335 = tpu.memref_squeeze %dma_start3A_334 : memref<1x1x125xi32, #tpu.memory_space<hbm>> -> memref<125xi32, #tpu.memory_space<hbm>>
        tpu.enqueue_dma source(%dma_start3A_335 : memref<125xi32, #tpu.memory_space<hbm>>) target(%arg11 : memref<125xi32, #tpu.memory_space<vmem>>) target_semaphore(%arg27 : memref<!tpu.dma_semaphore, #tpu.memory_space<semaphore_mem>>)
        %add3A_336 = arith.addi %mul3A_2, %add3A_327 : i32
        %dma_start3A_337 = arith.constant 0 : i32
        %dma_start3A_338 = arith.constant 0 : i32
        %dma_start3A_339 = tpu.memref_slice %arg3[%add3A_336, %dma_start3A_337, %dma_start3A_338] : memref<1280x1x125xi32, #tpu.memory_space<hbm>> -> memref<1x1x125xi32, #tpu.memory_space<hbm>>
        %dma_start3A_340 = tpu.memref_squeeze %dma_start3A_339 : memref<1x1x125xi32, #tpu.memory_space<hbm>> -> memref<125xi32, #tpu.memory_space<hbm>>
        %dma_start3A_341 = arith.constant 0 : i32
        %dma_start3A_342 = tpu.memref_slice %arg3[%add3A_336, %dma_start3A_337, %dma_start3A_341] : memref<1280x1x125xi32, #tpu.memory_space<hbm>> -> memref<1x1x125xi32, #tpu.memory_space<hbm>>
        %dma_start3A_343 = tpu.memref_squeeze %dma_start3A_342 : memref<1x1x125xi32, #tpu.memory_space<hbm>> -> memref<125xi32, #tpu.memory_space<hbm>>
        tpu.enqueue_dma source(%dma_start3A_343 : memref<125xi32, #tpu.memory_space<hbm>>) target(%arg15 : memref<125xi32, #tpu.memory_space<vmem>>) target_semaphore(%arg27 : memref<!tpu.dma_semaphore, #tpu.memory_space<semaphore_mem>>)
      } else {
      }
      %add3A_296 = arith.addi %mul3A_2, %add3A_273 : i32
      %dma_start3A_297 = arith.constant 0 : i32
      %dma_start3A_298 = arith.constant 0 : i32
      %dma_start3A_299 = tpu.memref_slice %arg8[%add3A_296, %dma_start3A_297, %dma_start3A_298] : memref<1280x125x16xf32, #tpu.memory_space<hbm>> -> memref<1x125x16xf32, #tpu.memory_space<hbm>>
      %dma_start3A_300 = tpu.memref_squeeze %dma_start3A_299 : memref<1x125x16xf32, #tpu.memory_space<hbm>> -> memref<125x16xf32, #tpu.memory_space<hbm>>
      %dma_start3A_301 = arith.constant 0 : i32
      %dma_start3A_302 = arith.constant 0 : i32
      %dma_start3A_303 = tpu.memref_slice %arg8[%add3A_296, %dma_start3A_301, %dma_start3A_302] : memref<1280x125x16xf32, #tpu.memory_space<hbm>> -> memref<1x125x16xf32, #tpu.memory_space<hbm>>
      %dma_start3A_304 = tpu.memref_squeeze %dma_start3A_303 : memref<1x125x16xf32, #tpu.memory_space<hbm>> -> memref<125x16xf32, #tpu.memory_space<hbm>>
      tpu.enqueue_dma source(%arg23 : memref<125x16xf32, #tpu.memory_space<vmem>>) target(%dma_start3A_304 : memref<125x16xf32, #tpu.memory_space<hbm>>) target_semaphore(%arg33 : memref<!tpu.dma_semaphore, #tpu.memory_space<semaphore_mem>>)
      "tpu.region"() ({
        %run_scoped3A_306 = tpu.sem_alloc : memref<!tpu.dma_semaphore, #tpu.memory_space<semaphore_mem>>
        %dma_start3A_307 = arith.constant 0 : i32
        %dma_start3A_308 = arith.constant 0 : i32
        %dma_start3A_309 = tpu.memref_slice %arg25[%dma_start3A_307, %dma_start3A_308] : memref<10240x16xf32, #tpu.memory_space<vmem_shared>> -> memref<10240x16xf32, #tpu.memory_space<vmem_shared>>
        tpu.enqueue_indirect_dma source(%arg23 : memref<125x16xf32, #tpu.memory_space<vmem>>) target(%dma_start3A_309 : memref<10240x16xf32, #tpu.memory_space<vmem_shared>>) offsets(%arg17 : memref<125xi32, #tpu.memory_space<vmem>>) semaphore(%run_scoped3A_306 : memref<!tpu.dma_semaphore, #tpu.memory_space<semaphore_mem>>) {add = true}
        %dma_wait3A_310 = arith.constant 0 : i32
        %dma_wait3A_311 = arith.constant 0 : i32
        %dma_wait3A_312 = tpu.memref_slice %arg25[%dma_wait3A_310, %dma_wait3A_311] : memref<10240x16xf32, #tpu.memory_space<vmem_shared>> -> memref<10240x16xf32, #tpu.memory_space<vmem_shared>>
        tpu.wait_indirect_dma semaphore(%run_scoped3A_306 : memref<!tpu.dma_semaphore, #tpu.memory_space<semaphore_mem>>) src(%arg23 : memref<125x16xf32, #tpu.memory_space<vmem>>) dst(%dma_wait3A_312 : memref<10240x16xf32, #tpu.memory_space<vmem_shared>>)
        tpu.yield
      }) : () -> ()
      %scan3A_305 = arith.constant 0 : i32
      scf.yield %scan3A_305 : i32
    }
    %scan3A_66 = arith.constant 10 : i32
    %dma_wait3A_67 = arith.constant 0 : i32
    %dma_wait3A_68 = arith.constant 0 : i32
    %dma_wait3A_69 = tpu.memref_slice %arg8[%mul3A_2, %dma_wait3A_67, %dma_wait3A_68] : memref<1280x125x16xf32, #tpu.memory_space<hbm>> -> memref<1x125x16xf32, #tpu.memory_space<hbm>>
    %dma_wait3A_70 = tpu.memref_squeeze %dma_wait3A_69 : memref<1x125x16xf32, #tpu.memory_space<hbm>> -> memref<125x16xf32, #tpu.memory_space<hbm>>
    %dma_wait3A_71 = arith.constant 0 : i32
    %dma_wait3A_72 = arith.constant 0 : i32
    %dma_wait3A_73 = tpu.memref_slice %arg8[%mul3A_2, %dma_wait3A_71, %dma_wait3A_72] : memref<1280x125x16xf32, #tpu.memory_space<hbm>> -> memref<1x125x16xf32, #tpu.memory_space<hbm>>
    %dma_wait3A_74 = tpu.memref_squeeze %dma_wait3A_73 : memref<1x125x16xf32, #tpu.memory_space<hbm>> -> memref<125x16xf32, #tpu.memory_space<hbm>>
    tpu.wait_dma2 semaphore(%arg32 : memref<!tpu.dma_semaphore, #tpu.memory_space<semaphore_mem>>) src(%arg20 : memref<125x16xf32, #tpu.memory_space<vmem>>) dst(%dma_wait3A_74 : memref<125x16xf32, #tpu.memory_space<hbm>>)
    %dma_wait3A_75 = arith.constant 0 : i32
    %dma_wait3A_76 = arith.constant 0 : i32
    %dma_wait3A_77 = tpu.memref_slice %arg8[%mul3A_2, %dma_wait3A_75, %dma_wait3A_76] : memref<1280x125x16xf32, #tpu.memory_space<hbm>> -> memref<1x125x16xf32, #tpu.memory_space<hbm>>
    %dma_wait3A_78 = tpu.memref_squeeze %dma_wait3A_77 : memref<1x125x16xf32, #tpu.memory_space<hbm>> -> memref<125x16xf32, #tpu.memory_space<hbm>>
    %dma_wait3A_79 = arith.constant 0 : i32
    %dma_wait3A_80 = arith.constant 0 : i32
    %dma_wait3A_81 = tpu.memref_slice %arg8[%mul3A_2, %dma_wait3A_79, %dma_wait3A_80] : memref<1280x125x16xf32, #tpu.memory_space<hbm>> -> memref<1x125x16xf32, #tpu.memory_space<hbm>>
    %dma_wait3A_82 = tpu.memref_squeeze %dma_wait3A_81 : memref<1x125x16xf32, #tpu.memory_space<hbm>> -> memref<125x16xf32, #tpu.memory_space<hbm>>
    tpu.wait_dma2 semaphore(%arg33 : memref<!tpu.dma_semaphore, #tpu.memory_space<semaphore_mem>>) src(%arg23 : memref<125x16xf32, #tpu.memory_space<vmem>>) dst(%dma_wait3A_82 : memref<125x16xf32, #tpu.memory_space<hbm>>)
    %barrier3A_83 = arith.constant 0 : index
    tpu.barrier barrier_id(%barrier3A_83)
    %mul3A_84 = arith.constant 640 : i32
    %mul3A_85 = arith.muli %arg1, %mul3A_84 : i32
    %mul3A_86 = arith.constant 640 : i32
    %mul3A_87 = arith.muli %arg1, %mul3A_86 : i32
    "tpu.region"() ({
      %run_scoped3A_88 = tpu.sem_alloc : memref<!tpu.dma_semaphore, #tpu.memory_space<semaphore_mem>>
      %dma_start3A_89 = arith.constant 0 : i32
      %dma_start3A_90 = tpu.memref_slice %arg9[%arg0, %mul3A_87, %dma_start3A_89] : memref<2x10240x16xf32, #tpu.memory_space<hbm>> -> memref<1x640x16xf32, #tpu.memory_space<hbm>>
      %dma_start3A_91 = tpu.memref_squeeze %dma_start3A_90 : memref<1x640x16xf32, #tpu.memory_space<hbm>> -> memref<640x16xf32, #tpu.memory_space<hbm>>
      %dma_start3A_92 = arith.constant 0 : i32
      %dma_start3A_93 = tpu.memref_slice %arg25[%mul3A_85, %dma_start3A_92] : memref<10240x16xf32, #tpu.memory_space<vmem_shared>> -> memref<640x16xf32, #tpu.memory_space<vmem_shared>>
      tpu.enqueue_dma source(%dma_start3A_93 : memref<640x16xf32, #tpu.memory_space<vmem_shared>>) target(%dma_start3A_91 : memref<640x16xf32, #tpu.memory_space<hbm>>) target_semaphore(%run_scoped3A_88 : memref<!tpu.dma_semaphore, #tpu.memory_space<semaphore_mem>>)
      %dma_wait3A_94 = arith.constant 0 : i32
      %dma_wait3A_95 = tpu.memref_slice %arg9[%arg0, %mul3A_87, %dma_wait3A_94] : memref<2x10240x16xf32, #tpu.memory_space<hbm>> -> memref<1x640x16xf32, #tpu.memory_space<hbm>>
      %dma_wait3A_96 = tpu.memref_squeeze %dma_wait3A_95 : memref<1x640x16xf32, #tpu.memory_space<hbm>> -> memref<640x16xf32, #tpu.memory_space<hbm>>
      %dma_wait3A_97 = arith.constant 0 : i32
      %dma_wait3A_98 = tpu.memref_slice %arg25[%mul3A_85, %dma_wait3A_97] : memref<10240x16xf32, #tpu.memory_space<vmem_shared>> -> memref<640x16xf32, #tpu.memory_space<vmem_shared>>
      tpu.wait_dma2 semaphore(%run_scoped3A_88 : memref<!tpu.dma_semaphore, #tpu.memory_space<semaphore_mem>>) src(%dma_wait3A_98 : memref<640x16xf32, #tpu.memory_space<vmem_shared>>) dst(%dma_wait3A_96 : memref<640x16xf32, #tpu.memory_space<hbm>>)
      tpu.yield
    }) : () -> ()
    return
  }
}

#map = affine_map<(d0, d1) -> (0, 0, 0)>
#map1 = affine_map<(d0, d1) -> (0, 0)>
module attributes {stable_mosaic.version = 14 : i64} {
  func.func @_k3_body(%arg0: i32, %arg1: i32, %arg2: memref<1280x1x125xi32, #tpu.memory_space<hbm>>, %arg3: memref<1280x1x125xi32, #tpu.memory_space<hbm>>, %arg4: memref<1280x125x16xf32, #tpu.memory_space<hbm>>, %arg5: memref<2x10240x16xf32, #tpu.memory_space<hbm>>, %arg6: memref<10000x128xf32, #tpu.memory_space<hbm>>, %arg7: memref<10000x128xf32, #tpu.memory_space<hbm>>, %arg8: memref<640x128xf32, #tpu.memory_space<hbm>>, %arg9: memref<2x10240x128xf32, #tpu.memory_space<hbm>>, %arg10: memref<125xi32, #tpu.memory_space<vmem>>, %arg11: memref<125xi32, #tpu.memory_space<vmem>>, %arg12: memref<125xi32, #tpu.memory_space<vmem>>, %arg13: memref<125xi32, #tpu.memory_space<vmem>>, %arg14: memref<125xi32, #tpu.memory_space<vmem>>, %arg15: memref<125xi32, #tpu.memory_space<vmem>>, %arg16: memref<125xi32, #tpu.memory_space<vmem>>, %arg17: memref<125xi32, #tpu.memory_space<vmem>>, %arg18: memref<128x128xf32, #tpu.memory_space<vmem>>, %arg19: memref<128x128xf32, #tpu.memory_space<vmem>>, %arg20: memref<128x16xf32, #tpu.memory_space<vmem>>, %arg21: memref<128x16xf32, #tpu.memory_space<vmem>>, %arg22: memref<10240x128xf32, #tpu.memory_space<vmem_shared>>, %arg23: memref<!tpu.dma_semaphore, #tpu.memory_space<semaphore_mem>>, %arg24: memref<!tpu.dma_semaphore, #tpu.memory_space<semaphore_mem>>, %arg25: memref<!tpu.dma_semaphore, #tpu.memory_space<semaphore_mem>>, %arg26: memref<!tpu.dma_semaphore, #tpu.memory_space<semaphore_mem>>, %arg27: memref<!tpu.dma_semaphore, #tpu.memory_space<semaphore_mem>>, %arg28: memref<!tpu.dma_semaphore, #tpu.memory_space<semaphore_mem>>, %arg29: memref<!tpu.dma_semaphore, #tpu.memory_space<semaphore_mem>>, %arg30: memref<!tpu.dma_semaphore, #tpu.memory_space<semaphore_mem>>) attributes {dimension_semantics = [#tpu.dimension_semantics<core_parallel>, #tpu.dimension_semantics<subcore_parallel>], iteration_bounds = array<i64: 2, 16>, scalar_prefetch = 0 : i64, scratch_operands = 21 : i64, tpu.core_type = #tpu.core_type<sc_vector_subcore>, window_params = [{transform_indices = #map}, {transform_indices = #map}, {transform_indices = #map}, {transform_indices = #map}, {transform_indices = #map1}, {transform_indices = #map1}, {transform_indices = #map1}, {transform_indices = #map}]} {
    %mul3A = arith.constant 80 : i32
    %mul3A_0 = arith.muli %arg1, %mul3A : i32
    %mul3A_1 = arith.constant 640 : i32
    %mul3A_2 = arith.muli %arg1, %mul3A_1 : i32
    "tpu.region"() ({
      %run_scoped3A = tpu.sem_alloc : memref<!tpu.dma_semaphore, #tpu.memory_space<semaphore_mem>>
      %dma_start3A_87 = arith.constant 0 : i32
      %dma_start3A_88 = tpu.memref_slice %arg22[%mul3A_2, %dma_start3A_87] : memref<10240x128xf32, #tpu.memory_space<vmem_shared>> -> memref<640x128xf32, #tpu.memory_space<vmem_shared>>
      tpu.enqueue_dma source(%arg8 : memref<640x128xf32, #tpu.memory_space<hbm>>) target(%dma_start3A_88 : memref<640x128xf32, #tpu.memory_space<vmem_shared>>) target_semaphore(%run_scoped3A : memref<!tpu.dma_semaphore, #tpu.memory_space<semaphore_mem>>)
      %dma_wait3A_89 = arith.constant 0 : i32
      %dma_wait3A_90 = tpu.memref_slice %arg22[%mul3A_2, %dma_wait3A_89] : memref<10240x128xf32, #tpu.memory_space<vmem_shared>> -> memref<640x128xf32, #tpu.memory_space<vmem_shared>>
      tpu.wait_dma2 semaphore(%run_scoped3A : memref<!tpu.dma_semaphore, #tpu.memory_space<semaphore_mem>>) src(%arg8 : memref<640x128xf32, #tpu.memory_space<hbm>>) dst(%dma_wait3A_90 : memref<640x128xf32, #tpu.memory_space<vmem_shared>>)
      tpu.yield
    }) : () -> ()
    %barrier3A = arith.constant 0 : index
    tpu.barrier barrier_id(%barrier3A)
    %add3A = arith.constant 0 : i32
    %add3A_3 = arith.addi %mul3A_0, %add3A : i32
    %dma_start3A = arith.constant 0 : i32
    %dma_start3A_4 = arith.constant 0 : i32
    %dma_start3A_5 = tpu.memref_slice %arg2[%add3A_3, %dma_start3A, %dma_start3A_4] : memref<1280x1x125xi32, #tpu.memory_space<hbm>> -> memref<1x1x125xi32, #tpu.memory_space<hbm>>
    %dma_start3A_6 = tpu.memref_squeeze %dma_start3A_5 : memref<1x1x125xi32, #tpu.memory_space<hbm>> -> memref<125xi32, #tpu.memory_space<hbm>>
    %dma_start3A_7 = arith.constant 0 : i32
    %dma_start3A_8 = tpu.memref_slice %arg2[%add3A_3, %dma_start3A, %dma_start3A_7] : memref<1280x1x125xi32, #tpu.memory_space<hbm>> -> memref<1x1x125xi32, #tpu.memory_space<hbm>>
    %dma_start3A_9 = tpu.memref_squeeze %dma_start3A_8 : memref<1x1x125xi32, #tpu.memory_space<hbm>> -> memref<125xi32, #tpu.memory_space<hbm>>
    tpu.enqueue_dma source(%dma_start3A_9 : memref<125xi32, #tpu.memory_space<hbm>>) target(%arg10 : memref<125xi32, #tpu.memory_space<vmem>>) target_semaphore(%arg23 : memref<!tpu.dma_semaphore, #tpu.memory_space<semaphore_mem>>)
    %add3A_10 = arith.constant 0 : i32
    %add3A_11 = arith.addi %mul3A_0, %add3A_10 : i32
    %dma_start3A_12 = arith.constant 0 : i32
    %dma_start3A_13 = arith.constant 0 : i32
    %dma_start3A_14 = tpu.memref_slice %arg3[%add3A_11, %dma_start3A_12, %dma_start3A_13] : memref<1280x1x125xi32, #tpu.memory_space<hbm>> -> memref<1x1x125xi32, #tpu.memory_space<hbm>>
    %dma_start3A_15 = tpu.memref_squeeze %dma_start3A_14 : memref<1x1x125xi32, #tpu.memory_space<hbm>> -> memref<125xi32, #tpu.memory_space<hbm>>
    %dma_start3A_16 = arith.constant 0 : i32
    %dma_start3A_17 = tpu.memref_slice %arg3[%add3A_11, %dma_start3A_12, %dma_start3A_16] : memref<1280x1x125xi32, #tpu.memory_space<hbm>> -> memref<1x1x125xi32, #tpu.memory_space<hbm>>
    %dma_start3A_18 = tpu.memref_squeeze %dma_start3A_17 : memref<1x1x125xi32, #tpu.memory_space<hbm>> -> memref<125xi32, #tpu.memory_space<hbm>>
    tpu.enqueue_dma source(%dma_start3A_18 : memref<125xi32, #tpu.memory_space<hbm>>) target(%arg14 : memref<125xi32, #tpu.memory_space<vmem>>) target_semaphore(%arg23 : memref<!tpu.dma_semaphore, #tpu.memory_space<semaphore_mem>>)
    %add3A_19 = arith.constant 1 : i32
    %add3A_20 = arith.addi %mul3A_0, %add3A_19 : i32
    %dma_start3A_21 = arith.constant 0 : i32
    %dma_start3A_22 = arith.constant 0 : i32
    %dma_start3A_23 = tpu.memref_slice %arg2[%add3A_20, %dma_start3A_21, %dma_start3A_22] : memref<1280x1x125xi32, #tpu.memory_space<hbm>> -> memref<1x1x125xi32, #tpu.memory_space<hbm>>
    %dma_start3A_24 = tpu.memref_squeeze %dma_start3A_23 : memref<1x1x125xi32, #tpu.memory_space<hbm>> -> memref<125xi32, #tpu.memory_space<hbm>>
    %dma_start3A_25 = arith.constant 0 : i32
    %dma_start3A_26 = tpu.memref_slice %arg2[%add3A_20, %dma_start3A_21, %dma_start3A_25] : memref<1280x1x125xi32, #tpu.memory_space<hbm>> -> memref<1x1x125xi32, #tpu.memory_space<hbm>>
    %dma_start3A_27 = tpu.memref_squeeze %dma_start3A_26 : memref<1x1x125xi32, #tpu.memory_space<hbm>> -> memref<125xi32, #tpu.memory_space<hbm>>
    tpu.enqueue_dma source(%dma_start3A_27 : memref<125xi32, #tpu.memory_space<hbm>>) target(%arg11 : memref<125xi32, #tpu.memory_space<vmem>>) target_semaphore(%arg24 : memref<!tpu.dma_semaphore, #tpu.memory_space<semaphore_mem>>)
    %add3A_28 = arith.constant 1 : i32
    %add3A_29 = arith.addi %mul3A_0, %add3A_28 : i32
    %dma_start3A_30 = arith.constant 0 : i32
    %dma_start3A_31 = arith.constant 0 : i32
    %dma_start3A_32 = tpu.memref_slice %arg3[%add3A_29, %dma_start3A_30, %dma_start3A_31] : memref<1280x1x125xi32, #tpu.memory_space<hbm>> -> memref<1x1x125xi32, #tpu.memory_space<hbm>>
    %dma_start3A_33 = tpu.memref_squeeze %dma_start3A_32 : memref<1x1x125xi32, #tpu.memory_space<hbm>> -> memref<125xi32, #tpu.memory_space<hbm>>
    %dma_start3A_34 = arith.constant 0 : i32
    %dma_start3A_35 = tpu.memref_slice %arg3[%add3A_29, %dma_start3A_30, %dma_start3A_34] : memref<1280x1x125xi32, #tpu.memory_space<hbm>> -> memref<1x1x125xi32, #tpu.memory_space<hbm>>
    %dma_start3A_36 = tpu.memref_squeeze %dma_start3A_35 : memref<1x1x125xi32, #tpu.memory_space<hbm>> -> memref<125xi32, #tpu.memory_space<hbm>>
    tpu.enqueue_dma source(%dma_start3A_36 : memref<125xi32, #tpu.memory_space<hbm>>) target(%arg15 : memref<125xi32, #tpu.memory_space<vmem>>) target_semaphore(%arg24 : memref<!tpu.dma_semaphore, #tpu.memory_space<semaphore_mem>>)
    %dma_wait3A = arith.constant 0 : i32
    %dma_wait3A_37 = arith.constant 0 : i32
    %dma_wait3A_38 = tpu.memref_slice %arg2[%mul3A_0, %dma_wait3A, %dma_wait3A_37] : memref<1280x1x125xi32, #tpu.memory_space<hbm>> -> memref<1x1x125xi32, #tpu.memory_space<hbm>>
    %dma_wait3A_39 = tpu.memref_squeeze %dma_wait3A_38 : memref<1x1x125xi32, #tpu.memory_space<hbm>> -> memref<125xi32, #tpu.memory_space<hbm>>
    %dma_wait3A_40 = arith.constant 0 : i32
    %dma_wait3A_41 = tpu.memref_slice %arg2[%mul3A_0, %dma_wait3A, %dma_wait3A_40] : memref<1280x1x125xi32, #tpu.memory_space<hbm>> -> memref<1x1x125xi32, #tpu.memory_space<hbm>>
    %dma_wait3A_42 = tpu.memref_squeeze %dma_wait3A_41 : memref<1x1x125xi32, #tpu.memory_space<hbm>> -> memref<125xi32, #tpu.memory_space<hbm>>
    tpu.wait_dma2 semaphore(%arg23 : memref<!tpu.dma_semaphore, #tpu.memory_space<semaphore_mem>>) src(%dma_wait3A_42 : memref<125xi32, #tpu.memory_space<hbm>>) dst(%arg10 : memref<125xi32, #tpu.memory_space<vmem>>)
    %dma_wait3A_43 = arith.constant 0 : i32
    %dma_wait3A_44 = arith.constant 0 : i32
    %dma_wait3A_45 = tpu.memref_slice %arg3[%mul3A_0, %dma_wait3A_43, %dma_wait3A_44] : memref<1280x1x125xi32, #tpu.memory_space<hbm>> -> memref<1x1x125xi32, #tpu.memory_space<hbm>>
    %dma_wait3A_46 = tpu.memref_squeeze %dma_wait3A_45 : memref<1x1x125xi32, #tpu.memory_space<hbm>> -> memref<125xi32, #tpu.memory_space<hbm>>
    %dma_wait3A_47 = arith.constant 0 : i32
    %dma_wait3A_48 = tpu.memref_slice %arg3[%mul3A_0, %dma_wait3A_43, %dma_wait3A_47] : memref<1280x1x125xi32, #tpu.memory_space<hbm>> -> memref<1x1x125xi32, #tpu.memory_space<hbm>>
    %dma_wait3A_49 = tpu.memref_squeeze %dma_wait3A_48 : memref<1x1x125xi32, #tpu.memory_space<hbm>> -> memref<125xi32, #tpu.memory_space<hbm>>
    tpu.wait_dma2 semaphore(%arg23 : memref<!tpu.dma_semaphore, #tpu.memory_space<semaphore_mem>>) src(%dma_wait3A_49 : memref<125xi32, #tpu.memory_space<hbm>>) dst(%arg14 : memref<125xi32, #tpu.memory_space<vmem>>)
    %eq3A = arith.constant 0 : i32
    %eq3A_50 = arith.cmpi eq, %arg0, %eq3A : i32
    %convert_element_type3A = arith.extui %eq3A_50 : i1 to i32
    %cond3A = arith.constant 0 : i32
    %cond3A_51 = arith.cmpi ne, %convert_element_type3A, %cond3A : i32
    scf.if %cond3A_51 {
      %dma_start3A_87 = arith.constant 0 : i32
      %dma_start3A_88 = arith.constant 0 : i32
      %dma_start3A_89 = tpu.memref_slice %arg18[%dma_start3A_87, %dma_start3A_88] : memref<128x128xf32, #tpu.memory_space<vmem>> -> memref<125x128xf32, #tpu.memory_space<vmem>>
      %dma_start3A_90 = arith.constant 0 : i32
      %dma_start3A_91 = arith.constant 0 : i32
      %dma_start3A_92 = tpu.memref_slice %arg6[%dma_start3A_90, %dma_start3A_91] : memref<10000x128xf32, #tpu.memory_space<hbm>> -> memref<10000x128xf32, #tpu.memory_space<hbm>>
      tpu.enqueue_indirect_dma source(%dma_start3A_92 : memref<10000x128xf32, #tpu.memory_space<hbm>>) target(%dma_start3A_89 : memref<125x128xf32, #tpu.memory_space<vmem>>) offsets(%arg10 : memref<125xi32, #tpu.memory_space<vmem>>) semaphore(%arg27 : memref<!tpu.dma_semaphore, #tpu.memory_space<semaphore_mem>>)
    } else {
    }
    %eq3A_52 = arith.constant 1 : i32
    %eq3A_53 = arith.cmpi eq, %arg0, %eq3A_52 : i32
    %convert_element_type3A_54 = arith.extui %eq3A_53 : i1 to i32
    %cond3A_55 = arith.constant 0 : i32
    %cond3A_56 = arith.cmpi ne, %convert_element_type3A_54, %cond3A_55 : i32
    scf.if %cond3A_56 {
      %dma_start3A_87 = arith.constant 0 : i32
      %dma_start3A_88 = arith.constant 0 : i32
      %dma_start3A_89 = tpu.memref_slice %arg18[%dma_start3A_87, %dma_start3A_88] : memref<128x128xf32, #tpu.memory_space<vmem>> -> memref<125x128xf32, #tpu.memory_space<vmem>>
      %dma_start3A_90 = arith.constant 0 : i32
      %dma_start3A_91 = arith.constant 0 : i32
      %dma_start3A_92 = tpu.memref_slice %arg7[%dma_start3A_90, %dma_start3A_91] : memref<10000x128xf32, #tpu.memory_space<hbm>> -> memref<10000x128xf32, #tpu.memory_space<hbm>>
      tpu.enqueue_indirect_dma source(%dma_start3A_92 : memref<10000x128xf32, #tpu.memory_space<hbm>>) target(%dma_start3A_89 : memref<125x128xf32, #tpu.memory_space<vmem>>) offsets(%arg10 : memref<125xi32, #tpu.memory_space<vmem>>) semaphore(%arg27 : memref<!tpu.dma_semaphore, #tpu.memory_space<semaphore_mem>>)
    } else {
    }
    %add3A_57 = arith.constant 0 : i32
    %add3A_58 = arith.addi %mul3A_0, %add3A_57 : i32
    %dma_start3A_59 = arith.constant 0 : i32
    %dma_start3A_60 = arith.constant 0 : i32
    %dma_start3A_61 = tpu.memref_slice %arg20[%dma_start3A_59, %dma_start3A_60] : memref<128x16xf32, #tpu.memory_space<vmem>> -> memref<125x16xf32, #tpu.memory_space<vmem>>
    %dma_start3A_62 = arith.constant 0 : i32
    %dma_start3A_63 = arith.constant 0 : i32
    %dma_start3A_64 = tpu.memref_slice %arg4[%add3A_58, %dma_start3A_62, %dma_start3A_63] : memref<1280x125x16xf32, #tpu.memory_space<hbm>> -> memref<1x125x16xf32, #tpu.memory_space<hbm>>
    %dma_start3A_65 = tpu.memref_squeeze %dma_start3A_64 : memref<1x125x16xf32, #tpu.memory_space<hbm>> -> memref<125x16xf32, #tpu.memory_space<hbm>>
    %dma_start3A_66 = arith.constant 0 : i32
    %dma_start3A_67 = arith.constant 0 : i32
    %dma_start3A_68 = tpu.memref_slice %arg20[%dma_start3A_66, %dma_start3A_67] : memref<128x16xf32, #tpu.memory_space<vmem>> -> memref<125x16xf32, #tpu.memory_space<vmem>>
    %dma_start3A_69 = arith.constant 0 : i32
    %dma_start3A_70 = arith.constant 0 : i32
    %dma_start3A_71 = tpu.memref_slice %arg4[%add3A_58, %dma_start3A_69, %dma_start3A_70] : memref<1280x125x16xf32, #tpu.memory_space<hbm>> -> memref<1x125x16xf32, #tpu.memory_space<hbm>>
    %dma_start3A_72 = tpu.memref_squeeze %dma_start3A_71 : memref<1x125x16xf32, #tpu.memory_space<hbm>> -> memref<125x16xf32, #tpu.memory_space<hbm>>
    tpu.enqueue_dma source(%dma_start3A_72 : memref<125x16xf32, #tpu.memory_space<hbm>>) target(%dma_start3A_68 : memref<125x16xf32, #tpu.memory_space<vmem>>) target_semaphore(%arg27 : memref<!tpu.dma_semaphore, #tpu.memory_space<semaphore_mem>>)
    %scan3A = arith.constant 0 : i32
    %scan3A_73 = arith.constant 0 : i32
    %scan3A_74 = arith.constant 20 : i32
    %scan3A_75 = arith.addi %scan3A_73, %scan3A_74 : i32
    %scan3A_76 = arith.constant 1 : i32
    %scan3A_77 = scf.for %scan3A_87 = %scan3A_73 to %scan3A_75 step %scan3A_76 iter_args(%scan3A_88 = %scan3A) -> (i32)  : i32 {
      %mul3A_89 = arith.constant 4 : i32
      %mul3A_90 = arith.muli %mul3A_89, %scan3A_87 : i32
      %add3A_91 = arith.constant 0 : i32
      %add3A_92 = arith.addi %mul3A_90, %add3A_91 : i32
      %dma_wait3A_93 = arith.constant 0 : i32
      %dma_wait3A_94 = arith.constant 0 : i32
      %dma_wait3A_95 = tpu.memref_slice %arg18[%dma_wait3A_93, %dma_wait3A_94] : memref<128x128xf32, #tpu.memory_space<vmem>> -> memref<125x128xf32, #tpu.memory_space<vmem>>
      %dma_wait3A_96 = arith.constant 0 : i32
      %dma_wait3A_97 = arith.constant 0 : i32
      %dma_wait3A_98 = tpu.memref_slice %arg6[%dma_wait3A_96, %dma_wait3A_97] : memref<10000x128xf32, #tpu.memory_space<hbm>> -> memref<10000x128xf32, #tpu.memory_space<hbm>>
      tpu.wait_indirect_dma semaphore(%arg27 : memref<!tpu.dma_semaphore, #tpu.memory_space<semaphore_mem>>) src(%dma_wait3A_98 : memref<10000x128xf32, #tpu.memory_space<hbm>>) dst(%dma_wait3A_95 : memref<125x128xf32, #tpu.memory_space<vmem>>)
      %dma_wait3A_99 = arith.constant 0 : i32
      %dma_wait3A_100 = arith.constant 0 : i32
      %dma_wait3A_101 = tpu.memref_slice %arg20[%dma_wait3A_99, %dma_wait3A_100] : memref<128x16xf32, #tpu.memory_space<vmem>> -> memref<125x16xf32, #tpu.memory_space<vmem>>
      %dma_wait3A_102 = arith.constant 0 : i32
      %dma_wait3A_103 = arith.constant 0 : i32
      %dma_wait3A_104 = tpu.memref_slice %arg4[%mul3A_0, %dma_wait3A_102, %dma_wait3A_103] : memref<1280x125x16xf32, #tpu.memory_space<hbm>> -> memref<1x125x16xf32, #tpu.memory_space<hbm>>
      %dma_wait3A_105 = tpu.memref_squeeze %dma_wait3A_104 : memref<1x125x16xf32, #tpu.memory_space<hbm>> -> memref<125x16xf32, #tpu.memory_space<hbm>>
      %dma_wait3A_106 = arith.constant 0 : i32
      %dma_wait3A_107 = arith.constant 0 : i32
      %dma_wait3A_108 = tpu.memref_slice %arg20[%dma_wait3A_106, %dma_wait3A_107] : memref<128x16xf32, #tpu.memory_space<vmem>> -> memref<125x16xf32, #tpu.memory_space<vmem>>
      %dma_wait3A_109 = arith.constant 0 : i32
      %dma_wait3A_110 = arith.constant 0 : i32
      %dma_wait3A_111 = tpu.memref_slice %arg4[%mul3A_0, %dma_wait3A_109, %dma_wait3A_110] : memref<1280x125x16xf32, #tpu.memory_space<hbm>> -> memref<1x125x16xf32, #tpu.memory_space<hbm>>
      %dma_wait3A_112 = tpu.memref_squeeze %dma_wait3A_111 : memref<1x125x16xf32, #tpu.memory_space<hbm>> -> memref<125x16xf32, #tpu.memory_space<hbm>>
      tpu.wait_dma2 semaphore(%arg27 : memref<!tpu.dma_semaphore, #tpu.memory_space<semaphore_mem>>) src(%dma_wait3A_112 : memref<125x16xf32, #tpu.memory_space<hbm>>) dst(%dma_wait3A_108 : memref<125x16xf32, #tpu.memory_space<vmem>>)
      %parallel_loop3A = arith.constant 0 : i32
      %parallel_loop3A_113 = arith.constant 125 : i32
      %parallel_loop3A_114 = arith.constant 1 : i32
      scf.for %parallel_loop3A_363 = %parallel_loop3A to %parallel_loop3A_113 step %parallel_loop3A_114  : i32 {
        %parallel_loop3A_364 = arith.index_cast %parallel_loop3A_363 : i32 to index
        %parallel_loop3A_365 = arith.constant 0 : index
        %parallel_loop3A_366 = tpu.vector_load %arg20[%parallel_loop3A_364, %parallel_loop3A_365] {strides = array<i32>} : memref<128x16xf32, #tpu.memory_space<vmem>>, vector<1x16xf32>,
        %parallel_loop3A_367 = vector.shape_cast %parallel_loop3A_366 : vector<1x16xf32> to vector<16xf32>
        %parallel_loop3A_368 = arith.index_cast %parallel_loop3A_363 : i32 to index
        %parallel_loop3A_369 = arith.constant 0 : index
        %parallel_loop3A_370 = tpu.vector_load %arg18[%parallel_loop3A_368, %parallel_loop3A_369] {strides = array<i32>} : memref<128x128xf32, #tpu.memory_space<vmem>>, vector<1x16xf32>,
        %parallel_loop3A_371 = vector.shape_cast %parallel_loop3A_370 : vector<1x16xf32> to vector<16xf32>
        %parallel_loop3A_372 = arith.mulf %parallel_loop3A_371, %parallel_loop3A_367 : vector<16xf32>
        %parallel_loop3A_373 = arith.index_cast %parallel_loop3A_363 : i32 to index
        %parallel_loop3A_374 = arith.constant 0 : index
        %parallel_loop3A_375 = tpu.vector_load %arg18[%parallel_loop3A_373, %parallel_loop3A_374] {strides = array<i32>} : memref<128x128xf32, #tpu.memory_space<vmem>>, vector<1x16xf32>,
        %parallel_loop3A_376 = vector.shape_cast %parallel_loop3A_375 : vector<1x16xf32> to vector<16xf32>
        %parallel_loop3A_377 = vector.shape_cast %parallel_loop3A_372 : vector<16xf32> to vector<1x16xf32>
        tpu.vector_store %arg18[%parallel_loop3A_373, %parallel_loop3A_374], %parallel_loop3A_377 {strides = array<i32>} : memref<128x128xf32, #tpu.memory_space<vmem>>, vector<1x16xf32>,
        %parallel_loop3A_378 = arith.index_cast %parallel_loop3A_363 : i32 to index
        %parallel_loop3A_379 = arith.constant 16 : index
        %parallel_loop3A_380 = tpu.vector_load %arg18[%parallel_loop3A_378, %parallel_loop3A_379] {strides = array<i32>} : memref<128x128xf32, #tpu.memory_space<vmem>>, vector<1x16xf32>,
        %parallel_loop3A_381 = vector.shape_cast %parallel_loop3A_380 : vector<1x16xf32> to vector<16xf32>
        %parallel_loop3A_382 = arith.mulf %parallel_loop3A_381, %parallel_loop3A_367 : vector<16xf32>
        %parallel_loop3A_383 = arith.index_cast %parallel_loop3A_363 : i32 to index
        %parallel_loop3A_384 = arith.constant 16 : index
        %parallel_loop3A_385 = tpu.vector_load %arg18[%parallel_loop3A_383, %parallel_loop3A_384] {strides = array<i32>} : memref<128x128xf32, #tpu.memory_space<vmem>>, vector<1x16xf32>,
        %parallel_loop3A_386 = vector.shape_cast %parallel_loop3A_385 : vector<1x16xf32> to vector<16xf32>
        %parallel_loop3A_387 = vector.shape_cast %parallel_loop3A_382 : vector<16xf32> to vector<1x16xf32>
        tpu.vector_store %arg18[%parallel_loop3A_383, %parallel_loop3A_384], %parallel_loop3A_387 {strides = array<i32>} : memref<128x128xf32, #tpu.memory_space<vmem>>, vector<1x16xf32>,
        %parallel_loop3A_388 = arith.index_cast %parallel_loop3A_363 : i32 to index
        %parallel_loop3A_389 = arith.constant 32 : index
        %parallel_loop3A_390 = tpu.vector_load %arg18[%parallel_loop3A_388, %parallel_loop3A_389] {strides = array<i32>} : memref<128x128xf32, #tpu.memory_space<vmem>>, vector<1x16xf32>,
        %parallel_loop3A_391 = vector.shape_cast %parallel_loop3A_390 : vector<1x16xf32> to vector<16xf32>
        %parallel_loop3A_392 = arith.mulf %parallel_loop3A_391, %parallel_loop3A_367 : vector<16xf32>
        %parallel_loop3A_393 = arith.index_cast %parallel_loop3A_363 : i32 to index
        %parallel_loop3A_394 = arith.constant 32 : index
        %parallel_loop3A_395 = tpu.vector_load %arg18[%parallel_loop3A_393, %parallel_loop3A_394] {strides = array<i32>} : memref<128x128xf32, #tpu.memory_space<vmem>>, vector<1x16xf32>,
        %parallel_loop3A_396 = vector.shape_cast %parallel_loop3A_395 : vector<1x16xf32> to vector<16xf32>
        %parallel_loop3A_397 = vector.shape_cast %parallel_loop3A_392 : vector<16xf32> to vector<1x16xf32>
        tpu.vector_store %arg18[%parallel_loop3A_393, %parallel_loop3A_394], %parallel_loop3A_397 {strides = array<i32>} : memref<128x128xf32, #tpu.memory_space<vmem>>, vector<1x16xf32>,
        %parallel_loop3A_398 = arith.index_cast %parallel_loop3A_363 : i32 to index
        %parallel_loop3A_399 = arith.constant 48 : index
        %parallel_loop3A_400 = tpu.vector_load %arg18[%parallel_loop3A_398, %parallel_loop3A_399] {strides = array<i32>} : memref<128x128xf32, #tpu.memory_space<vmem>>, vector<1x16xf32>,
        %parallel_loop3A_401 = vector.shape_cast %parallel_loop3A_400 : vector<1x16xf32> to vector<16xf32>
        %parallel_loop3A_402 = arith.mulf %parallel_loop3A_401, %parallel_loop3A_367 : vector<16xf32>
        %parallel_loop3A_403 = arith.index_cast %parallel_loop3A_363 : i32 to index
        %parallel_loop3A_404 = arith.constant 48 : index
        %parallel_loop3A_405 = tpu.vector_load %arg18[%parallel_loop3A_403, %parallel_loop3A_404] {strides = array<i32>} : memref<128x128xf32, #tpu.memory_space<vmem>>, vector<1x16xf32>,
        %parallel_loop3A_406 = vector.shape_cast %parallel_loop3A_405 : vector<1x16xf32> to vector<16xf32>
        %parallel_loop3A_407 = vector.shape_cast %parallel_loop3A_402 : vector<16xf32> to vector<1x16xf32>
        tpu.vector_store %arg18[%parallel_loop3A_403, %parallel_loop3A_404], %parallel_loop3A_407 {strides = array<i32>} : memref<128x128xf32, #tpu.memory_space<vmem>>, vector<1x16xf32>,
        %parallel_loop3A_408 = arith.index_cast %parallel_loop3A_363 : i32 to index
        %parallel_loop3A_409 = arith.constant 64 : index
        %parallel_loop3A_410 = tpu.vector_load %arg18[%parallel_loop3A_408, %parallel_loop3A_409] {strides = array<i32>} : memref<128x128xf32, #tpu.memory_space<vmem>>, vector<1x16xf32>,
        %parallel_loop3A_411 = vector.shape_cast %parallel_loop3A_410 : vector<1x16xf32> to vector<16xf32>
        %parallel_loop3A_412 = arith.mulf %parallel_loop3A_411, %parallel_loop3A_367 : vector<16xf32>
        %parallel_loop3A_413 = arith.index_cast %parallel_loop3A_363 : i32 to index
        %parallel_loop3A_414 = arith.constant 64 : index
        %parallel_loop3A_415 = tpu.vector_load %arg18[%parallel_loop3A_413, %parallel_loop3A_414] {strides = array<i32>} : memref<128x128xf32, #tpu.memory_space<vmem>>, vector<1x16xf32>,
        %parallel_loop3A_416 = vector.shape_cast %parallel_loop3A_415 : vector<1x16xf32> to vector<16xf32>
        %parallel_loop3A_417 = vector.shape_cast %parallel_loop3A_412 : vector<16xf32> to vector<1x16xf32>
        tpu.vector_store %arg18[%parallel_loop3A_413, %parallel_loop3A_414], %parallel_loop3A_417 {strides = array<i32>} : memref<128x128xf32, #tpu.memory_space<vmem>>, vector<1x16xf32>,
        %parallel_loop3A_418 = arith.index_cast %parallel_loop3A_363 : i32 to index
        %parallel_loop3A_419 = arith.constant 80 : index
        %parallel_loop3A_420 = tpu.vector_load %arg18[%parallel_loop3A_418, %parallel_loop3A_419] {strides = array<i32>} : memref<128x128xf32, #tpu.memory_space<vmem>>, vector<1x16xf32>,
        %parallel_loop3A_421 = vector.shape_cast %parallel_loop3A_420 : vector<1x16xf32> to vector<16xf32>
        %parallel_loop3A_422 = arith.mulf %parallel_loop3A_421, %parallel_loop3A_367 : vector<16xf32>
        %parallel_loop3A_423 = arith.index_cast %parallel_loop3A_363 : i32 to index
        %parallel_loop3A_424 = arith.constant 80 : index
        %parallel_loop3A_425 = tpu.vector_load %arg18[%parallel_loop3A_423, %parallel_loop3A_424] {strides = array<i32>} : memref<128x128xf32, #tpu.memory_space<vmem>>, vector<1x16xf32>,
        %parallel_loop3A_426 = vector.shape_cast %parallel_loop3A_425 : vector<1x16xf32> to vector<16xf32>
        %parallel_loop3A_427 = vector.shape_cast %parallel_loop3A_422 : vector<16xf32> to vector<1x16xf32>
        tpu.vector_store %arg18[%parallel_loop3A_423, %parallel_loop3A_424], %parallel_loop3A_427 {strides = array<i32>} : memref<128x128xf32, #tpu.memory_space<vmem>>, vector<1x16xf32>,
        %parallel_loop3A_428 = arith.index_cast %parallel_loop3A_363 : i32 to index
        %parallel_loop3A_429 = arith.constant 96 : index
        %parallel_loop3A_430 = tpu.vector_load %arg18[%parallel_loop3A_428, %parallel_loop3A_429] {strides = array<i32>} : memref<128x128xf32, #tpu.memory_space<vmem>>, vector<1x16xf32>,
        %parallel_loop3A_431 = vector.shape_cast %parallel_loop3A_430 : vector<1x16xf32> to vector<16xf32>
        %parallel_loop3A_432 = arith.mulf %parallel_loop3A_431, %parallel_loop3A_367 : vector<16xf32>
        %parallel_loop3A_433 = arith.index_cast %parallel_loop3A_363 : i32 to index
        %parallel_loop3A_434 = arith.constant 96 : index
        %parallel_loop3A_435 = tpu.vector_load %arg18[%parallel_loop3A_433, %parallel_loop3A_434] {strides = array<i32>} : memref<128x128xf32, #tpu.memory_space<vmem>>, vector<1x16xf32>,
        %parallel_loop3A_436 = vector.shape_cast %parallel_loop3A_435 : vector<1x16xf32> to vector<16xf32>
        %parallel_loop3A_437 = vector.shape_cast %parallel_loop3A_432 : vector<16xf32> to vector<1x16xf32>
        tpu.vector_store %arg18[%parallel_loop3A_433, %parallel_loop3A_434], %parallel_loop3A_437 {strides = array<i32>} : memref<128x128xf32, #tpu.memory_space<vmem>>, vector<1x16xf32>,
        %parallel_loop3A_438 = arith.index_cast %parallel_loop3A_363 : i32 to index
        %parallel_loop3A_439 = arith.constant 112 : index
        %parallel_loop3A_440 = tpu.vector_load %arg18[%parallel_loop3A_438, %parallel_loop3A_439] {strides = array<i32>} : memref<128x128xf32, #tpu.memory_space<vmem>>, vector<1x16xf32>,
        %parallel_loop3A_441 = vector.shape_cast %parallel_loop3A_440 : vector<1x16xf32> to vector<16xf32>
        %parallel_loop3A_442 = arith.mulf %parallel_loop3A_441, %parallel_loop3A_367 : vector<16xf32>
        %parallel_loop3A_443 = arith.index_cast %parallel_loop3A_363 : i32 to index
        %parallel_loop3A_444 = arith.constant 112 : index
        %parallel_loop3A_445 = tpu.vector_load %arg18[%parallel_loop3A_443, %parallel_loop3A_444] {strides = array<i32>} : memref<128x128xf32, #tpu.memory_space<vmem>>, vector<1x16xf32>,
        %parallel_loop3A_446 = vector.shape_cast %parallel_loop3A_445 : vector<1x16xf32> to vector<16xf32>
        %parallel_loop3A_447 = vector.shape_cast %parallel_loop3A_442 : vector<16xf32> to vector<1x16xf32>
        tpu.vector_store %arg18[%parallel_loop3A_443, %parallel_loop3A_444], %parallel_loop3A_447 {strides = array<i32>} : memref<128x128xf32, #tpu.memory_space<vmem>>, vector<1x16xf32>,
      } {sc.loop_unroll_factor = 5 : i64, sc.parallel_access}
      %gt3A = arith.constant 0 : i32
      %gt3A_115 = arith.cmpi sgt, %scan3A_87, %gt3A : i32
      %convert_element_type3A_116 = arith.extui %gt3A_115 : i1 to i32
      %cond3A_117 = arith.constant 0 : i32
      %cond3A_118 = arith.cmpi ne, %convert_element_type3A_116, %cond3A_117 : i32
      scf.if %cond3A_118 {
        %dma_wait3A_363 = arith.constant 0 : i32
        %dma_wait3A_364 = arith.constant 0 : i32
        %dma_wait3A_365 = tpu.memref_slice %arg2[%mul3A_0, %dma_wait3A_363, %dma_wait3A_364] : memref<1280x1x125xi32, #tpu.memory_space<hbm>> -> memref<1x1x125xi32, #tpu.memory_space<hbm>>
        %dma_wait3A_366 = tpu.memref_squeeze %dma_wait3A_365 : memref<1x1x125xi32, #tpu.memory_space<hbm>> -> memref<125xi32, #tpu.memory_space<hbm>>
        %dma_wait3A_367 = arith.constant 0 : i32
        %dma_wait3A_368 = tpu.memref_slice %arg2[%mul3A_0, %dma_wait3A_363, %dma_wait3A_367] : memref<1280x1x125xi32, #tpu.memory_space<hbm>> -> memref<1x1x125xi32, #tpu.memory_space<hbm>>
        %dma_wait3A_369 = tpu.memref_squeeze %dma_wait3A_368 : memref<1x1x125xi32, #tpu.memory_space<hbm>> -> memref<125xi32, #tpu.memory_space<hbm>>
        tpu.wait_dma2 semaphore(%arg24 : memref<!tpu.dma_semaphore, #tpu.memory_space<semaphore_mem>>) src(%dma_wait3A_369 : memref<125xi32, #tpu.memory_space<hbm>>) dst(%arg11 : memref<125xi32, #tpu.memory_space<vmem>>)
        %dma_wait3A_370 = arith.constant 0 : i32
        %dma_wait3A_371 = arith.constant 0 : i32
        %dma_wait3A_372 = tpu.memref_slice %arg3[%mul3A_0, %dma_wait3A_370, %dma_wait3A_371] : memref<1280x1x125xi32, #tpu.memory_space<hbm>> -> memref<1x1x125xi32, #tpu.memory_space<hbm>>
        %dma_wait3A_373 = tpu.memref_squeeze %dma_wait3A_372 : memref<1x1x125xi32, #tpu.memory_space<hbm>> -> memref<125xi32, #tpu.memory_space<hbm>>
        %dma_wait3A_374 = arith.constant 0 : i32
        %dma_wait3A_375 = tpu.memref_slice %arg3[%mul3A_0, %dma_wait3A_370, %dma_wait3A_374] : memref<1280x1x125xi32, #tpu.memory_space<hbm>> -> memref<1x1x125xi32, #tpu.memory_space<hbm>>
        %dma_wait3A_376 = tpu.memref_squeeze %dma_wait3A_375 : memref<1x1x125xi32, #tpu.memory_space<hbm>> -> memref<125xi32, #tpu.memory_space<hbm>>
        tpu.wait_dma2 semaphore(%arg24 : memref<!tpu.dma_semaphore, #tpu.memory_space<semaphore_mem>>) src(%dma_wait3A_376 : memref<125xi32, #tpu.memory_space<hbm>>) dst(%arg15 : memref<125xi32, #tpu.memory_space<vmem>>)
        %add3A_377 = arith.constant 1 : i32
        %add3A_378 = arith.addi %add3A_92, %add3A_377 : i32
        %eq3A_379 = arith.constant 0 : i32
        %eq3A_380 = arith.cmpi eq, %arg0, %eq3A_379 : i32
        %convert_element_type3A_381 = arith.extui %eq3A_380 : i1 to i32
        %cond3A_382 = arith.constant 0 : i32
        %cond3A_383 = arith.cmpi ne, %convert_element_type3A_381, %cond3A_382 : i32
        scf.if %cond3A_383 {
          %dma_start3A_422 = arith.constant 0 : i32
          %dma_start3A_423 = arith.constant 0 : i32
          %dma_start3A_424 = tpu.memref_slice %arg19[%dma_start3A_422, %dma_start3A_423] : memref<128x128xf32, #tpu.memory_space<vmem>> -> memref<125x128xf32, #tpu.memory_space<vmem>>
          %dma_start3A_425 = arith.constant 0 : i32
          %dma_start3A_426 = arith.constant 0 : i32
          %dma_start3A_427 = tpu.memref_slice %arg6[%dma_start3A_425, %dma_start3A_426] : memref<10000x128xf32, #tpu.memory_space<hbm>> -> memref<10000x128xf32, #tpu.memory_space<hbm>>
          tpu.enqueue_indirect_dma source(%dma_start3A_427 : memref<10000x128xf32, #tpu.memory_space<hbm>>) target(%dma_start3A_424 : memref<125x128xf32, #tpu.memory_space<vmem>>) offsets(%arg11 : memref<125xi32, #tpu.memory_space<vmem>>) semaphore(%arg28 : memref<!tpu.dma_semaphore, #tpu.memory_space<semaphore_mem>>)
        } else {
        }
        %eq3A_384 = arith.constant 1 : i32
        %eq3A_385 = arith.cmpi eq, %arg0, %eq3A_384 : i32
        %convert_element_type3A_386 = arith.extui %eq3A_385 : i1 to i32
        %cond3A_387 = arith.constant 0 : i32
        %cond3A_388 = arith.cmpi ne, %convert_element_type3A_386, %cond3A_387 : i32
        scf.if %cond3A_388 {
          %dma_start3A_422 = arith.constant 0 : i32
          %dma_start3A_423 = arith.constant 0 : i32
          %dma_start3A_424 = tpu.memref_slice %arg19[%dma_start3A_422, %dma_start3A_423] : memref<128x128xf32, #tpu.memory_space<vmem>> -> memref<125x128xf32, #tpu.memory_space<vmem>>
          %dma_start3A_425 = arith.constant 0 : i32
          %dma_start3A_426 = arith.constant 0 : i32
          %dma_start3A_427 = tpu.memref_slice %arg7[%dma_start3A_425, %dma_start3A_426] : memref<10000x128xf32, #tpu.memory_space<hbm>> -> memref<10000x128xf32, #tpu.memory_space<hbm>>
          tpu.enqueue_indirect_dma source(%dma_start3A_427 : memref<10000x128xf32, #tpu.memory_space<hbm>>) target(%dma_start3A_424 : memref<125x128xf32, #tpu.memory_space<vmem>>) offsets(%arg11 : memref<125xi32, #tpu.memory_space<vmem>>) semaphore(%arg28 : memref<!tpu.dma_semaphore, #tpu.memory_space<semaphore_mem>>)
        } else {
        }
        %add3A_389 = arith.addi %mul3A_0, %add3A_378 : i32
        %dma_start3A_390 = arith.constant 0 : i32
        %dma_start3A_391 = arith.constant 0 : i32
        %dma_start3A_392 = tpu.memref_slice %arg21[%dma_start3A_390, %dma_start3A_391] : memref<128x16xf32, #tpu.memory_space<vmem>> -> memref<125x16xf32, #tpu.memory_space<vmem>>
        %dma_start3A_393 = arith.constant 0 : i32
        %dma_start3A_394 = arith.constant 0 : i32
        %dma_start3A_395 = tpu.memref_slice %arg4[%add3A_389, %dma_start3A_393, %dma_start3A_394] : memref<1280x125x16xf32, #tpu.memory_space<hbm>> -> memref<1x125x16xf32, #tpu.memory_space<hbm>>
        %dma_start3A_396 = tpu.memref_squeeze %dma_start3A_395 : memref<1x125x16xf32, #tpu.memory_space<hbm>> -> memref<125x16xf32, #tpu.memory_space<hbm>>
        %dma_start3A_397 = arith.constant 0 : i32
        %dma_start3A_398 = arith.constant 0 : i32
        %dma_start3A_399 = tpu.memref_slice %arg21[%dma_start3A_397, %dma_start3A_398] : memref<128x16xf32, #tpu.memory_space<vmem>> -> memref<125x16xf32, #tpu.memory_space<vmem>>
        %dma_start3A_400 = arith.constant 0 : i32
        %dma_start3A_401 = arith.constant 0 : i32
        %dma_start3A_402 = tpu.memref_slice %arg4[%add3A_389, %dma_start3A_400, %dma_start3A_401] : memref<1280x125x16xf32, #tpu.memory_space<hbm>> -> memref<1x125x16xf32, #tpu.memory_space<hbm>>
        %dma_start3A_403 = tpu.memref_squeeze %dma_start3A_402 : memref<1x125x16xf32, #tpu.memory_space<hbm>> -> memref<125x16xf32, #tpu.memory_space<hbm>>
        tpu.enqueue_dma source(%dma_start3A_403 : memref<125x16xf32, #tpu.memory_space<hbm>>) target(%dma_start3A_399 : memref<125x16xf32, #tpu.memory_space<vmem>>) target_semaphore(%arg28 : memref<!tpu.dma_semaphore, #tpu.memory_space<semaphore_mem>>)
        %add3A_404 = arith.constant 2 : i32
        %add3A_405 = arith.addi %add3A_92, %add3A_404 : i32
        %add3A_406 = arith.addi %mul3A_0, %add3A_405 : i32
        %dma_start3A_407 = arith.constant 0 : i32
        %dma_start3A_408 = arith.constant 0 : i32
        %dma_start3A_409 = tpu.memref_slice %arg2[%add3A_406, %dma_start3A_407, %dma_start3A_408] : memref<1280x1x125xi32, #tpu.memory_space<hbm>> -> memref<1x1x125xi32, #tpu.memory_space<hbm>>
        %dma_start3A_410 = tpu.memref_squeeze %dma_start3A_409 : memref<1x1x125xi32, #tpu.memory_space<hbm>> -> memref<125xi32, #tpu.memory_space<hbm>>
        %dma_start3A_411 = arith.constant 0 : i32
        %dma_start3A_412 = tpu.memref_slice %arg2[%add3A_406, %dma_start3A_407, %dma_start3A_411] : memref<1280x1x125xi32, #tpu.memory_space<hbm>> -> memref<1x1x125xi32, #tpu.memory_space<hbm>>
        %dma_start3A_413 = tpu.memref_squeeze %dma_start3A_412 : memref<1x1x125xi32, #tpu.memory_space<hbm>> -> memref<125xi32, #tpu.memory_space<hbm>>
        tpu.enqueue_dma source(%dma_start3A_413 : memref<125xi32, #tpu.memory_space<hbm>>) target(%arg12 : memref<125xi32, #tpu.memory_space<vmem>>) target_semaphore(%arg25 : memref<!tpu.dma_semaphore, #tpu.memory_space<semaphore_mem>>)
        %add3A_414 = arith.addi %mul3A_0, %add3A_405 : i32
        %dma_start3A_415 = arith.constant 0 : i32
        %dma_start3A_416 = arith.constant 0 : i32
        %dma_start3A_417 = tpu.memref_slice %arg3[%add3A_414, %dma_start3A_415, %dma_start3A_416] : memref<1280x1x125xi32, #tpu.memory_space<hbm>> -> memref<1x1x125xi32, #tpu.memory_space<hbm>>
        %dma_start3A_418 = tpu.memref_squeeze %dma_start3A_417 : memref<1x1x125xi32, #tpu.memory_space<hbm>> -> memref<125xi32, #tpu.memory_space<hbm>>
        %dma_start3A_419 = arith.constant 0 : i32
        %dma_start3A_420 = tpu.memref_slice %arg3[%add3A_414, %dma_start3A_415, %dma_start3A_419] : memref<1280x1x125xi32, #tpu.memory_space<hbm>> -> memref<1x1x125xi32, #tpu.memory_space<hbm>>
        %dma_start3A_421 = tpu.memref_squeeze %dma_start3A_420 : memref<1x1x125xi32, #tpu.memory_space<hbm>> -> memref<125xi32, #tpu.memory_space<hbm>>
        tpu.enqueue_dma source(%dma_start3A_421 : memref<125xi32, #tpu.memory_space<hbm>>) target(%arg16 : memref<125xi32, #tpu.memory_space<vmem>>) target_semaphore(%arg25 : memref<!tpu.dma_semaphore, #tpu.memory_space<semaphore_mem>>)
      } else {
      }
      %eq3A_119 = arith.constant 0 : i32
      %eq3A_120 = arith.cmpi eq, %scan3A_87, %eq3A_119 : i32
      %convert_element_type3A_121 = arith.extui %eq3A_120 : i1 to i32
      %cond3A_122 = arith.constant 0 : i32
      %cond3A_123 = arith.cmpi ne, %convert_element_type3A_121, %cond3A_122 : i32
      scf.if %cond3A_123 {
        %dma_wait3A_363 = arith.constant 0 : i32
        %dma_wait3A_364 = arith.constant 0 : i32
        %dma_wait3A_365 = tpu.memref_slice %arg2[%mul3A_0, %dma_wait3A_363, %dma_wait3A_364] : memref<1280x1x125xi32, #tpu.memory_space<hbm>> -> memref<1x1x125xi32, #tpu.memory_space<hbm>>
        %dma_wait3A_366 = tpu.memref_squeeze %dma_wait3A_365 : memref<1x1x125xi32, #tpu.memory_space<hbm>> -> memref<125xi32, #tpu.memory_space<hbm>>
        %dma_wait3A_367 = arith.constant 0 : i32
        %dma_wait3A_368 = tpu.memref_slice %arg2[%mul3A_0, %dma_wait3A_363, %dma_wait3A_367] : memref<1280x1x125xi32, #tpu.memory_space<hbm>> -> memref<1x1x125xi32, #tpu.memory_space<hbm>>
        %dma_wait3A_369 = tpu.memref_squeeze %dma_wait3A_368 : memref<1x1x125xi32, #tpu.memory_space<hbm>> -> memref<125xi32, #tpu.memory_space<hbm>>
        tpu.wait_dma2 semaphore(%arg24 : memref<!tpu.dma_semaphore, #tpu.memory_space<semaphore_mem>>) src(%dma_wait3A_369 : memref<125xi32, #tpu.memory_space<hbm>>) dst(%arg11 : memref<125xi32, #tpu.memory_space<vmem>>)
        %dma_wait3A_370 = arith.constant 0 : i32
        %dma_wait3A_371 = arith.constant 0 : i32
        %dma_wait3A_372 = tpu.memref_slice %arg3[%mul3A_0, %dma_wait3A_370, %dma_wait3A_371] : memref<1280x1x125xi32, #tpu.memory_space<hbm>> -> memref<1x1x125xi32, #tpu.memory_space<hbm>>
        %dma_wait3A_373 = tpu.memref_squeeze %dma_wait3A_372 : memref<1x1x125xi32, #tpu.memory_space<hbm>> -> memref<125xi32, #tpu.memory_space<hbm>>
        %dma_wait3A_374 = arith.constant 0 : i32
        %dma_wait3A_375 = tpu.memref_slice %arg3[%mul3A_0, %dma_wait3A_370, %dma_wait3A_374] : memref<1280x1x125xi32, #tpu.memory_space<hbm>> -> memref<1x1x125xi32, #tpu.memory_space<hbm>>
        %dma_wait3A_376 = tpu.memref_squeeze %dma_wait3A_375 : memref<1x1x125xi32, #tpu.memory_space<hbm>> -> memref<125xi32, #tpu.memory_space<hbm>>
        tpu.wait_dma2 semaphore(%arg24 : memref<!tpu.dma_semaphore, #tpu.memory_space<semaphore_mem>>) src(%dma_wait3A_376 : memref<125xi32, #tpu.memory_space<hbm>>) dst(%arg15 : memref<125xi32, #tpu.memory_space<vmem>>)
        %add3A_377 = arith.constant 1 : i32
        %add3A_378 = arith.addi %add3A_92, %add3A_377 : i32
        %eq3A_379 = arith.constant 0 : i32
        %eq3A_380 = arith.cmpi eq, %arg0, %eq3A_379 : i32
        %convert_element_type3A_381 = arith.extui %eq3A_380 : i1 to i32
        %cond3A_382 = arith.constant 0 : i32
        %cond3A_383 = arith.cmpi ne, %convert_element_type3A_381, %cond3A_382 : i32
        scf.if %cond3A_383 {
          %dma_start3A_422 = arith.constant 0 : i32
          %dma_start3A_423 = arith.constant 0 : i32
          %dma_start3A_424 = tpu.memref_slice %arg19[%dma_start3A_422, %dma_start3A_423] : memref<128x128xf32, #tpu.memory_space<vmem>> -> memref<125x128xf32, #tpu.memory_space<vmem>>
          %dma_start3A_425 = arith.constant 0 : i32
          %dma_start3A_426 = arith.constant 0 : i32
          %dma_start3A_427 = tpu.memref_slice %arg6[%dma_start3A_425, %dma_start3A_426] : memref<10000x128xf32, #tpu.memory_space<hbm>> -> memref<10000x128xf32, #tpu.memory_space<hbm>>
          tpu.enqueue_indirect_dma source(%dma_start3A_427 : memref<10000x128xf32, #tpu.memory_space<hbm>>) target(%dma_start3A_424 : memref<125x128xf32, #tpu.memory_space<vmem>>) offsets(%arg11 : memref<125xi32, #tpu.memory_space<vmem>>) semaphore(%arg28 : memref<!tpu.dma_semaphore, #tpu.memory_space<semaphore_mem>>)
        } else {
        }
        %eq3A_384 = arith.constant 1 : i32
        %eq3A_385 = arith.cmpi eq, %arg0, %eq3A_384 : i32
        %convert_element_type3A_386 = arith.extui %eq3A_385 : i1 to i32
        %cond3A_387 = arith.constant 0 : i32
        %cond3A_388 = arith.cmpi ne, %convert_element_type3A_386, %cond3A_387 : i32
        scf.if %cond3A_388 {
          %dma_start3A_422 = arith.constant 0 : i32
          %dma_start3A_423 = arith.constant 0 : i32
          %dma_start3A_424 = tpu.memref_slice %arg19[%dma_start3A_422, %dma_start3A_423] : memref<128x128xf32, #tpu.memory_space<vmem>> -> memref<125x128xf32, #tpu.memory_space<vmem>>
          %dma_start3A_425 = arith.constant 0 : i32
          %dma_start3A_426 = arith.constant 0 : i32
          %dma_start3A_427 = tpu.memref_slice %arg7[%dma_start3A_425, %dma_start3A_426] : memref<10000x128xf32, #tpu.memory_space<hbm>> -> memref<10000x128xf32, #tpu.memory_space<hbm>>
          tpu.enqueue_indirect_dma source(%dma_start3A_427 : memref<10000x128xf32, #tpu.memory_space<hbm>>) target(%dma_start3A_424 : memref<125x128xf32, #tpu.memory_space<vmem>>) offsets(%arg11 : memref<125xi32, #tpu.memory_space<vmem>>) semaphore(%arg28 : memref<!tpu.dma_semaphore, #tpu.memory_space<semaphore_mem>>)
        } else {
        }
        %add3A_389 = arith.addi %mul3A_0, %add3A_378 : i32
        %dma_start3A_390 = arith.constant 0 : i32
        %dma_start3A_391 = arith.constant 0 : i32
        %dma_start3A_392 = tpu.memref_slice %arg21[%dma_start3A_390, %dma_start3A_391] : memref<128x16xf32, #tpu.memory_space<vmem>> -> memref<125x16xf32, #tpu.memory_space<vmem>>
        %dma_start3A_393 = arith.constant 0 : i32
        %dma_start3A_394 = arith.constant 0 : i32
        %dma_start3A_395 = tpu.memref_slice %arg4[%add3A_389, %dma_start3A_393, %dma_start3A_394] : memref<1280x125x16xf32, #tpu.memory_space<hbm>> -> memref<1x125x16xf32, #tpu.memory_space<hbm>>
        %dma_start3A_396 = tpu.memref_squeeze %dma_start3A_395 : memref<1x125x16xf32, #tpu.memory_space<hbm>> -> memref<125x16xf32, #tpu.memory_space<hbm>>
        %dma_start3A_397 = arith.constant 0 : i32
        %dma_start3A_398 = arith.constant 0 : i32
        %dma_start3A_399 = tpu.memref_slice %arg21[%dma_start3A_397, %dma_start3A_398] : memref<128x16xf32, #tpu.memory_space<vmem>> -> memref<125x16xf32, #tpu.memory_space<vmem>>
        %dma_start3A_400 = arith.constant 0 : i32
        %dma_start3A_401 = arith.constant 0 : i32
        %dma_start3A_402 = tpu.memref_slice %arg4[%add3A_389, %dma_start3A_400, %dma_start3A_401] : memref<1280x125x16xf32, #tpu.memory_space<hbm>> -> memref<1x125x16xf32, #tpu.memory_space<hbm>>
        %dma_start3A_403 = tpu.memref_squeeze %dma_start3A_402 : memref<1x125x16xf32, #tpu.memory_space<hbm>> -> memref<125x16xf32, #tpu.memory_space<hbm>>
        tpu.enqueue_dma source(%dma_start3A_403 : memref<125x16xf32, #tpu.memory_space<hbm>>) target(%dma_start3A_399 : memref<125x16xf32, #tpu.memory_space<vmem>>) target_semaphore(%arg28 : memref<!tpu.dma_semaphore, #tpu.memory_space<semaphore_mem>>)
        %add3A_404 = arith.constant 2 : i32
        %add3A_405 = arith.addi %add3A_92, %add3A_404 : i32
        %add3A_406 = arith.addi %mul3A_0, %add3A_405 : i32
        %dma_start3A_407 = arith.constant 0 : i32
        %dma_start3A_408 = arith.constant 0 : i32
        %dma_start3A_409 = tpu.memref_slice %arg2[%add3A_406, %dma_start3A_407, %dma_start3A_408] : memref<1280x1x125xi32, #tpu.memory_space<hbm>> -> memref<1x1x125xi32, #tpu.memory_space<hbm>>
        %dma_start3A_410 = tpu.memref_squeeze %dma_start3A_409 : memref<1x1x125xi32, #tpu.memory_space<hbm>> -> memref<125xi32, #tpu.memory_space<hbm>>
        %dma_start3A_411 = arith.constant 0 : i32
        %dma_start3A_412 = tpu.memref_slice %arg2[%add3A_406, %dma_start3A_407, %dma_start3A_411] : memref<1280x1x125xi32, #tpu.memory_space<hbm>> -> memref<1x1x125xi32, #tpu.memory_space<hbm>>
        %dma_start3A_413 = tpu.memref_squeeze %dma_start3A_412 : memref<1x1x125xi32, #tpu.memory_space<hbm>> -> memref<125xi32, #tpu.memory_space<hbm>>
        tpu.enqueue_dma source(%dma_start3A_413 : memref<125xi32, #tpu.memory_space<hbm>>) target(%arg12 : memref<125xi32, #tpu.memory_space<vmem>>) target_semaphore(%arg25 : memref<!tpu.dma_semaphore, #tpu.memory_space<semaphore_mem>>)
        %add3A_414 = arith.addi %mul3A_0, %add3A_405 : i32
        %dma_start3A_415 = arith.constant 0 : i32
        %dma_start3A_416 = arith.constant 0 : i32
        %dma_start3A_417 = tpu.memref_slice %arg3[%add3A_414, %dma_start3A_415, %dma_start3A_416] : memref<1280x1x125xi32, #tpu.memory_space<hbm>> -> memref<1x1x125xi32, #tpu.memory_space<hbm>>
        %dma_start3A_418 = tpu.memref_squeeze %dma_start3A_417 : memref<1x1x125xi32, #tpu.memory_space<hbm>> -> memref<125xi32, #tpu.memory_space<hbm>>
        %dma_start3A_419 = arith.constant 0 : i32
        %dma_start3A_420 = tpu.memref_slice %arg3[%add3A_414, %dma_start3A_415, %dma_start3A_419] : memref<1280x1x125xi32, #tpu.memory_space<hbm>> -> memref<1x1x125xi32, #tpu.memory_space<hbm>>
        %dma_start3A_421 = tpu.memref_squeeze %dma_start3A_420 : memref<1x1x125xi32, #tpu.memory_space<hbm>> -> memref<125xi32, #tpu.memory_space<hbm>>
        tpu.enqueue_dma source(%dma_start3A_421 : memref<125xi32, #tpu.memory_space<hbm>>) target(%arg16 : memref<125xi32, #tpu.memory_space<vmem>>) target_semaphore(%arg25 : memref<!tpu.dma_semaphore, #tpu.memory_space<semaphore_mem>>)
      } else {
      }
      %dma_start3A_124 = arith.constant 0 : i32
      %dma_start3A_125 = arith.constant 0 : i32
      %dma_start3A_126 = tpu.memref_slice %arg18[%dma_start3A_124, %dma_start3A_125] : memref<128x128xf32, #tpu.memory_space<vmem>> -> memref<125x128xf32, #tpu.memory_space<vmem>>
      %dma_start3A_127 = arith.constant 0 : i32
      %dma_start3A_128 = arith.constant 0 : i32
      %dma_start3A_129 = tpu.memref_slice %arg22[%dma_start3A_127, %dma_start3A_128] : memref<10240x128xf32, #tpu.memory_space<vmem_shared>> -> memref<10240x128xf32, #tpu.memory_space<vmem_shared>>
      tpu.enqueue_indirect_dma source(%dma_start3A_126 : memref<125x128xf32, #tpu.memory_space<vmem>>) target(%dma_start3A_129 : memref<10240x128xf32, #tpu.memory_space<vmem_shared>>) offsets(%arg14 : memref<125xi32, #tpu.memory_space<vmem>>) semaphore(%arg29 : memref<!tpu.dma_semaphore, #tpu.memory_space<semaphore_mem>>) {add = true}
      %mul3A_130 = arith.constant 4 : i32
      %mul3A_131 = arith.muli %mul3A_130, %scan3A_87 : i32
      %add3A_132 = arith.constant 1 : i32
      %add3A_133 = arith.addi %mul3A_131, %add3A_132 : i32
      %dma_wait3A_134 = arith.constant 0 : i32
      %dma_wait3A_135 = arith.constant 0 : i32
      %dma_wait3A_136 = tpu.memref_slice %arg19[%dma_wait3A_134, %dma_wait3A_135] : memref<128x128xf32, #tpu.memory_space<vmem>> -> memref<125x128xf32, #tpu.memory_space<vmem>>
      %dma_wait3A_137 = arith.constant 0 : i32
      %dma_wait3A_138 = arith.constant 0 : i32
      %dma_wait3A_139 = tpu.memref_slice %arg6[%dma_wait3A_137, %dma_wait3A_138] : memref<10000x128xf32, #tpu.memory_space<hbm>> -> memref<10000x128xf32, #tpu.memory_space<hbm>>
      tpu.wait_indirect_dma semaphore(%arg28 : memref<!tpu.dma_semaphore, #tpu.memory_space<semaphore_mem>>) src(%dma_wait3A_139 : memref<10000x128xf32, #tpu.memory_space<hbm>>) dst(%dma_wait3A_136 : memref<125x128xf32, #tpu.memory_space<vmem>>)
      %dma_wait3A_140 = arith.constant 0 : i32
      %dma_wait3A_141 = arith.constant 0 : i32
      %dma_wait3A_142 = tpu.memref_slice %arg21[%dma_wait3A_140, %dma_wait3A_141] : memref<128x16xf32, #tpu.memory_space<vmem>> -> memref<125x16xf32, #tpu.memory_space<vmem>>
      %dma_wait3A_143 = arith.constant 0 : i32
      %dma_wait3A_144 = arith.constant 0 : i32
      %dma_wait3A_145 = tpu.memref_slice %arg4[%mul3A_0, %dma_wait3A_143, %dma_wait3A_144] : memref<1280x125x16xf32, #tpu.memory_space<hbm>> -> memref<1x125x16xf32, #tpu.memory_space<hbm>>
      %dma_wait3A_146 = tpu.memref_squeeze %dma_wait3A_145 : memref<1x125x16xf32, #tpu.memory_space<hbm>> -> memref<125x16xf32, #tpu.memory_space<hbm>>
      %dma_wait3A_147 = arith.constant 0 : i32
      %dma_wait3A_148 = arith.constant 0 : i32
      %dma_wait3A_149 = tpu.memref_slice %arg21[%dma_wait3A_147, %dma_wait3A_148] : memref<128x16xf32, #tpu.memory_space<vmem>> -> memref<125x16xf32, #tpu.memory_space<vmem>>
      %dma_wait3A_150 = arith.constant 0 : i32
      %dma_wait3A_151 = arith.constant 0 : i32
      %dma_wait3A_152 = tpu.memref_slice %arg4[%mul3A_0, %dma_wait3A_150, %dma_wait3A_151] : memref<1280x125x16xf32, #tpu.memory_space<hbm>> -> memref<1x125x16xf32, #tpu.memory_space<hbm>>
      %dma_wait3A_153 = tpu.memref_squeeze %dma_wait3A_152 : memref<1x125x16xf32, #tpu.memory_space<hbm>> -> memref<125x16xf32, #tpu.memory_space<hbm>>
      tpu.wait_dma2 semaphore(%arg28 : memref<!tpu.dma_semaphore, #tpu.memory_space<semaphore_mem>>) src(%dma_wait3A_153 : memref<125x16xf32, #tpu.memory_space<hbm>>) dst(%dma_wait3A_149 : memref<125x16xf32, #tpu.memory_space<vmem>>)
      %parallel_loop3A_154 = arith.constant 0 : i32
      %parallel_loop3A_155 = arith.constant 125 : i32
      %parallel_loop3A_156 = arith.constant 1 : i32
      scf.for %parallel_loop3A_363 = %parallel_loop3A_154 to %parallel_loop3A_155 step %parallel_loop3A_156  : i32 {
        %parallel_loop3A_364 = arith.index_cast %parallel_loop3A_363 : i32 to index
        %parallel_loop3A_365 = arith.constant 0 : index
        %parallel_loop3A_366 = tpu.vector_load %arg21[%parallel_loop3A_364, %parallel_loop3A_365] {strides = array<i32>} : memref<128x16xf32, #tpu.memory_space<vmem>>, vector<1x16xf32>,
        %parallel_loop3A_367 = vector.shape_cast %parallel_loop3A_366 : vector<1x16xf32> to vector<16xf32>
        %parallel_loop3A_368 = arith.index_cast %parallel_loop3A_363 : i32 to index
        %parallel_loop3A_369 = arith.constant 0 : index
        %parallel_loop3A_370 = tpu.vector_load %arg19[%parallel_loop3A_368, %parallel_loop3A_369] {strides = array<i32>} : memref<128x128xf32, #tpu.memory_space<vmem>>, vector<1x16xf32>,
        %parallel_loop3A_371 = vector.shape_cast %parallel_loop3A_370 : vector<1x16xf32> to vector<16xf32>
        %parallel_loop3A_372 = arith.mulf %parallel_loop3A_371, %parallel_loop3A_367 : vector<16xf32>
        %parallel_loop3A_373 = arith.index_cast %parallel_loop3A_363 : i32 to index
        %parallel_loop3A_374 = arith.constant 0 : index
        %parallel_loop3A_375 = tpu.vector_load %arg19[%parallel_loop3A_373, %parallel_loop3A_374] {strides = array<i32>} : memref<128x128xf32, #tpu.memory_space<vmem>>, vector<1x16xf32>,
        %parallel_loop3A_376 = vector.shape_cast %parallel_loop3A_375 : vector<1x16xf32> to vector<16xf32>
        %parallel_loop3A_377 = vector.shape_cast %parallel_loop3A_372 : vector<16xf32> to vector<1x16xf32>
        tpu.vector_store %arg19[%parallel_loop3A_373, %parallel_loop3A_374], %parallel_loop3A_377 {strides = array<i32>} : memref<128x128xf32, #tpu.memory_space<vmem>>, vector<1x16xf32>,
        %parallel_loop3A_378 = arith.index_cast %parallel_loop3A_363 : i32 to index
        %parallel_loop3A_379 = arith.constant 16 : index
        %parallel_loop3A_380 = tpu.vector_load %arg19[%parallel_loop3A_378, %parallel_loop3A_379] {strides = array<i32>} : memref<128x128xf32, #tpu.memory_space<vmem>>, vector<1x16xf32>,
        %parallel_loop3A_381 = vector.shape_cast %parallel_loop3A_380 : vector<1x16xf32> to vector<16xf32>
        %parallel_loop3A_382 = arith.mulf %parallel_loop3A_381, %parallel_loop3A_367 : vector<16xf32>
        %parallel_loop3A_383 = arith.index_cast %parallel_loop3A_363 : i32 to index
        %parallel_loop3A_384 = arith.constant 16 : index
        %parallel_loop3A_385 = tpu.vector_load %arg19[%parallel_loop3A_383, %parallel_loop3A_384] {strides = array<i32>} : memref<128x128xf32, #tpu.memory_space<vmem>>, vector<1x16xf32>,
        %parallel_loop3A_386 = vector.shape_cast %parallel_loop3A_385 : vector<1x16xf32> to vector<16xf32>
        %parallel_loop3A_387 = vector.shape_cast %parallel_loop3A_382 : vector<16xf32> to vector<1x16xf32>
        tpu.vector_store %arg19[%parallel_loop3A_383, %parallel_loop3A_384], %parallel_loop3A_387 {strides = array<i32>} : memref<128x128xf32, #tpu.memory_space<vmem>>, vector<1x16xf32>,
        %parallel_loop3A_388 = arith.index_cast %parallel_loop3A_363 : i32 to index
        %parallel_loop3A_389 = arith.constant 32 : index
        %parallel_loop3A_390 = tpu.vector_load %arg19[%parallel_loop3A_388, %parallel_loop3A_389] {strides = array<i32>} : memref<128x128xf32, #tpu.memory_space<vmem>>, vector<1x16xf32>,
        %parallel_loop3A_391 = vector.shape_cast %parallel_loop3A_390 : vector<1x16xf32> to vector<16xf32>
        %parallel_loop3A_392 = arith.mulf %parallel_loop3A_391, %parallel_loop3A_367 : vector<16xf32>
        %parallel_loop3A_393 = arith.index_cast %parallel_loop3A_363 : i32 to index
        %parallel_loop3A_394 = arith.constant 32 : index
        %parallel_loop3A_395 = tpu.vector_load %arg19[%parallel_loop3A_393, %parallel_loop3A_394] {strides = array<i32>} : memref<128x128xf32, #tpu.memory_space<vmem>>, vector<1x16xf32>,
        %parallel_loop3A_396 = vector.shape_cast %parallel_loop3A_395 : vector<1x16xf32> to vector<16xf32>
        %parallel_loop3A_397 = vector.shape_cast %parallel_loop3A_392 : vector<16xf32> to vector<1x16xf32>
        tpu.vector_store %arg19[%parallel_loop3A_393, %parallel_loop3A_394], %parallel_loop3A_397 {strides = array<i32>} : memref<128x128xf32, #tpu.memory_space<vmem>>, vector<1x16xf32>,
        %parallel_loop3A_398 = arith.index_cast %parallel_loop3A_363 : i32 to index
        %parallel_loop3A_399 = arith.constant 48 : index
        %parallel_loop3A_400 = tpu.vector_load %arg19[%parallel_loop3A_398, %parallel_loop3A_399] {strides = array<i32>} : memref<128x128xf32, #tpu.memory_space<vmem>>, vector<1x16xf32>,
        %parallel_loop3A_401 = vector.shape_cast %parallel_loop3A_400 : vector<1x16xf32> to vector<16xf32>
        %parallel_loop3A_402 = arith.mulf %parallel_loop3A_401, %parallel_loop3A_367 : vector<16xf32>
        %parallel_loop3A_403 = arith.index_cast %parallel_loop3A_363 : i32 to index
        %parallel_loop3A_404 = arith.constant 48 : index
        %parallel_loop3A_405 = tpu.vector_load %arg19[%parallel_loop3A_403, %parallel_loop3A_404] {strides = array<i32>} : memref<128x128xf32, #tpu.memory_space<vmem>>, vector<1x16xf32>,
        %parallel_loop3A_406 = vector.shape_cast %parallel_loop3A_405 : vector<1x16xf32> to vector<16xf32>
        %parallel_loop3A_407 = vector.shape_cast %parallel_loop3A_402 : vector<16xf32> to vector<1x16xf32>
        tpu.vector_store %arg19[%parallel_loop3A_403, %parallel_loop3A_404], %parallel_loop3A_407 {strides = array<i32>} : memref<128x128xf32, #tpu.memory_space<vmem>>, vector<1x16xf32>,
        %parallel_loop3A_408 = arith.index_cast %parallel_loop3A_363 : i32 to index
        %parallel_loop3A_409 = arith.constant 64 : index
        %parallel_loop3A_410 = tpu.vector_load %arg19[%parallel_loop3A_408, %parallel_loop3A_409] {strides = array<i32>} : memref<128x128xf32, #tpu.memory_space<vmem>>, vector<1x16xf32>,
        %parallel_loop3A_411 = vector.shape_cast %parallel_loop3A_410 : vector<1x16xf32> to vector<16xf32>
        %parallel_loop3A_412 = arith.mulf %parallel_loop3A_411, %parallel_loop3A_367 : vector<16xf32>
        %parallel_loop3A_413 = arith.index_cast %parallel_loop3A_363 : i32 to index
        %parallel_loop3A_414 = arith.constant 64 : index
        %parallel_loop3A_415 = tpu.vector_load %arg19[%parallel_loop3A_413, %parallel_loop3A_414] {strides = array<i32>} : memref<128x128xf32, #tpu.memory_space<vmem>>, vector<1x16xf32>,
        %parallel_loop3A_416 = vector.shape_cast %parallel_loop3A_415 : vector<1x16xf32> to vector<16xf32>
        %parallel_loop3A_417 = vector.shape_cast %parallel_loop3A_412 : vector<16xf32> to vector<1x16xf32>
        tpu.vector_store %arg19[%parallel_loop3A_413, %parallel_loop3A_414], %parallel_loop3A_417 {strides = array<i32>} : memref<128x128xf32, #tpu.memory_space<vmem>>, vector<1x16xf32>,
        %parallel_loop3A_418 = arith.index_cast %parallel_loop3A_363 : i32 to index
        %parallel_loop3A_419 = arith.constant 80 : index
        %parallel_loop3A_420 = tpu.vector_load %arg19[%parallel_loop3A_418, %parallel_loop3A_419] {strides = array<i32>} : memref<128x128xf32, #tpu.memory_space<vmem>>, vector<1x16xf32>,
        %parallel_loop3A_421 = vector.shape_cast %parallel_loop3A_420 : vector<1x16xf32> to vector<16xf32>
        %parallel_loop3A_422 = arith.mulf %parallel_loop3A_421, %parallel_loop3A_367 : vector<16xf32>
        %parallel_loop3A_423 = arith.index_cast %parallel_loop3A_363 : i32 to index
        %parallel_loop3A_424 = arith.constant 80 : index
        %parallel_loop3A_425 = tpu.vector_load %arg19[%parallel_loop3A_423, %parallel_loop3A_424] {strides = array<i32>} : memref<128x128xf32, #tpu.memory_space<vmem>>, vector<1x16xf32>,
        %parallel_loop3A_426 = vector.shape_cast %parallel_loop3A_425 : vector<1x16xf32> to vector<16xf32>
        %parallel_loop3A_427 = vector.shape_cast %parallel_loop3A_422 : vector<16xf32> to vector<1x16xf32>
        tpu.vector_store %arg19[%parallel_loop3A_423, %parallel_loop3A_424], %parallel_loop3A_427 {strides = array<i32>} : memref<128x128xf32, #tpu.memory_space<vmem>>, vector<1x16xf32>,
        %parallel_loop3A_428 = arith.index_cast %parallel_loop3A_363 : i32 to index
        %parallel_loop3A_429 = arith.constant 96 : index
        %parallel_loop3A_430 = tpu.vector_load %arg19[%parallel_loop3A_428, %parallel_loop3A_429] {strides = array<i32>} : memref<128x128xf32, #tpu.memory_space<vmem>>, vector<1x16xf32>,
        %parallel_loop3A_431 = vector.shape_cast %parallel_loop3A_430 : vector<1x16xf32> to vector<16xf32>
        %parallel_loop3A_432 = arith.mulf %parallel_loop3A_431, %parallel_loop3A_367 : vector<16xf32>
        %parallel_loop3A_433 = arith.index_cast %parallel_loop3A_363 : i32 to index
        %parallel_loop3A_434 = arith.constant 96 : index
        %parallel_loop3A_435 = tpu.vector_load %arg19[%parallel_loop3A_433, %parallel_loop3A_434] {strides = array<i32>} : memref<128x128xf32, #tpu.memory_space<vmem>>, vector<1x16xf32>,
        %parallel_loop3A_436 = vector.shape_cast %parallel_loop3A_435 : vector<1x16xf32> to vector<16xf32>
        %parallel_loop3A_437 = vector.shape_cast %parallel_loop3A_432 : vector<16xf32> to vector<1x16xf32>
        tpu.vector_store %arg19[%parallel_loop3A_433, %parallel_loop3A_434], %parallel_loop3A_437 {strides = array<i32>} : memref<128x128xf32, #tpu.memory_space<vmem>>, vector<1x16xf32>,
        %parallel_loop3A_438 = arith.index_cast %parallel_loop3A_363 : i32 to index
        %parallel_loop3A_439 = arith.constant 112 : index
        %parallel_loop3A_440 = tpu.vector_load %arg19[%parallel_loop3A_438, %parallel_loop3A_439] {strides = array<i32>} : memref<128x128xf32, #tpu.memory_space<vmem>>, vector<1x16xf32>,
        %parallel_loop3A_441 = vector.shape_cast %parallel_loop3A_440 : vector<1x16xf32> to vector<16xf32>
        %parallel_loop3A_442 = arith.mulf %parallel_loop3A_441, %parallel_loop3A_367 : vector<16xf32>
        %parallel_loop3A_443 = arith.index_cast %parallel_loop3A_363 : i32 to index
        %parallel_loop3A_444 = arith.constant 112 : index
        %parallel_loop3A_445 = tpu.vector_load %arg19[%parallel_loop3A_443, %parallel_loop3A_444] {strides = array<i32>} : memref<128x128xf32, #tpu.memory_space<vmem>>, vector<1x16xf32>,
        %parallel_loop3A_446 = vector.shape_cast %parallel_loop3A_445 : vector<1x16xf32> to vector<16xf32>
        %parallel_loop3A_447 = vector.shape_cast %parallel_loop3A_442 : vector<16xf32> to vector<1x16xf32>
        tpu.vector_store %arg19[%parallel_loop3A_443, %parallel_loop3A_444], %parallel_loop3A_447 {strides = array<i32>} : memref<128x128xf32, #tpu.memory_space<vmem>>, vector<1x16xf32>,
      } {sc.loop_unroll_factor = 5 : i64, sc.parallel_access}
      %dma_wait3A_157 = arith.constant 0 : i32
      %dma_wait3A_158 = arith.constant 0 : i32
      %dma_wait3A_159 = tpu.memref_slice %arg18[%dma_wait3A_157, %dma_wait3A_158] : memref<128x128xf32, #tpu.memory_space<vmem>> -> memref<125x128xf32, #tpu.memory_space<vmem>>
      %dma_wait3A_160 = arith.constant 0 : i32
      %dma_wait3A_161 = arith.constant 0 : i32
      %dma_wait3A_162 = tpu.memref_slice %arg22[%dma_wait3A_160, %dma_wait3A_161] : memref<10240x128xf32, #tpu.memory_space<vmem_shared>> -> memref<10240x128xf32, #tpu.memory_space<vmem_shared>>
      tpu.wait_indirect_dma semaphore(%arg29 : memref<!tpu.dma_semaphore, #tpu.memory_space<semaphore_mem>>) src(%dma_wait3A_159 : memref<125x128xf32, #tpu.memory_space<vmem>>) dst(%dma_wait3A_162 : memref<10240x128xf32, #tpu.memory_space<vmem_shared>>)
      %dma_wait3A_163 = arith.constant 0 : i32
      %dma_wait3A_164 = arith.constant 0 : i32
      %dma_wait3A_165 = tpu.memref_slice %arg2[%mul3A_0, %dma_wait3A_163, %dma_wait3A_164] : memref<1280x1x125xi32, #tpu.memory_space<hbm>> -> memref<1x1x125xi32, #tpu.memory_space<hbm>>
      %dma_wait3A_166 = tpu.memref_squeeze %dma_wait3A_165 : memref<1x1x125xi32, #tpu.memory_space<hbm>> -> memref<125xi32, #tpu.memory_space<hbm>>
      %dma_wait3A_167 = arith.constant 0 : i32
      %dma_wait3A_168 = tpu.memref_slice %arg2[%mul3A_0, %dma_wait3A_163, %dma_wait3A_167] : memref<1280x1x125xi32, #tpu.memory_space<hbm>> -> memref<1x1x125xi32, #tpu.memory_space<hbm>>
      %dma_wait3A_169 = tpu.memref_squeeze %dma_wait3A_168 : memref<1x1x125xi32, #tpu.memory_space<hbm>> -> memref<125xi32, #tpu.memory_space<hbm>>
      tpu.wait_dma2 semaphore(%arg25 : memref<!tpu.dma_semaphore, #tpu.memory_space<semaphore_mem>>) src(%dma_wait3A_169 : memref<125xi32, #tpu.memory_space<hbm>>) dst(%arg12 : memref<125xi32, #tpu.memory_space<vmem>>)
      %dma_wait3A_170 = arith.constant 0 : i32
      %dma_wait3A_171 = arith.constant 0 : i32
      %dma_wait3A_172 = tpu.memref_slice %arg3[%mul3A_0, %dma_wait3A_170, %dma_wait3A_171] : memref<1280x1x125xi32, #tpu.memory_space<hbm>> -> memref<1x1x125xi32, #tpu.memory_space<hbm>>
      %dma_wait3A_173 = tpu.memref_squeeze %dma_wait3A_172 : memref<1x1x125xi32, #tpu.memory_space<hbm>> -> memref<125xi32, #tpu.memory_space<hbm>>
      %dma_wait3A_174 = arith.constant 0 : i32
      %dma_wait3A_175 = tpu.memref_slice %arg3[%mul3A_0, %dma_wait3A_170, %dma_wait3A_174] : memref<1280x1x125xi32, #tpu.memory_space<hbm>> -> memref<1x1x125xi32, #tpu.memory_space<hbm>>
      %dma_wait3A_176 = tpu.memref_squeeze %dma_wait3A_175 : memref<1x1x125xi32, #tpu.memory_space<hbm>> -> memref<125xi32, #tpu.memory_space<hbm>>
      tpu.wait_dma2 semaphore(%arg25 : memref<!tpu.dma_semaphore, #tpu.memory_space<semaphore_mem>>) src(%dma_wait3A_176 : memref<125xi32, #tpu.memory_space<hbm>>) dst(%arg16 : memref<125xi32, #tpu.memory_space<vmem>>)
      %add3A_177 = arith.constant 1 : i32
      %add3A_178 = arith.addi %add3A_133, %add3A_177 : i32
      %eq3A_179 = arith.constant 0 : i32
      %eq3A_180 = arith.cmpi eq, %arg0, %eq3A_179 : i32
      %convert_element_type3A_181 = arith.extui %eq3A_180 : i1 to i32
      %cond3A_182 = arith.constant 0 : i32
      %cond3A_183 = arith.cmpi ne, %convert_element_type3A_181, %cond3A_182 : i32
      scf.if %cond3A_183 {
        %dma_start3A_363 = arith.constant 0 : i32
        %dma_start3A_364 = arith.constant 0 : i32
        %dma_start3A_365 = tpu.memref_slice %arg18[%dma_start3A_363, %dma_start3A_364] : memref<128x128xf32, #tpu.memory_space<vmem>> -> memref<125x128xf32, #tpu.memory_space<vmem>>
        %dma_start3A_366 = arith.constant 0 : i32
        %dma_start3A_367 = arith.constant 0 : i32
        %dma_start3A_368 = tpu.memref_slice %arg6[%dma_start3A_366, %dma_start3A_367] : memref<10000x128xf32, #tpu.memory_space<hbm>> -> memref<10000x128xf32, #tpu.memory_space<hbm>>
        tpu.enqueue_indirect_dma source(%dma_start3A_368 : memref<10000x128xf32, #tpu.memory_space<hbm>>) target(%dma_start3A_365 : memref<125x128xf32, #tpu.memory_space<vmem>>) offsets(%arg12 : memref<125xi32, #tpu.memory_space<vmem>>) semaphore(%arg27 : memref<!tpu.dma_semaphore, #tpu.memory_space<semaphore_mem>>)
      } else {
      }
      %eq3A_184 = arith.constant 1 : i32
      %eq3A_185 = arith.cmpi eq, %arg0, %eq3A_184 : i32
      %convert_element_type3A_186 = arith.extui %eq3A_185 : i1 to i32
      %cond3A_187 = arith.constant 0 : i32
      %cond3A_188 = arith.cmpi ne, %convert_element_type3A_186, %cond3A_187 : i32
      scf.if %cond3A_188 {
        %dma_start3A_363 = arith.constant 0 : i32
        %dma_start3A_364 = arith.constant 0 : i32
        %dma_start3A_365 = tpu.memref_slice %arg18[%dma_start3A_363, %dma_start3A_364] : memref<128x128xf32, #tpu.memory_space<vmem>> -> memref<125x128xf32, #tpu.memory_space<vmem>>
        %dma_start3A_366 = arith.constant 0 : i32
        %dma_start3A_367 = arith.constant 0 : i32
        %dma_start3A_368 = tpu.memref_slice %arg7[%dma_start3A_366, %dma_start3A_367] : memref<10000x128xf32, #tpu.memory_space<hbm>> -> memref<10000x128xf32, #tpu.memory_space<hbm>>
        tpu.enqueue_indirect_dma source(%dma_start3A_368 : memref<10000x128xf32, #tpu.memory_space<hbm>>) target(%dma_start3A_365 : memref<125x128xf32, #tpu.memory_space<vmem>>) offsets(%arg12 : memref<125xi32, #tpu.memory_space<vmem>>) semaphore(%arg27 : memref<!tpu.dma_semaphore, #tpu.memory_space<semaphore_mem>>)
      } else {
      }
      %add3A_189 = arith.addi %mul3A_0, %add3A_178 : i32
      %dma_start3A_190 = arith.constant 0 : i32
      %dma_start3A_191 = arith.constant 0 : i32
      %dma_start3A_192 = tpu.memref_slice %arg20[%dma_start3A_190, %dma_start3A_191] : memref<128x16xf32, #tpu.memory_space<vmem>> -> memref<125x16xf32, #tpu.memory_space<vmem>>
      %dma_start3A_193 = arith.constant 0 : i32
      %dma_start3A_194 = arith.constant 0 : i32
      %dma_start3A_195 = tpu.memref_slice %arg4[%add3A_189, %dma_start3A_193, %dma_start3A_194] : memref<1280x125x16xf32, #tpu.memory_space<hbm>> -> memref<1x125x16xf32, #tpu.memory_space<hbm>>
      %dma_start3A_196 = tpu.memref_squeeze %dma_start3A_195 : memref<1x125x16xf32, #tpu.memory_space<hbm>> -> memref<125x16xf32, #tpu.memory_space<hbm>>
      %dma_start3A_197 = arith.constant 0 : i32
      %dma_start3A_198 = arith.constant 0 : i32
      %dma_start3A_199 = tpu.memref_slice %arg20[%dma_start3A_197, %dma_start3A_198] : memref<128x16xf32, #tpu.memory_space<vmem>> -> memref<125x16xf32, #tpu.memory_space<vmem>>
      %dma_start3A_200 = arith.constant 0 : i32
      %dma_start3A_201 = arith.constant 0 : i32
      %dma_start3A_202 = tpu.memref_slice %arg4[%add3A_189, %dma_start3A_200, %dma_start3A_201] : memref<1280x125x16xf32, #tpu.memory_space<hbm>> -> memref<1x125x16xf32, #tpu.memory_space<hbm>>
      %dma_start3A_203 = tpu.memref_squeeze %dma_start3A_202 : memref<1x125x16xf32, #tpu.memory_space<hbm>> -> memref<125x16xf32, #tpu.memory_space<hbm>>
      tpu.enqueue_dma source(%dma_start3A_203 : memref<125x16xf32, #tpu.memory_space<hbm>>) target(%dma_start3A_199 : memref<125x16xf32, #tpu.memory_space<vmem>>) target_semaphore(%arg27 : memref<!tpu.dma_semaphore, #tpu.memory_space<semaphore_mem>>)
      %add3A_204 = arith.constant 2 : i32
      %add3A_205 = arith.addi %add3A_133, %add3A_204 : i32
      %add3A_206 = arith.addi %mul3A_0, %add3A_205 : i32
      %dma_start3A_207 = arith.constant 0 : i32
      %dma_start3A_208 = arith.constant 0 : i32
      %dma_start3A_209 = tpu.memref_slice %arg2[%add3A_206, %dma_start3A_207, %dma_start3A_208] : memref<1280x1x125xi32, #tpu.memory_space<hbm>> -> memref<1x1x125xi32, #tpu.memory_space<hbm>>
      %dma_start3A_210 = tpu.memref_squeeze %dma_start3A_209 : memref<1x1x125xi32, #tpu.memory_space<hbm>> -> memref<125xi32, #tpu.memory_space<hbm>>
      %dma_start3A_211 = arith.constant 0 : i32
      %dma_start3A_212 = tpu.memref_slice %arg2[%add3A_206, %dma_start3A_207, %dma_start3A_211] : memref<1280x1x125xi32, #tpu.memory_space<hbm>> -> memref<1x1x125xi32, #tpu.memory_space<hbm>>
      %dma_start3A_213 = tpu.memref_squeeze %dma_start3A_212 : memref<1x1x125xi32, #tpu.memory_space<hbm>> -> memref<125xi32, #tpu.memory_space<hbm>>
      tpu.enqueue_dma source(%dma_start3A_213 : memref<125xi32, #tpu.memory_space<hbm>>) target(%arg13 : memref<125xi32, #tpu.memory_space<vmem>>) target_semaphore(%arg26 : memref<!tpu.dma_semaphore, #tpu.memory_space<semaphore_mem>>)
      %add3A_214 = arith.addi %mul3A_0, %add3A_205 : i32
      %dma_start3A_215 = arith.constant 0 : i32
      %dma_start3A_216 = arith.constant 0 : i32
      %dma_start3A_217 = tpu.memref_slice %arg3[%add3A_214, %dma_start3A_215, %dma_start3A_216] : memref<1280x1x125xi32, #tpu.memory_space<hbm>> -> memref<1x1x125xi32, #tpu.memory_space<hbm>>
      %dma_start3A_218 = tpu.memref_squeeze %dma_start3A_217 : memref<1x1x125xi32, #tpu.memory_space<hbm>> -> memref<125xi32, #tpu.memory_space<hbm>>
      %dma_start3A_219 = arith.constant 0 : i32
      %dma_start3A_220 = tpu.memref_slice %arg3[%add3A_214, %dma_start3A_215, %dma_start3A_219] : memref<1280x1x125xi32, #tpu.memory_space<hbm>> -> memref<1x1x125xi32, #tpu.memory_space<hbm>>
      %dma_start3A_221 = tpu.memref_squeeze %dma_start3A_220 : memref<1x1x125xi32, #tpu.memory_space<hbm>> -> memref<125xi32, #tpu.memory_space<hbm>>
      tpu.enqueue_dma source(%dma_start3A_221 : memref<125xi32, #tpu.memory_space<hbm>>) target(%arg17 : memref<125xi32, #tpu.memory_space<vmem>>) target_semaphore(%arg26 : memref<!tpu.dma_semaphore, #tpu.memory_space<semaphore_mem>>)
      %dma_start3A_222 = arith.constant 0 : i32
      %dma_start3A_223 = arith.constant 0 : i32
      %dma_start3A_224 = tpu.memref_slice %arg19[%dma_start3A_222, %dma_start3A_223] : memref<128x128xf32, #tpu.memory_space<vmem>> -> memref<125x128xf32, #tpu.memory_space<vmem>>
      %dma_start3A_225 = arith.constant 0 : i32
      %dma_start3A_226 = arith.constant 0 : i32
      %dma_start3A_227 = tpu.memref_slice %arg22[%dma_start3A_225, %dma_start3A_226] : memref<10240x128xf32, #tpu.memory_space<vmem_shared>> -> memref<10240x128xf32, #tpu.memory_space<vmem_shared>>
      tpu.enqueue_indirect_dma source(%dma_start3A_224 : memref<125x128xf32, #tpu.memory_space<vmem>>) target(%dma_start3A_227 : memref<10240x128xf32, #tpu.memory_space<vmem_shared>>) offsets(%arg15 : memref<125xi32, #tpu.memory_space<vmem>>) semaphore(%arg30 : memref<!tpu.dma_semaphore, #tpu.memory_space<semaphore_mem>>) {add = true}
      %mul3A_228 = arith.constant 4 : i32
      %mul3A_229 = arith.muli %mul3A_228, %scan3A_87 : i32
      %add3A_230 = arith.constant 2 : i32
      %add3A_231 = arith.addi %mul3A_229, %add3A_230 : i32
      %dma_wait3A_232 = arith.constant 0 : i32
      %dma_wait3A_233 = arith.constant 0 : i32
      %dma_wait3A_234 = tpu.memref_slice %arg18[%dma_wait3A_232, %dma_wait3A_233] : memref<128x128xf32, #tpu.memory_space<vmem>> -> memref<125x128xf32, #tpu.memory_space<vmem>>
      %dma_wait3A_235 = arith.constant 0 : i32
      %dma_wait3A_236 = arith.constant 0 : i32
      %dma_wait3A_237 = tpu.memref_slice %arg6[%dma_wait3A_235, %dma_wait3A_236] : memref<10000x128xf32, #tpu.memory_space<hbm>> -> memref<10000x128xf32, #tpu.memory_space<hbm>>
      tpu.wait_indirect_dma semaphore(%arg27 : memref<!tpu.dma_semaphore, #tpu.memory_space<semaphore_mem>>) src(%dma_wait3A_237 : memref<10000x128xf32, #tpu.memory_space<hbm>>) dst(%dma_wait3A_234 : memref<125x128xf32, #tpu.memory_space<vmem>>)
      %dma_wait3A_238 = arith.constant 0 : i32
      %dma_wait3A_239 = arith.constant 0 : i32
      %dma_wait3A_240 = tpu.memref_slice %arg20[%dma_wait3A_238, %dma_wait3A_239] : memref<128x16xf32, #tpu.memory_space<vmem>> -> memref<125x16xf32, #tpu.memory_space<vmem>>
      %dma_wait3A_241 = arith.constant 0 : i32
      %dma_wait3A_242 = arith.constant 0 : i32
      %dma_wait3A_243 = tpu.memref_slice %arg4[%mul3A_0, %dma_wait3A_241, %dma_wait3A_242] : memref<1280x125x16xf32, #tpu.memory_space<hbm>> -> memref<1x125x16xf32, #tpu.memory_space<hbm>>
      %dma_wait3A_244 = tpu.memref_squeeze %dma_wait3A_243 : memref<1x125x16xf32, #tpu.memory_space<hbm>> -> memref<125x16xf32, #tpu.memory_space<hbm>>
      %dma_wait3A_245 = arith.constant 0 : i32
      %dma_wait3A_246 = arith.constant 0 : i32
      %dma_wait3A_247 = tpu.memref_slice %arg20[%dma_wait3A_245, %dma_wait3A_246] : memref<128x16xf32, #tpu.memory_space<vmem>> -> memref<125x16xf32, #tpu.memory_space<vmem>>
      %dma_wait3A_248 = arith.constant 0 : i32
      %dma_wait3A_249 = arith.constant 0 : i32
      %dma_wait3A_250 = tpu.memref_slice %arg4[%mul3A_0, %dma_wait3A_248, %dma_wait3A_249] : memref<1280x125x16xf32, #tpu.memory_space<hbm>> -> memref<1x125x16xf32, #tpu.memory_space<hbm>>
      %dma_wait3A_251 = tpu.memref_squeeze %dma_wait3A_250 : memref<1x125x16xf32, #tpu.memory_space<hbm>> -> memref<125x16xf32, #tpu.memory_space<hbm>>
      tpu.wait_dma2 semaphore(%arg27 : memref<!tpu.dma_semaphore, #tpu.memory_space<semaphore_mem>>) src(%dma_wait3A_251 : memref<125x16xf32, #tpu.memory_space<hbm>>) dst(%dma_wait3A_247 : memref<125x16xf32, #tpu.memory_space<vmem>>)
      %parallel_loop3A_252 = arith.constant 0 : i32
      %parallel_loop3A_253 = arith.constant 125 : i32
      %parallel_loop3A_254 = arith.constant 1 : i32
      scf.for %parallel_loop3A_363 = %parallel_loop3A_252 to %parallel_loop3A_253 step %parallel_loop3A_254  : i32 {
        %parallel_loop3A_364 = arith.index_cast %parallel_loop3A_363 : i32 to index
        %parallel_loop3A_365 = arith.constant 0 : index
        %parallel_loop3A_366 = tpu.vector_load %arg20[%parallel_loop3A_364, %parallel_loop3A_365] {strides = array<i32>} : memref<128x16xf32, #tpu.memory_space<vmem>>, vector<1x16xf32>,
        %parallel_loop3A_367 = vector.shape_cast %parallel_loop3A_366 : vector<1x16xf32> to vector<16xf32>
        %parallel_loop3A_368 = arith.index_cast %parallel_loop3A_363 : i32 to index
        %parallel_loop3A_369 = arith.constant 0 : index
        %parallel_loop3A_370 = tpu.vector_load %arg18[%parallel_loop3A_368, %parallel_loop3A_369] {strides = array<i32>} : memref<128x128xf32, #tpu.memory_space<vmem>>, vector<1x16xf32>,
        %parallel_loop3A_371 = vector.shape_cast %parallel_loop3A_370 : vector<1x16xf32> to vector<16xf32>
        %parallel_loop3A_372 = arith.mulf %parallel_loop3A_371, %parallel_loop3A_367 : vector<16xf32>
        %parallel_loop3A_373 = arith.index_cast %parallel_loop3A_363 : i32 to index
        %parallel_loop3A_374 = arith.constant 0 : index
        %parallel_loop3A_375 = tpu.vector_load %arg18[%parallel_loop3A_373, %parallel_loop3A_374] {strides = array<i32>} : memref<128x128xf32, #tpu.memory_space<vmem>>, vector<1x16xf32>,
        %parallel_loop3A_376 = vector.shape_cast %parallel_loop3A_375 : vector<1x16xf32> to vector<16xf32>
        %parallel_loop3A_377 = vector.shape_cast %parallel_loop3A_372 : vector<16xf32> to vector<1x16xf32>
        tpu.vector_store %arg18[%parallel_loop3A_373, %parallel_loop3A_374], %parallel_loop3A_377 {strides = array<i32>} : memref<128x128xf32, #tpu.memory_space<vmem>>, vector<1x16xf32>,
        %parallel_loop3A_378 = arith.index_cast %parallel_loop3A_363 : i32 to index
        %parallel_loop3A_379 = arith.constant 16 : index
        %parallel_loop3A_380 = tpu.vector_load %arg18[%parallel_loop3A_378, %parallel_loop3A_379] {strides = array<i32>} : memref<128x128xf32, #tpu.memory_space<vmem>>, vector<1x16xf32>,
        %parallel_loop3A_381 = vector.shape_cast %parallel_loop3A_380 : vector<1x16xf32> to vector<16xf32>
        %parallel_loop3A_382 = arith.mulf %parallel_loop3A_381, %parallel_loop3A_367 : vector<16xf32>
        %parallel_loop3A_383 = arith.index_cast %parallel_loop3A_363 : i32 to index
        %parallel_loop3A_384 = arith.constant 16 : index
        %parallel_loop3A_385 = tpu.vector_load %arg18[%parallel_loop3A_383, %parallel_loop3A_384] {strides = array<i32>} : memref<128x128xf32, #tpu.memory_space<vmem>>, vector<1x16xf32>,
        %parallel_loop3A_386 = vector.shape_cast %parallel_loop3A_385 : vector<1x16xf32> to vector<16xf32>
        %parallel_loop3A_387 = vector.shape_cast %parallel_loop3A_382 : vector<16xf32> to vector<1x16xf32>
        tpu.vector_store %arg18[%parallel_loop3A_383, %parallel_loop3A_384], %parallel_loop3A_387 {strides = array<i32>} : memref<128x128xf32, #tpu.memory_space<vmem>>, vector<1x16xf32>,
        %parallel_loop3A_388 = arith.index_cast %parallel_loop3A_363 : i32 to index
        %parallel_loop3A_389 = arith.constant 32 : index
        %parallel_loop3A_390 = tpu.vector_load %arg18[%parallel_loop3A_388, %parallel_loop3A_389] {strides = array<i32>} : memref<128x128xf32, #tpu.memory_space<vmem>>, vector<1x16xf32>,
        %parallel_loop3A_391 = vector.shape_cast %parallel_loop3A_390 : vector<1x16xf32> to vector<16xf32>
        %parallel_loop3A_392 = arith.mulf %parallel_loop3A_391, %parallel_loop3A_367 : vector<16xf32>
        %parallel_loop3A_393 = arith.index_cast %parallel_loop3A_363 : i32 to index
        %parallel_loop3A_394 = arith.constant 32 : index
        %parallel_loop3A_395 = tpu.vector_load %arg18[%parallel_loop3A_393, %parallel_loop3A_394] {strides = array<i32>} : memref<128x128xf32, #tpu.memory_space<vmem>>, vector<1x16xf32>,
        %parallel_loop3A_396 = vector.shape_cast %parallel_loop3A_395 : vector<1x16xf32> to vector<16xf32>
        %parallel_loop3A_397 = vector.shape_cast %parallel_loop3A_392 : vector<16xf32> to vector<1x16xf32>
        tpu.vector_store %arg18[%parallel_loop3A_393, %parallel_loop3A_394], %parallel_loop3A_397 {strides = array<i32>} : memref<128x128xf32, #tpu.memory_space<vmem>>, vector<1x16xf32>,
        %parallel_loop3A_398 = arith.index_cast %parallel_loop3A_363 : i32 to index
        %parallel_loop3A_399 = arith.constant 48 : index
        %parallel_loop3A_400 = tpu.vector_load %arg18[%parallel_loop3A_398, %parallel_loop3A_399] {strides = array<i32>} : memref<128x128xf32, #tpu.memory_space<vmem>>, vector<1x16xf32>,
        %parallel_loop3A_401 = vector.shape_cast %parallel_loop3A_400 : vector<1x16xf32> to vector<16xf32>
        %parallel_loop3A_402 = arith.mulf %parallel_loop3A_401, %parallel_loop3A_367 : vector<16xf32>
        %parallel_loop3A_403 = arith.index_cast %parallel_loop3A_363 : i32 to index
        %parallel_loop3A_404 = arith.constant 48 : index
        %parallel_loop3A_405 = tpu.vector_load %arg18[%parallel_loop3A_403, %parallel_loop3A_404] {strides = array<i32>} : memref<128x128xf32, #tpu.memory_space<vmem>>, vector<1x16xf32>,
        %parallel_loop3A_406 = vector.shape_cast %parallel_loop3A_405 : vector<1x16xf32> to vector<16xf32>
        %parallel_loop3A_407 = vector.shape_cast %parallel_loop3A_402 : vector<16xf32> to vector<1x16xf32>
        tpu.vector_store %arg18[%parallel_loop3A_403, %parallel_loop3A_404], %parallel_loop3A_407 {strides = array<i32>} : memref<128x128xf32, #tpu.memory_space<vmem>>, vector<1x16xf32>,
        %parallel_loop3A_408 = arith.index_cast %parallel_loop3A_363 : i32 to index
        %parallel_loop3A_409 = arith.constant 64 : index
        %parallel_loop3A_410 = tpu.vector_load %arg18[%parallel_loop3A_408, %parallel_loop3A_409] {strides = array<i32>} : memref<128x128xf32, #tpu.memory_space<vmem>>, vector<1x16xf32>,
        %parallel_loop3A_411 = vector.shape_cast %parallel_loop3A_410 : vector<1x16xf32> to vector<16xf32>
        %parallel_loop3A_412 = arith.mulf %parallel_loop3A_411, %parallel_loop3A_367 : vector<16xf32>
        %parallel_loop3A_413 = arith.index_cast %parallel_loop3A_363 : i32 to index
        %parallel_loop3A_414 = arith.constant 64 : index
        %parallel_loop3A_415 = tpu.vector_load %arg18[%parallel_loop3A_413, %parallel_loop3A_414] {strides = array<i32>} : memref<128x128xf32, #tpu.memory_space<vmem>>, vector<1x16xf32>,
        %parallel_loop3A_416 = vector.shape_cast %parallel_loop3A_415 : vector<1x16xf32> to vector<16xf32>
        %parallel_loop3A_417 = vector.shape_cast %parallel_loop3A_412 : vector<16xf32> to vector<1x16xf32>
        tpu.vector_store %arg18[%parallel_loop3A_413, %parallel_loop3A_414], %parallel_loop3A_417 {strides = array<i32>} : memref<128x128xf32, #tpu.memory_space<vmem>>, vector<1x16xf32>,
        %parallel_loop3A_418 = arith.index_cast %parallel_loop3A_363 : i32 to index
        %parallel_loop3A_419 = arith.constant 80 : index
        %parallel_loop3A_420 = tpu.vector_load %arg18[%parallel_loop3A_418, %parallel_loop3A_419] {strides = array<i32>} : memref<128x128xf32, #tpu.memory_space<vmem>>, vector<1x16xf32>,
        %parallel_loop3A_421 = vector.shape_cast %parallel_loop3A_420 : vector<1x16xf32> to vector<16xf32>
        %parallel_loop3A_422 = arith.mulf %parallel_loop3A_421, %parallel_loop3A_367 : vector<16xf32>
        %parallel_loop3A_423 = arith.index_cast %parallel_loop3A_363 : i32 to index
        %parallel_loop3A_424 = arith.constant 80 : index
        %parallel_loop3A_425 = tpu.vector_load %arg18[%parallel_loop3A_423, %parallel_loop3A_424] {strides = array<i32>} : memref<128x128xf32, #tpu.memory_space<vmem>>, vector<1x16xf32>,
        %parallel_loop3A_426 = vector.shape_cast %parallel_loop3A_425 : vector<1x16xf32> to vector<16xf32>
        %parallel_loop3A_427 = vector.shape_cast %parallel_loop3A_422 : vector<16xf32> to vector<1x16xf32>
        tpu.vector_store %arg18[%parallel_loop3A_423, %parallel_loop3A_424], %parallel_loop3A_427 {strides = array<i32>} : memref<128x128xf32, #tpu.memory_space<vmem>>, vector<1x16xf32>,
        %parallel_loop3A_428 = arith.index_cast %parallel_loop3A_363 : i32 to index
        %parallel_loop3A_429 = arith.constant 96 : index
        %parallel_loop3A_430 = tpu.vector_load %arg18[%parallel_loop3A_428, %parallel_loop3A_429] {strides = array<i32>} : memref<128x128xf32, #tpu.memory_space<vmem>>, vector<1x16xf32>,
        %parallel_loop3A_431 = vector.shape_cast %parallel_loop3A_430 : vector<1x16xf32> to vector<16xf32>
        %parallel_loop3A_432 = arith.mulf %parallel_loop3A_431, %parallel_loop3A_367 : vector<16xf32>
        %parallel_loop3A_433 = arith.index_cast %parallel_loop3A_363 : i32 to index
        %parallel_loop3A_434 = arith.constant 96 : index
        %parallel_loop3A_435 = tpu.vector_load %arg18[%parallel_loop3A_433, %parallel_loop3A_434] {strides = array<i32>} : memref<128x128xf32, #tpu.memory_space<vmem>>, vector<1x16xf32>,
        %parallel_loop3A_436 = vector.shape_cast %parallel_loop3A_435 : vector<1x16xf32> to vector<16xf32>
        %parallel_loop3A_437 = vector.shape_cast %parallel_loop3A_432 : vector<16xf32> to vector<1x16xf32>
        tpu.vector_store %arg18[%parallel_loop3A_433, %parallel_loop3A_434], %parallel_loop3A_437 {strides = array<i32>} : memref<128x128xf32, #tpu.memory_space<vmem>>, vector<1x16xf32>,
        %parallel_loop3A_438 = arith.index_cast %parallel_loop3A_363 : i32 to index
        %parallel_loop3A_439 = arith.constant 112 : index
        %parallel_loop3A_440 = tpu.vector_load %arg18[%parallel_loop3A_438, %parallel_loop3A_439] {strides = array<i32>} : memref<128x128xf32, #tpu.memory_space<vmem>>, vector<1x16xf32>,
        %parallel_loop3A_441 = vector.shape_cast %parallel_loop3A_440 : vector<1x16xf32> to vector<16xf32>
        %parallel_loop3A_442 = arith.mulf %parallel_loop3A_441, %parallel_loop3A_367 : vector<16xf32>
        %parallel_loop3A_443 = arith.index_cast %parallel_loop3A_363 : i32 to index
        %parallel_loop3A_444 = arith.constant 112 : index
        %parallel_loop3A_445 = tpu.vector_load %arg18[%parallel_loop3A_443, %parallel_loop3A_444] {strides = array<i32>} : memref<128x128xf32, #tpu.memory_space<vmem>>, vector<1x16xf32>,
        %parallel_loop3A_446 = vector.shape_cast %parallel_loop3A_445 : vector<1x16xf32> to vector<16xf32>
        %parallel_loop3A_447 = vector.shape_cast %parallel_loop3A_442 : vector<16xf32> to vector<1x16xf32>
        tpu.vector_store %arg18[%parallel_loop3A_443, %parallel_loop3A_444], %parallel_loop3A_447 {strides = array<i32>} : memref<128x128xf32, #tpu.memory_space<vmem>>, vector<1x16xf32>,
      } {sc.loop_unroll_factor = 5 : i64, sc.parallel_access}
      %dma_wait3A_255 = arith.constant 0 : i32
      %dma_wait3A_256 = arith.constant 0 : i32
      %dma_wait3A_257 = tpu.memref_slice %arg19[%dma_wait3A_255, %dma_wait3A_256] : memref<128x128xf32, #tpu.memory_space<vmem>> -> memref<125x128xf32, #tpu.memory_space<vmem>>
      %dma_wait3A_258 = arith.constant 0 : i32
      %dma_wait3A_259 = arith.constant 0 : i32
      %dma_wait3A_260 = tpu.memref_slice %arg22[%dma_wait3A_258, %dma_wait3A_259] : memref<10240x128xf32, #tpu.memory_space<vmem_shared>> -> memref<10240x128xf32, #tpu.memory_space<vmem_shared>>
      tpu.wait_indirect_dma semaphore(%arg30 : memref<!tpu.dma_semaphore, #tpu.memory_space<semaphore_mem>>) src(%dma_wait3A_257 : memref<125x128xf32, #tpu.memory_space<vmem>>) dst(%dma_wait3A_260 : memref<10240x128xf32, #tpu.memory_space<vmem_shared>>)
      %dma_wait3A_261 = arith.constant 0 : i32
      %dma_wait3A_262 = arith.constant 0 : i32
      %dma_wait3A_263 = tpu.memref_slice %arg2[%mul3A_0, %dma_wait3A_261, %dma_wait3A_262] : memref<1280x1x125xi32, #tpu.memory_space<hbm>> -> memref<1x1x125xi32, #tpu.memory_space<hbm>>
      %dma_wait3A_264 = tpu.memref_squeeze %dma_wait3A_263 : memref<1x1x125xi32, #tpu.memory_space<hbm>> -> memref<125xi32, #tpu.memory_space<hbm>>
      %dma_wait3A_265 = arith.constant 0 : i32
      %dma_wait3A_266 = tpu.memref_slice %arg2[%mul3A_0, %dma_wait3A_261, %dma_wait3A_265] : memref<1280x1x125xi32, #tpu.memory_space<hbm>> -> memref<1x1x125xi32, #tpu.memory_space<hbm>>
      %dma_wait3A_267 = tpu.memref_squeeze %dma_wait3A_266 : memref<1x1x125xi32, #tpu.memory_space<hbm>> -> memref<125xi32, #tpu.memory_space<hbm>>
      tpu.wait_dma2 semaphore(%arg26 : memref<!tpu.dma_semaphore, #tpu.memory_space<semaphore_mem>>) src(%dma_wait3A_267 : memref<125xi32, #tpu.memory_space<hbm>>) dst(%arg13 : memref<125xi32, #tpu.memory_space<vmem>>)
      %dma_wait3A_268 = arith.constant 0 : i32
      %dma_wait3A_269 = arith.constant 0 : i32
      %dma_wait3A_270 = tpu.memref_slice %arg3[%mul3A_0, %dma_wait3A_268, %dma_wait3A_269] : memref<1280x1x125xi32, #tpu.memory_space<hbm>> -> memref<1x1x125xi32, #tpu.memory_space<hbm>>
      %dma_wait3A_271 = tpu.memref_squeeze %dma_wait3A_270 : memref<1x1x125xi32, #tpu.memory_space<hbm>> -> memref<125xi32, #tpu.memory_space<hbm>>
      %dma_wait3A_272 = arith.constant 0 : i32
      %dma_wait3A_273 = tpu.memref_slice %arg3[%mul3A_0, %dma_wait3A_268, %dma_wait3A_272] : memref<1280x1x125xi32, #tpu.memory_space<hbm>> -> memref<1x1x125xi32, #tpu.memory_space<hbm>>
      %dma_wait3A_274 = tpu.memref_squeeze %dma_wait3A_273 : memref<1x1x125xi32, #tpu.memory_space<hbm>> -> memref<125xi32, #tpu.memory_space<hbm>>
      tpu.wait_dma2 semaphore(%arg26 : memref<!tpu.dma_semaphore, #tpu.memory_space<semaphore_mem>>) src(%dma_wait3A_274 : memref<125xi32, #tpu.memory_space<hbm>>) dst(%arg17 : memref<125xi32, #tpu.memory_space<vmem>>)
      %add3A_275 = arith.constant 1 : i32
      %add3A_276 = arith.addi %add3A_231, %add3A_275 : i32
      %eq3A_277 = arith.constant 0 : i32
      %eq3A_278 = arith.cmpi eq, %arg0, %eq3A_277 : i32
      %convert_element_type3A_279 = arith.extui %eq3A_278 : i1 to i32
      %cond3A_280 = arith.constant 0 : i32
      %cond3A_281 = arith.cmpi ne, %convert_element_type3A_279, %cond3A_280 : i32
      scf.if %cond3A_281 {
        %dma_start3A_363 = arith.constant 0 : i32
        %dma_start3A_364 = arith.constant 0 : i32
        %dma_start3A_365 = tpu.memref_slice %arg19[%dma_start3A_363, %dma_start3A_364] : memref<128x128xf32, #tpu.memory_space<vmem>> -> memref<125x128xf32, #tpu.memory_space<vmem>>
        %dma_start3A_366 = arith.constant 0 : i32
        %dma_start3A_367 = arith.constant 0 : i32
        %dma_start3A_368 = tpu.memref_slice %arg6[%dma_start3A_366, %dma_start3A_367] : memref<10000x128xf32, #tpu.memory_space<hbm>> -> memref<10000x128xf32, #tpu.memory_space<hbm>>
        tpu.enqueue_indirect_dma source(%dma_start3A_368 : memref<10000x128xf32, #tpu.memory_space<hbm>>) target(%dma_start3A_365 : memref<125x128xf32, #tpu.memory_space<vmem>>) offsets(%arg13 : memref<125xi32, #tpu.memory_space<vmem>>) semaphore(%arg28 : memref<!tpu.dma_semaphore, #tpu.memory_space<semaphore_mem>>)
      } else {
      }
      %eq3A_282 = arith.constant 1 : i32
      %eq3A_283 = arith.cmpi eq, %arg0, %eq3A_282 : i32
      %convert_element_type3A_284 = arith.extui %eq3A_283 : i1 to i32
      %cond3A_285 = arith.constant 0 : i32
      %cond3A_286 = arith.cmpi ne, %convert_element_type3A_284, %cond3A_285 : i32
      scf.if %cond3A_286 {
        %dma_start3A_363 = arith.constant 0 : i32
        %dma_start3A_364 = arith.constant 0 : i32
        %dma_start3A_365 = tpu.memref_slice %arg19[%dma_start3A_363, %dma_start3A_364] : memref<128x128xf32, #tpu.memory_space<vmem>> -> memref<125x128xf32, #tpu.memory_space<vmem>>
        %dma_start3A_366 = arith.constant 0 : i32
        %dma_start3A_367 = arith.constant 0 : i32
        %dma_start3A_368 = tpu.memref_slice %arg7[%dma_start3A_366, %dma_start3A_367] : memref<10000x128xf32, #tpu.memory_space<hbm>> -> memref<10000x128xf32, #tpu.memory_space<hbm>>
        tpu.enqueue_indirect_dma source(%dma_start3A_368 : memref<10000x128xf32, #tpu.memory_space<hbm>>) target(%dma_start3A_365 : memref<125x128xf32, #tpu.memory_space<vmem>>) offsets(%arg13 : memref<125xi32, #tpu.memory_space<vmem>>) semaphore(%arg28 : memref<!tpu.dma_semaphore, #tpu.memory_space<semaphore_mem>>)
      } else {
      }
      %add3A_287 = arith.addi %mul3A_0, %add3A_276 : i32
      %dma_start3A_288 = arith.constant 0 : i32
      %dma_start3A_289 = arith.constant 0 : i32
      %dma_start3A_290 = tpu.memref_slice %arg21[%dma_start3A_288, %dma_start3A_289] : memref<128x16xf32, #tpu.memory_space<vmem>> -> memref<125x16xf32, #tpu.memory_space<vmem>>
      %dma_start3A_291 = arith.constant 0 : i32
      %dma_start3A_292 = arith.constant 0 : i32
      %dma_start3A_293 = tpu.memref_slice %arg4[%add3A_287, %dma_start3A_291, %dma_start3A_292] : memref<1280x125x16xf32, #tpu.memory_space<hbm>> -> memref<1x125x16xf32, #tpu.memory_space<hbm>>
      %dma_start3A_294 = tpu.memref_squeeze %dma_start3A_293 : memref<1x125x16xf32, #tpu.memory_space<hbm>> -> memref<125x16xf32, #tpu.memory_space<hbm>>
      %dma_start3A_295 = arith.constant 0 : i32
      %dma_start3A_296 = arith.constant 0 : i32
      %dma_start3A_297 = tpu.memref_slice %arg21[%dma_start3A_295, %dma_start3A_296] : memref<128x16xf32, #tpu.memory_space<vmem>> -> memref<125x16xf32, #tpu.memory_space<vmem>>
      %dma_start3A_298 = arith.constant 0 : i32
      %dma_start3A_299 = arith.constant 0 : i32
      %dma_start3A_300 = tpu.memref_slice %arg4[%add3A_287, %dma_start3A_298, %dma_start3A_299] : memref<1280x125x16xf32, #tpu.memory_space<hbm>> -> memref<1x125x16xf32, #tpu.memory_space<hbm>>
      %dma_start3A_301 = tpu.memref_squeeze %dma_start3A_300 : memref<1x125x16xf32, #tpu.memory_space<hbm>> -> memref<125x16xf32, #tpu.memory_space<hbm>>
      tpu.enqueue_dma source(%dma_start3A_301 : memref<125x16xf32, #tpu.memory_space<hbm>>) target(%dma_start3A_297 : memref<125x16xf32, #tpu.memory_space<vmem>>) target_semaphore(%arg28 : memref<!tpu.dma_semaphore, #tpu.memory_space<semaphore_mem>>)
      %lt3A = arith.constant 19 : i32
      %lt3A_302 = arith.cmpi slt, %scan3A_87, %lt3A : i32
      %convert_element_type3A_303 = arith.extui %lt3A_302 : i1 to i32
      %cond3A_304 = arith.constant 0 : i32
      %cond3A_305 = arith.cmpi ne, %convert_element_type3A_303, %cond3A_304 : i32
      scf.if %cond3A_305 {
        %add3A_363 = arith.constant 2 : i32
        %add3A_364 = arith.addi %add3A_231, %add3A_363 : i32
        %add3A_365 = arith.addi %mul3A_0, %add3A_364 : i32
        %dma_start3A_366 = arith.constant 0 : i32
        %dma_start3A_367 = arith.constant 0 : i32
        %dma_start3A_368 = tpu.memref_slice %arg2[%add3A_365, %dma_start3A_366, %dma_start3A_367] : memref<1280x1x125xi32, #tpu.memory_space<hbm>> -> memref<1x1x125xi32, #tpu.memory_space<hbm>>
        %dma_start3A_369 = tpu.memref_squeeze %dma_start3A_368 : memref<1x1x125xi32, #tpu.memory_space<hbm>> -> memref<125xi32, #tpu.memory_space<hbm>>
        %dma_start3A_370 = arith.constant 0 : i32
        %dma_start3A_371 = tpu.memref_slice %arg2[%add3A_365, %dma_start3A_366, %dma_start3A_370] : memref<1280x1x125xi32, #tpu.memory_space<hbm>> -> memref<1x1x125xi32, #tpu.memory_space<hbm>>
        %dma_start3A_372 = tpu.memref_squeeze %dma_start3A_371 : memref<1x1x125xi32, #tpu.memory_space<hbm>> -> memref<125xi32, #tpu.memory_space<hbm>>
        tpu.enqueue_dma source(%dma_start3A_372 : memref<125xi32, #tpu.memory_space<hbm>>) target(%arg10 : memref<125xi32, #tpu.memory_space<vmem>>) target_semaphore(%arg23 : memref<!tpu.dma_semaphore, #tpu.memory_space<semaphore_mem>>)
        %add3A_373 = arith.addi %mul3A_0, %add3A_364 : i32
        %dma_start3A_374 = arith.constant 0 : i32
        %dma_start3A_375 = arith.constant 0 : i32
        %dma_start3A_376 = tpu.memref_slice %arg3[%add3A_373, %dma_start3A_374, %dma_start3A_375] : memref<1280x1x125xi32, #tpu.memory_space<hbm>> -> memref<1x1x125xi32, #tpu.memory_space<hbm>>
        %dma_start3A_377 = tpu.memref_squeeze %dma_start3A_376 : memref<1x1x125xi32, #tpu.memory_space<hbm>> -> memref<125xi32, #tpu.memory_space<hbm>>
        %dma_start3A_378 = arith.constant 0 : i32
        %dma_start3A_379 = tpu.memref_slice %arg3[%add3A_373, %dma_start3A_374, %dma_start3A_378] : memref<1280x1x125xi32, #tpu.memory_space<hbm>> -> memref<1x1x125xi32, #tpu.memory_space<hbm>>
        %dma_start3A_380 = tpu.memref_squeeze %dma_start3A_379 : memref<1x1x125xi32, #tpu.memory_space<hbm>> -> memref<125xi32, #tpu.memory_space<hbm>>
        tpu.enqueue_dma source(%dma_start3A_380 : memref<125xi32, #tpu.memory_space<hbm>>) target(%arg14 : memref<125xi32, #tpu.memory_space<vmem>>) target_semaphore(%arg23 : memref<!tpu.dma_semaphore, #tpu.memory_space<semaphore_mem>>)
      } else {
      }
      %dma_start3A_306 = arith.constant 0 : i32
      %dma_start3A_307 = arith.constant 0 : i32
      %dma_start3A_308 = tpu.memref_slice %arg18[%dma_start3A_306, %dma_start3A_307] : memref<128x128xf32, #tpu.memory_space<vmem>> -> memref<125x128xf32, #tpu.memory_space<vmem>>
      %dma_start3A_309 = arith.constant 0 : i32
      %dma_start3A_310 = arith.constant 0 : i32
      %dma_start3A_311 = tpu.memref_slice %arg22[%dma_start3A_309, %dma_start3A_310] : memref<10240x128xf32, #tpu.memory_space<vmem_shared>> -> memref<10240x128xf32, #tpu.memory_space<vmem_shared>>
      tpu.enqueue_indirect_dma source(%dma_start3A_308 : memref<125x128xf32, #tpu.memory_space<vmem>>) target(%dma_start3A_311 : memref<10240x128xf32, #tpu.memory_space<vmem_shared>>) offsets(%arg16 : memref<125xi32, #tpu.memory_space<vmem>>) semaphore(%arg29 : memref<!tpu.dma_semaphore, #tpu.memory_space<semaphore_mem>>) {add = true}
      %mul3A_312 = arith.constant 4 : i32
      %mul3A_313 = arith.muli %mul3A_312, %scan3A_87 : i32
      %add3A_314 = arith.constant 3 : i32
      %add3A_315 = arith.addi %mul3A_313, %add3A_314 : i32
      %dma_wait3A_316 = arith.constant 0 : i32
      %dma_wait3A_317 = arith.constant 0 : i32
      %dma_wait3A_318 = tpu.memref_slice %arg19[%dma_wait3A_316, %dma_wait3A_317] : memref<128x128xf32, #tpu.memory_space<vmem>> -> memref<125x128xf32, #tpu.memory_space<vmem>>
      %dma_wait3A_319 = arith.constant 0 : i32
      %dma_wait3A_320 = arith.constant 0 : i32
      %dma_wait3A_321 = tpu.memref_slice %arg6[%dma_wait3A_319, %dma_wait3A_320] : memref<10000x128xf32, #tpu.memory_space<hbm>> -> memref<10000x128xf32, #tpu.memory_space<hbm>>
      tpu.wait_indirect_dma semaphore(%arg28 : memref<!tpu.dma_semaphore, #tpu.memory_space<semaphore_mem>>) src(%dma_wait3A_321 : memref<10000x128xf32, #tpu.memory_space<hbm>>) dst(%dma_wait3A_318 : memref<125x128xf32, #tpu.memory_space<vmem>>)
      %dma_wait3A_322 = arith.constant 0 : i32
      %dma_wait3A_323 = arith.constant 0 : i32
      %dma_wait3A_324 = tpu.memref_slice %arg21[%dma_wait3A_322, %dma_wait3A_323] : memref<128x16xf32, #tpu.memory_space<vmem>> -> memref<125x16xf32, #tpu.memory_space<vmem>>
      %dma_wait3A_325 = arith.constant 0 : i32
      %dma_wait3A_326 = arith.constant 0 : i32
      %dma_wait3A_327 = tpu.memref_slice %arg4[%mul3A_0, %dma_wait3A_325, %dma_wait3A_326] : memref<1280x125x16xf32, #tpu.memory_space<hbm>> -> memref<1x125x16xf32, #tpu.memory_space<hbm>>
      %dma_wait3A_328 = tpu.memref_squeeze %dma_wait3A_327 : memref<1x125x16xf32, #tpu.memory_space<hbm>> -> memref<125x16xf32, #tpu.memory_space<hbm>>
      %dma_wait3A_329 = arith.constant 0 : i32
      %dma_wait3A_330 = arith.constant 0 : i32
      %dma_wait3A_331 = tpu.memref_slice %arg21[%dma_wait3A_329, %dma_wait3A_330] : memref<128x16xf32, #tpu.memory_space<vmem>> -> memref<125x16xf32, #tpu.memory_space<vmem>>
      %dma_wait3A_332 = arith.constant 0 : i32
      %dma_wait3A_333 = arith.constant 0 : i32
      %dma_wait3A_334 = tpu.memref_slice %arg4[%mul3A_0, %dma_wait3A_332, %dma_wait3A_333] : memref<1280x125x16xf32, #tpu.memory_space<hbm>> -> memref<1x125x16xf32, #tpu.memory_space<hbm>>
      %dma_wait3A_335 = tpu.memref_squeeze %dma_wait3A_334 : memref<1x125x16xf32, #tpu.memory_space<hbm>> -> memref<125x16xf32, #tpu.memory_space<hbm>>
      tpu.wait_dma2 semaphore(%arg28 : memref<!tpu.dma_semaphore, #tpu.memory_space<semaphore_mem>>) src(%dma_wait3A_335 : memref<125x16xf32, #tpu.memory_space<hbm>>) dst(%dma_wait3A_331 : memref<125x16xf32, #tpu.memory_space<vmem>>)
      %parallel_loop3A_336 = arith.constant 0 : i32
      %parallel_loop3A_337 = arith.constant 125 : i32
      %parallel_loop3A_338 = arith.constant 1 : i32
      scf.for %parallel_loop3A_363 = %parallel_loop3A_336 to %parallel_loop3A_337 step %parallel_loop3A_338  : i32 {
        %parallel_loop3A_364 = arith.index_cast %parallel_loop3A_363 : i32 to index
        %parallel_loop3A_365 = arith.constant 0 : index
        %parallel_loop3A_366 = tpu.vector_load %arg21[%parallel_loop3A_364, %parallel_loop3A_365] {strides = array<i32>} : memref<128x16xf32, #tpu.memory_space<vmem>>, vector<1x16xf32>,
        %parallel_loop3A_367 = vector.shape_cast %parallel_loop3A_366 : vector<1x16xf32> to vector<16xf32>
        %parallel_loop3A_368 = arith.index_cast %parallel_loop3A_363 : i32 to index
        %parallel_loop3A_369 = arith.constant 0 : index
        %parallel_loop3A_370 = tpu.vector_load %arg19[%parallel_loop3A_368, %parallel_loop3A_369] {strides = array<i32>} : memref<128x128xf32, #tpu.memory_space<vmem>>, vector<1x16xf32>,
        %parallel_loop3A_371 = vector.shape_cast %parallel_loop3A_370 : vector<1x16xf32> to vector<16xf32>
        %parallel_loop3A_372 = arith.mulf %parallel_loop3A_371, %parallel_loop3A_367 : vector<16xf32>
        %parallel_loop3A_373 = arith.index_cast %parallel_loop3A_363 : i32 to index
        %parallel_loop3A_374 = arith.constant 0 : index
        %parallel_loop3A_375 = tpu.vector_load %arg19[%parallel_loop3A_373, %parallel_loop3A_374] {strides = array<i32>} : memref<128x128xf32, #tpu.memory_space<vmem>>, vector<1x16xf32>,
        %parallel_loop3A_376 = vector.shape_cast %parallel_loop3A_375 : vector<1x16xf32> to vector<16xf32>
        %parallel_loop3A_377 = vector.shape_cast %parallel_loop3A_372 : vector<16xf32> to vector<1x16xf32>
        tpu.vector_store %arg19[%parallel_loop3A_373, %parallel_loop3A_374], %parallel_loop3A_377 {strides = array<i32>} : memref<128x128xf32, #tpu.memory_space<vmem>>, vector<1x16xf32>,
        %parallel_loop3A_378 = arith.index_cast %parallel_loop3A_363 : i32 to index
        %parallel_loop3A_379 = arith.constant 16 : index
        %parallel_loop3A_380 = tpu.vector_load %arg19[%parallel_loop3A_378, %parallel_loop3A_379] {strides = array<i32>} : memref<128x128xf32, #tpu.memory_space<vmem>>, vector<1x16xf32>,
        %parallel_loop3A_381 = vector.shape_cast %parallel_loop3A_380 : vector<1x16xf32> to vector<16xf32>
        %parallel_loop3A_382 = arith.mulf %parallel_loop3A_381, %parallel_loop3A_367 : vector<16xf32>
        %parallel_loop3A_383 = arith.index_cast %parallel_loop3A_363 : i32 to index
        %parallel_loop3A_384 = arith.constant 16 : index
        %parallel_loop3A_385 = tpu.vector_load %arg19[%parallel_loop3A_383, %parallel_loop3A_384] {strides = array<i32>} : memref<128x128xf32, #tpu.memory_space<vmem>>, vector<1x16xf32>,
        %parallel_loop3A_386 = vector.shape_cast %parallel_loop3A_385 : vector<1x16xf32> to vector<16xf32>
        %parallel_loop3A_387 = vector.shape_cast %parallel_loop3A_382 : vector<16xf32> to vector<1x16xf32>
        tpu.vector_store %arg19[%parallel_loop3A_383, %parallel_loop3A_384], %parallel_loop3A_387 {strides = array<i32>} : memref<128x128xf32, #tpu.memory_space<vmem>>, vector<1x16xf32>,
        %parallel_loop3A_388 = arith.index_cast %parallel_loop3A_363 : i32 to index
        %parallel_loop3A_389 = arith.constant 32 : index
        %parallel_loop3A_390 = tpu.vector_load %arg19[%parallel_loop3A_388, %parallel_loop3A_389] {strides = array<i32>} : memref<128x128xf32, #tpu.memory_space<vmem>>, vector<1x16xf32>,
        %parallel_loop3A_391 = vector.shape_cast %parallel_loop3A_390 : vector<1x16xf32> to vector<16xf32>
        %parallel_loop3A_392 = arith.mulf %parallel_loop3A_391, %parallel_loop3A_367 : vector<16xf32>
        %parallel_loop3A_393 = arith.index_cast %parallel_loop3A_363 : i32 to index
        %parallel_loop3A_394 = arith.constant 32 : index
        %parallel_loop3A_395 = tpu.vector_load %arg19[%parallel_loop3A_393, %parallel_loop3A_394] {strides = array<i32>} : memref<128x128xf32, #tpu.memory_space<vmem>>, vector<1x16xf32>,
        %parallel_loop3A_396 = vector.shape_cast %parallel_loop3A_395 : vector<1x16xf32> to vector<16xf32>
        %parallel_loop3A_397 = vector.shape_cast %parallel_loop3A_392 : vector<16xf32> to vector<1x16xf32>
        tpu.vector_store %arg19[%parallel_loop3A_393, %parallel_loop3A_394], %parallel_loop3A_397 {strides = array<i32>} : memref<128x128xf32, #tpu.memory_space<vmem>>, vector<1x16xf32>,
        %parallel_loop3A_398 = arith.index_cast %parallel_loop3A_363 : i32 to index
        %parallel_loop3A_399 = arith.constant 48 : index
        %parallel_loop3A_400 = tpu.vector_load %arg19[%parallel_loop3A_398, %parallel_loop3A_399] {strides = array<i32>} : memref<128x128xf32, #tpu.memory_space<vmem>>, vector<1x16xf32>,
        %parallel_loop3A_401 = vector.shape_cast %parallel_loop3A_400 : vector<1x16xf32> to vector<16xf32>
        %parallel_loop3A_402 = arith.mulf %parallel_loop3A_401, %parallel_loop3A_367 : vector<16xf32>
        %parallel_loop3A_403 = arith.index_cast %parallel_loop3A_363 : i32 to index
        %parallel_loop3A_404 = arith.constant 48 : index
        %parallel_loop3A_405 = tpu.vector_load %arg19[%parallel_loop3A_403, %parallel_loop3A_404] {strides = array<i32>} : memref<128x128xf32, #tpu.memory_space<vmem>>, vector<1x16xf32>,
        %parallel_loop3A_406 = vector.shape_cast %parallel_loop3A_405 : vector<1x16xf32> to vector<16xf32>
        %parallel_loop3A_407 = vector.shape_cast %parallel_loop3A_402 : vector<16xf32> to vector<1x16xf32>
        tpu.vector_store %arg19[%parallel_loop3A_403, %parallel_loop3A_404], %parallel_loop3A_407 {strides = array<i32>} : memref<128x128xf32, #tpu.memory_space<vmem>>, vector<1x16xf32>,
        %parallel_loop3A_408 = arith.index_cast %parallel_loop3A_363 : i32 to index
        %parallel_loop3A_409 = arith.constant 64 : index
        %parallel_loop3A_410 = tpu.vector_load %arg19[%parallel_loop3A_408, %parallel_loop3A_409] {strides = array<i32>} : memref<128x128xf32, #tpu.memory_space<vmem>>, vector<1x16xf32>,
        %parallel_loop3A_411 = vector.shape_cast %parallel_loop3A_410 : vector<1x16xf32> to vector<16xf32>
        %parallel_loop3A_412 = arith.mulf %parallel_loop3A_411, %parallel_loop3A_367 : vector<16xf32>
        %parallel_loop3A_413 = arith.index_cast %parallel_loop3A_363 : i32 to index
        %parallel_loop3A_414 = arith.constant 64 : index
        %parallel_loop3A_415 = tpu.vector_load %arg19[%parallel_loop3A_413, %parallel_loop3A_414] {strides = array<i32>} : memref<128x128xf32, #tpu.memory_space<vmem>>, vector<1x16xf32>,
        %parallel_loop3A_416 = vector.shape_cast %parallel_loop3A_415 : vector<1x16xf32> to vector<16xf32>
        %parallel_loop3A_417 = vector.shape_cast %parallel_loop3A_412 : vector<16xf32> to vector<1x16xf32>
        tpu.vector_store %arg19[%parallel_loop3A_413, %parallel_loop3A_414], %parallel_loop3A_417 {strides = array<i32>} : memref<128x128xf32, #tpu.memory_space<vmem>>, vector<1x16xf32>,
        %parallel_loop3A_418 = arith.index_cast %parallel_loop3A_363 : i32 to index
        %parallel_loop3A_419 = arith.constant 80 : index
        %parallel_loop3A_420 = tpu.vector_load %arg19[%parallel_loop3A_418, %parallel_loop3A_419] {strides = array<i32>} : memref<128x128xf32, #tpu.memory_space<vmem>>, vector<1x16xf32>,
        %parallel_loop3A_421 = vector.shape_cast %parallel_loop3A_420 : vector<1x16xf32> to vector<16xf32>
        %parallel_loop3A_422 = arith.mulf %parallel_loop3A_421, %parallel_loop3A_367 : vector<16xf32>
        %parallel_loop3A_423 = arith.index_cast %parallel_loop3A_363 : i32 to index
        %parallel_loop3A_424 = arith.constant 80 : index
        %parallel_loop3A_425 = tpu.vector_load %arg19[%parallel_loop3A_423, %parallel_loop3A_424] {strides = array<i32>} : memref<128x128xf32, #tpu.memory_space<vmem>>, vector<1x16xf32>,
        %parallel_loop3A_426 = vector.shape_cast %parallel_loop3A_425 : vector<1x16xf32> to vector<16xf32>
        %parallel_loop3A_427 = vector.shape_cast %parallel_loop3A_422 : vector<16xf32> to vector<1x16xf32>
        tpu.vector_store %arg19[%parallel_loop3A_423, %parallel_loop3A_424], %parallel_loop3A_427 {strides = array<i32>} : memref<128x128xf32, #tpu.memory_space<vmem>>, vector<1x16xf32>,
        %parallel_loop3A_428 = arith.index_cast %parallel_loop3A_363 : i32 to index
        %parallel_loop3A_429 = arith.constant 96 : index
        %parallel_loop3A_430 = tpu.vector_load %arg19[%parallel_loop3A_428, %parallel_loop3A_429] {strides = array<i32>} : memref<128x128xf32, #tpu.memory_space<vmem>>, vector<1x16xf32>,
        %parallel_loop3A_431 = vector.shape_cast %parallel_loop3A_430 : vector<1x16xf32> to vector<16xf32>
        %parallel_loop3A_432 = arith.mulf %parallel_loop3A_431, %parallel_loop3A_367 : vector<16xf32>
        %parallel_loop3A_433 = arith.index_cast %parallel_loop3A_363 : i32 to index
        %parallel_loop3A_434 = arith.constant 96 : index
        %parallel_loop3A_435 = tpu.vector_load %arg19[%parallel_loop3A_433, %parallel_loop3A_434] {strides = array<i32>} : memref<128x128xf32, #tpu.memory_space<vmem>>, vector<1x16xf32>,
        %parallel_loop3A_436 = vector.shape_cast %parallel_loop3A_435 : vector<1x16xf32> to vector<16xf32>
        %parallel_loop3A_437 = vector.shape_cast %parallel_loop3A_432 : vector<16xf32> to vector<1x16xf32>
        tpu.vector_store %arg19[%parallel_loop3A_433, %parallel_loop3A_434], %parallel_loop3A_437 {strides = array<i32>} : memref<128x128xf32, #tpu.memory_space<vmem>>, vector<1x16xf32>,
        %parallel_loop3A_438 = arith.index_cast %parallel_loop3A_363 : i32 to index
        %parallel_loop3A_439 = arith.constant 112 : index
        %parallel_loop3A_440 = tpu.vector_load %arg19[%parallel_loop3A_438, %parallel_loop3A_439] {strides = array<i32>} : memref<128x128xf32, #tpu.memory_space<vmem>>, vector<1x16xf32>,
        %parallel_loop3A_441 = vector.shape_cast %parallel_loop3A_440 : vector<1x16xf32> to vector<16xf32>
        %parallel_loop3A_442 = arith.mulf %parallel_loop3A_441, %parallel_loop3A_367 : vector<16xf32>
        %parallel_loop3A_443 = arith.index_cast %parallel_loop3A_363 : i32 to index
        %parallel_loop3A_444 = arith.constant 112 : index
        %parallel_loop3A_445 = tpu.vector_load %arg19[%parallel_loop3A_443, %parallel_loop3A_444] {strides = array<i32>} : memref<128x128xf32, #tpu.memory_space<vmem>>, vector<1x16xf32>,
        %parallel_loop3A_446 = vector.shape_cast %parallel_loop3A_445 : vector<1x16xf32> to vector<16xf32>
        %parallel_loop3A_447 = vector.shape_cast %parallel_loop3A_442 : vector<16xf32> to vector<1x16xf32>
        tpu.vector_store %arg19[%parallel_loop3A_443, %parallel_loop3A_444], %parallel_loop3A_447 {strides = array<i32>} : memref<128x128xf32, #tpu.memory_space<vmem>>, vector<1x16xf32>,
      } {sc.loop_unroll_factor = 5 : i64, sc.parallel_access}
      %dma_wait3A_339 = arith.constant 0 : i32
      %dma_wait3A_340 = arith.constant 0 : i32
      %dma_wait3A_341 = tpu.memref_slice %arg18[%dma_wait3A_339, %dma_wait3A_340] : memref<128x128xf32, #tpu.memory_space<vmem>> -> memref<125x128xf32, #tpu.memory_space<vmem>>
      %dma_wait3A_342 = arith.constant 0 : i32
      %dma_wait3A_343 = arith.constant 0 : i32
      %dma_wait3A_344 = tpu.memref_slice %arg22[%dma_wait3A_342, %dma_wait3A_343] : memref<10240x128xf32, #tpu.memory_space<vmem_shared>> -> memref<10240x128xf32, #tpu.memory_space<vmem_shared>>
      tpu.wait_indirect_dma semaphore(%arg29 : memref<!tpu.dma_semaphore, #tpu.memory_space<semaphore_mem>>) src(%dma_wait3A_341 : memref<125x128xf32, #tpu.memory_space<vmem>>) dst(%dma_wait3A_344 : memref<10240x128xf32, #tpu.memory_space<vmem_shared>>)
      %lt3A_345 = arith.constant 19 : i32
      %lt3A_346 = arith.cmpi slt, %scan3A_87, %lt3A_345 : i32
      %convert_element_type3A_347 = arith.extui %lt3A_346 : i1 to i32
      %cond3A_348 = arith.constant 0 : i32
      %cond3A_349 = arith.cmpi ne, %convert_element_type3A_347, %cond3A_348 : i32
      scf.if %cond3A_349 {
        %dma_wait3A_363 = arith.constant 0 : i32
        %dma_wait3A_364 = arith.constant 0 : i32
        %dma_wait3A_365 = tpu.memref_slice %arg2[%mul3A_0, %dma_wait3A_363, %dma_wait3A_364] : memref<1280x1x125xi32, #tpu.memory_space<hbm>> -> memref<1x1x125xi32, #tpu.memory_space<hbm>>
        %dma_wait3A_366 = tpu.memref_squeeze %dma_wait3A_365 : memref<1x1x125xi32, #tpu.memory_space<hbm>> -> memref<125xi32, #tpu.memory_space<hbm>>
        %dma_wait3A_367 = arith.constant 0 : i32
        %dma_wait3A_368 = tpu.memref_slice %arg2[%mul3A_0, %dma_wait3A_363, %dma_wait3A_367] : memref<1280x1x125xi32, #tpu.memory_space<hbm>> -> memref<1x1x125xi32, #tpu.memory_space<hbm>>
        %dma_wait3A_369 = tpu.memref_squeeze %dma_wait3A_368 : memref<1x1x125xi32, #tpu.memory_space<hbm>> -> memref<125xi32, #tpu.memory_space<hbm>>
        tpu.wait_dma2 semaphore(%arg23 : memref<!tpu.dma_semaphore, #tpu.memory_space<semaphore_mem>>) src(%dma_wait3A_369 : memref<125xi32, #tpu.memory_space<hbm>>) dst(%arg10 : memref<125xi32, #tpu.memory_space<vmem>>)
        %dma_wait3A_370 = arith.constant 0 : i32
        %dma_wait3A_371 = arith.constant 0 : i32
        %dma_wait3A_372 = tpu.memref_slice %arg3[%mul3A_0, %dma_wait3A_370, %dma_wait3A_371] : memref<1280x1x125xi32, #tpu.memory_space<hbm>> -> memref<1x1x125xi32, #tpu.memory_space<hbm>>
        %dma_wait3A_373 = tpu.memref_squeeze %dma_wait3A_372 : memref<1x1x125xi32, #tpu.memory_space<hbm>> -> memref<125xi32, #tpu.memory_space<hbm>>
        %dma_wait3A_374 = arith.constant 0 : i32
        %dma_wait3A_375 = tpu.memref_slice %arg3[%mul3A_0, %dma_wait3A_370, %dma_wait3A_374] : memref<1280x1x125xi32, #tpu.memory_space<hbm>> -> memref<1x1x125xi32, #tpu.memory_space<hbm>>
        %dma_wait3A_376 = tpu.memref_squeeze %dma_wait3A_375 : memref<1x1x125xi32, #tpu.memory_space<hbm>> -> memref<125xi32, #tpu.memory_space<hbm>>
        tpu.wait_dma2 semaphore(%arg23 : memref<!tpu.dma_semaphore, #tpu.memory_space<semaphore_mem>>) src(%dma_wait3A_376 : memref<125xi32, #tpu.memory_space<hbm>>) dst(%arg14 : memref<125xi32, #tpu.memory_space<vmem>>)
        %add3A_377 = arith.constant 1 : i32
        %add3A_378 = arith.addi %add3A_315, %add3A_377 : i32
        %eq3A_379 = arith.constant 0 : i32
        %eq3A_380 = arith.cmpi eq, %arg0, %eq3A_379 : i32
        %convert_element_type3A_381 = arith.extui %eq3A_380 : i1 to i32
        %cond3A_382 = arith.constant 0 : i32
        %cond3A_383 = arith.cmpi ne, %convert_element_type3A_381, %cond3A_382 : i32
        scf.if %cond3A_383 {
          %dma_start3A_422 = arith.constant 0 : i32
          %dma_start3A_423 = arith.constant 0 : i32
          %dma_start3A_424 = tpu.memref_slice %arg18[%dma_start3A_422, %dma_start3A_423] : memref<128x128xf32, #tpu.memory_space<vmem>> -> memref<125x128xf32, #tpu.memory_space<vmem>>
          %dma_start3A_425 = arith.constant 0 : i32
          %dma_start3A_426 = arith.constant 0 : i32
          %dma_start3A_427 = tpu.memref_slice %arg6[%dma_start3A_425, %dma_start3A_426] : memref<10000x128xf32, #tpu.memory_space<hbm>> -> memref<10000x128xf32, #tpu.memory_space<hbm>>
          tpu.enqueue_indirect_dma source(%dma_start3A_427 : memref<10000x128xf32, #tpu.memory_space<hbm>>) target(%dma_start3A_424 : memref<125x128xf32, #tpu.memory_space<vmem>>) offsets(%arg10 : memref<125xi32, #tpu.memory_space<vmem>>) semaphore(%arg27 : memref<!tpu.dma_semaphore, #tpu.memory_space<semaphore_mem>>)
        } else {
        }
        %eq3A_384 = arith.constant 1 : i32
        %eq3A_385 = arith.cmpi eq, %arg0, %eq3A_384 : i32
        %convert_element_type3A_386 = arith.extui %eq3A_385 : i1 to i32
        %cond3A_387 = arith.constant 0 : i32
        %cond3A_388 = arith.cmpi ne, %convert_element_type3A_386, %cond3A_387 : i32
        scf.if %cond3A_388 {
          %dma_start3A_422 = arith.constant 0 : i32
          %dma_start3A_423 = arith.constant 0 : i32
          %dma_start3A_424 = tpu.memref_slice %arg18[%dma_start3A_422, %dma_start3A_423] : memref<128x128xf32, #tpu.memory_space<vmem>> -> memref<125x128xf32, #tpu.memory_space<vmem>>
          %dma_start3A_425 = arith.constant 0 : i32
          %dma_start3A_426 = arith.constant 0 : i32
          %dma_start3A_427 = tpu.memref_slice %arg7[%dma_start3A_425, %dma_start3A_426] : memref<10000x128xf32, #tpu.memory_space<hbm>> -> memref<10000x128xf32, #tpu.memory_space<hbm>>
          tpu.enqueue_indirect_dma source(%dma_start3A_427 : memref<10000x128xf32, #tpu.memory_space<hbm>>) target(%dma_start3A_424 : memref<125x128xf32, #tpu.memory_space<vmem>>) offsets(%arg10 : memref<125xi32, #tpu.memory_space<vmem>>) semaphore(%arg27 : memref<!tpu.dma_semaphore, #tpu.memory_space<semaphore_mem>>)
        } else {
        }
        %add3A_389 = arith.addi %mul3A_0, %add3A_378 : i32
        %dma_start3A_390 = arith.constant 0 : i32
        %dma_start3A_391 = arith.constant 0 : i32
        %dma_start3A_392 = tpu.memref_slice %arg20[%dma_start3A_390, %dma_start3A_391] : memref<128x16xf32, #tpu.memory_space<vmem>> -> memref<125x16xf32, #tpu.memory_space<vmem>>
        %dma_start3A_393 = arith.constant 0 : i32
        %dma_start3A_394 = arith.constant 0 : i32
        %dma_start3A_395 = tpu.memref_slice %arg4[%add3A_389, %dma_start3A_393, %dma_start3A_394] : memref<1280x125x16xf32, #tpu.memory_space<hbm>> -> memref<1x125x16xf32, #tpu.memory_space<hbm>>
        %dma_start3A_396 = tpu.memref_squeeze %dma_start3A_395 : memref<1x125x16xf32, #tpu.memory_space<hbm>> -> memref<125x16xf32, #tpu.memory_space<hbm>>
        %dma_start3A_397 = arith.constant 0 : i32
        %dma_start3A_398 = arith.constant 0 : i32
        %dma_start3A_399 = tpu.memref_slice %arg20[%dma_start3A_397, %dma_start3A_398] : memref<128x16xf32, #tpu.memory_space<vmem>> -> memref<125x16xf32, #tpu.memory_space<vmem>>
        %dma_start3A_400 = arith.constant 0 : i32
        %dma_start3A_401 = arith.constant 0 : i32
        %dma_start3A_402 = tpu.memref_slice %arg4[%add3A_389, %dma_start3A_400, %dma_start3A_401] : memref<1280x125x16xf32, #tpu.memory_space<hbm>> -> memref<1x125x16xf32, #tpu.memory_space<hbm>>
        %dma_start3A_403 = tpu.memref_squeeze %dma_start3A_402 : memref<1x125x16xf32, #tpu.memory_space<hbm>> -> memref<125x16xf32, #tpu.memory_space<hbm>>
        tpu.enqueue_dma source(%dma_start3A_403 : memref<125x16xf32, #tpu.memory_space<hbm>>) target(%dma_start3A_399 : memref<125x16xf32, #tpu.memory_space<vmem>>) target_semaphore(%arg27 : memref<!tpu.dma_semaphore, #tpu.memory_space<semaphore_mem>>)
        %add3A_404 = arith.constant 2 : i32
        %add3A_405 = arith.addi %add3A_315, %add3A_404 : i32
        %add3A_406 = arith.addi %mul3A_0, %add3A_405 : i32
        %dma_start3A_407 = arith.constant 0 : i32
        %dma_start3A_408 = arith.constant 0 : i32
        %dma_start3A_409 = tpu.memref_slice %arg2[%add3A_406, %dma_start3A_407, %dma_start3A_408] : memref<1280x1x125xi32, #tpu.memory_space<hbm>> -> memref<1x1x125xi32, #tpu.memory_space<hbm>>
        %dma_start3A_410 = tpu.memref_squeeze %dma_start3A_409 : memref<1x1x125xi32, #tpu.memory_space<hbm>> -> memref<125xi32, #tpu.memory_space<hbm>>
        %dma_start3A_411 = arith.constant 0 : i32
        %dma_start3A_412 = tpu.memref_slice %arg2[%add3A_406, %dma_start3A_407, %dma_start3A_411] : memref<1280x1x125xi32, #tpu.memory_space<hbm>> -> memref<1x1x125xi32, #tpu.memory_space<hbm>>
        %dma_start3A_413 = tpu.memref_squeeze %dma_start3A_412 : memref<1x1x125xi32, #tpu.memory_space<hbm>> -> memref<125xi32, #tpu.memory_space<hbm>>
        tpu.enqueue_dma source(%dma_start3A_413 : memref<125xi32, #tpu.memory_space<hbm>>) target(%arg11 : memref<125xi32, #tpu.memory_space<vmem>>) target_semaphore(%arg24 : memref<!tpu.dma_semaphore, #tpu.memory_space<semaphore_mem>>)
        %add3A_414 = arith.addi %mul3A_0, %add3A_405 : i32
        %dma_start3A_415 = arith.constant 0 : i32
        %dma_start3A_416 = arith.constant 0 : i32
        %dma_start3A_417 = tpu.memref_slice %arg3[%add3A_414, %dma_start3A_415, %dma_start3A_416] : memref<1280x1x125xi32, #tpu.memory_space<hbm>> -> memref<1x1x125xi32, #tpu.memory_space<hbm>>
        %dma_start3A_418 = tpu.memref_squeeze %dma_start3A_417 : memref<1x1x125xi32, #tpu.memory_space<hbm>> -> memref<125xi32, #tpu.memory_space<hbm>>
        %dma_start3A_419 = arith.constant 0 : i32
        %dma_start3A_420 = tpu.memref_slice %arg3[%add3A_414, %dma_start3A_415, %dma_start3A_419] : memref<1280x1x125xi32, #tpu.memory_space<hbm>> -> memref<1x1x125xi32, #tpu.memory_space<hbm>>
        %dma_start3A_421 = tpu.memref_squeeze %dma_start3A_420 : memref<1x1x125xi32, #tpu.memory_space<hbm>> -> memref<125xi32, #tpu.memory_space<hbm>>
        tpu.enqueue_dma source(%dma_start3A_421 : memref<125xi32, #tpu.memory_space<hbm>>) target(%arg15 : memref<125xi32, #tpu.memory_space<vmem>>) target_semaphore(%arg24 : memref<!tpu.dma_semaphore, #tpu.memory_space<semaphore_mem>>)
      } else {
      }
      %dma_start3A_350 = arith.constant 0 : i32
      %dma_start3A_351 = arith.constant 0 : i32
      %dma_start3A_352 = tpu.memref_slice %arg19[%dma_start3A_350, %dma_start3A_351] : memref<128x128xf32, #tpu.memory_space<vmem>> -> memref<125x128xf32, #tpu.memory_space<vmem>>
      %dma_start3A_353 = arith.constant 0 : i32
      %dma_start3A_354 = arith.constant 0 : i32
      %dma_start3A_355 = tpu.memref_slice %arg22[%dma_start3A_353, %dma_start3A_354] : memref<10240x128xf32, #tpu.memory_space<vmem_shared>> -> memref<10240x128xf32, #tpu.memory_space<vmem_shared>>
      tpu.enqueue_indirect_dma source(%dma_start3A_352 : memref<125x128xf32, #tpu.memory_space<vmem>>) target(%dma_start3A_355 : memref<10240x128xf32, #tpu.memory_space<vmem_shared>>) offsets(%arg17 : memref<125xi32, #tpu.memory_space<vmem>>) semaphore(%arg30 : memref<!tpu.dma_semaphore, #tpu.memory_space<semaphore_mem>>) {add = true}
      %dma_wait3A_356 = arith.constant 0 : i32
      %dma_wait3A_357 = arith.constant 0 : i32
      %dma_wait3A_358 = tpu.memref_slice %arg19[%dma_wait3A_356, %dma_wait3A_357] : memref<128x128xf32, #tpu.memory_space<vmem>> -> memref<125x128xf32, #tpu.memory_space<vmem>>
      %dma_wait3A_359 = arith.constant 0 : i32
      %dma_wait3A_360 = arith.constant 0 : i32
      %dma_wait3A_361 = tpu.memref_slice %arg22[%dma_wait3A_359, %dma_wait3A_360] : memref<10240x128xf32, #tpu.memory_space<vmem_shared>> -> memref<10240x128xf32, #tpu.memory_space<vmem_shared>>
      tpu.wait_indirect_dma semaphore(%arg30 : memref<!tpu.dma_semaphore, #tpu.memory_space<semaphore_mem>>) src(%dma_wait3A_358 : memref<125x128xf32, #tpu.memory_space<vmem>>) dst(%dma_wait3A_361 : memref<10240x128xf32, #tpu.memory_space<vmem_shared>>)
      %scan3A_362 = arith.constant 0 : i32
      scf.yield %scan3A_362 : i32
    }
    %scan3A_78 = arith.constant 20 : i32
    %barrier3A_79 = arith.constant 0 : index
    tpu.barrier barrier_id(%barrier3A_79)
    %scan3A_80 = arith.constant 0 : i32
    %scan3A_81 = arith.constant 0 : i32
    %scan3A_82 = arith.constant 5 : i32
    %scan3A_83 = arith.addi %scan3A_81, %scan3A_82 : i32
    %scan3A_84 = arith.constant 1 : i32
    %scan3A_85 = scf.for %scan3A_87 = %scan3A_81 to %scan3A_83 step %scan3A_84 iter_args(%scan3A_88 = %scan3A_80) -> (i32)  : i32 {
      %mul3A_89 = arith.constant 640 : i32
      %mul3A_90 = arith.muli %arg1, %mul3A_89 : i32
      %mul3A_91 = arith.constant 128 : i32
      %mul3A_92 = arith.muli %scan3A_87, %mul3A_91 : i32
      %add3A_93 = arith.addi %mul3A_90, %mul3A_92 : i32
      "tpu.region"() ({
        %run_scoped3A_98 = tpu.sem_alloc : memref<!tpu.dma_semaphore, #tpu.memory_space<semaphore_mem>>
        %dma_start3A_99 = arith.constant 0 : i32
        %dma_start3A_100 = tpu.memref_slice %arg22[%add3A_93, %dma_start3A_99] : memref<10240x128xf32, #tpu.memory_space<vmem_shared>> -> memref<128x128xf32, #tpu.memory_space<vmem_shared>>
        %dma_start3A_101 = arith.constant 0 : i32
        %dma_start3A_102 = tpu.memref_slice %arg22[%add3A_93, %dma_start3A_101] : memref<10240x128xf32, #tpu.memory_space<vmem_shared>> -> memref<128x128xf32, #tpu.memory_space<vmem_shared>>
        tpu.enqueue_dma source(%dma_start3A_102 : memref<128x128xf32, #tpu.memory_space<vmem_shared>>) target(%arg18 : memref<128x128xf32, #tpu.memory_space<vmem>>) target_semaphore(%run_scoped3A_98 : memref<!tpu.dma_semaphore, #tpu.memory_space<semaphore_mem>>)
        %dma_wait3A_103 = arith.constant 0 : i32
        %dma_wait3A_104 = tpu.memref_slice %arg22[%add3A_93, %dma_wait3A_103] : memref<10240x128xf32, #tpu.memory_space<vmem_shared>> -> memref<128x128xf32, #tpu.memory_space<vmem_shared>>
        %dma_wait3A_105 = arith.constant 0 : i32
        %dma_wait3A_106 = tpu.memref_slice %arg22[%add3A_93, %dma_wait3A_105] : memref<10240x128xf32, #tpu.memory_space<vmem_shared>> -> memref<128x128xf32, #tpu.memory_space<vmem_shared>>
        tpu.wait_dma2 semaphore(%run_scoped3A_98 : memref<!tpu.dma_semaphore, #tpu.memory_space<semaphore_mem>>) src(%dma_wait3A_106 : memref<128x128xf32, #tpu.memory_space<vmem_shared>>) dst(%arg18 : memref<128x128xf32, #tpu.memory_space<vmem>>)
        tpu.yield
      }) : () -> ()
      %run_scoped3A = arith.constant 0 : i32
      "tpu.region"() ({
        %run_scoped3A_98 = tpu.sem_alloc : memref<!tpu.dma_semaphore, #tpu.memory_space<semaphore_mem>>
        %dma_start3A_99 = arith.constant 0 : i32
        %dma_start3A_100 = tpu.memref_slice %arg5[%run_scoped3A, %add3A_93, %dma_start3A_99] : memref<2x10240x16xf32, #tpu.memory_space<hbm>> -> memref<1x128x16xf32, #tpu.memory_space<hbm>>
        %dma_start3A_101 = tpu.memref_squeeze %dma_start3A_100 : memref<1x128x16xf32, #tpu.memory_space<hbm>> -> memref<128x16xf32, #tpu.memory_space<hbm>>
        %dma_start3A_102 = arith.constant 0 : i32
        %dma_start3A_103 = tpu.memref_slice %arg5[%run_scoped3A, %add3A_93, %dma_start3A_102] : memref<2x10240x16xf32, #tpu.memory_space<hbm>> -> memref<1x128x16xf32, #tpu.memory_space<hbm>>
        %dma_start3A_104 = tpu.memref_squeeze %dma_start3A_103 : memref<1x128x16xf32, #tpu.memory_space<hbm>> -> memref<128x16xf32, #tpu.memory_space<hbm>>
        tpu.enqueue_dma source(%dma_start3A_104 : memref<128x16xf32, #tpu.memory_space<hbm>>) target(%arg20 : memref<128x16xf32, #tpu.memory_space<vmem>>) target_semaphore(%run_scoped3A_98 : memref<!tpu.dma_semaphore, #tpu.memory_space<semaphore_mem>>)
        %dma_wait3A_105 = arith.constant 0 : i32
        %dma_wait3A_106 = tpu.memref_slice %arg5[%run_scoped3A, %add3A_93, %dma_wait3A_105] : memref<2x10240x16xf32, #tpu.memory_space<hbm>> -> memref<1x128x16xf32, #tpu.memory_space<hbm>>
        %dma_wait3A_107 = tpu.memref_squeeze %dma_wait3A_106 : memref<1x128x16xf32, #tpu.memory_space<hbm>> -> memref<128x16xf32, #tpu.memory_space<hbm>>
        %dma_wait3A_108 = arith.constant 0 : i32
        %dma_wait3A_109 = tpu.memref_slice %arg5[%run_scoped3A, %add3A_93, %dma_wait3A_108] : memref<2x10240x16xf32, #tpu.memory_space<hbm>> -> memref<1x128x16xf32, #tpu.memory_space<hbm>>
        %dma_wait3A_110 = tpu.memref_squeeze %dma_wait3A_109 : memref<1x128x16xf32, #tpu.memory_space<hbm>> -> memref<128x16xf32, #tpu.memory_space<hbm>>
        tpu.wait_dma2 semaphore(%run_scoped3A_98 : memref<!tpu.dma_semaphore, #tpu.memory_space<semaphore_mem>>) src(%dma_wait3A_110 : memref<128x16xf32, #tpu.memory_space<hbm>>) dst(%arg20 : memref<128x16xf32, #tpu.memory_space<vmem>>)
        tpu.yield
      }) : () -> ()
      %run_scoped3A_94 = arith.constant 1 : i32
      "tpu.region"() ({
        %run_scoped3A_98 = tpu.sem_alloc : memref<!tpu.dma_semaphore, #tpu.memory_space<semaphore_mem>>
        %dma_start3A_99 = arith.constant 0 : i32
        %dma_start3A_100 = tpu.memref_slice %arg5[%run_scoped3A_94, %add3A_93, %dma_start3A_99] : memref<2x10240x16xf32, #tpu.memory_space<hbm>> -> memref<1x128x16xf32, #tpu.memory_space<hbm>>
        %dma_start3A_101 = tpu.memref_squeeze %dma_start3A_100 : memref<1x128x16xf32, #tpu.memory_space<hbm>> -> memref<128x16xf32, #tpu.memory_space<hbm>>
        %dma_start3A_102 = arith.constant 0 : i32
        %dma_start3A_103 = tpu.memref_slice %arg5[%run_scoped3A_94, %add3A_93, %dma_start3A_102] : memref<2x10240x16xf32, #tpu.memory_space<hbm>> -> memref<1x128x16xf32, #tpu.memory_space<hbm>>
        %dma_start3A_104 = tpu.memref_squeeze %dma_start3A_103 : memref<1x128x16xf32, #tpu.memory_space<hbm>> -> memref<128x16xf32, #tpu.memory_space<hbm>>
        tpu.enqueue_dma source(%dma_start3A_104 : memref<128x16xf32, #tpu.memory_space<hbm>>) target(%arg21 : memref<128x16xf32, #tpu.memory_space<vmem>>) target_semaphore(%run_scoped3A_98 : memref<!tpu.dma_semaphore, #tpu.memory_space<semaphore_mem>>)
        %dma_wait3A_105 = arith.constant 0 : i32
        %dma_wait3A_106 = tpu.memref_slice %arg5[%run_scoped3A_94, %add3A_93, %dma_wait3A_105] : memref<2x10240x16xf32, #tpu.memory_space<hbm>> -> memref<1x128x16xf32, #tpu.memory_space<hbm>>
        %dma_wait3A_107 = tpu.memref_squeeze %dma_wait3A_106 : memref<1x128x16xf32, #tpu.memory_space<hbm>> -> memref<128x16xf32, #tpu.memory_space<hbm>>
        %dma_wait3A_108 = arith.constant 0 : i32
        %dma_wait3A_109 = tpu.memref_slice %arg5[%run_scoped3A_94, %add3A_93, %dma_wait3A_108] : memref<2x10240x16xf32, #tpu.memory_space<hbm>> -> memref<1x128x16xf32, #tpu.memory_space<hbm>>
        %dma_wait3A_110 = tpu.memref_squeeze %dma_wait3A_109 : memref<1x128x16xf32, #tpu.memory_space<hbm>> -> memref<128x16xf32, #tpu.memory_space<hbm>>
        tpu.wait_dma2 semaphore(%run_scoped3A_98 : memref<!tpu.dma_semaphore, #tpu.memory_space<semaphore_mem>>) src(%dma_wait3A_110 : memref<128x16xf32, #tpu.memory_space<hbm>>) dst(%arg21 : memref<128x16xf32, #tpu.memory_space<vmem>>)
        tpu.yield
      }) : () -> ()
      %parallel_loop3A = arith.constant 0 : i32
      %parallel_loop3A_95 = arith.constant 128 : i32
      %parallel_loop3A_96 = arith.constant 1 : i32
      scf.for %parallel_loop3A_98 = %parallel_loop3A to %parallel_loop3A_95 step %parallel_loop3A_96  : i32 {
        %parallel_loop3A_99 = arith.index_cast %parallel_loop3A_98 : i32 to index
        %parallel_loop3A_100 = arith.constant 0 : index
        %parallel_loop3A_101 = tpu.vector_load %arg20[%parallel_loop3A_99, %parallel_loop3A_100] {strides = array<i32>} : memref<128x16xf32, #tpu.memory_space<vmem>>, vector<1x16xf32>,
        %parallel_loop3A_102 = vector.shape_cast %parallel_loop3A_101 : vector<1x16xf32> to vector<16xf32>
        %parallel_loop3A_103 = arith.index_cast %parallel_loop3A_98 : i32 to index
        %parallel_loop3A_104 = arith.constant 0 : index
        %parallel_loop3A_105 = tpu.vector_load %arg21[%parallel_loop3A_103, %parallel_loop3A_104] {strides = array<i32>} : memref<128x16xf32, #tpu.memory_space<vmem>>, vector<1x16xf32>,
        %parallel_loop3A_106 = vector.shape_cast %parallel_loop3A_105 : vector<1x16xf32> to vector<16xf32>
        %parallel_loop3A_107 = arith.addf %parallel_loop3A_102, %parallel_loop3A_106 : vector<16xf32>
        %parallel_loop3A_108 = arith.constant 0.000000e+00 : f32
        %parallel_loop3A_109 = vector.broadcast %parallel_loop3A_108 : f32 to vector<16xf32>
        %parallel_loop3A_110 = arith.cmpf ogt, %parallel_loop3A_107, %parallel_loop3A_109 : vector<16xf32>
        %parallel_loop3A_111 = arith.constant 1.000000e+00 : f32
        %parallel_loop3A_112 = vector.broadcast %parallel_loop3A_111 : f32 to vector<16xf32>
        %parallel_loop3A_113 = arith.divf %parallel_loop3A_112, %parallel_loop3A_107 : vector<16xf32>
        %parallel_loop3A_114 = arith.constant 0.000000e+00 : f32
        %parallel_loop3A_115 = vector.broadcast %parallel_loop3A_114 : f32 to vector<16xf32>
        %parallel_loop3A_116 = arith.select %parallel_loop3A_110, %parallel_loop3A_113, %parallel_loop3A_115 : vector<16xi1>, vector<16xf32>
        %parallel_loop3A_117 = arith.index_cast %parallel_loop3A_98 : i32 to index
        %parallel_loop3A_118 = arith.constant 0 : index
        %parallel_loop3A_119 = tpu.vector_load %arg18[%parallel_loop3A_117, %parallel_loop3A_118] {strides = array<i32>} : memref<128x128xf32, #tpu.memory_space<vmem>>, vector<1x16xf32>,
        %parallel_loop3A_120 = vector.shape_cast %parallel_loop3A_119 : vector<1x16xf32> to vector<16xf32>
        %parallel_loop3A_121 = arith.mulf %parallel_loop3A_120, %parallel_loop3A_116 : vector<16xf32>
        %parallel_loop3A_122 = arith.index_cast %parallel_loop3A_98 : i32 to index
        %parallel_loop3A_123 = arith.constant 0 : index
        %parallel_loop3A_124 = tpu.vector_load %arg18[%parallel_loop3A_122, %parallel_loop3A_123] {strides = array<i32>} : memref<128x128xf32, #tpu.memory_space<vmem>>, vector<1x16xf32>,
        %parallel_loop3A_125 = vector.shape_cast %parallel_loop3A_124 : vector<1x16xf32> to vector<16xf32>
        %parallel_loop3A_126 = vector.shape_cast %parallel_loop3A_121 : vector<16xf32> to vector<1x16xf32>
        tpu.vector_store %arg18[%parallel_loop3A_122, %parallel_loop3A_123], %parallel_loop3A_126 {strides = array<i32>} : memref<128x128xf32, #tpu.memory_space<vmem>>, vector<1x16xf32>,
        %parallel_loop3A_127 = arith.index_cast %parallel_loop3A_98 : i32 to index
        %parallel_loop3A_128 = arith.constant 16 : index
        %parallel_loop3A_129 = tpu.vector_load %arg18[%parallel_loop3A_127, %parallel_loop3A_128] {strides = array<i32>} : memref<128x128xf32, #tpu.memory_space<vmem>>, vector<1x16xf32>,
        %parallel_loop3A_130 = vector.shape_cast %parallel_loop3A_129 : vector<1x16xf32> to vector<16xf32>
        %parallel_loop3A_131 = arith.mulf %parallel_loop3A_130, %parallel_loop3A_116 : vector<16xf32>
        %parallel_loop3A_132 = arith.index_cast %parallel_loop3A_98 : i32 to index
        %parallel_loop3A_133 = arith.constant 16 : index
        %parallel_loop3A_134 = tpu.vector_load %arg18[%parallel_loop3A_132, %parallel_loop3A_133] {strides = array<i32>} : memref<128x128xf32, #tpu.memory_space<vmem>>, vector<1x16xf32>,
        %parallel_loop3A_135 = vector.shape_cast %parallel_loop3A_134 : vector<1x16xf32> to vector<16xf32>
        %parallel_loop3A_136 = vector.shape_cast %parallel_loop3A_131 : vector<16xf32> to vector<1x16xf32>
        tpu.vector_store %arg18[%parallel_loop3A_132, %parallel_loop3A_133], %parallel_loop3A_136 {strides = array<i32>} : memref<128x128xf32, #tpu.memory_space<vmem>>, vector<1x16xf32>,
        %parallel_loop3A_137 = arith.index_cast %parallel_loop3A_98 : i32 to index
        %parallel_loop3A_138 = arith.constant 32 : index
        %parallel_loop3A_139 = tpu.vector_load %arg18[%parallel_loop3A_137, %parallel_loop3A_138] {strides = array<i32>} : memref<128x128xf32, #tpu.memory_space<vmem>>, vector<1x16xf32>,
        %parallel_loop3A_140 = vector.shape_cast %parallel_loop3A_139 : vector<1x16xf32> to vector<16xf32>
        %parallel_loop3A_141 = arith.mulf %parallel_loop3A_140, %parallel_loop3A_116 : vector<16xf32>
        %parallel_loop3A_142 = arith.index_cast %parallel_loop3A_98 : i32 to index
        %parallel_loop3A_143 = arith.constant 32 : index
        %parallel_loop3A_144 = tpu.vector_load %arg18[%parallel_loop3A_142, %parallel_loop3A_143] {strides = array<i32>} : memref<128x128xf32, #tpu.memory_space<vmem>>, vector<1x16xf32>,
        %parallel_loop3A_145 = vector.shape_cast %parallel_loop3A_144 : vector<1x16xf32> to vector<16xf32>
        %parallel_loop3A_146 = vector.shape_cast %parallel_loop3A_141 : vector<16xf32> to vector<1x16xf32>
        tpu.vector_store %arg18[%parallel_loop3A_142, %parallel_loop3A_143], %parallel_loop3A_146 {strides = array<i32>} : memref<128x128xf32, #tpu.memory_space<vmem>>, vector<1x16xf32>,
        %parallel_loop3A_147 = arith.index_cast %parallel_loop3A_98 : i32 to index
        %parallel_loop3A_148 = arith.constant 48 : index
        %parallel_loop3A_149 = tpu.vector_load %arg18[%parallel_loop3A_147, %parallel_loop3A_148] {strides = array<i32>} : memref<128x128xf32, #tpu.memory_space<vmem>>, vector<1x16xf32>,
        %parallel_loop3A_150 = vector.shape_cast %parallel_loop3A_149 : vector<1x16xf32> to vector<16xf32>
        %parallel_loop3A_151 = arith.mulf %parallel_loop3A_150, %parallel_loop3A_116 : vector<16xf32>
        %parallel_loop3A_152 = arith.index_cast %parallel_loop3A_98 : i32 to index
        %parallel_loop3A_153 = arith.constant 48 : index
        %parallel_loop3A_154 = tpu.vector_load %arg18[%parallel_loop3A_152, %parallel_loop3A_153] {strides = array<i32>} : memref<128x128xf32, #tpu.memory_space<vmem>>, vector<1x16xf32>,
        %parallel_loop3A_155 = vector.shape_cast %parallel_loop3A_154 : vector<1x16xf32> to vector<16xf32>
        %parallel_loop3A_156 = vector.shape_cast %parallel_loop3A_151 : vector<16xf32> to vector<1x16xf32>
        tpu.vector_store %arg18[%parallel_loop3A_152, %parallel_loop3A_153], %parallel_loop3A_156 {strides = array<i32>} : memref<128x128xf32, #tpu.memory_space<vmem>>, vector<1x16xf32>,
        %parallel_loop3A_157 = arith.index_cast %parallel_loop3A_98 : i32 to index
        %parallel_loop3A_158 = arith.constant 64 : index
        %parallel_loop3A_159 = tpu.vector_load %arg18[%parallel_loop3A_157, %parallel_loop3A_158] {strides = array<i32>} : memref<128x128xf32, #tpu.memory_space<vmem>>, vector<1x16xf32>,
        %parallel_loop3A_160 = vector.shape_cast %parallel_loop3A_159 : vector<1x16xf32> to vector<16xf32>
        %parallel_loop3A_161 = arith.mulf %parallel_loop3A_160, %parallel_loop3A_116 : vector<16xf32>
        %parallel_loop3A_162 = arith.index_cast %parallel_loop3A_98 : i32 to index
        %parallel_loop3A_163 = arith.constant 64 : index
        %parallel_loop3A_164 = tpu.vector_load %arg18[%parallel_loop3A_162, %parallel_loop3A_163] {strides = array<i32>} : memref<128x128xf32, #tpu.memory_space<vmem>>, vector<1x16xf32>,
        %parallel_loop3A_165 = vector.shape_cast %parallel_loop3A_164 : vector<1x16xf32> to vector<16xf32>
        %parallel_loop3A_166 = vector.shape_cast %parallel_loop3A_161 : vector<16xf32> to vector<1x16xf32>
        tpu.vector_store %arg18[%parallel_loop3A_162, %parallel_loop3A_163], %parallel_loop3A_166 {strides = array<i32>} : memref<128x128xf32, #tpu.memory_space<vmem>>, vector<1x16xf32>,
        %parallel_loop3A_167 = arith.index_cast %parallel_loop3A_98 : i32 to index
        %parallel_loop3A_168 = arith.constant 80 : index
        %parallel_loop3A_169 = tpu.vector_load %arg18[%parallel_loop3A_167, %parallel_loop3A_168] {strides = array<i32>} : memref<128x128xf32, #tpu.memory_space<vmem>>, vector<1x16xf32>,
        %parallel_loop3A_170 = vector.shape_cast %parallel_loop3A_169 : vector<1x16xf32> to vector<16xf32>
        %parallel_loop3A_171 = arith.mulf %parallel_loop3A_170, %parallel_loop3A_116 : vector<16xf32>
        %parallel_loop3A_172 = arith.index_cast %parallel_loop3A_98 : i32 to index
        %parallel_loop3A_173 = arith.constant 80 : index
        %parallel_loop3A_174 = tpu.vector_load %arg18[%parallel_loop3A_172, %parallel_loop3A_173] {strides = array<i32>} : memref<128x128xf32, #tpu.memory_space<vmem>>, vector<1x16xf32>,
        %parallel_loop3A_175 = vector.shape_cast %parallel_loop3A_174 : vector<1x16xf32> to vector<16xf32>
        %parallel_loop3A_176 = vector.shape_cast %parallel_loop3A_171 : vector<16xf32> to vector<1x16xf32>
        tpu.vector_store %arg18[%parallel_loop3A_172, %parallel_loop3A_173], %parallel_loop3A_176 {strides = array<i32>} : memref<128x128xf32, #tpu.memory_space<vmem>>, vector<1x16xf32>,
        %parallel_loop3A_177 = arith.index_cast %parallel_loop3A_98 : i32 to index
        %parallel_loop3A_178 = arith.constant 96 : index
        %parallel_loop3A_179 = tpu.vector_load %arg18[%parallel_loop3A_177, %parallel_loop3A_178] {strides = array<i32>} : memref<128x128xf32, #tpu.memory_space<vmem>>, vector<1x16xf32>,
        %parallel_loop3A_180 = vector.shape_cast %parallel_loop3A_179 : vector<1x16xf32> to vector<16xf32>
        %parallel_loop3A_181 = arith.mulf %parallel_loop3A_180, %parallel_loop3A_116 : vector<16xf32>
        %parallel_loop3A_182 = arith.index_cast %parallel_loop3A_98 : i32 to index
        %parallel_loop3A_183 = arith.constant 96 : index
        %parallel_loop3A_184 = tpu.vector_load %arg18[%parallel_loop3A_182, %parallel_loop3A_183] {strides = array<i32>} : memref<128x128xf32, #tpu.memory_space<vmem>>, vector<1x16xf32>,
        %parallel_loop3A_185 = vector.shape_cast %parallel_loop3A_184 : vector<1x16xf32> to vector<16xf32>
        %parallel_loop3A_186 = vector.shape_cast %parallel_loop3A_181 : vector<16xf32> to vector<1x16xf32>
        tpu.vector_store %arg18[%parallel_loop3A_182, %parallel_loop3A_183], %parallel_loop3A_186 {strides = array<i32>} : memref<128x128xf32, #tpu.memory_space<vmem>>, vector<1x16xf32>,
        %parallel_loop3A_187 = arith.index_cast %parallel_loop3A_98 : i32 to index
        %parallel_loop3A_188 = arith.constant 112 : index
        %parallel_loop3A_189 = tpu.vector_load %arg18[%parallel_loop3A_187, %parallel_loop3A_188] {strides = array<i32>} : memref<128x128xf32, #tpu.memory_space<vmem>>, vector<1x16xf32>,
        %parallel_loop3A_190 = vector.shape_cast %parallel_loop3A_189 : vector<1x16xf32> to vector<16xf32>
        %parallel_loop3A_191 = arith.mulf %parallel_loop3A_190, %parallel_loop3A_116 : vector<16xf32>
        %parallel_loop3A_192 = arith.index_cast %parallel_loop3A_98 : i32 to index
        %parallel_loop3A_193 = arith.constant 112 : index
        %parallel_loop3A_194 = tpu.vector_load %arg18[%parallel_loop3A_192, %parallel_loop3A_193] {strides = array<i32>} : memref<128x128xf32, #tpu.memory_space<vmem>>, vector<1x16xf32>,
        %parallel_loop3A_195 = vector.shape_cast %parallel_loop3A_194 : vector<1x16xf32> to vector<16xf32>
        %parallel_loop3A_196 = vector.shape_cast %parallel_loop3A_191 : vector<16xf32> to vector<1x16xf32>
        tpu.vector_store %arg18[%parallel_loop3A_192, %parallel_loop3A_193], %parallel_loop3A_196 {strides = array<i32>} : memref<128x128xf32, #tpu.memory_space<vmem>>, vector<1x16xf32>,
      } {sc.loop_unroll_factor = 4 : i64, sc.parallel_access}
      "tpu.region"() ({
        %run_scoped3A_98 = tpu.sem_alloc : memref<!tpu.dma_semaphore, #tpu.memory_space<semaphore_mem>>
        %dma_start3A_99 = arith.constant 0 : i32
        %dma_start3A_100 = tpu.memref_slice %arg9[%arg0, %add3A_93, %dma_start3A_99] : memref<2x10240x128xf32, #tpu.memory_space<hbm>> -> memref<1x128x128xf32, #tpu.memory_space<hbm>>
        %dma_start3A_101 = tpu.memref_squeeze %dma_start3A_100 : memref<1x128x128xf32, #tpu.memory_space<hbm>> -> memref<128x128xf32, #tpu.memory_space<hbm>>
        %dma_start3A_102 = arith.constant 0 : i32
        %dma_start3A_103 = tpu.memref_slice %arg9[%arg0, %add3A_93, %dma_start3A_102] : memref<2x10240x128xf32, #tpu.memory_space<hbm>> -> memref<1x128x128xf32, #tpu.memory_space<hbm>>
        %dma_start3A_104 = tpu.memref_squeeze %dma_start3A_103 : memref<1x128x128xf32, #tpu.memory_space<hbm>> -> memref<128x128xf32, #tpu.memory_space<hbm>>
        tpu.enqueue_dma source(%arg18 : memref<128x128xf32, #tpu.memory_space<vmem>>) target(%dma_start3A_104 : memref<128x128xf32, #tpu.memory_space<hbm>>) target_semaphore(%run_scoped3A_98 : memref<!tpu.dma_semaphore, #tpu.memory_space<semaphore_mem>>)
        %dma_wait3A_105 = arith.constant 0 : i32
        %dma_wait3A_106 = tpu.memref_slice %arg9[%arg0, %add3A_93, %dma_wait3A_105] : memref<2x10240x128xf32, #tpu.memory_space<hbm>> -> memref<1x128x128xf32, #tpu.memory_space<hbm>>
        %dma_wait3A_107 = tpu.memref_squeeze %dma_wait3A_106 : memref<1x128x128xf32, #tpu.memory_space<hbm>> -> memref<128x128xf32, #tpu.memory_space<hbm>>
        %dma_wait3A_108 = arith.constant 0 : i32
        %dma_wait3A_109 = tpu.memref_slice %arg9[%arg0, %add3A_93, %dma_wait3A_108] : memref<2x10240x128xf32, #tpu.memory_space<hbm>> -> memref<1x128x128xf32, #tpu.memory_space<hbm>>
        %dma_wait3A_110 = tpu.memref_squeeze %dma_wait3A_109 : memref<1x128x128xf32, #tpu.memory_space<hbm>> -> memref<128x128xf32, #tpu.memory_space<hbm>>
        tpu.wait_dma2 semaphore(%run_scoped3A_98 : memref<!tpu.dma_semaphore, #tpu.memory_space<semaphore_mem>>) src(%arg18 : memref<128x128xf32, #tpu.memory_space<vmem>>) dst(%dma_wait3A_110 : memref<128x128xf32, #tpu.memory_space<hbm>>)
        tpu.yield
      }) : () -> ()
      %scan3A_97 = arith.constant 0 : i32
      scf.yield %scan3A_97 : i32
    }
    %scan3A_86 = arith.constant 5 : i32
    return
  }
}

module attributes {stable_mosaic.version = 14 : i64} {
  func.func @_k1_body(%arg0: i32, %arg1: memref<1000x256xf32, #tpu.memory_space<vmem>>, %arg2: memref<256x256xf32, #tpu.memory_space<vmem>>, %arg3: memref<1x256xf32, #tpu.memory_space<vmem>>, %arg4: memref<256x32xf32, #tpu.memory_space<vmem>>, %arg5: memref<1x32xf32, #tpu.memory_space<vmem>>, %arg6: memref<1000x128xf32, #tpu.memory_space<vmem>>, %arg7: memref<1000x128xf32, #tpu.memory_space<vmem>>, %arg8: memref<1000x16xf32, #tpu.memory_space<vmem>>, %arg9: memref<1000x16xf32, #tpu.memory_space<vmem>>, %arg10: memref<1x16xf32, #tpu.memory_space<vmem>>, %arg11: memref<1x32xf32, #tpu.memory_space<vmem>>) attributes {dimension_semantics = [#tpu.dimension_semantics<arbitrary>], iteration_bounds = array<i64: 10>, scalar_prefetch = 0 : i64, scratch_operands = 1 : i64, tpu.core_type = #tpu.core_type<tc>, window_params = [{transform_indices = @transform_0, window_bounds = array<i64: 1000, 256>}, {pipeline_mode = #tpu.pipeline_mode<synchronous>, transform_indices = @transform_1, window_bounds = array<i64: 256, 256>}, {pipeline_mode = #tpu.pipeline_mode<synchronous>, transform_indices = @transform_2, window_bounds = array<i64: 1, 256>}, {pipeline_mode = #tpu.pipeline_mode<synchronous>, transform_indices = @transform_3, window_bounds = array<i64: 256, 32>}, {pipeline_mode = #tpu.pipeline_mode<synchronous>, transform_indices = @transform_4, window_bounds = array<i64: 1, 32>}, {transform_indices = @transform_5, window_bounds = array<i64: 1000, 128>}, {transform_indices = @transform_6, window_bounds = array<i64: 1000, 128>}, {transform_indices = @transform_7, window_bounds = array<i64: 1000, 16>}, {transform_indices = @transform_8, window_bounds = array<i64: 1000, 16>}, {pipeline_mode = #tpu.pipeline_mode<synchronous>, transform_indices = @transform_9, window_bounds = array<i64: 1, 16>}]} {
    %get3A = arith.constant 0 : index
    %get3A_0 = arith.constant 0 : index
    %get3A_1 = vector.load %arg1[%get3A, %get3A_0] : memref<1000x256xf32, #tpu.memory_space<vmem>>, vector<1000x256xf32>
    %get3A_2 = arith.constant 0 : index
    %get3A_3 = arith.constant 0 : index
    %get3A_4 = vector.load %arg2[%get3A_2, %get3A_3] : memref<256x256xf32, #tpu.memory_space<vmem>>, vector<256x256xf32>
    %dot_general3A = arith.constant dense<0.000000e+00> : vector<1000x256xf32>
    %dot_general3A_5 = tpu.matmul %get3A_1, %get3A_4, %dot_general3A {dimension_numbers = #tpu.dot_dimension_numbers<[1], [1], [0], [0], [0, 0, 1, 0], [], []>, transpose_lhs_hint = false} : vector<1000x256xf32>, vector<256x256xf32>, vector<1000x256xf32> -> vector<1000x256xf32>
    %get3A_6 = arith.constant 0 : index
    %get3A_7 = arith.constant 0 : index
    %get3A_8 = vector.load %arg3[%get3A_6, %get3A_7] : memref<1x256xf32, #tpu.memory_space<vmem>>, vector<1x256xf32>
    %add3A = vector.broadcast %get3A_8 : vector<1x256xf32> to vector<1000x256xf32>
    %add3A_9 = arith.addf %dot_general3A_5, %add3A : vector<1000x256xf32>
    %slice3A = vector.extract_strided_slice %add3A_9 {offsets = [0, 0], sizes = [1000, 128], strides = [1, 1]} : vector<1000x256xf32> to vector<1000x128xf32>
    %swap3A = arith.constant 0 : index
    %swap3A_10 = arith.constant 0 : index
    %swap3A_11 = vector.load %arg6[%swap3A, %swap3A_10] : memref<1000x128xf32, #tpu.memory_space<vmem>>, vector<1000x128xf32>
    tpu.vector_store %arg6[%swap3A, %swap3A_10], %slice3A {strides = array<i32>} : memref<1000x128xf32, #tpu.memory_space<vmem>>, vector<1000x128xf32>,
    %slice3A_12 = vector.extract_strided_slice %add3A_9 {offsets = [0, 128], sizes = [1000, 128], strides = [1, 1]} : vector<1000x256xf32> to vector<1000x128xf32>
    %swap3A_13 = arith.constant 0 : index
    %swap3A_14 = arith.constant 0 : index
    %swap3A_15 = vector.load %arg7[%swap3A_13, %swap3A_14] : memref<1000x128xf32, #tpu.memory_space<vmem>>, vector<1000x128xf32>
    tpu.vector_store %arg7[%swap3A_13, %swap3A_14], %slice3A_12 {strides = array<i32>} : memref<1000x128xf32, #tpu.memory_space<vmem>>, vector<1000x128xf32>,
    %get3A_16 = arith.constant 0 : index
    %get3A_17 = arith.constant 0 : index
    %get3A_18 = vector.load %arg4[%get3A_16, %get3A_17] : memref<256x32xf32, #tpu.memory_space<vmem>>, vector<256x32xf32>
    %dot_general3A_19 = arith.constant dense<0.000000e+00> : vector<1000x32xf32>
    %dot_general3A_20 = tpu.matmul %add3A_9, %get3A_18, %dot_general3A_19 {dimension_numbers = #tpu.dot_dimension_numbers<[1], [0], [0], [1], [0, 0, 1, 1], [], []>, transpose_lhs_hint = false} : vector<1000x256xf32>, vector<256x32xf32>, vector<1000x32xf32> -> vector<1000x32xf32>
    %get3A_21 = arith.constant 0 : index
    %get3A_22 = arith.constant 0 : index
    %get3A_23 = vector.load %arg5[%get3A_21, %get3A_22] : memref<1x32xf32, #tpu.memory_space<vmem>>, vector<1x32xf32>
    %add3A_24 = vector.broadcast %get3A_23 : vector<1x32xf32> to vector<1000x32xf32>
    %add3A_25 = arith.addf %dot_general3A_20, %add3A_24 : vector<1000x32xf32>
    %slice3A_26 = vector.extract_strided_slice %add3A_25 {offsets = [0, 0], sizes = [1000, 16], strides = [1, 1]} : vector<1000x32xf32> to vector<1000x16xf32>
    %swap3A_27 = arith.constant 0 : index
    %swap3A_28 = arith.constant 0 : index
    %swap3A_29 = vector.load %arg8[%swap3A_27, %swap3A_28] : memref<1000x16xf32, #tpu.memory_space<vmem>>, vector<1000x16xf32>
    tpu.vector_store %arg8[%swap3A_27, %swap3A_28], %slice3A_26 {strides = array<i32>} : memref<1000x16xf32, #tpu.memory_space<vmem>>, vector<1000x16xf32>,
    %slice3A_30 = vector.extract_strided_slice %add3A_25 {offsets = [0, 16], sizes = [1000, 16], strides = [1, 1]} : vector<1000x32xf32> to vector<1000x16xf32>
    %swap3A_31 = arith.constant 0 : index
    %swap3A_32 = arith.constant 0 : index
    %swap3A_33 = vector.load %arg9[%swap3A_31, %swap3A_32] : memref<1000x16xf32, #tpu.memory_space<vmem>>, vector<1000x16xf32>
    tpu.vector_store %arg9[%swap3A_31, %swap3A_32], %slice3A_30 {strides = array<i32>} : memref<1000x16xf32, #tpu.memory_space<vmem>>, vector<1000x16xf32>,
    %reduce_max3A = arith.constant dense<0xFF800000> : vector<32xf32>
    %reduce_max3A_34 = vector.multi_reduction <maximumf>, %add3A_25, %reduce_max3A [0] : vector<1000x32xf32> to vector<32xf32>
    %broadcast_in_dim3A = vector.shape_cast %reduce_max3A_34 : vector<32xf32> to vector<1x32xf32>
    %eq3A = arith.constant 0 : i32
    %eq3A_35 = arith.cmpi eq, %arg0, %eq3A : i32
    %convert_element_type3A = arith.extui %eq3A_35 : i1 to i32
    %cond3A = arith.constant 0 : i32
    %cond3A_36 = arith.cmpi ne, %convert_element_type3A, %cond3A : i32
    scf.if %cond3A_36 {
      %swap3A_54 = arith.constant 0 : index
      %swap3A_55 = arith.constant 0 : index
      %swap3A_56 = vector.load %arg11[%swap3A_54, %swap3A_55] : memref<1x32xf32, #tpu.memory_space<vmem>>, vector<1x32xf32>
      tpu.vector_store %arg11[%swap3A_54, %swap3A_55], %broadcast_in_dim3A {strides = array<i32>} : memref<1x32xf32, #tpu.memory_space<vmem>>, vector<1x32xf32>,
    } else {
    }
    %gt3A = arith.constant 0 : i32
    %gt3A_37 = arith.cmpi sgt, %arg0, %gt3A : i32
    %convert_element_type3A_38 = arith.extui %gt3A_37 : i1 to i32
    %cond3A_39 = arith.constant 0 : i32
    %cond3A_40 = arith.cmpi ne, %convert_element_type3A_38, %cond3A_39 : i32
    scf.if %cond3A_40 {
      %get3A_54 = arith.constant 0 : index
      %get3A_55 = arith.constant 0 : index
      %get3A_56 = vector.load %arg11[%get3A_54, %get3A_55] : memref<1x32xf32, #tpu.memory_space<vmem>>, vector<1x32xf32>
      %max3A = arith.maximumf %get3A_56, %broadcast_in_dim3A : vector<1x32xf32>
      %swap3A_57 = arith.constant 0 : index
      %swap3A_58 = arith.constant 0 : index
      %swap3A_59 = vector.load %arg11[%swap3A_57, %swap3A_58] : memref<1x32xf32, #tpu.memory_space<vmem>>, vector<1x32xf32>
      tpu.vector_store %arg11[%swap3A_57, %swap3A_58], %max3A {strides = array<i32>} : memref<1x32xf32, #tpu.memory_space<vmem>>, vector<1x32xf32>,
    } else {
    }
    %get3A_41 = arith.constant 0 : index
    %get3A_42 = arith.constant 0 : index
    %get3A_43 = vector.load %arg11[%get3A_41, %get3A_42] : memref<1x32xf32, #tpu.memory_space<vmem>>, vector<1x32xf32>
    %slice3A_44 = vector.extract_strided_slice %get3A_43 {offsets = [0, 0], sizes = [1, 16], strides = [1, 1]} : vector<1x32xf32> to vector<1x16xf32>
    %slice3A_45 = vector.extract_strided_slice %get3A_43 {offsets = [0, 16], sizes = [1, 16], strides = [1, 1]} : vector<1x32xf32> to vector<1x16xf32>
    %add3A_46 = arith.addf %slice3A_44, %slice3A_45 : vector<1x16xf32>
    %ge3A = arith.constant 0.000000e+00 : f32
    %ge3A_47 = vector.broadcast %ge3A : f32 to vector<1x16xf32>
    %ge3A_48 = arith.cmpf oge, %add3A_46, %ge3A_47 : vector<1x16xf32>
    %mul3A = arith.constant 2.000000e-01 : f32
    %mul3A_49 = vector.broadcast %mul3A : f32 to vector<1x16xf32>
    %mul3A_50 = arith.mulf %mul3A_49, %add3A_46 : vector<1x16xf32>
    %select_n3A = arith.select %ge3A_48, %add3A_46, %mul3A_50 : vector<1x16xi1>, vector<1x16xf32>
    %swap3A_51 = arith.constant 0 : index
    %swap3A_52 = arith.constant 0 : index
    %swap3A_53 = vector.load %arg10[%swap3A_51, %swap3A_52] : memref<1x16xf32, #tpu.memory_space<vmem>>, vector<1x16xf32>
    tpu.vector_store %arg10[%swap3A_51, %swap3A_52], %select_n3A {strides = array<i32>} : memref<1x16xf32, #tpu.memory_space<vmem>>, vector<1x16xf32>,
    return
  }
  func.func @transform_0(%arg0: i32) -> (i32, i32) {
    %c0_i32 = arith.constant 0 : i32
    %c0_i32_0 = arith.constant 0 : i32
    return %arg0, %c0_i32 : i32, i32
  }
  func.func @transform_1(%arg0: i32) -> (i32, i32) {
    %c0_i32 = arith.constant 0 : i32
    %c0_i32_0 = arith.constant 0 : i32
    %c0_i32_1 = arith.constant 0 : i32
    return %c0_i32, %c0_i32_0 : i32, i32
  }
  func.func @transform_2(%arg0: i32) -> (i32, i32) {
    %c0_i32 = arith.constant 0 : i32
    %c0_i32_0 = arith.constant 0 : i32
    %c0_i32_1 = arith.constant 0 : i32
    return %c0_i32, %c0_i32_0 : i32, i32
  }
  func.func @transform_3(%arg0: i32) -> (i32, i32) {
    %c0_i32 = arith.constant 0 : i32
    %c0_i32_0 = arith.constant 0 : i32
    %c0_i32_1 = arith.constant 0 : i32
    return %c0_i32, %c0_i32_0 : i32, i32
  }
  func.func @transform_4(%arg0: i32) -> (i32, i32) {
    %c0_i32 = arith.constant 0 : i32
    %c0_i32_0 = arith.constant 0 : i32
    %c0_i32_1 = arith.constant 0 : i32
    return %c0_i32, %c0_i32_0 : i32, i32
  }
  func.func @transform_5(%arg0: i32) -> (i32, i32) {
    %c0_i32 = arith.constant 0 : i32
    %c0_i32_0 = arith.constant 0 : i32
    return %arg0, %c0_i32 : i32, i32
  }
  func.func @transform_6(%arg0: i32) -> (i32, i32) {
    %c0_i32 = arith.constant 0 : i32
    %c0_i32_0 = arith.constant 0 : i32
    return %arg0, %c0_i32 : i32, i32
  }
  func.func @transform_7(%arg0: i32) -> (i32, i32) {
    %c0_i32 = arith.constant 0 : i32
    %c0_i32_0 = arith.constant 0 : i32
    return %arg0, %c0_i32 : i32, i32
  }
  func.func @transform_8(%arg0: i32) -> (i32, i32) {
    %c0_i32 = arith.constant 0 : i32
    %c0_i32_0 = arith.constant 0 : i32
    return %arg0, %c0_i32 : i32, i32
  }
  func.func @transform_9(%arg0: i32) -> (i32, i32) {
    %c0_i32 = arith.constant 0 : i32
    %c0_i32_0 = arith.constant 0 : i32
    %c0_i32_1 = arith.constant 0 : i32
    return %c0_i32, %c0_i32_0 : i32, i32
  }
}

module attributes {stable_mosaic.version = 14 : i64} {
  func.func @_k4_body(%arg0: i32, %arg1: memref<1000x128xf32, #tpu.memory_space<vmem>>, %arg2: memref<1000x128xf32, #tpu.memory_space<vmem>>, %arg3: memref<1024x128xbf16, #tpu.memory_space<vmem>>, %arg4: memref<1024x128xbf16, #tpu.memory_space<vmem>>, %arg5: memref<1x1024xf32, #tpu.memory_space<vmem>>, %arg6: memref<256x1024xbf16, #tpu.memory_space<vmem>>, %arg7: memref<1x256xf32, #tpu.memory_space<vmem>>, %arg8: memref<1000x256xf32, #tpu.memory_space<vmem>>) attributes {dimension_semantics = [#tpu.dimension_semantics<arbitrary>], iteration_bounds = array<i64: 10>, scalar_prefetch = 0 : i64, scratch_operands = 0 : i64, tpu.core_type = #tpu.core_type<tc>, window_params = [{transform_indices = @transform_0, window_bounds = array<i64: 1000, 128>}, {transform_indices = @transform_1, window_bounds = array<i64: 1000, 128>}, {pipeline_mode = #tpu.pipeline_mode<synchronous>, transform_indices = @transform_2, window_bounds = array<i64: 1024, 128>}, {pipeline_mode = #tpu.pipeline_mode<synchronous>, transform_indices = @transform_3, window_bounds = array<i64: 1024, 128>}, {pipeline_mode = #tpu.pipeline_mode<synchronous>, transform_indices = @transform_4, window_bounds = array<i64: 1, 1024>}, {pipeline_mode = #tpu.pipeline_mode<synchronous>, transform_indices = @transform_5, window_bounds = array<i64: 256, 1024>}, {pipeline_mode = #tpu.pipeline_mode<synchronous>, transform_indices = @transform_6, window_bounds = array<i64: 1, 256>}, {transform_indices = @transform_7, window_bounds = array<i64: 1000, 256>}]} {
    %get3A = arith.constant 0 : index
    %get3A_0 = arith.constant 0 : index
    %get3A_1 = vector.load %arg1[%get3A, %get3A_0] : memref<1000x128xf32, #tpu.memory_space<vmem>>, vector<1000x128xf32>
    %convert_element_type3A = arith.truncf %get3A_1 : vector<1000x128xf32> to vector<1000x128xbf16>
    %get3A_2 = arith.constant 0 : index
    %get3A_3 = arith.constant 0 : index
    %get3A_4 = vector.load %arg3[%get3A_2, %get3A_3] : memref<1024x128xbf16, #tpu.memory_space<vmem>>, vector<1024x128xbf16>
    %dot_general3A = arith.constant dense<0.000000e+00> : vector<1000x1024xf32>
    %dot_general3A_5 = tpu.matmul %convert_element_type3A, %get3A_4, %dot_general3A {dimension_numbers = #tpu.dot_dimension_numbers<[1], [1], [0], [0], [0, 0, 1, 0], [], []>, transpose_lhs_hint = false} : vector<1000x128xbf16>, vector<1024x128xbf16>, vector<1000x1024xf32> -> vector<1000x1024xf32>
    %get3A_6 = arith.constant 0 : index
    %get3A_7 = arith.constant 0 : index
    %get3A_8 = vector.load %arg2[%get3A_6, %get3A_7] : memref<1000x128xf32, #tpu.memory_space<vmem>>, vector<1000x128xf32>
    %convert_element_type3A_9 = arith.truncf %get3A_8 : vector<1000x128xf32> to vector<1000x128xbf16>
    %get3A_10 = arith.constant 0 : index
    %get3A_11 = arith.constant 0 : index
    %get3A_12 = vector.load %arg4[%get3A_10, %get3A_11] : memref<1024x128xbf16, #tpu.memory_space<vmem>>, vector<1024x128xbf16>
    %dot_general3A_13 = arith.constant dense<0.000000e+00> : vector<1000x1024xf32>
    %dot_general3A_14 = tpu.matmul %convert_element_type3A_9, %get3A_12, %dot_general3A_13 {dimension_numbers = #tpu.dot_dimension_numbers<[1], [1], [0], [0], [0, 0, 1, 0], [], []>, transpose_lhs_hint = false} : vector<1000x128xbf16>, vector<1024x128xbf16>, vector<1000x1024xf32> -> vector<1000x1024xf32>
    %add3A = arith.addf %dot_general3A_5, %dot_general3A_14 : vector<1000x1024xf32>
    %get3A_15 = arith.constant 0 : index
    %get3A_16 = arith.constant 0 : index
    %get3A_17 = vector.load %arg5[%get3A_15, %get3A_16] : memref<1x1024xf32, #tpu.memory_space<vmem>>, vector<1x1024xf32>
    %add3A_18 = vector.broadcast %get3A_17 : vector<1x1024xf32> to vector<1000x1024xf32>
    %add3A_19 = arith.addf %add3A, %add3A_18 : vector<1000x1024xf32>
    %mul3A = arith.constant 5.000000e-01 : f32
    %mul3A_20 = vector.broadcast %mul3A : f32 to vector<1000x1024xf32>
    %mul3A_21 = arith.mulf %mul3A_20, %add3A_19 : vector<1000x1024xf32>
    %mul3A_22 = arith.constant 0.707106769 : f32
    %mul3A_23 = vector.broadcast %mul3A_22 : f32 to vector<1000x1024xf32>
    %mul3A_24 = arith.mulf %add3A_19, %mul3A_23 : vector<1000x1024xf32>
    %erf3A = math.erf %mul3A_24 : vector<1000x1024xf32>
    %add3A_25 = arith.constant 1.000000e+00 : f32
    %add3A_26 = vector.broadcast %add3A_25 : f32 to vector<1000x1024xf32>
    %add3A_27 = arith.addf %add3A_26, %erf3A : vector<1000x1024xf32>
    %mul3A_28 = arith.mulf %mul3A_21, %add3A_27 : vector<1000x1024xf32>
    %convert_element_type3A_29 = arith.truncf %mul3A_28 : vector<1000x1024xf32> to vector<1000x1024xbf16>
    %get3A_30 = arith.constant 0 : index
    %get3A_31 = arith.constant 0 : index
    %get3A_32 = vector.load %arg6[%get3A_30, %get3A_31] : memref<256x1024xbf16, #tpu.memory_space<vmem>>, vector<256x1024xbf16>
    %dot_general3A_33 = arith.constant dense<0.000000e+00> : vector<1000x256xf32>
    %dot_general3A_34 = tpu.matmul %convert_element_type3A_29, %get3A_32, %dot_general3A_33 {dimension_numbers = #tpu.dot_dimension_numbers<[1], [1], [0], [0], [0, 0, 1, 0], [], []>, transpose_lhs_hint = false} : vector<1000x1024xbf16>, vector<256x1024xbf16>, vector<1000x256xf32> -> vector<1000x256xf32>
    %get3A_35 = arith.constant 0 : index
    %get3A_36 = arith.constant 0 : index
    %get3A_37 = vector.load %arg7[%get3A_35, %get3A_36] : memref<1x256xf32, #tpu.memory_space<vmem>>, vector<1x256xf32>
    %add3A_38 = vector.broadcast %get3A_37 : vector<1x256xf32> to vector<1000x256xf32>
    %add3A_39 = arith.addf %dot_general3A_34, %add3A_38 : vector<1000x256xf32>
    %swap3A = arith.constant 0 : index
    %swap3A_40 = arith.constant 0 : index
    %swap3A_41 = vector.load %arg8[%swap3A, %swap3A_40] : memref<1000x256xf32, #tpu.memory_space<vmem>>, vector<1000x256xf32>
    tpu.vector_store %arg8[%swap3A, %swap3A_40], %add3A_39 {strides = array<i32>} : memref<1000x256xf32, #tpu.memory_space<vmem>>, vector<1000x256xf32>,
    return
  }
  func.func @transform_0(%arg0: i32) -> (i32, i32) {
    %c0_i32 = arith.constant 0 : i32
    %c0_i32_0 = arith.constant 0 : i32
    return %arg0, %c0_i32 : i32, i32
  }
  func.func @transform_1(%arg0: i32) -> (i32, i32) {
    %c0_i32 = arith.constant 0 : i32
    %c0_i32_0 = arith.constant 0 : i32
    return %arg0, %c0_i32 : i32, i32
  }
  func.func @transform_2(%arg0: i32) -> (i32, i32) {
    %c0_i32 = arith.constant 0 : i32
    %c0_i32_0 = arith.constant 0 : i32
    %c0_i32_1 = arith.constant 0 : i32
    return %c0_i32, %c0_i32_0 : i32, i32
  }
  func.func @transform_3(%arg0: i32) -> (i32, i32) {
    %c0_i32 = arith.constant 0 : i32
    %c0_i32_0 = arith.constant 0 : i32
    %c0_i32_1 = arith.constant 0 : i32
    return %c0_i32, %c0_i32_0 : i32, i32
  }
  func.func @transform_4(%arg0: i32) -> (i32, i32) {
    %c0_i32 = arith.constant 0 : i32
    %c0_i32_0 = arith.constant 0 : i32
    %c0_i32_1 = arith.constant 0 : i32
    return %c0_i32, %c0_i32_0 : i32, i32
  }
  func.func @transform_5(%arg0: i32) -> (i32, i32) {
    %c0_i32 = arith.constant 0 : i32
    %c0_i32_0 = arith.constant 0 : i32
    %c0_i32_1 = arith.constant 0 : i32
    return %c0_i32, %c0_i32_0 : i32, i32
  }
  func.func @transform_6(%arg0: i32) -> (i32, i32) {
    %c0_i32 = arith.constant 0 : i32
    %c0_i32_0 = arith.constant 0 : i32
    %c0_i32_1 = arith.constant 0 : i32
    return %c0_i32, %c0_i32_0 : i32, i32
  }
  func.func @transform_7(%arg0: i32) -> (i32, i32) {
    %c0_i32 = arith.constant 0 : i32
    %c0_i32_0 = arith.constant 0 : i32
    return %arg0, %c0_i32 : i32, i32
  }
}

</mosaic_0001>

<sc_bundles>
// kernel: kernel.6.cloned.1.call-start
scs
__scs_entry_jumppad:
0x0: {  	(pc) =	sbr.rel $0x88, $3  }
0x1: {  	(tag) =	ssettag $0x0;
	lr =	simm.s32 $0x1  }
0x2: {  	[smem:$0x3F96] =	sst lr;
	_ =	strace $0xD0000000  }
0x3: {  	_ = 	snop  }
0x4: {  	_ = 	snop  }
0x5: {  	_ = 	snop  }
0x6: {  	_ = 	snop  }
0x7: {  	_ = 	snop  }
__scs_overlays_trampoline_lowered:
0x8: {  	[smem:$0x3FA5] =	sst s0  }
0x9: {  	[smem:$0x3FA6] =	sst s1  }
0xa: {  	[smem:$0x3FA7] =	sst s2  }
0xb: {  	[smem:$0x3FA8] =	sst s3  }
0xc: {  	[smem:$0x3FA9] =	sst s4  }
0xd: {  	[smem:$0x3FAA] =	sst s5  }
0xe: {  	[smem:$0x3FAB] =	sst s6  }
0xf: {  	[smem:$0x3FAC] =	sst s7  }
0x10: {  	[smem:$0x3FAD] =	sst s8  }
0x11: {  	[smem:$0x3FAE] =	sst s9;
	s0 =	simm.s32 @!p0 $0x0  }
0x12: {  	s1 =	sld [smem:$0x3F94];
	s0 =	simm.s32 @p0 $0x1  }
0x13: {  	[smem:$0x3FAF] =	sst s0;
	s0 =	simm.s32 @!p1 $0x0  }
0x14: {  	s2 =	sld [smem:$0x3F93];
	s0 =	simm.s32 @p1 $0x1  }
0x15: {  	[smem:$0x3FB0] =	sst s0;
	s0 =	simm.s32 @!p2 $0x0  }
0x16: {  	s3 =	sld [smem:$0x3FDB];
	s0 =	simm.s32 @p2 $0x1  }
0x17: {  	s4 =	simm.s32 $0x1BF5;
	[smem:$0x3FB2] =	sst s0  }
0x18: {  	s0 =	sld [smem:$0x3F95];
	_ =	swait.ge [sflag:s4], $0x0  }
0x19: {  	s7 =	sld [smem:$0x3F96]  }
0x1a: {  	s8 =	sadd.s32 $0xFFFFE003, lr  }
0x1b: {  	s9 =	sadd.s32 $0xFFFFFEF7, lr;
	s5 =	simm.s32 $0xFFFFFFFF;
	p2 =	slt.u32 s8, $0xFFFFF086  }
0x1c: {  	p1 =	slt.u32 s9, $0xF7A;
	s5 =	simm.s32 @!p2 $0x0  }
0x1d: {  	s5 =	simm.s32 @p1 $0x1;
	p0 =	seq.s32 s7, s2  }
0x1e: {  	s7 =	smul.u32 @!p0 $0xF7A, s2;
	p2 =	seq.s32 @!p0 s5, $0x0  }
0x1f: {  	s9 =	smul.u32 $0xF7A, s1;
	s8 =	simm.s32 @!p0 $0x1BF5;
	p2 =	por !p2, p0  }
0x20: {  	[sflag:s8] =	ssyncset.s32 @!p0 $0xFFFFF086;
	s6 =	sadd.s32 @!p0 s3, s7;
	s7 =	simm.s32 @!p0 $0x108  }
0x21: {  	s3 =	sadd.s32 s3, s9;
	s6 =	sadd.s32 @!p0 $0x88, s6;
	s7 =	simm.s32 @p2 $0x1082  }
0x22: {  	[simem:s7], [sflag:s8] =	dma.local @!p0 [hbm:s6], $0xF7A  }
0x23: {  	s9 =	sor.u32 $0xD0000000, s2;
	s6 =	simm.s32 $0x108;
	_ =	swait.ge @!p0 [sflag:s8], $0x0  }
0x24: {  	s3 =	sadd.s32 $0x88, s3;
	s6 =	simm.s32 @!p1 $0x1082;
	[sflag:s4] =	ssyncset.s32 $0xFFFFF086  }
0x25: {  	[simem:s6], [sflag:s4] =	dma.local [hbm:s3], $0xF7A  }
0x26: {  	[smem:$0x3F96] =	sst s1;
	(tag) =	ssettag s2;
	_ =	strace s9  }
0x27: {  	s1 =	sld [smem:$0x3FA6]  }
0x28: {  	s2 =	sld [smem:$0x3FA7]  }
0x29: {  	s4 =	sld [smem:$0x3FA9]  }
0x2a: {  	p0 =	seq.s32 s5, $0x0;
	s5 =	sld [smem:$0x3FAA]  }
0x2b: {  	s6 =	sld [smem:$0x3FAB]  }
0x2c: {  	s7 =	sld [smem:$0x3FAC]  }
0x2d: {  	s3 =	simm.s32 $0x108;
	s8 =	sld [smem:$0x3FAD]  }
0x2e: {  	s3 =	simm.s32 @!p0 $0x1082;
	s9 =	sld [smem:$0x3FAE]  }
0x2f: {  	lr =	sadd.s32 s0, s3;
	s0 =	sld [smem:$0x3FA5]  }
0x30: {  	s3 =	sld [smem:$0x3FA8]  }
0x31: {  	[smem:$0x3FB1] =	sst s10  }
0x32: {  	s10 =	sld [smem:$0x3FAF];
	_ =	sdelay $0x3  }
0x33: {  	p0 =	seq.s32 s10, $0x1;
	s10 =	sld [smem:$0x3FB1];
	_ =	sdelay $0x3  }
0x34: {  	[smem:$0x3FB1] =	sst s10  }
0x35: {  	s10 =	sld [smem:$0x3FB0];
	_ =	sdelay $0x3  }
0x36: {  	p1 =	seq.s32 s10, $0x1;
	s10 =	sld [smem:$0x3FB1];
	_ =	sdelay $0x3  }
0x37: {  	[smem:$0x3FB1] =	sst s10  }
0x38: {  	s10 =	sld [smem:$0x3FB2]  }
0x39: {  	_ = 	snop;
	(pc) =	sbr.ind lr, $3  }
0x3a: {  	_ = 	snop  }
0x3b: {  	_ = 	snop  }
0x3c: {  	p2 =	seq.s32 s10, $0x1;
	s10 =	sld [smem:$0x3FB1]  }
0x3d: {  	_ =	shalt  }
0x3e: {  	_ =	shalt  }
0x3f: {  	_ =	shalt  }
0x40: {  	_ =	shalt  }
0x41: {  	_ =	shalt  }
0x42: {  	_ =	shalt  }
0x43: {  	_ =	shalt  }
0x44: {  	_ =	shalt  }
0x45: {  	_ =	shalt  }
0x46: {  	_ =	shalt  }
0x47: {  	_ =	shalt  }
0x48: {  	_ =	shalt  }
0x49: {  	_ =	shalt  }
0x4a: {  	_ =	shalt  }
0x4b: {  	_ =	shalt  }
0x4c: {  	_ =	shalt  }
0x4d: {  	_ =	shalt  }
0x4e: {  	_ =	shalt  }
0x4f: {  	_ =	shalt  }
0x50: {  	_ =	shalt  }
0x51: {  	_ =	shalt  }
0x52: {  	_ =	shalt  }
0x53: {  	_ =	shalt  }
0x54: {  	_ =	shalt  }
0x55: {  	_ =	shalt  }
0x56: {  	_ =	shalt  }
0x57: {  	_ =	shalt  }
0x58: {  	_ =	shalt  }
0x59: {  	_ =	shalt  }
0x5a: {  	_ =	shalt  }
0x5b: {  	_ =	shalt  }
0x5c: {  	_ =	shalt  }
0x5d: {  	_ =	shalt  }
0x5e: {  	_ =	shalt  }
0x5f: {  	_ =	shalt  }
0x60: {  	_ =	shalt  }
0x61: {  	_ =	shalt  }
0x62: {  	_ =	shalt  }
0x63: {  	_ =	shalt  }
0x64: {  	_ =	shalt  }
0x65: {  	_ =	shalt  }
0x66: {  	_ =	shalt  }
0x67: {  	_ =	shalt  }
0x68: {  	_ =	shalt  }
0x69: {  	_ =	shalt  }
0x6a: {  	_ =	shalt  }
0x6b: {  	_ =	shalt  }
0x6c: {  	_ =	shalt  }
0x6d: {  	_ =	shalt  }
0x6e: {  	_ =	shalt  }
0x6f: {  	_ =	shalt  }
0x70: {  	_ =	shalt  }
0x71: {  	_ =	shalt  }
0x72: {  	_ =	shalt  }
0x73: {  	_ =	shalt  }
0x74: {  	_ =	shalt  }
0x75: {  	_ =	shalt  }
0x76: {  	_ =	shalt  }
0x77: {  	_ =	shalt  }
0x78: {  	_ =	shalt  }
0x79: {  	_ =	shalt  }
0x7a: {  	_ =	shalt  }
0x7b: {  	_ =	shalt  }
0x7c: {  	_ =	shalt  }
0x7d: {  	_ =	shalt  }
0x7e: {  	_ =	shalt  }
0x7f: {  	_ =	shalt  }
0x80: {  	_ =	shalt  }
0x81: {  	_ =	shalt  }
0x82: {  	_ =	shalt  }
0x83: {  	_ =	shalt  }
0x84: {  	_ =	shalt  }
0x85: {  	_ =	shalt  }
0x86: {  	_ =	shalt  }
0x87: {  	_ =	shalt  }
.Lfunc_end0:
.L_simem_size_0:
called_computation_lowered:
.L_overlay_start_0:
0x88: {  	s2 =	sld [smem:$0x3FD9]  }
0x89: {  	s3 =	sld [smem:$0x3FFE];
	_ =	sdelay $0x1  }
0x8a: {  	s1 =	srdreg.scid  }
0x8b: {  	s0 =	sand.u32 $0x1, s1  }
0x8c: {  	s17 =	sshll.u32 s0, $0xA;
	s2 =	sadd.s32 s3, s2  }
0x8d: {  	s2 =	sadd.s32 s2, s17  }
0x8e: {  	[smem:$0x3FBD] =	sst s2  }
0x8f: {  	_ = 	snop  }
0x90: {  	s2 =	sld [smem:$0x3FD0];
	(tm) =	ssettm $0x1  }
0x91: {  	s18 =	sld [smem:$0x3FFB];
	_ =	sdelay $0x3  }
0x92: {  	_ =	strace s18  }
0x93: {  	s3 =	sld [smem:$0x3FFC];
	_ =	sdelay $0x3  }
0x94: {  	_ =	strace s3  }
0x95: {  	s3 =	sld [smem:$0x3FFD];
	_ =	sdelay $0x3  }
0x96: {  	_ =	strace s3  }
0x97: {  	_ =	strace $0x8FFFFFFF  }
0x98: {  	s19 =	sld [smem:$0x3FDB];
	_ =	sdelay $0x1  }
0x99: {  	s4 =	simm.s32 $_scs_section_size  }
0x9a: {  	s5 =	simm.s32 $_size__tile_overlayer_lowered;
	s6 =	simm.s32 $_tile_overlayer_lowered  }
0x9b: {  	s22 =	simm.s32 $0x1BFF;
	s21 =	sshll.u32 s6, $0x1;
	s3 =	sadd.s32 s4, s19  }
0x9c: {  	s7 =	simm.s32 $0x0;
	s20 =	sshll.u32 s5, $0x1;
	s5 =	sadd.s32 s21, s3  }
0x9d: {  	[timem:s7], [sflag:s22] =	dma.local [hbm:s5], s20  }
0x9e: {  	_ =	swait.ge [sflag:s22], s20  }
0x9f: {  	s4 =	ssub.s32 $0x0, s20;
	[sflag:s22] =	ssyncset.done $0x0  }
0xa0: {  	[sflag:s22] =	ssyncadd.s32 s4;
	_ =	sdelay $0x1  }
0xa1: {  	s23 =	simm.s32 $0x1B8B  }
0xa2: {  	_ =	swait.ge [sflag:s23], $0x1  }
0xa3: {  	[sflag:s23] =	ssyncset.done $0x0  }
0xa4: {  	s25 =	simm.s32 $0x1B8E;
	s24 =	sld [smem:$0x3FFE];
	[sflag:s23] =	ssyncadd.s32 $0xFFFFFFFF  }
0xa5: {  	s26 =	simm.s32 $execute0_lowered;
	[smem:$0x3FD2] =	sst s25  }
0xa6: {  	s5 =	sshll.u32 s26, $0x1;
	_ =	strace $0x80000046;
	[dreg:$0x1] =	wrdreg $0xFFFFFFFF  }
0xa7: {  	s28 =	simm.s32 $_size_execute0_lowered;
	s3 =	sadd.s32 s3, s5;
	[dreg:$0x0] =	wrdreg $0x0  }
0xa8: {  	s5 =	sshll.u32 s28, $0x1;
	[dreg:$0x2] =	wrdreg s3  }
0xa9: {  	[dreg:$0x3] =	wrdreg s5  }
0xaa: {  	[dreg:$0x4] =	wrdreg $0xC0  }
0xab: {  	_ =	task [dreg:s7], $0x5FFFF  }
0xac: {  	[dreg:$0x1] =	wrdreg $0xFFFFFFFF  }
0xad: {  	[dreg:$0x0] =	wrdreg $0x60  }
0xae: {  	[dreg:$0x2] =	wrdreg s24  }
0xaf: {  	[dreg:$0x3] =	wrdreg s2  }
0xb0: {  	[dreg:$0x4] =	wrdreg $0x32F00  }
0xb1: {  	[dreg:$0x5] =	wrdreg $0x9  }
0xb2: {  	_ =	task.clear_ibuf [dreg:s7], $0x6FFFF;
	_ =	strace $0x90000046  }
0xb3: {  	s29 =	simm.s32 $0x9;
	_ =	strace $0x80000048  }
0xb4: {  	_ =	swait.ge [sflag:s29], $0x1  }
0xb5: {  	[sflag:s29] =	ssyncadd.s32 $0xFFFFFFFF  }
0xb6: {  	_ =	strace $0x90000048  }
0xb7: {  	_ =	sfence  }
0xb8: {  	s30 =	sld [smem:$0x0];
	_ =	sdelay $0x2  }
0xb9: {  	s31 =	sshll.u32 s1, $0xD;
	s1 =	sshrl.u32 s1, $0x2  }
0xba: {  	s3 =	sand.u32 $0x4000, s31;
	s1 =	sadd.s32 s1, s30  }
0xbb: {  	s0 =	sor.u32 s3, s0;
	s1 =	sshll.u32 s1, $0x11  }
0xbc: {  	s0 =	sor.u32 s1, s0  }
0xbd: {  	s0 =	sadd.s32 $0x8F2B, s0  }
0xbe: {  	[sflag:s0] =	ssyncadd.remote.s32 $0x1  }
0xbf: {  	_ =	sfence.sel $0xFFFF  }
0xc0: {  	[dreg:$0x0] =	wrdreg $0xFFFFFFFF;
	(pc) =	sbr.abs _section_cstart, $3  }
0xc1: {  	[dreg:$0x1] =	wrdreg $0xFFFFFFFF  }
0xc2: {  	_ =	task.clear_ibuf [dreg:s7], $0x2FFFF;
	_ =	strace $0x9FFFFFFF  }
0xc3: {  	(tm) =	ssettm $0x7FFFFFFF  }
tec
execute0_lowered:
.L_overlay_start_1:
0x0: {  	(tag) =	ssettag $0x1  }
0x1: {  	s0 =	rddreg [dreg:$0x0]  }
0x2: {  	s1 =	rddreg [dreg:$0x1]  }
0x3: {  	s3 =	rddreg [dreg:$0x2];
	s4 =	simm.s32 $0x0  }
0x4: {  	s2 =	srdreg.scid;
	s12 =	stileid.u32;
	s28 =	simm.s32 $0x280  }
0x5: {  	s30 =	simm.s32 $0x7D;
	s14 =	simm.s32 $0x300;
	s29 =	simm.s32 $0x7  }
0x6: {  	s31 =	simm.s32 $0x8;
	[smem:$0x7FF] =	sst s4;
	s2 =	sand.u32 $0x1, s2  }
0x7: {  	s9 =	smul.u32 $0x2800, s12;
	s5 =	sadd.s32 $0x5F600, s0;
	s6 =	sadd.s32 $0x5A600, s0  }
0x8: {  	s7 =	sadd.s32 $0x50600, s0;
	s8 =	sadd.s32 $0x55600, s0;
	s11 =	sadd.s32 $0x50400, s0  }
0x9: {  	s15 =	sadd.s32 $0x64600, s0;
	_ =	strace $0x80000047;
	s10 =	smul.u32 $0x28000, s2  }
0xa: {  	[dreg:$0x4] =	wrdreg s11;
	s16 =	ssub.s32 $0x2, s2;
	s2 =	sshll.u32 s2, $0x4  }
0xb: {  	[dreg:$0x5] =	wrdreg s15;
	s15 =	simm.s32 $0x13A0;
	s2 =	sor.u32 s12, s2  }
0xc: {  	s17 =	sshrl.u32 s16, $0x1;
	s12 =	sshll.u32 s12, $0x6;
	s13 =	smul.u32 $0x280, s2  }
0xd: {  	s18 =	sadd.s32 s9, s3;
	s10 =	sadd.s32 s9, s10;
	s11 =	smul.u32 $0x28, s2  }
0xe: {  	s2 =	simm.s32 $0x5;
	s10 =	sshrl.u32 s10, $0x3;
	s19 =	sadd.s32 s5, s13  }
0xf: {  	s0 =	sadd.s32 s10, s0;
	s20 =	sadd.s32 s6, s13;
	[dreg:$0x7] =	wrdreg s19  }
0x10: {  	s10 =	ssub.s32 s16, s17;
	s23 =	sor.u32 $0x1, s11;
	[dreg:$0x8] =	wrdreg s20  }
0x11: {  	s17 =	sor.u32 $0x1C09, s12;
	s24 =	sor.u32 $0x4, s11;
	[dreg:$0xb] =	wrdreg s23  }
0x12: {  	s21 =	sor.u32 $0x10, s13;
	s25 =	sor.u32 $0x5, s11;
	[dreg:$0xc] =	wrdreg s24  }
0x13: {  	s16 =	simm.s32 $0x6;
	s12 =	simm.s32 $0x380;
	[dreg:$0xd] =	wrdreg s25  }
0x14: {  	s22 =	sadd.s32 s5, s21;
	s9 =	sadd.s32 s6, s21;
	[dreg:$0x6] =	wrdreg s17  }
0x15: {  	s0 =	sadd.s32 $0x64C00, s0;
	s26 =	smax.u32 s10, $0x1;
	[dreg:$0x9] =	wrdreg s22  }
0x16: {  	s23 =	simm.s32 $0x9;
	s24 =	simm.s32 $0x2;
	[dreg:$0xa] =	wrdreg s9  }
0x17: {  	s21 =	simm.s32 $0x1B70;
	s20 =	simm.s32 $0x3;
	[dreg:$0xe] =	wrdreg s0  }
0x18: {  	s10 =	simm.s32 $0x0;
	[dreg:$0xf] =	wrdreg s26;
	s9 =	sshrl.u32 s18, $0x3  }
0x19: {  	s22 =	simm.s32 $0x2B10;
	s26 =	simm.s32 $0x4;
	[dreg:$0x10] =	wrdreg s9  }
.LBB2_1:
0x1a: {  	[dreg:$0x11] =	wrdreg s10  }
0x1b: {  	s0 =	rddreg [dreg:$0x5]  }
0x1c: {  	[spmem:s9], [sflag:s17] =	dma.local [hbm:s0], $0x500  }
0x1d: {  	_ =	swait.ge [sflag:s23], $0x500  }
0x1e: {  	[sflag:s23] =	ssyncset.done $0x0  }
0x1f: {  	s18 =	simm.s32 $0x32E0;
	s17 =	rddreg [dreg:$0x4];
	[sflag:s23] =	ssyncadd.s32 $0xFFFFFB00  }
0x20: {  	[tilespmem:s18], [sflag:$0x9] =	stream.linear.gather [hbm4b:s17+s4], $0x10, $0x38;
	[tilespmem:$0x5AF0] =	vst v63  }
0x21: {  	_ =	swait.ge [sflag:s23], $0x10  }
0x22: {  	[sflag:s23] =	ssyncset.done $0x0  }
0x23: {  	[sflag:s23] =	ssyncadd.s32 $0xFFFFFFF0  }
0x24: {  	[bflag:$0x0] =	sbarrier.arrive $0xFFFF  }
0x25: {  	s19 =	rddreg [dreg:$0x7]  }
0x26: {  	v0 =	vld [tilespmem:$0x32E0];
	[tilespmem:s4], [sflag:$0x1] =	stream.linear.gather [hbm4b:s19+s4], $0x80, $0x38  }
0x27: {  	s9 =	simm.s32 $0x200;
	s25 =	rddreg [dreg:$0x8]  }
0x28: {  	[tilespmem:s9], [sflag:$0x1] =	stream.linear.gather [hbm4b:s25+s4], $0x80, $0x38;
	[tilespmem:$0x5AF0] =	vst v63  }
0x29: {  	s13 =	simm.s32 $0x80;
	s10 =	rddreg [dreg:$0x9]  }
0x2a: {  	[tilespmem:s13], [sflag:$0x2] =	stream.linear.gather [hbm4b:s10+s4], $0x80, $0x38;
	[tilespmem:$0x5AF0] =	vst v63  }
0x2b: {  	s18 =	simm.s32 $0x1;
	s17 =	rddreg [dreg:$0xa]  }
0x2c: {  	[tilespmem:s28], [sflag:$0x2] =	stream.linear.gather [hbm4b:s17+s4], $0x80, $0x38;
	[tilespmem:$0x5AF0] =	vst v63  }
0x2d: {  	_ =	swait.ge [sflag:s18], $0x80  }
0x2e: {  	[sflag:s18] =	ssyncset.done $0x0  }
0x2f: {  	[sflag:s18] =	ssyncadd.s32 $0xFFFFFF80  }
0x30: {  	_ =	swait.ge [sflag:s18], $0x80  }
0x31: {  	[sflag:s18] =	ssyncset.done $0x0  }
0x32: {  	s19 =	simm.s32 $0x400;
	[sflag:s18] =	ssyncadd.s32 $0xFFFFFF80  }
0x33: {  	[tilespmem:s19], [sflag:$0x5] =	stream.indirect.gather [hbm4b:s7+s30], $0x10, s4, s30, $0xb8;
	[tilespmem:$0x5AF0] =	vst v63  }
0x34: {  	s0 =	simm.s32 $0x0;
	s25 =	simm.s32 $0xBD0  }
0x35: {  	[tilespmem:s25], [sflag:$0x5] =	stream.indirect.gather [hbm4b:s8+s30], $0x10, s9, s30, $0xb8;
	[tilespmem:$0x5AF0] =	vst v63  }
.LBB2_2:
0x36: {  	_ =	swait.ge [sflag:s2], $0x7D0  }
0x37: {  	[sflag:s2] =	ssyncset.done $0x0  }
0x38: {  	[sflag:s2] =	ssyncadd.s32 $0xFFFFF830  }
0x39: {  	_ =	swait.ge [sflag:s2], $0x7D0  }
0x3a: {  	p0 =	seq.s32 s0, $0x0;
	[sflag:s2] =	ssyncset.done $0x0  }
0x3b: {  	s9 =	simm.s32 @!p0 $0x7;
	[sflag:s2] =	ssyncadd.s32 $0xFFFFF830  }
0x3c: {  	_ =	swait.ge @!p0 [sflag:s9], $0x7D0  }
0x3d: {  	[sflag:s9] =	ssyncset.done @!p0 $0x0  }
0x3e: {  	s13 =	simm.s32 $0xBF0;
	[sflag:s9] =	ssyncadd.s32 @!p0 $0xFFFFF830  }
0x3f: {  	v2 =	vld [tilespmem:s13+$0x20]  }
0x40: {  	s10 =	simm.s32 $0x420;
	v3 =	vld [tilespmem:s13+$0x0]  }
0x41: {  	v4 =	vld [tilespmem:s10+$0x20]  }
0x42: {  	v5 =	vld [tilespmem:s10+$0x0]  }
0x43: {  	v1 =	vld [tilespmem:s13+$0xFFFFFFF0]  }
0x44: {  	v6 =	vld [tilespmem:s10+$0x10]  }
0x45: {  	v7 =	vld [tilespmem:s13+$0x10]  }
0x46: {  	v8 =	vld [tilespmem:s10+$0xFFFFFFF0];
	v2 =	vadd.f32 v2, v4  }
0x47: {  	v4 =	vld [tilespmem:s10+$0xFFFFFFE0];
	v3 =	vadd.f32 v3, v5  }
0x48: {  	s17 =	simm.s32 $0xC40;
	v5 =	vld [tilespmem:s13+$0xFFFFFFE0];
	v9 =	vmul.f32 $2.000000030e-01, v2  }
0x49: {  	s18 =	simm.s32 $0x470;
	v10 =	vld [tilespmem:s17+$0xFFFFFFF0];
	vm0 =	vge.f32 v2, $0.0e+00;
	v11 =	vmul.f32 $2.000000030e-01, v3  }
0x4a: {  	v12 =	vld [tilespmem:s18+$0x20];
	v6 =	vadd.f32 v7, v6;
	vm1 =	vge.f32 v3, $0.0e+00;
	v2 =	vsel vm0, v2, v9  }
0x4b: {  	v13 =	vld [tilespmem:s18+$0x0];
	v1 =	vadd.f32 v1, v8;
	v3 =	vsel vm1, v3, v11;
	v2 =	vsub.f32 v2, v0  }
0x4c: {  	v7 =	vld [tilespmem:s17+$0x20];
	v11 =	vmul.f32 $2.000000030e-01, v6;
	vm0 =	vge.f32 v6, $0.0e+00;
	v3 =	vsub.f32 v3, v0  }
0x4d: {  	v8 =	vld [tilespmem:s17+$0x0];
	vm1 =	vge.f32 v1, $0.0e+00;
	v4 =	vadd.f32 v5, v4;
	v2 =	vmul.f32 $1.442695020e+00, v2  }
0x4e: {  	v9 =	vld [tilespmem:s18+$0xFFFFFFF0];
	v5 =	vmul.f32 $2.000000030e-01, v1;
	v6 =	vsel vm0, v6, v11;
	v3 =	vmul.f32 $1.442695020e+00, v3  }
0x4f: {  	v11 =	vmul.f32 $2.000000030e-01, v4;
	v6 =	vsub.f32 v6, v0;
	(erf) = vpow2.f32 v2  }
0x50: {  	v14 =	vld [tilespmem:s18+$0x10];
	vm0 =	vge.f32 v4, $0.0e+00;
	v1 =	vsel vm1, v1, v5;
	(erf) = vpow2.f32 v3  }
0x51: {  	v5 =	vld [tilespmem:s18+$0xFFFFFFE0];
	v3 =	vsel vm0, v4, v11;
	v4 =	vmul.f32 $1.442695020e+00, v6;
	v6 =	vadd.f32 v7, v12  }
0x52: {  	v8 =	vadd.f32 v8, v13;
	v2 =	vld [tilespmem:s17+$0x10]  }
0x53: {  	v10 =	vadd.f32 v10, v9;
	(erf) = vpow2.f32 v4;
	v4 =	vld [tilespmem:s17+$0xFFFFFFE0];
	v9 =	vmul.f32 $2.000000030e-01, v6  }
0x54: {  	s13 =	simm.s32 $0x4C0;
	v3 =	vsub.f32 v3, v0;
	vm0 =	vge.f32 v6, $0.0e+00  }
0x55: {  	s19 =	simm.s32 $0xC90;
	v15 =	vld [tilespmem:s13+$0x0];
	v1 =	vsub.f32 v1, v0;
	v12 =	vmul.f32 $2.000000030e-01, v8;
	v6 =	vsel vm0, v6, v9  }
0x56: {  	v13 =	vld [tilespmem:s19+$0x20];
	vm1 =	vge.f32 v8, $0.0e+00;
	v3 =	vmul.f32 $1.442695020e+00, v3;
	v6 =	vsub.f32 v6, v0  }
0x57: {  	v11 =	vld [tilespmem:s19+$0xFFFFFFF0];
	v1 =	vmul.f32 $1.442695020e+00, v1;
	v8 =	vsel vm1, v8, v12;
	v2 =	vadd.f32 v2, v14  }
0x58: {  	v12 =	vld [tilespmem:s13+$0x20];
	(erf) = vpow2.f32 v3;
	v4 =	vadd.f32 v4, v5;
	v5 =	vmul.f32 $1.442695020e+00, v6  }
0x59: {  	v9 =	vld [tilespmem:s13+$0xFFFFFFF0];
	v3 =	vsub.f32 v8, v0;
	v8 =	vmul.f32 $2.000000030e-01, v2;
	(erf) = vpow2.f32 v1  }
0x5a: {  	v14 =	vld [tilespmem:s19+$0x0];
	vm0 =	vge.f32 v2, $0.0e+00  }
0x5b: {  	v7 =	vmul.f32 $2.000000030e-01, v10;
	v1 =	vmul.f32 $1.442695020e+00, v3;
	v2 =	vsel vm0, v2, v8  }
0x5c: {  	vm1 =	vge.f32 v10, $0.0e+00;
	s17 =	simm.s32 $0x13C0;
	v3 =	vld [tilespmem:s13+$0x10];
	v2 =	vsub.f32 v2, v0;
	(erf) = vpow2.f32 v5;
	v5 =	vpop (erf)  }
0x5d: {  	v10 =	vsel vm1, v10, v7;
	v6 =	vmul.f32 $2.000000030e-01, v4;
	(erf) = vpow2.f32 v1;
	[tilespmem:s17+$0x20] =	vst v5;
	v5 =	vld [tilespmem:s19+$0x10]  }
0x5e: {  	vm0 =	vge.f32 v4, $0.0e+00;
	v1 =	vadd.f32 v11, v9;
	v11 =	vmul.f32 $1.442695020e+00, v2  }
0x5f: {  	v8 =	vadd.f32 v14, v15;
	v4 =	vsel vm0, v4, v6;
	v6 =	vadd.f32 v13, v12;
	v16 =	vpop (erf)  }
0x60: {  	s9 =	simm.s32 $0xA;
	s10 =	simm.s32 $0xCE0;
	v7 =	vld [tilespmem:s19+$0xFFFFFFE0];
	v12 =	vsub.f32 v10, v0;
	v9 =	vsub.f32 v4, v0;
	v2 =	vpop (erf);
	(erf) = vpow2.f32 v11;
	[tilespmem:s17+$0x0] =	vst v16  }
0x61: {  	s25 =	sshll.u32 s0, $0x2;
	s18 =	simm.s32 $0x1410;
	v4 =	vld [tilespmem:s13+$0xFFFFFFE0];
	s13 =	simm.s32 $0x510;
	vm0 =	vge.f32 v6, $0.0e+00;
	v11 =	vmul.f32 $2.000000030e-01, v6;
	[tilespmem:s17+$0x10] =	vst v2;
	v2 =	vmul.f32 $2.000000030e-01, v1;
	v10 =	vpop (erf)  }
.LBB2_3:
0x62: {  	v13 =	vld [tilespmem:s10+$0xFFFFFFF0];
	s9 =	sadd.s32 $0x5, s9;
	v14 =	vmul.f32 $2.000000030e-01, v8;
	v3 =	vadd.f32 v5, v3;
	v5 =	vmul.f32 $1.442695020e+00, v9;
	[tilespmem:s17+$0xFFFFFFE0] =	vst v10;
	v9 =	vpop (erf)  }
0x63: {  	vm1 =	vge.f32 v8, $0.0e+00;
	v10 =	vld [tilespmem:s10+$0x20];
	p1 =	slt.u32 s9, $0x78;
	v6 =	vsel vm0, v6, v11;
	v15 =	vmul.f32 $1.442695020e+00, v12;
	[tilespmem:s17+$0xFFFFFFF0] =	vst v9;
	s17 =	smov.u32 s18  }
0x64: {  	v12 =	vld [tilespmem:s10+$0x0];
	v8 =	vsel vm1, v8, v14;
	v6 =	vsub.f32 v6, v0;
	(erf) = vpow2.f32 v5  }
0x65: {  	v9 =	vld [tilespmem:s13+$0xFFFFFFF0];
	v5 =	vsub.f32 v8, v0;
	v8 =	vmul.f32 $2.000000030e-01, v3;
	(erf) = vpow2.f32 v15;
	v11 =	vpop (erf)  }
0x66: {  	vm0 =	vge.f32 v3, $0.0e+00;
	v14 =	vld [tilespmem:s13+$0x20];
	v4 =	vadd.f32 v7, v4;
	v16 =	vmul.f32 $1.442695020e+00, v6;
	[tilespmem:s18+$0x20] =	vst v11;
	v7 =	vpop (erf)  }
0x67: {  	v11 =	vld [tilespmem:s13+$0x0];
	v15 =	vmul.f32 $1.442695020e+00, v5;
	v5 =	vsel vm0, v3, v8;
	[tilespmem:s18+$0x0] =	vst v7  }
0x68: {  	v3 =	vld [tilespmem:s13+$0x10];
	v7 =	vmul.f32 $2.000000030e-01, v4;
	v8 =	vsub.f32 v5, v0;
	(erf) = vpow2.f32 v16  }
.Ltmp0:
0x69: {  	vm1 =	vge.f32 v1, $0.0e+00;
	vm0 =	vge.f32 v4, $0.0e+00;
	v5 =	vld [tilespmem:s10+$0x10];
	(erf) = vpow2.f32 v15;
	v6 =	vpop (erf);
	(pc) =	sbr.rel @p1 .LBB2_3-.Ltmp0, $4  }
0x6a: {  	v13 =	vadd.f32 v13, v9;
	v4 =	vsel vm0, v4, v7;
	v7 =	vmul.f32 $1.442695020e+00, v8;
	[tilespmem:s18+$0x10] =	vst v6  }
0x6b: {  	v6 =	vadd.f32 v10, v14;
	v9 =	vsub.f32 v4, v0;
	v14 =	vsel vm1, v1, v2  }
0x6c: {  	v4 =	vld [tilespmem:s13+$0xFFFFFFE0];
	v2 =	vmul.f32 $2.000000030e-01, v13;
	v8 =	vadd.f32 v12, v11;
	(erf) = vpow2.f32 v7;
	v1 =	vmovc v13  }
0x6d: {  	s18 =	sadd.s32 $0x50, s18;
	s13 =	sadd.s32 $0x50, s13;
	v12 =	vsub.f32 v14, v0;
	v7 =	vld [tilespmem:s10+$0xFFFFFFE0];
	vm0 =	vge.f32 v6, $0.0e+00;
	v11 =	vmul.f32 $2.000000030e-01, v6;
	s10 =	sadd.s32 $0x50, s10;
	v10 =	vpop (erf)  }
0x6e: {  	_ = 	snop  }
0x6f: {  	v13 =	vmul.f32 $2.000000030e-01, v8;
	v3 =	vadd.f32 v5, v3  }
0x70: {  	v5 =	vmul.f32 $1.442695020e+00, v9;
	vm1 =	vge.f32 v8, $0.0e+00;
	v6 =	vsel vm0, v6, v11  }
0x71: {  	v9 =	vmul.f32 $1.442695020e+00, v12;
	v8 =	vsel vm1, v8, v13;
	v6 =	vsub.f32 v6, v0  }
0x72: {  	(erf) = vpow2.f32 v5;
	v4 =	vadd.f32 v7, v4;
	v7 =	vmul.f32 $2.000000030e-01, v3  }
0x73: {  	vm0 =	vge.f32 v3, $0.0e+00;
	vm1 =	vge.f32 v1, $0.0e+00;
	v5 =	vsub.f32 v8, v0  }
0x74: {  	(erf) = vpow2.f32 v9;
	v8 =	vmul.f32 $2.000000030e-01, v4;
	v3 =	vsel vm0, v3, v7  }
0x75: {  	v1 =	vsel vm1, v1, v2;
	vm0 =	vge.f32 v4, $0.0e+00;
	v3 =	vsub.f32 v3, v0  }
0x76: {  	v6 =	vmul.f32 $1.442695020e+00, v6;
	v1 =	vsub.f32 v1, v0;
	v4 =	vsel vm0, v4, v8  }
0x77: {  	v5 =	vmul.f32 $1.442695020e+00, v5;
	v4 =	vsub.f32 v4, v0;
	v2 =	vmul.f32 $1.442695020e+00, v3  }
0x78: {  	(erf) = vpow2.f32 v6;
	v1 =	vmul.f32 $1.442695020e+00, v1  }
0x79: {  	(erf) = vpow2.f32 v5;
	v3 =	vmul.f32 $1.442695020e+00, v4  }
0x7a: {  	(erf) = vpow2.f32 v2  }
0x7b: {  	[tilespmem:s17+$0xFFFFFFE0] =	vst v10;
	v2 =	vpop (erf);
	(erf) = vpow2.f32 v3  }
0x7c: {  	[tilespmem:s17+$0xFFFFFFF0] =	vst v2;
	v2 =	vpop (erf);
	(erf) = vpow2.f32 v1  }
0x7d: {  	v1 =	vpop (erf);
	[tilespmem:s18+$0x20] =	vst v2  }
0x7e: {  	v2 =	vpop (erf);
	[tilespmem:s18+$0x0] =	vst v1  }
0x7f: {  	v1 =	vpop (erf);
	[tilespmem:s18+$0x10] =	vst v2  }
0x80: {  	[tilespmem:s18+$0xFFFFFFE0] =	vst v1;
	v1 =	vpop (erf)  }
0x81: {  	s9 =	sadd.s32 $0x50, s18;
	[tilespmem:s18+$0xFFFFFFF0] =	vst v1;
	v1 =	vpop (erf)  }
0x82: {  	[tilespmem:s9+$0x20] =	vst v1;
	v1 =	vpop (erf)  }
0x83: {  	[tilespmem:s9+$0x0] =	vst v1;
	v1 =	vpop (erf)  }
0x84: {  	[tilespmem:s9+$0x10] =	vst v1;
	v1 =	vpop (erf)  }
0x85: {  	[tilespmem:s9+$0xFFFFFFE0] =	vst v1;
	v1 =	vpop (erf)  }
0x86: {  	[tilespmem:s9+$0xFFFFFFF0] =	vst v1  }
0x87: {  	_ =	swait.ge [sflag:s24], $0x80  }
0x88: {  	[sflag:s24] =	ssyncset.done $0x0  }
0x89: {  	[sflag:s24] =	ssyncadd.s32 $0xFFFFFF80  }
0x8a: {  	_ =	swait.ge [sflag:s24], $0x80  }
0x8b: {  	[sflag:s24] =	ssyncset.done $0x0  }
0x8c: {  	s17 =	simm.s32 $0x80;
	[sflag:s24] =	ssyncadd.s32 $0xFFFFFF80  }
0x8d: {  	[tilespmem:s21], [sflag:$0x6] =	stream.indirect.gather [hbm4b:s7+s30], $0x10, s17, s30, $0xb8;
	[tilespmem:$0x5AF0] =	vst v63  }
0x8e: {  	s19 =	sadd.s32 s11, s25;
	s18 =	simm.s32 $0x2340  }
0x8f: {  	[tilespmem:s18], [sflag:$0x6] =	stream.indirect.gather [hbm4b:s8+s30], $0x10, s28, s30, $0xb8;
	[tilespmem:$0x5AF0] =	vst v63  }
0x90: {  	s18 =	sadd.s32 $0x2, s19  }
0x91: {  	s10 =	sshll.u32 s18, $0x4  }
0x92: {  	s10 =	sand.u32 $0x1FFFFFE0, s10  }
0x93: {  	s21 =	simm.s32 $0x100;
	s13 =	sadd.s32 s5, s10  }
0x94: {  	[tilespmem:s21], [sflag:$0x3] =	stream.linear.gather [hbm4b:s13+s4], $0x80, $0x38;
	[tilespmem:$0x5AF0] =	vst v63  }
0x95: {  	s9 =	smul.u32 $0xFA, s19;
	s10 =	sadd.s32 s6, s10  }
0x96: {  	[tilespmem:s14], [sflag:$0x3] =	stream.linear.gather [hbm4b:s10+s4], $0x80, $0x38;
	[tilespmem:$0x5AF0] =	vst v63  }
0x97: {  	s9 =	sadd.s32 s1, s9  }
0x98: {  	[hbm4b:s9+s4] =	stream.linear.scatter [tilespmem:s15], [sflag:$0x7], $0x7D0, $0x38;
	[tilespmem:$0x5AF0] =	vst v63  }
0x99: {  	s17 =	simm.s32 $0x200  }
0x9a: {  	[spmem:s3] =	stream.indirect.scatter.add.f32 [tilespmem:s15], [sflag:$0x9], $0x10, s17, s30, $0xb8;
	[tilespmem:$0x5AF0] =	vst v63  }
0x9b: {  	_ =	swait.ge [sflag:s23], $0x7D0  }
0x9c: {  	[sflag:s23] =	ssyncset.done $0x0  }
0x9d: {  	[sflag:s23] =	ssyncadd.s32 $0xFFFFF830  }
0x9e: {  	_ =	swait.ge [sflag:s16], $0x7D0  }
0x9f: {  	[sflag:s16] =	ssyncset.done $0x0  }
0xa0: {  	[sflag:s16] =	ssyncadd.s32 $0xFFFFF830  }
0xa1: {  	_ =	swait.ge [sflag:s16], $0x7D0  }
0xa2: {  	[sflag:s16] =	ssyncset.done $0x0  }
0xa3: {  	s9 =	simm.s32 @!p0 $0x8;
	[sflag:s16] =	ssyncadd.s32 $0xFFFFF830  }
0xa4: {  	_ =	swait.ge @!p0 [sflag:s9], $0x7D0  }
0xa5: {  	[sflag:s9] =	ssyncset.done @!p0 $0x0  }
0xa6: {  	s19 =	simm.s32 $0x2360;
	[sflag:s9] =	ssyncadd.s32 @!p0 $0xFFFFF830  }
0xa7: {  	v2 =	vld [tilespmem:s19+$0x20]  }
0xa8: {  	s21 =	simm.s32 $0x1B90;
	v3 =	vld [tilespmem:s19+$0x0]  }
0xa9: {  	v4 =	vld [tilespmem:s21+$0x20]  }
0xaa: {  	v5 =	vld [tilespmem:s21+$0x0]  }
0xab: {  	v1 =	vld [tilespmem:s19+$0xFFFFFFF0]  }
0xac: {  	v6 =	vld [tilespmem:s21+$0x10]  }
0xad: {  	v7 =	vld [tilespmem:s19+$0x10]  }
0xae: {  	v8 =	vld [tilespmem:s21+$0xFFFFFFF0];
	v2 =	vadd.f32 v2, v4  }
0xaf: {  	v4 =	vld [tilespmem:s21+$0xFFFFFFE0];
	v3 =	vadd.f32 v3, v5  }
0xb0: {  	v5 =	vld [tilespmem:s19+$0xFFFFFFE0];
	v9 =	vmul.f32 $2.000000030e-01, v2  }
0xb1: {  	s13 =	simm.s32 $0x23B0;
	vm0 =	vge.f32 v2, $0.0e+00;
	v11 =	vmul.f32 $2.000000030e-01, v3  }
0xb2: {  	s17 =	simm.s32 $0x1BE0;
	v10 =	vld [tilespmem:s13+$0xFFFFFFF0];
	v6 =	vadd.f32 v7, v6;
	vm1 =	vge.f32 v3, $0.0e+00;
	v2 =	vsel vm0, v2, v9  }
0xb3: {  	v12 =	vld [tilespmem:s17+$0x20];
	v1 =	vadd.f32 v1, v8;
	v3 =	vsel vm1, v3, v11;
	v2 =	vsub.f32 v2, v0  }
0xb4: {  	v7 =	vld [tilespmem:s13+$0x20];
	v11 =	vmul.f32 $2.000000030e-01, v6;
	vm0 =	vge.f32 v6, $0.0e+00;
	v3 =	vsub.f32 v3, v0  }
0xb5: {  	v13 =	vld [tilespmem:s17+$0x0];
	vm1 =	vge.f32 v1, $0.0e+00;
	v4 =	vadd.f32 v5, v4;
	v2 =	vmul.f32 $1.442695020e+00, v2  }
0xb6: {  	v8 =	vld [tilespmem:s13+$0x0];
	v5 =	vmul.f32 $2.000000030e-01, v1;
	v6 =	vsel vm0, v6, v11;
	v3 =	vmul.f32 $1.442695020e+00, v3  }
0xb7: {  	v9 =	vld [tilespmem:s17+$0xFFFFFFF0];
	v11 =	vmul.f32 $2.000000030e-01, v4;
	v6 =	vsub.f32 v6, v0;
	(erf) = vpow2.f32 v2  }
0xb8: {  	v14 =	vld [tilespmem:s17+$0x10];
	vm0 =	vge.f32 v4, $0.0e+00;
	v1 =	vsel vm1, v1, v5;
	(erf) = vpow2.f32 v3  }
0xb9: {  	v5 =	vld [tilespmem:s17+$0xFFFFFFE0];
	v3 =	vsel vm0, v4, v11;
	v4 =	vmul.f32 $1.442695020e+00, v6;
	v6 =	vadd.f32 v7, v12  }
0xba: {  	v1 =	vsub.f32 v1, v0;
	v2 =	vld [tilespmem:s13+$0x10]  }
0xbb: {  	v7 =	vadd.f32 v8, v13;
	(erf) = vpow2.f32 v4;
	v4 =	vld [tilespmem:s13+$0xFFFFFFE0];
	v8 =	vmul.f32 $2.000000030e-01, v6  }
0xbc: {  	v10 =	vadd.f32 v10, v9;
	v3 =	vsub.f32 v3, v0;
	vm0 =	vge.f32 v6, $0.0e+00  }
0xbd: {  	s19 =	simm.s32 $0x2400;
	v1 =	vmul.f32 $1.442695020e+00, v1;
	v12 =	vmul.f32 $2.000000030e-01, v7;
	v6 =	vsel vm0, v6, v8  }
0xbe: {  	v9 =	vld [tilespmem:s19+$0xFFFFFFF0];
	vm1 =	vge.f32 v7, $0.0e+00;
	v3 =	vmul.f32 $1.442695020e+00, v3;
	v6 =	vsub.f32 v6, v0  }
0xbf: {  	s21 =	simm.s32 $0x1C30;
	v13 =	vld [tilespmem:s19+$0x20];
	v11 =	vmul.f32 $2.000000030e-01, v10;
	v2 =	vadd.f32 v2, v14;
	v7 =	vsel vm1, v7, v12  }
0xc0: {  	v12 =	vld [tilespmem:s21+$0xFFFFFFF0];
	(erf) = vpow2.f32 v3;
	v4 =	vadd.f32 v4, v5;
	v5 =	vmul.f32 $1.442695020e+00, v6  }
0xc1: {  	v14 =	vld [tilespmem:s21+$0x20];
	v3 =	vsub.f32 v7, v0;
	v7 =	vmul.f32 $2.000000030e-01, v2;
	(erf) = vpow2.f32 v1  }
0xc2: {  	v8 =	vld [tilespmem:s19+$0x0];
	vm1 =	vge.f32 v10, $0.0e+00;
	vm0 =	vge.f32 v2, $0.0e+00  }
0xc3: {  	v10 =	vsel vm1, v10, v11;
	v6 =	vld [tilespmem:s21+$0x0];
	v1 =	vmul.f32 $1.442695020e+00, v3;
	v2 =	vsel vm0, v2, v7  }
0xc4: {  	s17 =	simm.s32 $0x2B30;
	v3 =	vld [tilespmem:s21+$0x10];
	v7 =	vmul.f32 $2.000000030e-01, v4;
	v2 =	vsub.f32 v2, v0;
	(erf) = vpow2.f32 v5;
	v5 =	vpop (erf)  }
0xc5: {  	vm0 =	vge.f32 v4, $0.0e+00;
	(erf) = vpow2.f32 v1;
	v1 =	vadd.f32 v9, v12;
	[tilespmem:s17+$0x20] =	vst v5;
	v5 =	vld [tilespmem:s19+$0x10]  }
0xc6: {  	v4 =	vsel vm0, v4, v7;
	v12 =	vmul.f32 $1.442695020e+00, v2;
	v7 =	vadd.f32 v13, v14  }
0xc7: {  	v15 =	vpop (erf);
	v9 =	vsub.f32 v4, v0  }
0xc8: {  	s10 =	simm.s32 $0x2450;
	s9 =	simm.s32 $0xA;
	v4 =	vld [tilespmem:s21+$0xFFFFFFE0];
	v8 =	vadd.f32 v8, v6;
	v2 =	vpop (erf);
	(erf) = vpow2.f32 v12;
	[tilespmem:s17+$0x0] =	vst v15;
	vm0 =	vge.f32 v7, $0.0e+00  }
0xc9: {  	s13 =	simm.s32 $0x1C80;
	v6 =	vld [tilespmem:s19+$0xFFFFFFE0];
	s19 =	simm.s32 $0x2B80;
	v11 =	vmul.f32 $2.000000030e-01, v7;
	v12 =	vsub.f32 v10, v0;
	[tilespmem:s17+$0x10] =	vst v2;
	v2 =	vmul.f32 $2.000000030e-01, v1;
	v10 =	vpop (erf)  }
.LBB2_5:
0xca: {  	v13 =	vld [tilespmem:s10+$0xFFFFFFF0];
	s9 =	sadd.s32 $0x5, s9;
	v14 =	vmul.f32 $2.000000030e-01, v8;
	v3 =	vadd.f32 v5, v3;
	v5 =	vmul.f32 $1.442695020e+00, v9;
	[tilespmem:s17+$0xFFFFFFE0] =	vst v10;
	v9 =	vpop (erf)  }
0xcb: {  	vm1 =	vge.f32 v8, $0.0e+00;
	v10 =	vld [tilespmem:s10+$0x20];
	p0 =	slt.u32 s9, $0x78;
	v7 =	vsel vm0, v7, v11;
	v15 =	vmul.f32 $1.442695020e+00, v12;
	[tilespmem:s17+$0xFFFFFFF0] =	vst v9;
	s17 =	smov.u32 s19  }
0xcc: {  	v12 =	vld [tilespmem:s10+$0x0];
	v8 =	vsel vm1, v8, v14;
	v16 =	vsub.f32 v7, v0;
	(erf) = vpow2.f32 v5  }
0xcd: {  	v9 =	vld [tilespmem:s13+$0xFFFFFFF0];
	v5 =	vsub.f32 v8, v0;
	v8 =	vmul.f32 $2.000000030e-01, v3;
	(erf) = vpow2.f32 v15;
	v11 =	vpop (erf)  }
0xce: {  	vm0 =	vge.f32 v3, $0.0e+00;
	v14 =	vld [tilespmem:s13+$0x20];
	v4 =	vadd.f32 v6, v4;
	v16 =	vmul.f32 $1.442695020e+00, v16;
	[tilespmem:s19+$0x20] =	vst v11;
	v7 =	vpop (erf)  }
0xcf: {  	v11 =	vld [tilespmem:s13+$0x0];
	v15 =	vmul.f32 $1.442695020e+00, v5;
	v5 =	vsel vm0, v3, v8;
	[tilespmem:s19+$0x0] =	vst v7  }
0xd0: {  	v3 =	vld [tilespmem:s13+$0x10];
	v7 =	vmul.f32 $2.000000030e-01, v4;
	v8 =	vsub.f32 v5, v0;
	(erf) = vpow2.f32 v16  }
.Ltmp1:
0xd1: {  	vm1 =	vge.f32 v1, $0.0e+00;
	vm0 =	vge.f32 v4, $0.0e+00;
	v5 =	vld [tilespmem:s10+$0x10];
	(erf) = vpow2.f32 v15;
	v6 =	vpop (erf);
	(pc) =	sbr.rel @p0 .LBB2_5-.Ltmp1, $4  }
0xd2: {  	v13 =	vadd.f32 v13, v9;
	v4 =	vsel vm0, v4, v7;
	v15 =	vmul.f32 $1.442695020e+00, v8;
	[tilespmem:s19+$0x10] =	vst v6  }
0xd3: {  	v7 =	vadd.f32 v10, v14;
	v9 =	vsub.f32 v4, v0;
	v14 =	vsel vm1, v1, v2  }
0xd4: {  	v4 =	vld [tilespmem:s13+$0xFFFFFFE0];
	v2 =	vmul.f32 $2.000000030e-01, v13;
	v8 =	vadd.f32 v12, v11;
	(erf) = vpow2.f32 v15;
	v1 =	vmovc v13  }
0xd5: {  	s19 =	sadd.s32 $0x50, s19;
	s13 =	sadd.s32 $0x50, s13;
	v12 =	vsub.f32 v14, v0;
	v6 =	vld [tilespmem:s10+$0xFFFFFFE0];
	vm0 =	vge.f32 v7, $0.0e+00;
	v11 =	vmul.f32 $2.000000030e-01, v7;
	s10 =	sadd.s32 $0x50, s10;
	v10 =	vpop (erf)  }
0xd6: {  	_ = 	snop  }
0xd7: {  	v13 =	vmul.f32 $2.000000030e-01, v8;
	v3 =	vadd.f32 v5, v3  }
0xd8: {  	v5 =	vmul.f32 $1.442695020e+00, v9;
	vm1 =	vge.f32 v8, $0.0e+00;
	v7 =	vsel vm0, v7, v11  }
0xd9: {  	v9 =	vmul.f32 $1.442695020e+00, v12;
	v8 =	vsel vm1, v8, v13;
	v7 =	vsub.f32 v7, v0  }
0xda: {  	(erf) = vpow2.f32 v5;
	v4 =	vadd.f32 v6, v4;
	v6 =	vmul.f32 $2.000000030e-01, v3  }
0xdb: {  	vm0 =	vge.f32 v3, $0.0e+00;
	vm1 =	vge.f32 v1, $0.0e+00;
	v5 =	vsub.f32 v8, v0  }
0xdc: {  	(erf) = vpow2.f32 v9;
	v8 =	vmul.f32 $2.000000030e-01, v4;
	v3 =	vsel vm0, v3, v6  }
0xdd: {  	v1 =	vsel vm1, v1, v2;
	vm0 =	vge.f32 v4, $0.0e+00;
	v3 =	vsub.f32 v3, v0  }
0xde: {  	v7 =	vmul.f32 $1.442695020e+00, v7;
	v1 =	vsub.f32 v1, v0;
	v4 =	vsel vm0, v4, v8  }
0xdf: {  	v5 =	vmul.f32 $1.442695020e+00, v5;
	v4 =	vsub.f32 v4, v0;
	v2 =	vmul.f32 $1.442695020e+00, v3  }
0xe0: {  	(erf) = vpow2.f32 v7;
	v1 =	vmul.f32 $1.442695020e+00, v1  }
0xe1: {  	(erf) = vpow2.f32 v5;
	v3 =	vmul.f32 $1.442695020e+00, v4  }
0xe2: {  	(erf) = vpow2.f32 v2  }
0xe3: {  	[tilespmem:s17+$0xFFFFFFE0] =	vst v10;
	v2 =	vpop (erf);
	(erf) = vpow2.f32 v3  }
0xe4: {  	[tilespmem:s17+$0xFFFFFFF0] =	vst v2;
	v2 =	vpop (erf);
	(erf) = vpow2.f32 v1  }
0xe5: {  	v1 =	vpop (erf);
	[tilespmem:s19+$0x20] =	vst v2  }
0xe6: {  	v2 =	vpop (erf);
	[tilespmem:s19+$0x0] =	vst v1  }
0xe7: {  	v1 =	vpop (erf);
	[tilespmem:s19+$0x10] =	vst v2  }
0xe8: {  	[tilespmem:s19+$0xFFFFFFE0] =	vst v1;
	v1 =	vpop (erf)  }
0xe9: {  	s9 =	sadd.s32 $0x50, s19;
	[tilespmem:s19+$0xFFFFFFF0] =	vst v1;
	v1 =	vpop (erf)  }
0xea: {  	[tilespmem:s9+$0x20] =	vst v1;
	v1 =	vpop (erf)  }
0xeb: {  	[tilespmem:s9+$0x0] =	vst v1;
	v1 =	vpop (erf)  }
0xec: {  	[tilespmem:s9+$0x10] =	vst v1;
	v1 =	vpop (erf)  }
0xed: {  	[tilespmem:s9+$0xFFFFFFE0] =	vst v1;
	v1 =	vpop (erf)  }
0xee: {  	[tilespmem:s9+$0xFFFFFFF0] =	vst v1  }
0xef: {  	_ =	swait.ge [sflag:s20], $0x80  }
0xf0: {  	[sflag:s20] =	ssyncset.done $0x0  }
0xf1: {  	[sflag:s20] =	ssyncadd.s32 $0xFFFFFF80  }
0xf2: {  	s17 =	sadd.s32 s25, s11;
	_ =	swait.ge [sflag:s20], $0x80  }
0xf3: {  	s21 =	simm.s32 $0x400;
	s17 =	sadd.s32 $0x3, s17;
	[sflag:s20] =	ssyncset.done $0x0  }
0xf4: {  	s10 =	simm.s32 $0x100;
	s9 =	sshll.u32 s17, $0x4;
	[sflag:s20] =	ssyncadd.s32 $0xFFFFFF80  }
0xf5: {  	[tilespmem:s21], [sflag:$0x5] =	stream.indirect.gather [hbm4b:s7+s30], $0x10, s10, s30, $0xb8;
	[tilespmem:$0x5AF0] =	vst v63  }
0xf6: {  	s13 =	simm.s32 $0xBD0;
	s9 =	sand.u32 $0x1FFFFFF0, s9;
	s21 =	rddreg [dreg:$0xb]  }
0xf7: {  	[tilespmem:s13], [sflag:$0x5] =	stream.indirect.gather [hbm4b:s8+s30], $0x10, s14, s30, $0xb8;
	[tilespmem:$0x5AF0] =	vst v63  }
0xf8: {  	s19 =	sadd.s32 s5, s9;
	s10 =	sadd.s32 s25, s21;
	s13 =	simm.s32 $0x180  }
0xf9: {  	[tilespmem:s13], [sflag:$0x4] =	stream.linear.gather [hbm4b:s19+s4], $0x80, $0x38;
	[tilespmem:$0x5AF0] =	vst v63  }
0xfa: {  	s9 =	sadd.s32 s6, s9;
	s10 =	smul.u32 $0xFA, s10  }
0xfb: {  	[tilespmem:s12], [sflag:$0x4] =	stream.linear.gather [hbm4b:s9+s4], $0x80, $0x38;
	[tilespmem:$0x5AF0] =	vst v63  }
0xfc: {  	s13 =	sadd.s32 s1, s10  }
0xfd: {  	[hbm4b:s13+s4] =	stream.linear.scatter [tilespmem:s22], [sflag:$0x8], $0x7D0, $0x38;
	[tilespmem:$0x5AF0] =	vst v63  }
0xfe: {  	_ = 	snop  }
0xff: {  	[spmem:s3] =	stream.indirect.scatter.add.f32 [tilespmem:s22], [sflag:$0x9], $0x10, s28, s30, $0xb8;
	[tilespmem:$0x5AF0] =	vst v63  }
0x100: {  	_ =	swait.ge [sflag:s23], $0x7D0  }
0x101: {  	[sflag:s23] =	ssyncset.done $0x0  }
0x102: {  	[sflag:s23] =	ssyncadd.s32 $0xFFFFF830  }
0x103: {  	_ =	swait.ge [sflag:s2], $0x7D0  }
0x104: {  	[sflag:s2] =	ssyncset.done $0x0  }
0x105: {  	[sflag:s2] =	ssyncadd.s32 $0xFFFFF830  }
0x106: {  	_ =	swait.ge [sflag:s2], $0x7D0  }
0x107: {  	[sflag:s2] =	ssyncset.done $0x0  }
0x108: {  	[sflag:s2] =	ssyncadd.s32 $0xFFFFF830  }
0x109: {  	_ =	swait.ge [sflag:s29], $0x7D0  }
0x10a: {  	[sflag:s29] =	ssyncset.done $0x0  }
0x10b: {  	s19 =	simm.s32 $0xBF0;
	[sflag:s29] =	ssyncadd.s32 $0xFFFFF830  }
0x10c: {  	v2 =	vld [tilespmem:s19+$0x20]  }
0x10d: {  	s21 =	simm.s32 $0x420;
	v3 =	vld [tilespmem:s19+$0x0]  }
0x10e: {  	v4 =	vld [tilespmem:s21+$0x20]  }
0x10f: {  	v5 =	vld [tilespmem:s21+$0x0]  }
0x110: {  	v1 =	vld [tilespmem:s19+$0xFFFFFFF0]  }
0x111: {  	v6 =	vld [tilespmem:s21+$0x10]  }
0x112: {  	v7 =	vld [tilespmem:s19+$0x10]  }
0x113: {  	v8 =	vld [tilespmem:s21+$0xFFFFFFF0];
	v2 =	vadd.f32 v2, v4  }
0x114: {  	v4 =	vld [tilespmem:s21+$0xFFFFFFE0];
	v3 =	vadd.f32 v3, v5  }
0x115: {  	v5 =	vld [tilespmem:s19+$0xFFFFFFE0];
	v9 =	vmul.f32 $2.000000030e-01, v2  }
0x116: {  	s13 =	simm.s32 $0xC40;
	vm0 =	vge.f32 v2, $0.0e+00;
	v11 =	vmul.f32 $2.000000030e-01, v3  }
0x117: {  	v10 =	vld [tilespmem:s13+$0xFFFFFFF0];
	v6 =	vadd.f32 v7, v6;
	vm1 =	vge.f32 v3, $0.0e+00;
	v2 =	vsel vm0, v2, v9  }
0x118: {  	v7 =	vld [tilespmem:s13+$0x20];
	v1 =	vadd.f32 v1, v8;
	s19 =	simm.s32 $0x470;
	v3 =	vsel vm1, v3, v11;
	v2 =	vsub.f32 v2, v0  }
0x119: {  	v12 =	vld [tilespmem:s19+$0x20];
	v11 =	vmul.f32 $2.000000030e-01, v6;
	vm0 =	vge.f32 v6, $0.0e+00;
	v3 =	vsub.f32 v3, v0  }
0x11a: {  	v8 =	vld [tilespmem:s13+$0x0];
	vm1 =	vge.f32 v1, $0.0e+00;
	v4 =	vadd.f32 v5, v4;
	v2 =	vmul.f32 $1.442695020e+00, v2  }
0x11b: {  	v13 =	vld [tilespmem:s19+$0x0];
	v5 =	vmul.f32 $2.000000030e-01, v1;
	v6 =	vsel vm0, v6, v11;
	v3 =	vmul.f32 $1.442695020e+00, v3  }
0x11c: {  	v9 =	vld [tilespmem:s19+$0xFFFFFFF0];
	v11 =	vmul.f32 $2.000000030e-01, v4;
	v6 =	vsub.f32 v6, v0;
	(erf) = vpow2.f32 v2  }
0x11d: {  	v14 =	vld [tilespmem:s19+$0x10];
	vm0 =	vge.f32 v4, $0.0e+00;
	v1 =	vsel vm1, v1, v5;
	(erf) = vpow2.f32 v3  }
0x11e: {  	v5 =	vld [tilespmem:s19+$0xFFFFFFE0];
	v3 =	vsel vm0, v4, v11;
	v4 =	vmul.f32 $1.442695020e+00, v6;
	v6 =	vadd.f32 v7, v12  }
0x11f: {  	v1 =	vsub.f32 v1, v0;
	v2 =	vld [tilespmem:s13+$0x10]  }
0x120: {  	v7 =	vadd.f32 v8, v13;
	(erf) = vpow2.f32 v4;
	v4 =	vld [tilespmem:s13+$0xFFFFFFE0];
	v8 =	vmul.f32 $2.000000030e-01, v6  }
0x121: {  	v10 =	vadd.f32 v10, v9;
	v3 =	vsub.f32 v3, v0;
	vm0 =	vge.f32 v6, $0.0e+00  }
0x122: {  	s9 =	simm.s32 $0xC90;
	v1 =	vmul.f32 $1.442695020e+00, v1;
	v12 =	vmul.f32 $2.000000030e-01, v7;
	v6 =	vsel vm0, v6, v8  }
0x123: {  	v9 =	vld [tilespmem:s9+$0xFFFFFFF0];
	vm1 =	vge.f32 v7, $0.0e+00;
	v3 =	vmul.f32 $1.442695020e+00, v3;
	v6 =	vsub.f32 v6, v0  }
0x124: {  	s21 =	simm.s32 $0x4C0;
	v13 =	vld [tilespmem:s9+$0x20];
	v11 =	vmul.f32 $2.000000030e-01, v10;
	v2 =	vadd.f32 v2, v14;
	v7 =	vsel vm1, v7, v12  }
0x125: {  	v12 =	vld [tilespmem:s21+$0xFFFFFFF0];
	(erf) = vpow2.f32 v3;
	v4 =	vadd.f32 v4, v5;
	v5 =	vmul.f32 $1.442695020e+00, v6  }
0x126: {  	v14 =	vld [tilespmem:s21+$0x20];
	v3 =	vsub.f32 v7, v0;
	v7 =	vmul.f32 $2.000000030e-01, v2;
	(erf) = vpow2.f32 v1  }
0x127: {  	v8 =	vld [tilespmem:s9+$0x0];
	vm1 =	vge.f32 v10, $0.0e+00;
	vm0 =	vge.f32 v2, $0.0e+00  }
0x128: {  	v10 =	vsel vm1, v10, v11;
	v6 =	vld [tilespmem:s21+$0x0];
	v1 =	vmul.f32 $1.442695020e+00, v3;
	v2 =	vsel vm0, v2, v7  }
0x129: {  	s19 =	simm.s32 $0x13C0;
	v3 =	vld [tilespmem:s21+$0x10];
	v7 =	vmul.f32 $2.000000030e-01, v4;
	v2 =	vsub.f32 v2, v0;
	(erf) = vpow2.f32 v5;
	v5 =	vpop (erf)  }
0x12a: {  	vm0 =	vge.f32 v4, $0.0e+00;
	(erf) = vpow2.f32 v1;
	v1 =	vadd.f32 v9, v12;
	[tilespmem:s19+$0x20] =	vst v5;
	v5 =	vld [tilespmem:s9+$0x10]  }
0x12b: {  	v4 =	vsel vm0, v4, v7;
	v12 =	vmul.f32 $1.442695020e+00, v2;
	v7 =	vadd.f32 v13, v14  }
0x12c: {  	v15 =	vpop (erf);
	v9 =	vsub.f32 v4, v0  }
0x12d: {  	s10 =	simm.s32 $0xA;
	s13 =	simm.s32 $0xCE0;
	v4 =	vld [tilespmem:s21+$0xFFFFFFE0];
	v8 =	vadd.f32 v8, v6;
	v2 =	vpop (erf);
	(erf) = vpow2.f32 v12;
	[tilespmem:s19+$0x0] =	vst v15;
	vm0 =	vge.f32 v7, $0.0e+00  }
0x12e: {  	v6 =	vld [tilespmem:s9+$0xFFFFFFE0];
	s21 =	simm.s32 $0x510;
	s9 =	simm.s32 $0x1410;
	v11 =	vmul.f32 $2.000000030e-01, v7;
	v12 =	vsub.f32 v10, v0;
	[tilespmem:s19+$0x10] =	vst v2;
	v2 =	vmul.f32 $2.000000030e-01, v1;
	v10 =	vpop (erf)  }
.LBB2_7:
0x12f: {  	v13 =	vld [tilespmem:s13+$0xFFFFFFF0];
	s10 =	sadd.s32 $0x5, s10;
	v14 =	vmul.f32 $2.000000030e-01, v8;
	v3 =	vadd.f32 v5, v3;
	v5 =	vmul.f32 $1.442695020e+00, v9;
	[tilespmem:s19+$0xFFFFFFE0] =	vst v10;
	v9 =	vpop (erf)  }
0x130: {  	vm1 =	vge.f32 v8, $0.0e+00;
	v10 =	vld [tilespmem:s13+$0x20];
	p0 =	slt.u32 s10, $0x78;
	v7 =	vsel vm0, v7, v11;
	v15 =	vmul.f32 $1.442695020e+00, v12;
	[tilespmem:s19+$0xFFFFFFF0] =	vst v9;
	s19 =	smov.u32 s9  }
0x131: {  	v12 =	vld [tilespmem:s13+$0x0];
	v8 =	vsel vm1, v8, v14;
	v16 =	vsub.f32 v7, v0;
	(erf) = vpow2.f32 v5  }
0x132: {  	v9 =	vld [tilespmem:s21+$0xFFFFFFF0];
	v5 =	vsub.f32 v8, v0;
	v8 =	vmul.f32 $2.000000030e-01, v3;
	(erf) = vpow2.f32 v15;
	v11 =	vpop (erf)  }
0x133: {  	vm0 =	vge.f32 v3, $0.0e+00;
	v14 =	vld [tilespmem:s21+$0x20];
	v4 =	vadd.f32 v6, v4;
	v16 =	vmul.f32 $1.442695020e+00, v16;
	[tilespmem:s9+$0x20] =	vst v11;
	v7 =	vpop (erf)  }
0x134: {  	v11 =	vld [tilespmem:s21+$0x0];
	v15 =	vmul.f32 $1.442695020e+00, v5;
	v5 =	vsel vm0, v3, v8;
	[tilespmem:s9+$0x0] =	vst v7  }
0x135: {  	v3 =	vld [tilespmem:s21+$0x10];
	v7 =	vmul.f32 $2.000000030e-01, v4;
	v8 =	vsub.f32 v5, v0;
	(erf) = vpow2.f32 v16  }
.Ltmp2:
0x136: {  	vm1 =	vge.f32 v1, $0.0e+00;
	vm0 =	vge.f32 v4, $0.0e+00;
	v5 =	vld [tilespmem:s13+$0x10];
	(erf) = vpow2.f32 v15;
	v6 =	vpop (erf);
	(pc) =	sbr.rel @p0 .LBB2_7-.Ltmp2, $4  }
0x137: {  	v13 =	vadd.f32 v13, v9;
	v4 =	vsel vm0, v4, v7;
	v15 =	vmul.f32 $1.442695020e+00, v8;
	[tilespmem:s9+$0x10] =	vst v6  }
0x138: {  	v7 =	vadd.f32 v10, v14;
	v9 =	vsub.f32 v4, v0;
	v14 =	vsel vm1, v1, v2  }
0x139: {  	v4 =	vld [tilespmem:s21+$0xFFFFFFE0];
	v2 =	vmul.f32 $2.000000030e-01, v13;
	v8 =	vadd.f32 v12, v11;
	(erf) = vpow2.f32 v15;
	v1 =	vmovc v13  }
0x13a: {  	s9 =	sadd.s32 $0x50, s9;
	s21 =	sadd.s32 $0x50, s21;
	v12 =	vsub.f32 v14, v0;
	v6 =	vld [tilespmem:s13+$0xFFFFFFE0];
	vm0 =	vge.f32 v7, $0.0e+00;
	v11 =	vmul.f32 $2.000000030e-01, v7;
	s13 =	sadd.s32 $0x50, s13;
	v10 =	vpop (erf)  }
0x13b: {  	_ = 	snop  }
0x13c: {  	v13 =	vmul.f32 $2.000000030e-01, v8;
	v3 =	vadd.f32 v5, v3  }
0x13d: {  	v5 =	vmul.f32 $1.442695020e+00, v9;
	vm1 =	vge.f32 v8, $0.0e+00;
	v7 =	vsel vm0, v7, v11  }
0x13e: {  	v9 =	vmul.f32 $1.442695020e+00, v12;
	v8 =	vsel vm1, v8, v13;
	v7 =	vsub.f32 v7, v0  }
0x13f: {  	(erf) = vpow2.f32 v5;
	v4 =	vadd.f32 v6, v4;
	v6 =	vmul.f32 $2.000000030e-01, v3  }
0x140: {  	vm0 =	vge.f32 v3, $0.0e+00;
	vm1 =	vge.f32 v1, $0.0e+00;
	v5 =	vsub.f32 v8, v0  }
0x141: {  	(erf) = vpow2.f32 v9;
	v8 =	vmul.f32 $2.000000030e-01, v4;
	v3 =	vsel vm0, v3, v6  }
0x142: {  	v1 =	vsel vm1, v1, v2;
	vm0 =	vge.f32 v4, $0.0e+00;
	v3 =	vsub.f32 v3, v0  }
0x143: {  	v7 =	vmul.f32 $1.442695020e+00, v7;
	v1 =	vsub.f32 v1, v0;
	v4 =	vsel vm0, v4, v8  }
0x144: {  	v5 =	vmul.f32 $1.442695020e+00, v5;
	v4 =	vsub.f32 v4, v0;
	v2 =	vmul.f32 $1.442695020e+00, v3  }
0x145: {  	(erf) = vpow2.f32 v7;
	v1 =	vmul.f32 $1.442695020e+00, v1  }
0x146: {  	(erf) = vpow2.f32 v5;
	v3 =	vmul.f32 $1.442695020e+00, v4  }
0x147: {  	(erf) = vpow2.f32 v2  }
0x148: {  	[tilespmem:s19+$0xFFFFFFE0] =	vst v10;
	v2 =	vpop (erf);
	(erf) = vpow2.f32 v3  }
0x149: {  	[tilespmem:s19+$0xFFFFFFF0] =	vst v2;
	v2 =	vpop (erf);
	(erf) = vpow2.f32 v1  }
0x14a: {  	v1 =	vpop (erf);
	[tilespmem:s9+$0x20] =	vst v2  }
0x14b: {  	v2 =	vpop (erf);
	[tilespmem:s9+$0x0] =	vst v1  }
0x14c: {  	v1 =	vpop (erf);
	[tilespmem:s9+$0x10] =	vst v2  }
0x14d: {  	[tilespmem:s9+$0xFFFFFFE0] =	vst v1;
	v1 =	vpop (erf)  }
0x14e: {  	s10 =	sadd.s32 $0x50, s9;
	[tilespmem:s9+$0xFFFFFFF0] =	vst v1;
	v1 =	vpop (erf)  }
0x14f: {  	[tilespmem:s10+$0x20] =	vst v1;
	v1 =	vpop (erf)  }
0x150: {  	[tilespmem:s10+$0x0] =	vst v1;
	v1 =	vpop (erf)  }
0x151: {  	[tilespmem:s10+$0x10] =	vst v1;
	v1 =	vpop (erf)  }
0x152: {  	[tilespmem:s10+$0xFFFFFFE0] =	vst v1;
	v1 =	vpop (erf)  }
0x153: {  	[tilespmem:s10+$0xFFFFFFF0] =	vst v1  }
0x154: {  	_ =	swait.ge [sflag:s26], $0x80  }
0x155: {  	[sflag:s26] =	ssyncset.done $0x0  }
0x156: {  	[sflag:s26] =	ssyncadd.s32 $0xFFFFFF80  }
0x157: {  	s21 =	simm.s32 $0x1B70;
	_ =	swait.ge [sflag:s26], $0x80  }
0x158: {  	p0 =	seq.s32 s0, $0x9;
	[sflag:s26] =	ssyncset.done $0x0;
	s9 =	rddreg [dreg:$0xc]  }
0x159: {  	s19 =	simm.s32 $0x180;
	[sflag:s26] =	ssyncadd.s32 $0xFFFFFF80;
	s9 =	sadd.s32 @!p0 s25, s9  }
0x15a: {  	[tilespmem:s21], [sflag:$0x6] =	stream.indirect.gather [hbm4b:s7+s30], $0x10, s19, s30, $0xb8;
	[tilespmem:$0x5AF0] =	vst v63  }
0x15b: {  	s9 =	sshll.u32 @!p0 s9, $0x4  }
0x15c: {  	s10 =	simm.s32 $0x2340;
	s9 =	sand.u32 @!p0 $0x1FFFFFC0, s9  }
0x15d: {  	[tilespmem:s10], [sflag:$0x6] =	stream.indirect.gather [hbm4b:s8+s30], $0x10, s12, s30, $0xb8;
	[tilespmem:$0x5AF0] =	vst v63  }
0x15e: {  	s13 =	simm.s32 @!p0 $0x0;
	s10 =	sadd.s32 @!p0 s5, s9  }
0x15f: {  	[tilespmem:s13], [sflag:$0x1] =	stream.linear.gather @!p0 [hbm4b:s10+s13], $0x80, $0x38;
	[tilespmem:$0x5AF0] =	vst v63  }
0x160: {  	s18 =	smul.u32 $0xFA, s18;
	s9 =	sadd.s32 @!p0 s6, s9;
	s10 =	simm.s32 @!p0 $0x200  }
0x161: {  	[tilespmem:s10], [sflag:$0x1] =	stream.linear.gather @!p0 [hbm4b:s9+s13], $0x80, $0x38;
	[tilespmem:$0x5AF0] =	vst v63  }
0x162: {  	s13 =	sadd.s32 s1, s18  }
0x163: {  	[hbm4b:s13+s4] =	stream.linear.scatter [tilespmem:s15], [sflag:$0x7], $0x7D0, $0x38;
	[tilespmem:$0x5AF0] =	vst v63  }
0x164: {  	_ = 	snop  }
0x165: {  	[spmem:s3] =	stream.indirect.scatter.add.f32 [tilespmem:s15], [sflag:$0x9], $0x10, s14, s30, $0xb8;
	[tilespmem:$0x5AF0] =	vst v63  }
0x166: {  	_ =	swait.ge [sflag:s23], $0x7D0  }
0x167: {  	[sflag:s23] =	ssyncset.done $0x0  }
0x168: {  	[sflag:s23] =	ssyncadd.s32 $0xFFFFF830  }
0x169: {  	_ =	swait.ge [sflag:s16], $0x7D0  }
0x16a: {  	[sflag:s16] =	ssyncset.done $0x0  }
0x16b: {  	[sflag:s16] =	ssyncadd.s32 $0xFFFFF830  }
0x16c: {  	_ =	swait.ge [sflag:s16], $0x7D0  }
0x16d: {  	[sflag:s16] =	ssyncset.done $0x0  }
0x16e: {  	[sflag:s16] =	ssyncadd.s32 $0xFFFFF830  }
0x16f: {  	_ =	swait.ge [sflag:s31], $0x7D0  }
0x170: {  	[sflag:s31] =	ssyncset.done $0x0  }
0x171: {  	s18 =	simm.s32 $0x2360;
	[sflag:s31] =	ssyncadd.s32 $0xFFFFF830  }
0x172: {  	v2 =	vld [tilespmem:s18+$0x20]  }
0x173: {  	s19 =	simm.s32 $0x1B90;
	v3 =	vld [tilespmem:s18+$0x0]  }
0x174: {  	v4 =	vld [tilespmem:s19+$0x20]  }
0x175: {  	v5 =	vld [tilespmem:s19+$0x0]  }
0x176: {  	v1 =	vld [tilespmem:s18+$0xFFFFFFF0]  }
0x177: {  	v6 =	vld [tilespmem:s19+$0x10]  }
0x178: {  	v7 =	vld [tilespmem:s18+$0x10]  }
0x179: {  	v8 =	vld [tilespmem:s19+$0xFFFFFFF0];
	v2 =	vadd.f32 v2, v4  }
0x17a: {  	v4 =	vld [tilespmem:s19+$0xFFFFFFE0];
	v3 =	vadd.f32 v3, v5  }
0x17b: {  	v5 =	vld [tilespmem:s18+$0xFFFFFFE0];
	v9 =	vmul.f32 $2.000000030e-01, v2  }
0x17c: {  	s13 =	simm.s32 $0x23B0;
	vm0 =	vge.f32 v2, $0.0e+00;
	v11 =	vmul.f32 $2.000000030e-01, v3  }
0x17d: {  	v10 =	vld [tilespmem:s13+$0xFFFFFFF0];
	v6 =	vadd.f32 v7, v6;
	vm1 =	vge.f32 v3, $0.0e+00;
	v2 =	vsel vm0, v2, v9  }
0x17e: {  	v7 =	vld [tilespmem:s13+$0x20];
	v1 =	vadd.f32 v1, v8;
	s18 =	simm.s32 $0x1BE0;
	v3 =	vsel vm1, v3, v11;
	v2 =	vsub.f32 v2, v0  }
0x17f: {  	v12 =	vld [tilespmem:s18+$0x20];
	v11 =	vmul.f32 $2.000000030e-01, v6;
	vm0 =	vge.f32 v6, $0.0e+00;
	v3 =	vsub.f32 v3, v0  }
0x180: {  	v8 =	vld [tilespmem:s13+$0x0];
	vm1 =	vge.f32 v1, $0.0e+00;
	v4 =	vadd.f32 v5, v4;
	v2 =	vmul.f32 $1.442695020e+00, v2  }
0x181: {  	v13 =	vld [tilespmem:s18+$0x0];
	v5 =	vmul.f32 $2.000000030e-01, v1;
	v6 =	vsel vm0, v6, v11;
	v3 =	vmul.f32 $1.442695020e+00, v3  }
0x182: {  	v9 =	vld [tilespmem:s18+$0xFFFFFFF0];
	v11 =	vmul.f32 $2.000000030e-01, v4;
	v6 =	vsub.f32 v6, v0;
	(erf) = vpow2.f32 v2  }
0x183: {  	v14 =	vld [tilespmem:s18+$0x10];
	vm0 =	vge.f32 v4, $0.0e+00;
	v1 =	vsel vm1, v1, v5;
	(erf) = vpow2.f32 v3  }
0x184: {  	v5 =	vld [tilespmem:s18+$0xFFFFFFE0];
	v3 =	vsel vm0, v4, v11;
	v4 =	vmul.f32 $1.442695020e+00, v6;
	v6 =	vadd.f32 v7, v12  }
0x185: {  	v1 =	vsub.f32 v1, v0;
	v2 =	vld [tilespmem:s13+$0x10]  }
0x186: {  	v7 =	vadd.f32 v8, v13;
	(erf) = vpow2.f32 v4;
	v4 =	vld [tilespmem:s13+$0xFFFFFFE0];
	v8 =	vmul.f32 $2.000000030e-01, v6  }
0x187: {  	v10 =	vadd.f32 v10, v9;
	v3 =	vsub.f32 v3, v0;
	vm0 =	vge.f32 v6, $0.0e+00  }
0x188: {  	s9 =	simm.s32 $0x2400;
	v1 =	vmul.f32 $1.442695020e+00, v1;
	v12 =	vmul.f32 $2.000000030e-01, v7;
	v6 =	vsel vm0, v6, v8  }
0x189: {  	v9 =	vld [tilespmem:s9+$0xFFFFFFF0];
	vm1 =	vge.f32 v7, $0.0e+00;
	v3 =	vmul.f32 $1.442695020e+00, v3;
	v6 =	vsub.f32 v6, v0  }
0x18a: {  	s19 =	simm.s32 $0x1C30;
	v13 =	vld [tilespmem:s9+$0x20];
	v11 =	vmul.f32 $2.000000030e-01, v10;
	v2 =	vadd.f32 v2, v14;
	v7 =	vsel vm1, v7, v12  }
0x18b: {  	v12 =	vld [tilespmem:s19+$0xFFFFFFF0];
	(erf) = vpow2.f32 v3;
	v4 =	vadd.f32 v4, v5;
	v5 =	vmul.f32 $1.442695020e+00, v6  }
0x18c: {  	v14 =	vld [tilespmem:s19+$0x20];
	v3 =	vsub.f32 v7, v0;
	v7 =	vmul.f32 $2.000000030e-01, v2;
	(erf) = vpow2.f32 v1  }
0x18d: {  	v8 =	vld [tilespmem:s9+$0x0];
	vm1 =	vge.f32 v10, $0.0e+00;
	vm0 =	vge.f32 v2, $0.0e+00  }
0x18e: {  	v10 =	vsel vm1, v10, v11;
	v6 =	vld [tilespmem:s19+$0x0];
	v1 =	vmul.f32 $1.442695020e+00, v3;
	v2 =	vsel vm0, v2, v7  }
0x18f: {  	s18 =	simm.s32 $0x2B30;
	v3 =	vld [tilespmem:s19+$0x10];
	v7 =	vmul.f32 $2.000000030e-01, v4;
	v2 =	vsub.f32 v2, v0;
	(erf) = vpow2.f32 v5;
	v5 =	vpop (erf)  }
0x190: {  	vm0 =	vge.f32 v4, $0.0e+00;
	(erf) = vpow2.f32 v1;
	v1 =	vadd.f32 v9, v12;
	[tilespmem:s18+$0x20] =	vst v5;
	v5 =	vld [tilespmem:s9+$0x10]  }
0x191: {  	v4 =	vsel vm0, v4, v7;
	v12 =	vmul.f32 $1.442695020e+00, v2;
	v7 =	vadd.f32 v13, v14  }
0x192: {  	v15 =	vpop (erf);
	v9 =	vsub.f32 v4, v0  }
0x193: {  	s10 =	simm.s32 $0xA;
	s13 =	simm.s32 $0x2450;
	v4 =	vld [tilespmem:s19+$0xFFFFFFE0];
	v8 =	vadd.f32 v8, v6;
	v2 =	vpop (erf);
	(erf) = vpow2.f32 v12;
	[tilespmem:s18+$0x0] =	vst v15;
	vm0 =	vge.f32 v7, $0.0e+00  }
0x194: {  	v6 =	vld [tilespmem:s9+$0xFFFFFFE0];
	s19 =	simm.s32 $0x1C80;
	s9 =	simm.s32 $0x2B80;
	v11 =	vmul.f32 $2.000000030e-01, v7;
	v12 =	vsub.f32 v10, v0;
	[tilespmem:s18+$0x10] =	vst v2;
	v2 =	vmul.f32 $2.000000030e-01, v1;
	v10 =	vpop (erf)  }
.LBB2_9:
0x195: {  	v13 =	vld [tilespmem:s13+$0xFFFFFFF0];
	s10 =	sadd.s32 $0x5, s10;
	v14 =	vmul.f32 $2.000000030e-01, v8;
	v3 =	vadd.f32 v5, v3;
	v5 =	vmul.f32 $1.442695020e+00, v9;
	[tilespmem:s18+$0xFFFFFFE0] =	vst v10;
	v9 =	vpop (erf)  }
0x196: {  	vm1 =	vge.f32 v8, $0.0e+00;
	v10 =	vld [tilespmem:s13+$0x20];
	p1 =	slt.u32 s10, $0x78;
	v7 =	vsel vm0, v7, v11;
	v15 =	vmul.f32 $1.442695020e+00, v12;
	[tilespmem:s18+$0xFFFFFFF0] =	vst v9;
	s18 =	smov.u32 s9  }
0x197: {  	v12 =	vld [tilespmem:s13+$0x0];
	v8 =	vsel vm1, v8, v14;
	v16 =	vsub.f32 v7, v0;
	(erf) = vpow2.f32 v5  }
0x198: {  	v9 =	vld [tilespmem:s19+$0xFFFFFFF0];
	v5 =	vsub.f32 v8, v0;
	v8 =	vmul.f32 $2.000000030e-01, v3;
	(erf) = vpow2.f32 v15;
	v11 =	vpop (erf)  }
0x199: {  	vm0 =	vge.f32 v3, $0.0e+00;
	v14 =	vld [tilespmem:s19+$0x20];
	v4 =	vadd.f32 v6, v4;
	v16 =	vmul.f32 $1.442695020e+00, v16;
	[tilespmem:s9+$0x20] =	vst v11;
	v7 =	vpop (erf)  }
0x19a: {  	v11 =	vld [tilespmem:s19+$0x0];
	v15 =	vmul.f32 $1.442695020e+00, v5;
	v5 =	vsel vm0, v3, v8;
	[tilespmem:s9+$0x0] =	vst v7  }
0x19b: {  	v3 =	vld [tilespmem:s19+$0x10];
	v7 =	vmul.f32 $2.000000030e-01, v4;
	v8 =	vsub.f32 v5, v0;
	(erf) = vpow2.f32 v16  }
.Ltmp3:
0x19c: {  	vm1 =	vge.f32 v1, $0.0e+00;
	vm0 =	vge.f32 v4, $0.0e+00;
	v5 =	vld [tilespmem:s13+$0x10];
	(erf) = vpow2.f32 v15;
	v6 =	vpop (erf);
	(pc) =	sbr.rel @p1 .LBB2_9-.Ltmp3, $4  }
0x19d: {  	v13 =	vadd.f32 v13, v9;
	v4 =	vsel vm0, v4, v7;
	v15 =	vmul.f32 $1.442695020e+00, v8;
	[tilespmem:s9+$0x10] =	vst v6  }
0x19e: {  	v7 =	vadd.f32 v10, v14;
	v9 =	vsub.f32 v4, v0;
	v14 =	vsel vm1, v1, v2  }
0x19f: {  	v4 =	vld [tilespmem:s19+$0xFFFFFFE0];
	v2 =	vmul.f32 $2.000000030e-01, v13;
	v8 =	vadd.f32 v12, v11;
	(erf) = vpow2.f32 v15;
	v1 =	vmovc v13  }
0x1a0: {  	s9 =	sadd.s32 $0x50, s9;
	s19 =	sadd.s32 $0x50, s19;
	v12 =	vsub.f32 v14, v0;
	v6 =	vld [tilespmem:s13+$0xFFFFFFE0];
	vm0 =	vge.f32 v7, $0.0e+00;
	v11 =	vmul.f32 $2.000000030e-01, v7;
	s13 =	sadd.s32 $0x50, s13;
	v10 =	vpop (erf)  }
0x1a1: {  	_ = 	snop  }
0x1a2: {  	v13 =	vmul.f32 $2.000000030e-01, v8;
	v3 =	vadd.f32 v5, v3  }
0x1a3: {  	v59 =	vmul.f32 $1.442695020e+00, v9;
	vm1 =	vge.f32 v8, $0.0e+00;
	vm15 =	vge.f32 v1, $0.0e+00  }
0x1a4: {  	v7 =	vsel vm0, v7, v11;
	v60 =	vmul.f32 $1.442695020e+00, v12;
	v1 =	vsel vm15, v1, v2  }
0x1a5: {  	v8 =	vsel vm1, v8, v13;
	v62 =	vmul.f32 $2.000000030e-01, v3;
	v4 =	vadd.f32 v6, v4  }
0x1a6: {  	v7 =	vsub.f32 v7, v0;
	(erf) = vpow2.f32 v59;
	vm13 =	vge.f32 v3, $0.0e+00  }
0x1a7: {  	v1 =	vsub.f32 v1, v0;
	v3 =	vsel vm13, v3, v62;
	v63 =	vmul.f32 $2.000000030e-01, v4  }
0x1a8: {  	v61 =	vsub.f32 v8, v0;
	v3 =	vsub.f32 v3, v0;
	vm14 =	vge.f32 v4, $0.0e+00  }
0x1a9: {  	(erf) = vpow2.f32 v60;
	v7 =	vmul.f32 $1.442695020e+00, v7;
	v4 =	vsel vm14, v4, v63  }
0x1aa: {  	v5 =	vmul.f32 $1.442695020e+00, v61;
	v2 =	vmul.f32 $1.442695020e+00, v3;
	v4 =	vsub.f32 v4, v0  }
0x1ab: {  	v1 =	vmul.f32 $1.442695020e+00, v1;
	(erf) = vpow2.f32 v7  }
0x1ac: {  	(erf) = vpow2.f32 v5;
	v3 =	vmul.f32 $1.442695020e+00, v4  }
0x1ad: {  	(erf) = vpow2.f32 v2  }
0x1ae: {  	[tilespmem:s18+$0xFFFFFFE0] =	vst v10;
	v2 =	vpop (erf);
	(erf) = vpow2.f32 v3  }
0x1af: {  	[tilespmem:s18+$0xFFFFFFF0] =	vst v2;
	v2 =	vpop (erf);
	(erf) = vpow2.f32 v1  }
0x1b0: {  	[tilespmem:s9+$0x20] =	vst v2;
	v1 =	vpop (erf)  }
0x1b1: {  	v2 =	vpop (erf);
	[tilespmem:s9+$0x0] =	vst v1  }
0x1b2: {  	v1 =	vpop (erf);
	[tilespmem:s9+$0x10] =	vst v2  }
0x1b3: {  	v2 =	vpop (erf);
	[tilespmem:s9+$0xFFFFFFE0] =	vst v1  }
0x1b4: {  	s10 =	sadd.s32 $0x50, s9;
	[tilespmem:s9+$0xFFFFFFF0] =	vst v2;
	v1 =	vpop (erf)  }
0x1b5: {  	[tilespmem:s10+$0x20] =	vst v1;
	v1 =	vpop (erf)  }
0x1b6: {  	[tilespmem:s10+$0x0] =	vst v1;
	v1 =	vpop (erf)  }
0x1b7: {  	[tilespmem:s10+$0x10] =	vst v1;
	v1 =	vpop (erf)  }
0x1b8: {  	[tilespmem:s10+$0xFFFFFFE0] =	vst v1;
	v1 =	vpop (erf)  }
0x1b9: {  	s9 =	simm.s32 @!p0 $0x1;
	[tilespmem:s10+$0xFFFFFFF0] =	vst v1  }
0x1ba: {  	_ =	swait.ge @!p0 [sflag:s9], $0x80  }
0x1bb: {  	[sflag:s9] =	ssyncset.done @!p0 $0x0  }
0x1bc: {  	[sflag:s9] =	ssyncadd.s32 @!p0 $0xFFFFFF80  }
0x1bd: {  	_ =	swait.ge @!p0 [sflag:s9], $0x80  }
0x1be: {  	s13 =	simm.s32 @!p0 $0x400;
	[sflag:s9] =	ssyncset.done @!p0 $0x0  }
0x1bf: {  	s10 =	simm.s32 @!p0 $0x0;
	[sflag:s9] =	ssyncadd.s32 @!p0 $0xFFFFFF80;
	s9 =	simm.s32 @!p0 $0x7D  }
0x1c0: {  	[tilespmem:s13], [sflag:$0x5] =	stream.indirect.gather @!p0 [hbm4b:s7+s9], $0x10, s10, s9, $0xb8;
	[tilespmem:$0x5AF0] =	vst v63  }
0x1c1: {  	s18 =	simm.s32 @!p0 $0xBD0;
	s13 =	simm.s32 @!p0 $0x200  }
0x1c2: {  	[tilespmem:s18], [sflag:$0x5] =	stream.indirect.gather @!p0 [hbm4b:s8+s9], $0x10, s13, s9, $0xb8;
	[tilespmem:$0x5AF0] =	vst v63  }
0x1c3: {  	s9 =	rddreg [dreg:$0xd]  }
0x1c4: {  	s9 =	sadd.s32 @!p0 s25, s9  }
0x1c5: {  	s9 =	sshll.u32 @!p0 s9, $0x4  }
0x1c6: {  	s9 =	sand.u32 @!p0 $0x1FFFFFD0, s9  }
0x1c7: {  	s17 =	smul.u32 $0xFA, s17;
	s18 =	simm.s32 @!p0 $0x80;
	s13 =	sadd.s32 @!p0 s5, s9  }
0x1c8: {  	[tilespmem:s18], [sflag:$0x2] =	stream.linear.gather @!p0 [hbm4b:s13+s10], $0x80, $0x38;
	[tilespmem:$0x5AF0] =	vst v63  }
0x1c9: {  	s0 =	sadd.s32 $0x1, s0;
	s9 =	sadd.s32 @!p0 s6, s9;
	s13 =	simm.s32 @!p0 $0x280  }
0x1ca: {  	[tilespmem:s13], [sflag:$0x2] =	stream.linear.gather @!p0 [hbm4b:s9+s10], $0x80, $0x38;
	[tilespmem:$0x5AF0] =	vst v63  }
0x1cb: {  	s25 =	sadd.s32 s1, s17;
	p0 =	sne.s32 s0, $0xA  }
0x1cc: {  	[hbm4b:s25+s4] =	stream.linear.scatter [tilespmem:s22], [sflag:$0x8], $0x7D0, $0x38;
	[tilespmem:$0x5AF0] =	vst v63  }
.Ltmp4:
0x1cd: {  	_ = 	snop;
	(pc) =	sbr.rel @p0 .LBB2_2-.Ltmp4, $4  }
0x1ce: {  	[spmem:s3] =	stream.indirect.scatter.add.f32 [tilespmem:s22], [sflag:$0x9], $0x10, s12, s30, $0xb8;
	[tilespmem:$0x5AF0] =	vst v63  }
0x1cf: {  	_ =	swait.ge [sflag:s23], $0x7D0  }
0x1d0: {  	[sflag:s23] =	ssyncset.done $0x0  }
0x1d1: {  	[sflag:s23] =	ssyncadd.s32 $0xFFFFF830  }
0x1d2: {  	_ =	swait.ge [sflag:s29], $0x7D0  }
0x1d3: {  	[sflag:s29] =	ssyncset.done $0x0  }
0x1d4: {  	[sflag:s29] =	ssyncadd.s32 $0xFFFFF830  }
0x1d5: {  	_ =	swait.ge [sflag:s31], $0x7D0  }
0x1d6: {  	[sflag:s31] =	ssyncset.done $0x0  }
0x1d7: {  	[sflag:s31] =	ssyncadd.s32 $0xFFFFF830  }
0x1d8: {  	[bflag:$0x0] =	sbarrier.arrive $0xFFFF  }
0x1d9: {  	s17 =	rddreg [dreg:$0x6]  }
0x1da: {  	s0 =	rddreg [dreg:$0xe]  }
0x1db: {  	s9 =	rddreg [dreg:$0x10]  }
0x1dc: {  	[hbm:s0], [sflag:s17] =	dma.local [spmem:s9], $0x500  }
0x1dd: {  	_ =	swait.ge [sflag:s23], $0x500  }
0x1de: {  	s10 =	rddreg [dreg:$0x11]  }
0x1df: {  	s25 =	rddreg [dreg:$0xf];
	s10 =	sadd.s32 $0x1, s10  }
0x1e0: {  	p0 =	sne.s32 s10, s25  }
.Ltmp5:
0x1e1: {  	_ = 	snop;
	(pc) =	sbr.rel @p0 .LBB2_1-.Ltmp5, $3  }
0x1e2: {  	_ =	sdelay $0x1  }
0x1e3: {  	[sflag:s23] =	ssyncset.done $0x0  }
0x1e4: {  	[sflag:s23] =	ssyncadd.s32 $0xFFFFFB00  }
0x1e5: {  	_ =	sfence.sel $0x180000  }
0x1e6: {  	[bflag:$0x0] =	sbarrier.arrive $0xFFFF  }
0x1e7: {  	_ =	strace $0x90000047  }
0x1e8: {  	s0 =	stileid.u32;
	[bflag:$0x2] =	sbarrier.arrive $0xFFFF  }
0x1e9: {  	p0 =	sne.s32 s0, $0x0;
	s0 =	rddreg [dreg:$0x3]  }
0x1ea: {  	s0 =	sadd.s32 @!p0 $0x100000, s0  }
0x1eb: {  	[sflag:s0] =	ssyncadd.tile.s32 @!p0 $0x1;
	_ =	shalt  }
.Lfunc_end2:
_tile_overlayer_lowered:
.L_overlay_start_2:
0x1ec: {  	(tag) =	ssettag $0x2  }
0x1ed: {  	s0 =	rddreg [dreg:$0x0];
	s2 =	stileid.u32  }
0x1ee: {  	s1 =	rddreg [dreg:$0x1];
	p0 =	sne.s32 s2, $0x0  }
0x1ef: {  	s3 =	rddreg [dreg:$0x2];
	[bflag:$0x3] =	sbarrier.arrive $0xFFFF;
	s2 =	simm.s32 @!p0 $0x1C09  }
0x1f0: {  	[timem:s3], [sflag:s2] =	dma.local @!p0 [hbm:s0], s1  }
0x1f1: {  	s0 =	simm.s32 @!p0 $0x9  }
0x1f2: {  	_ =	swait.ge @!p0 [sflag:s0], s1  }
0x1f3: {  	s1 =	ssub.s32 @!p0 $0x0, s1;
	[sflag:s0] =	ssyncset.done @!p0 $0x0  }
0x1f4: {  	[sflag:s0] =	ssyncadd.s32 @!p0 s1  }
0x1f5: {  	[bflag:$0x3] =	sbarrier.arrive $0xFFFF  }
0x1f6: {  	_ =	shalt  }

// kernel: kernel.9.cloned.1.call-start
scs
__scs_entry_jumppad:
0x0: {  	(pc) =	sbr.rel $0x88, $3  }
0x1: {  	(tag) =	ssettag $0x0;
	lr =	simm.s32 $0x1  }
0x2: {  	[smem:$0x3F96] =	sst lr;
	_ =	strace $0xD0000000  }
0x3: {  	_ = 	snop  }
0x4: {  	_ = 	snop  }
0x5: {  	_ = 	snop  }
0x6: {  	_ = 	snop  }
0x7: {  	_ = 	snop  }
__scs_overlays_trampoline_lowered:
0x8: {  	[smem:$0x3FA5] =	sst s0  }
0x9: {  	[smem:$0x3FA6] =	sst s1  }
0xa: {  	[smem:$0x3FA7] =	sst s2  }
0xb: {  	[smem:$0x3FA8] =	sst s3  }
0xc: {  	[smem:$0x3FA9] =	sst s4  }
0xd: {  	[smem:$0x3FAA] =	sst s5  }
0xe: {  	[smem:$0x3FAB] =	sst s6  }
0xf: {  	[smem:$0x3FAC] =	sst s7  }
0x10: {  	[smem:$0x3FAD] =	sst s8  }
0x11: {  	[smem:$0x3FAE] =	sst s9;
	s0 =	simm.s32 @!p0 $0x0  }
0x12: {  	s1 =	sld [smem:$0x3F94];
	s0 =	simm.s32 @p0 $0x1  }
0x13: {  	[smem:$0x3FAF] =	sst s0;
	s0 =	simm.s32 @!p1 $0x0  }
0x14: {  	s2 =	sld [smem:$0x3F93];
	s0 =	simm.s32 @p1 $0x1  }
0x15: {  	[smem:$0x3FB0] =	sst s0;
	s0 =	simm.s32 @!p2 $0x0  }
0x16: {  	s3 =	sld [smem:$0x3FDB];
	s0 =	simm.s32 @p2 $0x1  }
0x17: {  	s4 =	simm.s32 $0x1BF5;
	[smem:$0x3FB2] =	sst s0  }
0x18: {  	s0 =	sld [smem:$0x3F95];
	_ =	swait.ge [sflag:s4], $0x0  }
0x19: {  	s7 =	sld [smem:$0x3F96]  }
0x1a: {  	s8 =	sadd.s32 $0xFFFFE003, lr  }
0x1b: {  	s9 =	sadd.s32 $0xFFFFFEF7, lr;
	s5 =	simm.s32 $0xFFFFFFFF;
	p2 =	slt.u32 s8, $0xFFFFF086  }
0x1c: {  	p1 =	slt.u32 s9, $0xF7A;
	s5 =	simm.s32 @!p2 $0x0  }
0x1d: {  	s5 =	simm.s32 @p1 $0x1;
	p0 =	seq.s32 s7, s2  }
0x1e: {  	s7 =	smul.u32 @!p0 $0xF7A, s2;
	p2 =	seq.s32 @!p0 s5, $0x0  }
0x1f: {  	s9 =	smul.u32 $0xF7A, s1;
	s8 =	simm.s32 @!p0 $0x1BF5;
	p2 =	por !p2, p0  }
0x20: {  	[sflag:s8] =	ssyncset.s32 @!p0 $0xFFFFF086;
	s6 =	sadd.s32 @!p0 s3, s7;
	s7 =	simm.s32 @!p0 $0x108  }
0x21: {  	s3 =	sadd.s32 s3, s9;
	s6 =	sadd.s32 @!p0 $0x88, s6;
	s7 =	simm.s32 @p2 $0x1082  }
0x22: {  	[simem:s7], [sflag:s8] =	dma.local @!p0 [hbm:s6], $0xF7A  }
0x23: {  	s9 =	sor.u32 $0xD0000000, s2;
	s6 =	simm.s32 $0x108;
	_ =	swait.ge @!p0 [sflag:s8], $0x0  }
0x24: {  	s3 =	sadd.s32 $0x88, s3;
	s6 =	simm.s32 @!p1 $0x1082;
	[sflag:s4] =	ssyncset.s32 $0xFFFFF086  }
0x25: {  	[simem:s6], [sflag:s4] =	dma.local [hbm:s3], $0xF7A  }
0x26: {  	[smem:$0x3F96] =	sst s1;
	(tag) =	ssettag s2;
	_ =	strace s9  }
0x27: {  	s1 =	sld [smem:$0x3FA6]  }
0x28: {  	s2 =	sld [smem:$0x3FA7]  }
0x29: {  	s4 =	sld [smem:$0x3FA9]  }
0x2a: {  	p0 =	seq.s32 s5, $0x0;
	s5 =	sld [smem:$0x3FAA]  }
0x2b: {  	s6 =	sld [smem:$0x3FAB]  }
0x2c: {  	s7 =	sld [smem:$0x3FAC]  }
0x2d: {  	s3 =	simm.s32 $0x108;
	s8 =	sld [smem:$0x3FAD]  }
0x2e: {  	s3 =	simm.s32 @!p0 $0x1082;
	s9 =	sld [smem:$0x3FAE]  }
0x2f: {  	lr =	sadd.s32 s0, s3;
	s0 =	sld [smem:$0x3FA5]  }
0x30: {  	s3 =	sld [smem:$0x3FA8]  }
0x31: {  	[smem:$0x3FB1] =	sst s10  }
0x32: {  	s10 =	sld [smem:$0x3FAF];
	_ =	sdelay $0x3  }
0x33: {  	p0 =	seq.s32 s10, $0x1;
	s10 =	sld [smem:$0x3FB1];
	_ =	sdelay $0x3  }
0x34: {  	[smem:$0x3FB1] =	sst s10  }
0x35: {  	s10 =	sld [smem:$0x3FB0];
	_ =	sdelay $0x3  }
0x36: {  	p1 =	seq.s32 s10, $0x1;
	s10 =	sld [smem:$0x3FB1];
	_ =	sdelay $0x3  }
0x37: {  	[smem:$0x3FB1] =	sst s10  }
0x38: {  	s10 =	sld [smem:$0x3FB2]  }
0x39: {  	_ = 	snop;
	(pc) =	sbr.ind lr, $3  }
0x3a: {  	_ = 	snop  }
0x3b: {  	_ = 	snop  }
0x3c: {  	p2 =	seq.s32 s10, $0x1;
	s10 =	sld [smem:$0x3FB1]  }
0x3d: {  	_ =	shalt  }
0x3e: {  	_ =	shalt  }
0x3f: {  	_ =	shalt  }
0x40: {  	_ =	shalt  }
0x41: {  	_ =	shalt  }
0x42: {  	_ =	shalt  }
0x43: {  	_ =	shalt  }
0x44: {  	_ =	shalt  }
0x45: {  	_ =	shalt  }
0x46: {  	_ =	shalt  }
0x47: {  	_ =	shalt  }
0x48: {  	_ =	shalt  }
0x49: {  	_ =	shalt  }
0x4a: {  	_ =	shalt  }
0x4b: {  	_ =	shalt  }
0x4c: {  	_ =	shalt  }
0x4d: {  	_ =	shalt  }
0x4e: {  	_ =	shalt  }
0x4f: {  	_ =	shalt  }
0x50: {  	_ =	shalt  }
0x51: {  	_ =	shalt  }
0x52: {  	_ =	shalt  }
0x53: {  	_ =	shalt  }
0x54: {  	_ =	shalt  }
0x55: {  	_ =	shalt  }
0x56: {  	_ =	shalt  }
0x57: {  	_ =	shalt  }
0x58: {  	_ =	shalt  }
0x59: {  	_ =	shalt  }
0x5a: {  	_ =	shalt  }
0x5b: {  	_ =	shalt  }
0x5c: {  	_ =	shalt  }
0x5d: {  	_ =	shalt  }
0x5e: {  	_ =	shalt  }
0x5f: {  	_ =	shalt  }
0x60: {  	_ =	shalt  }
0x61: {  	_ =	shalt  }
0x62: {  	_ =	shalt  }
0x63: {  	_ =	shalt  }
0x64: {  	_ =	shalt  }
0x65: {  	_ =	shalt  }
0x66: {  	_ =	shalt  }
0x67: {  	_ =	shalt  }
0x68: {  	_ =	shalt  }
0x69: {  	_ =	shalt  }
0x6a: {  	_ =	shalt  }
0x6b: {  	_ =	shalt  }
0x6c: {  	_ =	shalt  }
0x6d: {  	_ =	shalt  }
0x6e: {  	_ =	shalt  }
0x6f: {  	_ =	shalt  }
0x70: {  	_ =	shalt  }
0x71: {  	_ =	shalt  }
0x72: {  	_ =	shalt  }
0x73: {  	_ =	shalt  }
0x74: {  	_ =	shalt  }
0x75: {  	_ =	shalt  }
0x76: {  	_ =	shalt  }
0x77: {  	_ =	shalt  }
0x78: {  	_ =	shalt  }
0x79: {  	_ =	shalt  }
0x7a: {  	_ =	shalt  }
0x7b: {  	_ =	shalt  }
0x7c: {  	_ =	shalt  }
0x7d: {  	_ =	shalt  }
0x7e: {  	_ =	shalt  }
0x7f: {  	_ =	shalt  }
0x80: {  	_ =	shalt  }
0x81: {  	_ =	shalt  }
0x82: {  	_ =	shalt  }
0x83: {  	_ =	shalt  }
0x84: {  	_ =	shalt  }
0x85: {  	_ =	shalt  }
0x86: {  	_ =	shalt  }
0x87: {  	_ =	shalt  }
.Lfunc_end0:
.L_simem_size_0:
called_computation.1_lowered:
.L_overlay_start_0:
0x88: {  	s2 =	sld [smem:$0x3FD9]  }
0x89: {  	s3 =	sld [smem:$0x3FFE];
	_ =	sdelay $0x1  }
0x8a: {  	s1 =	srdreg.scid  }
0x8b: {  	s0 =	sand.u32 $0x1, s1  }
0x8c: {  	s17 =	sshll.u32 s0, $0xA;
	s2 =	sadd.s32 s3, s2  }
0x8d: {  	s2 =	sadd.s32 s2, s17  }
0x8e: {  	[smem:$0x3FBD] =	sst s2  }
0x8f: {  	_ = 	snop  }
0x90: {  	s2 =	sld [smem:$0x3FD0];
	(tm) =	ssettm $0x1  }
0x91: {  	s18 =	sld [smem:$0x3FFB];
	_ =	sdelay $0x3  }
0x92: {  	_ =	strace s18  }
0x93: {  	s3 =	sld [smem:$0x3FFC];
	_ =	sdelay $0x3  }
0x94: {  	_ =	strace s3  }
0x95: {  	s3 =	sld [smem:$0x3FFD];
	_ =	sdelay $0x3  }
0x96: {  	_ =	strace s3  }
0x97: {  	_ =	strace $0x8FFFFFFF  }
0x98: {  	s19 =	sld [smem:$0x3FDB];
	_ =	sdelay $0x1  }
0x99: {  	s4 =	simm.s32 $_scs_section_size  }
0x9a: {  	s5 =	simm.s32 $_size__tile_overlayer_lowered;
	s6 =	simm.s32 $_tile_overlayer_lowered  }
0x9b: {  	s22 =	simm.s32 $0x1BFF;
	s21 =	sshll.u32 s6, $0x1;
	s3 =	sadd.s32 s4, s19  }
0x9c: {  	s7 =	simm.s32 $0x0;
	s20 =	sshll.u32 s5, $0x1;
	s5 =	sadd.s32 s21, s3  }
0x9d: {  	[timem:s7], [sflag:s22] =	dma.local [hbm:s5], s20  }
0x9e: {  	_ =	swait.ge [sflag:s22], s20  }
0x9f: {  	s4 =	ssub.s32 $0x0, s20;
	[sflag:s22] =	ssyncset.done $0x0  }
0xa0: {  	[sflag:s22] =	ssyncadd.s32 s4;
	_ =	sdelay $0x1  }
0xa1: {  	s23 =	simm.s32 $0x1B8B  }
0xa2: {  	_ =	swait.ge [sflag:s23], $0x1  }
0xa3: {  	[sflag:s23] =	ssyncset.done $0x0  }
0xa4: {  	s25 =	simm.s32 $0x1B8E;
	s24 =	sld [smem:$0x3FFE];
	[sflag:s23] =	ssyncadd.s32 $0xFFFFFFFF  }
0xa5: {  	s26 =	simm.s32 $execute0_lowered;
	[smem:$0x3FD2] =	sst s25  }
0xa6: {  	s5 =	sshll.u32 s26, $0x1;
	_ =	strace $0x80000049;
	[dreg:$0x1] =	wrdreg $0xFFFFFFFF  }
0xa7: {  	s28 =	simm.s32 $_size_execute0_lowered;
	s3 =	sadd.s32 s3, s5;
	[dreg:$0x0] =	wrdreg $0x0  }
0xa8: {  	s5 =	sshll.u32 s28, $0x1;
	[dreg:$0x2] =	wrdreg s3  }
0xa9: {  	[dreg:$0x3] =	wrdreg s5  }
0xaa: {  	[dreg:$0x4] =	wrdreg $0xC0  }
0xab: {  	_ =	task [dreg:s7], $0x5FFFF  }
0xac: {  	[dreg:$0x1] =	wrdreg $0xFFFFFFFF  }
0xad: {  	[dreg:$0x0] =	wrdreg $0x60  }
0xae: {  	[dreg:$0x2] =	wrdreg s24  }
0xaf: {  	[dreg:$0x3] =	wrdreg s2  }
0xb0: {  	[dreg:$0x4] =	wrdreg $0x94000  }
0xb1: {  	[dreg:$0x5] =	wrdreg $0x9  }
0xb2: {  	_ =	task.clear_ibuf [dreg:s7], $0x6FFFF;
	_ =	strace $0x90000049  }
0xb3: {  	s29 =	simm.s32 $0x9;
	_ =	strace $0x8000004B  }
0xb4: {  	_ =	swait.ge [sflag:s29], $0x1  }
0xb5: {  	[sflag:s29] =	ssyncadd.s32 $0xFFFFFFFF  }
0xb6: {  	_ =	strace $0x9000004B  }
0xb7: {  	_ =	sfence  }
0xb8: {  	s30 =	sld [smem:$0x0];
	_ =	sdelay $0x2  }
0xb9: {  	s31 =	sshll.u32 s1, $0xD;
	s1 =	sshrl.u32 s1, $0x2  }
0xba: {  	s3 =	sand.u32 $0x4000, s31;
	s1 =	sadd.s32 s1, s30  }
0xbb: {  	s0 =	sor.u32 s3, s0;
	s1 =	sshll.u32 s1, $0x11  }
0xbc: {  	s0 =	sor.u32 s1, s0  }
0xbd: {  	s0 =	sadd.s32 $0x8F2B, s0  }
0xbe: {  	[sflag:s0] =	ssyncadd.remote.s32 $0x1  }
0xbf: {  	_ =	sfence.sel $0xFFFF  }
0xc0: {  	[dreg:$0x0] =	wrdreg $0xFFFFFFFF;
	(pc) =	sbr.abs _section_cstart, $3  }
0xc1: {  	[dreg:$0x1] =	wrdreg $0xFFFFFFFF  }
0xc2: {  	_ =	task.clear_ibuf [dreg:s7], $0x2FFFF;
	_ =	strace $0x9FFFFFFF  }
0xc3: {  	(tm) =	ssettm $0x7FFFFFFF  }
tec
execute0_lowered:
.L_overlay_start_1:
0x0: {  	(tag) =	ssettag $0x1  }
0x1: {  	s0 =	rddreg [dreg:$0x0]  }
0x2: {  	s1 =	rddreg [dreg:$0x1]  }
0x3: {  	s2 =	rddreg [dreg:$0x2];
	s3 =	simm.s32 $0x0;
	s4 =	srdreg.scid  }
0x4: {  	s12 =	stileid.u32;
	s30 =	simm.s32 $0x9;
	s31 =	simm.s32 $0x7  }
0x5: {  	[smem:$0x7FF] =	sst s3;
	s5 =	sadd.s32 $0x5F600, s0;
	s13 =	smul.u32 $0x50, s12  }
0x6: {  	s6 =	sadd.s32 $0x5A600, s0;
	s4 =	sand.u32 $0x1, s4;
	s9 =	smul.u32 $0x50000, s12  }
0x7: {  	s7 =	sadd.s32 $0x64C00, s0;
	s8 =	sadd.s32 $0x50400, s0;
	s14 =	smul.u32 $0x280, s12  }
0x8: {  	s10 =	sadd.s32 $0x6EC00, s0;
	s16 =	sshll.u32 s12, $0x6;
	s17 =	smul.u32 $0x500, s12  }
0x9: {  	s18 =	smul.u32 $0x4E20, s12;
	_ =	strace $0x8000004A;
	[dreg:$0x4] =	wrdreg s7  }
0xa: {  	s12 =	smul.u32 $0x27100, s12;
	s29 =	ssub.s32 $0x2, s4;
	[dreg:$0x5] =	wrdreg s8  }
0xb: {  	[dreg:$0x6] =	wrdreg s10;
	p0 =	seq.s32 s4, $0x0;
	s24 =	smul.u32 $0x140000, s4  }
0xc: {  	s4 =	simm.s32 $0x180;
	s10 =	simm.s32 $0x8;
	s11 =	sshrl.u32 s29, $0x1  }
0xd: {  	[dreg:$0x7] =	wrdreg s14;
	s15 =	sshrl.u32 s9, $0x2;
	s9 =	sor.u32 $0x1C09, s16  }
0xe: {  	s19 =	sor.u32 $0x10, s17;
	s14 =	sadd.s32 s6, s17;
	s21 =	sshrl.u32 s12, $0x3  }
0xf: {  	s22 =	sor.u32 $0x1, s13;
	s23 =	sor.u32 $0x20, s17;
	[dreg:$0x8] =	wrdreg s9  }
0x10: {  	s28 =	sor.u32 $0x4, s13;
	s12 =	simm.s32 $0x7D;
	[dreg:$0xa] =	wrdreg s14  }
0x11: {  	s16 =	simm.s32 $0x2;
	s7 =	ssub.s32 s29, s11;
	[dreg:$0xe] =	wrdreg s22  }
0x12: {  	s8 =	sadd.s32 s15, s2;
	s11 =	sadd.s32 s5, s17;
	[dreg:$0x10] =	wrdreg s23  }
0x13: {  	s20 =	sadd.s32 s5, s19;
	s9 =	sadd.s32 s1, s18;
	[dreg:$0x12] =	wrdreg s24  }
0x14: {  	[dreg:$0x15] =	wrdreg s28;
	s24 =	smov.u32 s13;
	s29 =	sor.u32 $0x5, s13  }
0x15: {  	s14 =	simm.s32 $0x8400;
	s15 =	simm.s32 $0x5;
	[dreg:$0x9] =	wrdreg s11  }
0x16: {  	s17 =	simm.s32 $0x4400;
	[dreg:$0xb] =	wrdreg s20;
	s11 =	sadd.s32 s6, s19  }
0x17: {  	[dreg:$0xd] =	wrdreg s9;
	s9 =	sadd.s32 s1, s21;
	s25 =	smax.u32 s7, $0x1  }
0x18: {  	s26 =	sshrl.u32 s8, $0x3;
	[dreg:$0x16] =	wrdreg s29;
	s7 =	simm.s32 $0x380  }
0x19: {  	s8 =	simm.s32 $0x8C00;
	s19 =	simm.s32 $0x0;
	[dreg:$0xc] =	wrdreg s11  }
0x1a: {  	s11 =	simm.s32 $0x2000;
	s9 =	sadd.s32 $0xFA, s9;
	[dreg:$0x13] =	wrdreg s25  }
0x1b: {  	[dreg:$0x14] =	wrdreg s26;
	s26 =	sor.u32 $0x2, s13;
	s13 =	simm.s32 $0x400  }
0x1c: {  	s25 =	simm.s32 $0x300;
	[dreg:$0xf] =	wrdreg s9;
	s11 =	simm.s32 @!p0 $0x29200  }
0x1d: {  	s9 =	simm.s32 $0x6;
	s21 =	sadd.s32 s11, s0;
	s0 =	sadd.s32 $0x69C00, s0  }
0x1e: {  	s11 =	simm.s32 $0x4;
	[dreg:$0x11] =	wrdreg s0;
	s0 =	simm.s32 $0x3  }
.LBB2_1:
0x1f: {  	[dreg:$0x17] =	wrdreg s19  }
0x20: {  	s18 =	rddreg [dreg:$0x5]  }
0x21: {  	s22 =	rddreg [dreg:$0x8]  }
0x22: {  	s20 =	rddreg [dreg:$0x14]  }
0x23: {  	[spmem:s20], [sflag:s22] =	dma.local [hbm:s18], $0x2800  }
0x24: {  	_ =	swait.ge [sflag:s30], $0x2800  }
0x25: {  	[sflag:s30] =	ssyncset.done $0x0  }
0x26: {  	[sflag:s30] =	ssyncadd.s32 $0xFFFFD800  }
0x27: {  	[bflag:$0x0] =	sbarrier.arrive $0xFFFF  }
0x28: {  	s23 =	rddreg [dreg:$0x9]  }
0x29: {  	[tilespmem:s3], [sflag:$0x1] =	stream.linear.gather [hbm4b:s23+s3], $0x80, $0x38;
	[tilespmem:$0x1D400] =	vst v63  }
0x2a: {  	s29 =	simm.s32 $0x200;
	s28 =	rddreg [dreg:$0xa]  }
0x2b: {  	[tilespmem:s29], [sflag:$0x1] =	stream.linear.gather [hbm4b:s28+s3], $0x80, $0x38;
	[tilespmem:$0x1D400] =	vst v63  }
0x2c: {  	s20 =	simm.s32 $0x80;
	s19 =	rddreg [dreg:$0xb]  }
0x2d: {  	[tilespmem:s20], [sflag:$0x2] =	stream.linear.gather [hbm4b:s19+s3], $0x80, $0x38;
	[tilespmem:$0x1D400] =	vst v63  }
0x2e: {  	s22 =	rddreg [dreg:$0xc];
	s23 =	simm.s32 $0x280;
	s28 =	simm.s32 $0x1  }
0x2f: {  	[tilespmem:s23], [sflag:$0x2] =	stream.linear.gather [hbm4b:s22+s3], $0x80, $0x38;
	[tilespmem:$0x1D400] =	vst v63  }
0x30: {  	_ =	swait.ge [sflag:s28], $0x80  }
0x31: {  	[sflag:s28] =	ssyncset.done $0x0  }
0x32: {  	[sflag:s28] =	ssyncadd.s32 $0xFFFFFF80  }
0x33: {  	_ =	swait.ge [sflag:s28], $0x80  }
0x34: {  	[sflag:s28] =	ssyncset.done $0x0  }
0x35: {  	[sflag:s28] =	ssyncadd.s32 $0xFFFFFF80  }
0x36: {  	[tilespmem:s13], [sflag:$0x5] =	stream.indirect.gather [hbm4b:s21+s12], $0x80, s3, s12, $0xb8;
	[tilespmem:$0x1D400] =	vst v63  }
0x37: {  	s18 =	simm.s32 $0x0;
	s29 =	rddreg [dreg:$0xd]  }
0x38: {  	[tilespmem:s14], [sflag:$0x5] =	stream.linear.gather [hbm4b:s29+s3], $0x7D0, $0x38;
	[tilespmem:$0x1D400] =	vst v63  }
.LBB2_2:
0x39: {  	_ =	swait.ge [sflag:s15], $0x3E80  }
0x3a: {  	[sflag:s15] =	ssyncset.done $0x0  }
0x3b: {  	[sflag:s15] =	ssyncadd.s32 $0xFFFFC180  }
0x3c: {  	_ =	swait.ge [sflag:s15], $0x7D0  }
0x3d: {  	[sflag:s15] =	ssyncset.done $0x0  }
0x3e: {  	s22 =	simm.s32 $0x8420;
	[sflag:s15] =	ssyncadd.s32 $0xFFFFF830  }
0x3f: {  	s19 =	simm.s32 $0x540;
	v3 =	vld [tilespmem:s22+$0x20]  }
0x40: {  	v7 =	vld [tilespmem:s19+$0x130]  }
0x41: {  	v4 =	vld [tilespmem:s19+$0xFFFFFEC0]  }
0x42: {  	v5 =	vld [tilespmem:s19+$0xFFFFFED0]  }
0x43: {  	v6 =	vld [tilespmem:s19+$0xFFFFFEE0]  }
0x44: {  	v1 =	vld [tilespmem:s19+$0xFFFFFEF0]  }
0x45: {  	v0 =	vld [tilespmem:s19+$0xFFFFFF00]  }
0x46: {  	v8 =	vld [tilespmem:s22+$0xFFFFFFF0]  }
0x47: {  	v2 =	vld [tilespmem:s19+$0xFFFFFF40]  }
0x48: {  	v9 =	vld [tilespmem:s19+$0xFFFFFF50]  }
0x49: {  	v10 =	vld [tilespmem:s19+$0xFFFFFF60]  }
0x4a: {  	v11 =	vld [tilespmem:s19+$0xFFFFFF70]  }
0x4b: {  	v12 =	vld [tilespmem:s19+$0xFFFFFF80]  }
0x4c: {  	v14 =	vld [tilespmem:s19+$0xFFFFFF90]  }
0x4d: {  	v15 =	vld [tilespmem:s19+$0xFFFFFFA0]  }
0x4e: {  	v16 =	vld [tilespmem:s22+$0x0]  }
0x4f: {  	v17 =	vld [tilespmem:s19+$0xFFFFFFC0]  }
0x50: {  	v18 =	vld [tilespmem:s19+$0xFFFFFFD0];
	v13 =	vmul.f32 v2, v8  }
0x51: {  	v19 =	vld [tilespmem:s19+$0x20];
	v7 =	vmul.f32 v7, v3  }
0x52: {  	v63 =	vld [tilespmem:s19+$0xE0];
	v9 =	vmul.f32 v9, v8;
	[tilespmem:s19+$0xFFFFFF40] =	vst v13  }
0x53: {  	v2 =	vld [tilespmem:s19+$0xFFFFFF10];
	v14 =	vmul.f32 v14, v8;
	[tilespmem:s19+$0x130] =	vst v7  }
0x54: {  	v13 =	vld [tilespmem:s19+$0xFFFFFFB0];
	[tilespmem:s19+$0xFFFFFF50] =	vst v9;
	v9 =	vmul.f32 v11, v8  }
0x55: {  	v7 =	vmul.f32 v10, v8;
	v10 =	vld [tilespmem:s19+$0xFFFFFFE0];
	[tilespmem:s19+$0xFFFFFF90] =	vst v14  }
0x56: {  	v11 =	vld [tilespmem:s19+$0xFFFFFFF0];
	[tilespmem:s19+$0xFFFFFF70] =	vst v9;
	v9 =	vmul.f32 v17, v16  }
0x57: {  	v14 =	vld [tilespmem:s22+$0x10];
	[tilespmem:s19+$0xFFFFFF60] =	vst v7;
	v7 =	vmul.f32 v12, v8  }
0x58: {  	v12 =	vld [tilespmem:s19+$0x0];
	[tilespmem:s19+$0xFFFFFFC0] =	vst v9;
	v9 =	vmul.f32 v15, v8  }
0x59: {  	v17 =	vld [tilespmem:s19+$0x10];
	[tilespmem:s19+$0xFFFFFF80] =	vst v7;
	v8 =	vmul.f32 v13, v8  }
0x5a: {  	v13 =	vld [tilespmem:s19+$0x30];
	[tilespmem:s19+$0xFFFFFFA0] =	vst v9;
	v9 =	vmul.f32 v18, v16  }
0x5b: {  	[tilespmem:s19+$0xFFFFFFB0] =	vst v8;
	v8 =	vmul.f32 v10, v16;
	v10 =	vld [tilespmem:s19+$0x40]  }
0x5c: {  	v7 =	vld [tilespmem:s19+$0xFFFFFF20];
	[tilespmem:s19+$0xFFFFFFD0] =	vst v9;
	v9 =	vmul.f32 v11, v16  }
0x5d: {  	v11 =	vld [tilespmem:s19+$0x50];
	[tilespmem:s19+$0xFFFFFFE0] =	vst v8;
	v8 =	vmul.f32 v12, v16  }
0x5e: {  	v12 =	vld [tilespmem:s19+$0x60];
	[tilespmem:s19+$0xFFFFFFF0] =	vst v9;
	v9 =	vmul.f32 v17, v16  }
0x5f: {  	v15 =	vld [tilespmem:s19+$0x70];
	v13 =	vmul.f32 v13, v16;
	[tilespmem:s19+$0x0] =	vst v8  }
0x60: {  	v17 =	vld [tilespmem:s19+$0x80];
	[tilespmem:s19+$0x10] =	vst v9;
	v9 =	vmul.f32 v10, v14  }
0x61: {  	v8 =	vmul.f32 v19, v16;
	v10 =	vld [tilespmem:s19+$0x90];
	[tilespmem:s19+$0x30] =	vst v13  }
0x62: {  	v16 =	vld [tilespmem:s19+$0xA0];
	[tilespmem:s19+$0x40] =	vst v9;
	v9 =	vmul.f32 v11, v14  }
0x63: {  	[tilespmem:s19+$0x20] =	vst v8;
	v11 =	vmul.f32 v12, v14;
	v12 =	vld [tilespmem:s19+$0xB0]  }
0x64: {  	[tilespmem:s19+$0x50] =	vst v9;
	v9 =	vmul.f32 v15, v14;
	v15 =	vld [tilespmem:s19+$0xC0]  }
0x65: {  	[tilespmem:s19+$0x60] =	vst v11;
	v11 =	vmul.f32 v17, v14;
	v17 =	vld [tilespmem:s19+$0xD0]  }
0x66: {  	v13 =	vld [tilespmem:s19+$0xF0];
	[tilespmem:s19+$0x70] =	vst v9;
	v9 =	vmul.f32 v10, v14  }
0x67: {  	v8 =	vld [tilespmem:s19+$0xFFFFFF30];
	[tilespmem:s19+$0x80] =	vst v11;
	v11 =	vmul.f32 v16, v14  }
0x68: {  	v10 =	vld [tilespmem:s19+$0x100];
	[tilespmem:s19+$0x90] =	vst v9;
	v9 =	vmul.f32 v12, v14  }
0x69: {  	[tilespmem:s19+$0xA0] =	vst v11;
	v11 =	vld [tilespmem:s19+$0x110];
	v15 =	vmul.f32 v15, v3  }
0x6a: {  	v12 =	vld [tilespmem:s19+$0x120];
	v14 =	vmul.f32 v17, v3;
	[tilespmem:s19+$0xB0] =	vst v9  }
0x6b: {  	s20 =	simm.s32 $0x0;
	s23 =	simm.s32 $0x540;
	v9 =	vld [tilespmem:s22+$0xFFFFFFE0];
	s22 =	simm.s32 $0x8470;
	[tilespmem:s19+$0xC0] =	vst v15;
	v15 =	vmul.f32 v63, v3  }
.LBB2_3:
0x6c: {  	v16 =	vld [tilespmem:s22+$0x20];
	[tilespmem:s19+$0xD0] =	vst v14;
	v13 =	vmul.f32 v13, v3;
	s23 =	sadd.s32 $0x280, s23  }
0x6d: {  	s20 =	sadd.s32 $0x5, s20;
	v14 =	vld [tilespmem:s23+$0x130];
	[tilespmem:s19+$0xE0] =	vst v15;
	v10 =	vmul.f32 v10, v3  }
0x6e: {  	p0 =	slt.u32 s20, $0x78;
	v15 =	vld [tilespmem:s23+$0xFFFFFEC0];
	[tilespmem:s19+$0xF0] =	vst v13;
	v11 =	vmul.f32 v11, v3  }
0x6f: {  	v13 =	vld [tilespmem:s23+$0xFFFFFED0];
	[tilespmem:s19+$0x100] =	vst v10;
	v12 =	vmul.f32 v12, v3  }
0x70: {  	v10 =	vld [tilespmem:s23+$0xFFFFFEE0];
	v18 =	vmul.f32 v4, v9;
	v5 =	vmul.f32 v5, v9;
	[tilespmem:s19+$0x110] =	vst v11  }
0x71: {  	v6 =	vmul.f32 v6, v9;
	v11 =	vmul.f32 v1, v9;
	v1 =	vld [tilespmem:s23+$0xFFFFFEF0];
	[tilespmem:s19+$0x120] =	vst v12;
	v3 =	vmov v16  }
0x72: {  	v12 =	vmul.f32 v14, v3;
	[tilespmem:s19+$0xFFFFFEC0] =	vst v18;
	v14 =	vmul.f32 v0, v9;
	v0 =	vld [tilespmem:s23+$0xFFFFFF00]  }
0x73: {  	v17 =	vmul.f32 v7, v9;
	v16 =	vmul.f32 v2, v9;
	[tilespmem:s19+$0xFFFFFED0] =	vst v5;
	v2 =	vld [tilespmem:s23+$0xFFFFFF10];
	v4 =	vmov v15  }
0x74: {  	v9 =	vmul.f32 v8, v9;
	v7 =	vld [tilespmem:s23+$0xFFFFFF20];
	[tilespmem:s23+$0x130] =	vst v12;
	v5 =	vmov v13  }
0x75: {  	v8 =	vld [tilespmem:s23+$0xFFFFFF30];
	[tilespmem:s19+$0xFFFFFEE0] =	vst v6;
	v6 =	vmov v10  }
0x76: {  	v10 =	vld [tilespmem:s22+$0xFFFFFFF0];
	[tilespmem:s19+$0xFFFFFEF0] =	vst v11  }
0x77: {  	v11 =	vld [tilespmem:s23+$0xFFFFFF40];
	[tilespmem:s19+$0xFFFFFF00] =	vst v14  }
0x78: {  	v12 =	vld [tilespmem:s23+$0xFFFFFF50];
	[tilespmem:s19+$0xFFFFFF10] =	vst v16  }
0x79: {  	v13 =	vld [tilespmem:s23+$0xFFFFFF60];
	[tilespmem:s19+$0xFFFFFF20] =	vst v17  }
0x7a: {  	v14 =	vld [tilespmem:s23+$0xFFFFFF70];
	[tilespmem:s19+$0xFFFFFF30] =	vst v9;
	s19 =	smov.u32 s23  }
0x7b: {  	v9 =	vld [tilespmem:s23+$0xFFFFFF80]  }
0x7c: {  	v11 =	vmul.f32 v11, v10;
	v15 =	vld [tilespmem:s23+$0xFFFFFF90]  }
0x7d: {  	v12 =	vmul.f32 v12, v10;
	v16 =	vld [tilespmem:s23+$0xFFFFFFA0]  }
0x7e: {  	[tilespmem:s23+$0xFFFFFF40] =	vst v11;
	v11 =	vmul.f32 v13, v10;
	v13 =	vld [tilespmem:s23+$0xFFFFFFB0]  }
0x7f: {  	[tilespmem:s23+$0xFFFFFF50] =	vst v12;
	v12 =	vmul.f32 v14, v10;
	v14 =	vld [tilespmem:s22+$0x0]  }
0x80: {  	[tilespmem:s23+$0xFFFFFF60] =	vst v11;
	v9 =	vmul.f32 v9, v10;
	v11 =	vld [tilespmem:s23+$0xFFFFFFC0]  }
0x81: {  	[tilespmem:s23+$0xFFFFFF70] =	vst v12;
	v12 =	vmul.f32 v15, v10;
	v15 =	vld [tilespmem:s23+$0xFFFFFFD0]  }
0x82: {  	[tilespmem:s23+$0xFFFFFF80] =	vst v9;
	v9 =	vmul.f32 v16, v10;
	v16 =	vld [tilespmem:s23+$0xFFFFFFE0]  }
0x83: {  	[tilespmem:s23+$0xFFFFFF90] =	vst v12;
	v10 =	vmul.f32 v13, v10;
	v12 =	vld [tilespmem:s23+$0xFFFFFFF0]  }
0x84: {  	[tilespmem:s23+$0xFFFFFFA0] =	vst v9;
	v9 =	vld [tilespmem:s23+$0x0]  }
0x85: {  	[tilespmem:s23+$0xFFFFFFB0] =	vst v10;
	v10 =	vmul.f32 v11, v14;
	v11 =	vld [tilespmem:s23+$0x10]  }
0x86: {  	v13 =	vmul.f32 v15, v14;
	v15 =	vld [tilespmem:s23+$0x20]  }
0x87: {  	[tilespmem:s23+$0xFFFFFFC0] =	vst v10;
	v10 =	vmul.f32 v16, v14;
	v16 =	vld [tilespmem:s23+$0x30]  }
0x88: {  	[tilespmem:s23+$0xFFFFFFD0] =	vst v13;
	v12 =	vmul.f32 v12, v14;
	v17 =	vld [tilespmem:s22+$0x10]  }
0x89: {  	[tilespmem:s23+$0xFFFFFFE0] =	vst v10;
	v9 =	vmul.f32 v9, v14;
	v10 =	vld [tilespmem:s23+$0x40]  }
0x8a: {  	[tilespmem:s23+$0xFFFFFFF0] =	vst v12;
	v11 =	vmul.f32 v11, v14;
	v12 =	vld [tilespmem:s23+$0x50]  }
0x8b: {  	[tilespmem:s23+$0x0] =	vst v9;
	v9 =	vmul.f32 v15, v14;
	v13 =	vld [tilespmem:s23+$0x60]  }
0x8c: {  	[tilespmem:s23+$0x10] =	vst v11;
	v11 =	vmul.f32 v16, v14;
	v14 =	vld [tilespmem:s23+$0x70]  }
0x8d: {  	[tilespmem:s23+$0x20] =	vst v9;
	v9 =	vld [tilespmem:s23+$0x80]  }
0x8e: {  	[tilespmem:s23+$0x30] =	vst v11;
	v10 =	vmul.f32 v10, v17;
	v11 =	vld [tilespmem:s23+$0x90]  }
0x8f: {  	v12 =	vmul.f32 v12, v17;
	v15 =	vld [tilespmem:s23+$0xA0]  }
0x90: {  	[tilespmem:s23+$0x40] =	vst v10;
	v10 =	vmul.f32 v13, v17;
	v16 =	vld [tilespmem:s23+$0xB0]  }
0x91: {  	[tilespmem:s23+$0x50] =	vst v12;
	v12 =	vmul.f32 v14, v17;
	v14 =	vld [tilespmem:s23+$0xC0]  }
0x92: {  	[tilespmem:s23+$0x60] =	vst v10;
	v9 =	vmul.f32 v9, v17;
	v18 =	vld [tilespmem:s23+$0xD0]  }
0x93: {  	[tilespmem:s23+$0x70] =	vst v12;
	v10 =	vmul.f32 v11, v17;
	v19 =	vld [tilespmem:s23+$0xE0]  }
.Ltmp0:
0x94: {  	[tilespmem:s23+$0x80] =	vst v9;
	v9 =	vmul.f32 v15, v17;
	v13 =	vld [tilespmem:s23+$0xF0];
	(pc) =	sbr.rel @p0 .LBB2_3-.Ltmp0, $4  }
0x95: {  	[tilespmem:s23+$0x90] =	vst v10;
	v12 =	vmul.f32 v16, v17;
	v10 =	vld [tilespmem:s23+$0x100]  }
0x96: {  	[tilespmem:s23+$0xA0] =	vst v9;
	v15 =	vmul.f32 v14, v3;
	v11 =	vld [tilespmem:s23+$0x110]  }
0x97: {  	[tilespmem:s23+$0xB0] =	vst v12;
	v14 =	vmul.f32 v18, v3;
	v12 =	vld [tilespmem:s23+$0x120]  }
0x98: {  	v9 =	vld [tilespmem:s22+$0xFFFFFFE0];
	[tilespmem:s23+$0xC0] =	vst v15;
	v15 =	vmul.f32 v19, v3;
	s22 =	sadd.s32 $0x50, s22  }
0x99: {  	[tilespmem:s19+$0xD0] =	vst v14;
	v13 =	vmul.f32 v13, v3  }
0x9a: {  	[tilespmem:s19+$0xE0] =	vst v15;
	v10 =	vmul.f32 v10, v3  }
0x9b: {  	[tilespmem:s19+$0xF0] =	vst v13;
	v11 =	vmul.f32 v11, v3  }
0x9c: {  	[tilespmem:s19+$0x100] =	vst v10;
	v3 =	vmul.f32 v12, v3  }
0x9d: {  	v4 =	vmul.f32 v4, v9;
	[tilespmem:s19+$0x110] =	vst v11  }
0x9e: {  	v5 =	vmul.f32 v5, v9;
	[tilespmem:s19+$0x120] =	vst v3  }
0x9f: {  	v1 =	vmul.f32 v1, v9;
	[tilespmem:s19+$0xFFFFFEC0] =	vst v4  }
0xa0: {  	v0 =	vmul.f32 v0, v9;
	[tilespmem:s19+$0xFFFFFED0] =	vst v5  }
0xa1: {  	v2 =	vmul.f32 v2, v9;
	[tilespmem:s19+$0xFFFFFEF0] =	vst v1  }
0xa2: {  	v3 =	vmul.f32 v6, v9;
	[tilespmem:s19+$0xFFFFFF00] =	vst v0  }
0xa3: {  	v1 =	vmul.f32 v7, v9;
	[tilespmem:s19+$0xFFFFFF10] =	vst v2  }
0xa4: {  	v0 =	vmul.f32 v8, v9;
	[tilespmem:s19+$0xFFFFFEE0] =	vst v3  }
0xa5: {  	[tilespmem:s19+$0xFFFFFF20] =	vst v1  }
0xa6: {  	[tilespmem:s19+$0xFFFFFF30] =	vst v0  }
0xa7: {  	_ =	swait.ge [sflag:s16], $0x80  }
0xa8: {  	[sflag:s16] =	ssyncset.done $0x0  }
0xa9: {  	[sflag:s16] =	ssyncadd.s32 $0xFFFFFF80  }
0xaa: {  	_ =	swait.ge [sflag:s16], $0x80  }
0xab: {  	[sflag:s16] =	ssyncset.done $0x0  }
0xac: {  	s20 =	simm.s32 $0x80;
	[sflag:s16] =	ssyncadd.s32 $0xFFFFFF80  }
0xad: {  	[tilespmem:s17], [sflag:$0x6] =	stream.indirect.gather [hbm4b:s21+s12], $0x80, s20, s12, $0xb8;
	[tilespmem:$0x1D400] =	vst v63  }
0xae: {  	p0 =	seq.s32 s18, $0x0;
	s19 =	sshll.u32 s18, $0x2;
	s20 =	rddreg [dreg:$0xe]  }
0xaf: {  	s22 =	simm.s32 @p0 $0x0;
	s20 =	sadd.s32 @!p0 s19, s20  }
0xb0: {  	s23 =	simm.s32 @p0 $0x8C00;
	s28 =	rddreg [dreg:$0xf];
	s20 =	smul.u32 @!p0 $0xFA, s20  }
0xb1: {  	[tilespmem:s23], [sflag:$0x6] =	stream.linear.gather @p0 [hbm4b:s28+s22], $0x7D0, $0x38;
	[tilespmem:$0x1D400] =	vst v63  }
0xb2: {  	s22 =	simm.s32 @!p0 $0x0;
	s23 =	simm.s32 @!p0 $0x8C00;
	s20 =	sadd.s32 @!p0 s1, s20  }
0xb3: {  	[tilespmem:s23], [sflag:$0x6] =	stream.linear.gather @!p0 [hbm4b:s20+s22], $0x7D0, $0x38;
	[tilespmem:$0x1D400] =	vst v63  }
0xb4: {  	s20 =	sadd.s32 @!p0 s19, s26  }
0xb5: {  	s22 =	rddreg [dreg:$0x10];
	s20 =	sshll.u32 @!p0 s20, $0x4  }
0xb6: {  	s20 =	smov.u32 @p0 s22  }
0xb7: {  	s29 =	simm.s32 $0x100;
	s22 =	sadd.s32 s5, s20  }
0xb8: {  	[tilespmem:s29], [sflag:$0x3] =	stream.linear.gather [hbm4b:s22+s3], $0x80, $0x38;
	[tilespmem:$0x1D400] =	vst v63  }
0xb9: {  	s20 =	sadd.s32 s6, s20  }
0xba: {  	[tilespmem:s25], [sflag:$0x3] =	stream.linear.gather [hbm4b:s20+s3], $0x80, $0x38;
	[tilespmem:$0x1D400] =	vst v63  }
0xbb: {  	s23 =	simm.s32 $0x200  }
0xbc: {  	[spmem:s2] =	stream.indirect.scatter.add.f32 [tilespmem:s13], [sflag:$0x7], $0x80, s23, s12, $0xb8;
	[tilespmem:$0x1D400] =	vst v63  }
0xbd: {  	_ =	swait.ge [sflag:s9], $0x3E80  }
0xbe: {  	[sflag:s9] =	ssyncset.done $0x0  }
0xbf: {  	[sflag:s9] =	ssyncadd.s32 $0xFFFFC180  }
0xc0: {  	_ =	swait.ge [sflag:s9], $0x7D0  }
0xc1: {  	[sflag:s9] =	ssyncset.done $0x0  }
0xc2: {  	s29 =	simm.s32 $0x8C20;
	[sflag:s9] =	ssyncadd.s32 $0xFFFFF830  }
0xc3: {  	s20 =	simm.s32 $0x4540;
	v3 =	vld [tilespmem:s29+$0x20]  }
0xc4: {  	v7 =	vld [tilespmem:s20+$0x130]  }
0xc5: {  	v4 =	vld [tilespmem:s20+$0xFFFFFEC0]  }
0xc6: {  	v5 =	vld [tilespmem:s20+$0xFFFFFED0]  }
0xc7: {  	v6 =	vld [tilespmem:s20+$0xFFFFFEE0]  }
0xc8: {  	v1 =	vld [tilespmem:s20+$0xFFFFFEF0]  }
0xc9: {  	v0 =	vld [tilespmem:s20+$0xFFFFFF00]  }
0xca: {  	v8 =	vld [tilespmem:s29+$0xFFFFFFF0]  }
0xcb: {  	v2 =	vld [tilespmem:s20+$0xFFFFFF40]  }
0xcc: {  	v9 =	vld [tilespmem:s20+$0xFFFFFF50]  }
0xcd: {  	v10 =	vld [tilespmem:s20+$0xFFFFFF60]  }
0xce: {  	v11 =	vld [tilespmem:s20+$0xFFFFFF70]  }
0xcf: {  	v12 =	vld [tilespmem:s20+$0xFFFFFF80]  }
0xd0: {  	v14 =	vld [tilespmem:s20+$0xFFFFFF90]  }
0xd1: {  	v15 =	vld [tilespmem:s20+$0xFFFFFFA0]  }
0xd2: {  	v16 =	vld [tilespmem:s29+$0x0]  }
0xd3: {  	v17 =	vld [tilespmem:s20+$0xFFFFFFC0]  }
0xd4: {  	v18 =	vld [tilespmem:s20+$0xFFFFFFD0];
	v13 =	vmul.f32 v2, v8  }
0xd5: {  	v19 =	vld [tilespmem:s20+$0x20];
	v7 =	vmul.f32 v7, v3  }
0xd6: {  	v63 =	vld [tilespmem:s20+$0xE0];
	v9 =	vmul.f32 v9, v8;
	[tilespmem:s20+$0xFFFFFF40] =	vst v13  }
0xd7: {  	v2 =	vld [tilespmem:s20+$0xFFFFFF10];
	v14 =	vmul.f32 v14, v8;
	[tilespmem:s20+$0x130] =	vst v7  }
0xd8: {  	v13 =	vld [tilespmem:s20+$0xFFFFFFB0];
	[tilespmem:s20+$0xFFFFFF50] =	vst v9;
	v9 =	vmul.f32 v11, v8  }
0xd9: {  	v7 =	vmul.f32 v10, v8;
	v10 =	vld [tilespmem:s20+$0xFFFFFFE0];
	[tilespmem:s20+$0xFFFFFF90] =	vst v14  }
0xda: {  	v11 =	vld [tilespmem:s20+$0xFFFFFFF0];
	[tilespmem:s20+$0xFFFFFF70] =	vst v9;
	v9 =	vmul.f32 v17, v16  }
0xdb: {  	v14 =	vld [tilespmem:s29+$0x10];
	[tilespmem:s20+$0xFFFFFF60] =	vst v7;
	v7 =	vmul.f32 v12, v8  }
0xdc: {  	v12 =	vld [tilespmem:s20+$0x0];
	[tilespmem:s20+$0xFFFFFFC0] =	vst v9;
	v9 =	vmul.f32 v15, v8  }
0xdd: {  	v17 =	vld [tilespmem:s20+$0x10];
	[tilespmem:s20+$0xFFFFFF80] =	vst v7;
	v8 =	vmul.f32 v13, v8  }
0xde: {  	v13 =	vld [tilespmem:s20+$0x30];
	[tilespmem:s20+$0xFFFFFFA0] =	vst v9;
	v9 =	vmul.f32 v18, v16  }
0xdf: {  	[tilespmem:s20+$0xFFFFFFB0] =	vst v8;
	v8 =	vmul.f32 v10, v16;
	v10 =	vld [tilespmem:s20+$0x40]  }
0xe0: {  	v7 =	vld [tilespmem:s20+$0xFFFFFF20];
	[tilespmem:s20+$0xFFFFFFD0] =	vst v9;
	v9 =	vmul.f32 v11, v16  }
0xe1: {  	v11 =	vld [tilespmem:s20+$0x50];
	[tilespmem:s20+$0xFFFFFFE0] =	vst v8;
	v8 =	vmul.f32 v12, v16  }
0xe2: {  	v12 =	vld [tilespmem:s20+$0x60];
	[tilespmem:s20+$0xFFFFFFF0] =	vst v9;
	v9 =	vmul.f32 v17, v16  }
0xe3: {  	v15 =	vld [tilespmem:s20+$0x70];
	v13 =	vmul.f32 v13, v16;
	[tilespmem:s20+$0x0] =	vst v8  }
0xe4: {  	v17 =	vld [tilespmem:s20+$0x80];
	[tilespmem:s20+$0x10] =	vst v9;
	v9 =	vmul.f32 v10, v14  }
0xe5: {  	v8 =	vmul.f32 v19, v16;
	v10 =	vld [tilespmem:s20+$0x90];
	[tilespmem:s20+$0x30] =	vst v13  }
0xe6: {  	v16 =	vld [tilespmem:s20+$0xA0];
	[tilespmem:s20+$0x40] =	vst v9;
	v9 =	vmul.f32 v11, v14  }
0xe7: {  	[tilespmem:s20+$0x20] =	vst v8;
	v11 =	vmul.f32 v12, v14;
	v12 =	vld [tilespmem:s20+$0xB0]  }
0xe8: {  	[tilespmem:s20+$0x50] =	vst v9;
	v9 =	vmul.f32 v15, v14;
	v15 =	vld [tilespmem:s20+$0xC0]  }
0xe9: {  	[tilespmem:s20+$0x60] =	vst v11;
	v11 =	vmul.f32 v17, v14;
	v17 =	vld [tilespmem:s20+$0xD0]  }
0xea: {  	v13 =	vld [tilespmem:s20+$0xF0];
	[tilespmem:s20+$0x70] =	vst v9;
	v9 =	vmul.f32 v10, v14  }
0xeb: {  	v8 =	vld [tilespmem:s20+$0xFFFFFF30];
	[tilespmem:s20+$0x80] =	vst v11;
	v11 =	vmul.f32 v16, v14  }
0xec: {  	v10 =	vld [tilespmem:s20+$0x100];
	[tilespmem:s20+$0x90] =	vst v9;
	v9 =	vmul.f32 v12, v14  }
0xed: {  	[tilespmem:s20+$0xA0] =	vst v11;
	v11 =	vld [tilespmem:s20+$0x110];
	v15 =	vmul.f32 v15, v3  }
0xee: {  	v12 =	vld [tilespmem:s20+$0x120];
	v14 =	vmul.f32 v17, v3;
	[tilespmem:s20+$0xB0] =	vst v9  }
0xef: {  	s28 =	simm.s32 $0x4540;
	s22 =	simm.s32 $0x0;
	s23 =	simm.s32 $0x8C70;
	v9 =	vld [tilespmem:s29+$0xFFFFFFE0];
	[tilespmem:s20+$0xC0] =	vst v15;
	v15 =	vmul.f32 v63, v3  }
.LBB2_5:
0xf0: {  	v16 =	vld [tilespmem:s23+$0x20];
	[tilespmem:s20+$0xD0] =	vst v14;
	v13 =	vmul.f32 v13, v3;
	s28 =	sadd.s32 $0x280, s28  }
0xf1: {  	s22 =	sadd.s32 $0x5, s22;
	v14 =	vld [tilespmem:s28+$0x130];
	[tilespmem:s20+$0xE0] =	vst v15;
	v10 =	vmul.f32 v10, v3  }
0xf2: {  	p0 =	slt.u32 s22, $0x78;
	v15 =	vld [tilespmem:s28+$0xFFFFFEC0];
	[tilespmem:s20+$0xF0] =	vst v13;
	v11 =	vmul.f32 v11, v3  }
0xf3: {  	v13 =	vld [tilespmem:s28+$0xFFFFFED0];
	[tilespmem:s20+$0x100] =	vst v10;
	v12 =	vmul.f32 v12, v3  }
0xf4: {  	v10 =	vld [tilespmem:s28+$0xFFFFFEE0];
	v18 =	vmul.f32 v4, v9;
	v5 =	vmul.f32 v5, v9;
	[tilespmem:s20+$0x110] =	vst v11  }
0xf5: {  	v6 =	vmul.f32 v6, v9;
	v11 =	vmul.f32 v1, v9;
	v1 =	vld [tilespmem:s28+$0xFFFFFEF0];
	[tilespmem:s20+$0x120] =	vst v12;
	v3 =	vmov v16  }
0xf6: {  	v12 =	vmul.f32 v14, v3;
	[tilespmem:s20+$0xFFFFFEC0] =	vst v18;
	v14 =	vmul.f32 v0, v9;
	v0 =	vld [tilespmem:s28+$0xFFFFFF00]  }
0xf7: {  	v17 =	vmul.f32 v7, v9;
	v16 =	vmul.f32 v2, v9;
	[tilespmem:s20+$0xFFFFFED0] =	vst v5;
	v2 =	vld [tilespmem:s28+$0xFFFFFF10];
	v4 =	vmov v15  }
0xf8: {  	v9 =	vmul.f32 v8, v9;
	v7 =	vld [tilespmem:s28+$0xFFFFFF20];
	[tilespmem:s28+$0x130] =	vst v12;
	v5 =	vmov v13  }
0xf9: {  	v8 =	vld [tilespmem:s28+$0xFFFFFF30];
	[tilespmem:s20+$0xFFFFFEE0] =	vst v6;
	v6 =	vmov v10  }
0xfa: {  	v10 =	vld [tilespmem:s23+$0xFFFFFFF0];
	[tilespmem:s20+$0xFFFFFEF0] =	vst v11  }
0xfb: {  	v11 =	vld [tilespmem:s28+$0xFFFFFF40];
	[tilespmem:s20+$0xFFFFFF00] =	vst v14  }
0xfc: {  	v12 =	vld [tilespmem:s28+$0xFFFFFF50];
	[tilespmem:s20+$0xFFFFFF10] =	vst v16  }
0xfd: {  	v13 =	vld [tilespmem:s28+$0xFFFFFF60];
	[tilespmem:s20+$0xFFFFFF20] =	vst v17  }
0xfe: {  	v14 =	vld [tilespmem:s28+$0xFFFFFF70];
	[tilespmem:s20+$0xFFFFFF30] =	vst v9;
	s20 =	smov.u32 s28  }
0xff: {  	v9 =	vld [tilespmem:s28+$0xFFFFFF80]  }
0x100: {  	v11 =	vmul.f32 v11, v10;
	v15 =	vld [tilespmem:s28+$0xFFFFFF90]  }
0x101: {  	v12 =	vmul.f32 v12, v10;
	v16 =	vld [tilespmem:s28+$0xFFFFFFA0]  }
0x102: {  	[tilespmem:s28+$0xFFFFFF40] =	vst v11;
	v11 =	vmul.f32 v13, v10;
	v13 =	vld [tilespmem:s28+$0xFFFFFFB0]  }
0x103: {  	[tilespmem:s28+$0xFFFFFF50] =	vst v12;
	v12 =	vmul.f32 v14, v10;
	v14 =	vld [tilespmem:s23+$0x0]  }
0x104: {  	[tilespmem:s28+$0xFFFFFF60] =	vst v11;
	v9 =	vmul.f32 v9, v10;
	v11 =	vld [tilespmem:s28+$0xFFFFFFC0]  }
0x105: {  	[tilespmem:s28+$0xFFFFFF70] =	vst v12;
	v12 =	vmul.f32 v15, v10;
	v15 =	vld [tilespmem:s28+$0xFFFFFFD0]  }
0x106: {  	[tilespmem:s28+$0xFFFFFF80] =	vst v9;
	v9 =	vmul.f32 v16, v10;
	v16 =	vld [tilespmem:s28+$0xFFFFFFE0]  }
0x107: {  	[tilespmem:s28+$0xFFFFFF90] =	vst v12;
	v10 =	vmul.f32 v13, v10;
	v12 =	vld [tilespmem:s28+$0xFFFFFFF0]  }
0x108: {  	[tilespmem:s28+$0xFFFFFFA0] =	vst v9;
	v9 =	vld [tilespmem:s28+$0x0]  }
0x109: {  	[tilespmem:s28+$0xFFFFFFB0] =	vst v10;
	v10 =	vmul.f32 v11, v14;
	v11 =	vld [tilespmem:s28+$0x10]  }
0x10a: {  	v13 =	vmul.f32 v15, v14;
	v15 =	vld [tilespmem:s28+$0x20]  }
0x10b: {  	[tilespmem:s28+$0xFFFFFFC0] =	vst v10;
	v10 =	vmul.f32 v16, v14;
	v16 =	vld [tilespmem:s28+$0x30]  }
0x10c: {  	[tilespmem:s28+$0xFFFFFFD0] =	vst v13;
	v12 =	vmul.f32 v12, v14;
	v17 =	vld [tilespmem:s23+$0x10]  }
0x10d: {  	[tilespmem:s28+$0xFFFFFFE0] =	vst v10;
	v9 =	vmul.f32 v9, v14;
	v10 =	vld [tilespmem:s28+$0x40]  }
0x10e: {  	[tilespmem:s28+$0xFFFFFFF0] =	vst v12;
	v11 =	vmul.f32 v11, v14;
	v12 =	vld [tilespmem:s28+$0x50]  }
0x10f: {  	[tilespmem:s28+$0x0] =	vst v9;
	v9 =	vmul.f32 v15, v14;
	v13 =	vld [tilespmem:s28+$0x60]  }
0x110: {  	[tilespmem:s28+$0x10] =	vst v11;
	v11 =	vmul.f32 v16, v14;
	v14 =	vld [tilespmem:s28+$0x70]  }
0x111: {  	[tilespmem:s28+$0x20] =	vst v9;
	v9 =	vld [tilespmem:s28+$0x80]  }
0x112: {  	[tilespmem:s28+$0x30] =	vst v11;
	v10 =	vmul.f32 v10, v17;
	v11 =	vld [tilespmem:s28+$0x90]  }
0x113: {  	v12 =	vmul.f32 v12, v17;
	v15 =	vld [tilespmem:s28+$0xA0]  }
0x114: {  	[tilespmem:s28+$0x40] =	vst v10;
	v10 =	vmul.f32 v13, v17;
	v16 =	vld [tilespmem:s28+$0xB0]  }
0x115: {  	[tilespmem:s28+$0x50] =	vst v12;
	v12 =	vmul.f32 v14, v17;
	v14 =	vld [tilespmem:s28+$0xC0]  }
0x116: {  	[tilespmem:s28+$0x60] =	vst v10;
	v9 =	vmul.f32 v9, v17;
	v18 =	vld [tilespmem:s28+$0xD0]  }
0x117: {  	[tilespmem:s28+$0x70] =	vst v12;
	v10 =	vmul.f32 v11, v17;
	v19 =	vld [tilespmem:s28+$0xE0]  }
.Ltmp1:
0x118: {  	[tilespmem:s28+$0x80] =	vst v9;
	v9 =	vmul.f32 v15, v17;
	v13 =	vld [tilespmem:s28+$0xF0];
	(pc) =	sbr.rel @p0 .LBB2_5-.Ltmp1, $4  }
0x119: {  	[tilespmem:s28+$0x90] =	vst v10;
	v12 =	vmul.f32 v16, v17;
	v10 =	vld [tilespmem:s28+$0x100]  }
0x11a: {  	[tilespmem:s28+$0xA0] =	vst v9;
	v15 =	vmul.f32 v14, v3;
	v11 =	vld [tilespmem:s28+$0x110]  }
0x11b: {  	[tilespmem:s28+$0xB0] =	vst v12;
	v14 =	vmul.f32 v18, v3;
	v12 =	vld [tilespmem:s28+$0x120]  }
0x11c: {  	v9 =	vld [tilespmem:s23+$0xFFFFFFE0];
	[tilespmem:s28+$0xC0] =	vst v15;
	v15 =	vmul.f32 v19, v3;
	s23 =	sadd.s32 $0x50, s23  }
0x11d: {  	[tilespmem:s20+$0xD0] =	vst v14;
	v13 =	vmul.f32 v13, v3  }
0x11e: {  	[tilespmem:s20+$0xE0] =	vst v15;
	v10 =	vmul.f32 v10, v3  }
0x11f: {  	[tilespmem:s20+$0xF0] =	vst v13;
	v11 =	vmul.f32 v11, v3  }
0x120: {  	[tilespmem:s20+$0x100] =	vst v10;
	v3 =	vmul.f32 v12, v3  }
0x121: {  	v4 =	vmul.f32 v4, v9;
	[tilespmem:s20+$0x110] =	vst v11  }
0x122: {  	v5 =	vmul.f32 v5, v9;
	[tilespmem:s20+$0x120] =	vst v3  }
0x123: {  	v1 =	vmul.f32 v1, v9;
	[tilespmem:s20+$0xFFFFFEC0] =	vst v4  }
0x124: {  	v0 =	vmul.f32 v0, v9;
	[tilespmem:s20+$0xFFFFFED0] =	vst v5  }
0x125: {  	v2 =	vmul.f32 v2, v9;
	[tilespmem:s20+$0xFFFFFEF0] =	vst v1  }
0x126: {  	v3 =	vmul.f32 v6, v9;
	[tilespmem:s20+$0xFFFFFF00] =	vst v0  }
0x127: {  	v1 =	vmul.f32 v7, v9;
	[tilespmem:s20+$0xFFFFFF10] =	vst v2  }
0x128: {  	v0 =	vmul.f32 v8, v9;
	[tilespmem:s20+$0xFFFFFEE0] =	vst v3  }
0x129: {  	[tilespmem:s20+$0xFFFFFF20] =	vst v1  }
0x12a: {  	[tilespmem:s20+$0xFFFFFF30] =	vst v0  }
0x12b: {  	_ =	swait.ge [sflag:s31], $0x3E80  }
0x12c: {  	[sflag:s31] =	ssyncset.done $0x0  }
0x12d: {  	[sflag:s31] =	ssyncadd.s32 $0xFFFFC180  }
0x12e: {  	_ =	swait.ge [sflag:s0], $0x80  }
0x12f: {  	[sflag:s0] =	ssyncset.done $0x0  }
0x130: {  	[sflag:s0] =	ssyncadd.s32 $0xFFFFFF80  }
0x131: {  	_ =	swait.ge [sflag:s0], $0x80  }
0x132: {  	s23 =	sadd.s32 s19, s26;
	[sflag:s0] =	ssyncset.done $0x0  }
0x133: {  	s22 =	simm.s32 $0x100;
	s20 =	smul.u32 $0xFA, s23;
	[sflag:s0] =	ssyncadd.s32 $0xFFFFFF80  }
0x134: {  	[tilespmem:s13], [sflag:$0x5] =	stream.indirect.gather [hbm4b:s21+s12], $0x80, s22, s12, $0xb8;
	[tilespmem:$0x1D400] =	vst v63  }
0x135: {  	s20 =	sadd.s32 s1, s20;
	s22 =	sadd.s32 s19, s24  }
0x136: {  	[tilespmem:s14], [sflag:$0x5] =	stream.linear.gather [hbm4b:s20+s3], $0x7D0, $0x38;
	[tilespmem:$0x1D400] =	vst v63  }
0x137: {  	s20 =	sadd.s32 $0x3, s22  }
0x138: {  	s22 =	sshll.u32 s20, $0x4  }
0x139: {  	s23 =	sadd.s32 s5, s22  }
0x13a: {  	[tilespmem:s4], [sflag:$0x4] =	stream.linear.gather [hbm4b:s23+s3], $0x80, $0x38;
	[tilespmem:$0x1D400] =	vst v63  }
0x13b: {  	s22 =	sadd.s32 s6, s22  }
0x13c: {  	[tilespmem:s7], [sflag:$0x4] =	stream.linear.gather [hbm4b:s22+s3], $0x80, $0x38;
	[tilespmem:$0x1D400] =	vst v63  }
0x13d: {  	s23 =	simm.s32 $0x280  }
0x13e: {  	[spmem:s2] =	stream.indirect.scatter.add.f32 [tilespmem:s17], [sflag:$0x8], $0x80, s23, s12, $0xb8;
	[tilespmem:$0x1D400] =	vst v63  }
0x13f: {  	_ =	swait.ge [sflag:s15], $0x3E80  }
0x140: {  	[sflag:s15] =	ssyncset.done $0x0  }
0x141: {  	[sflag:s15] =	ssyncadd.s32 $0xFFFFC180  }
0x142: {  	_ =	swait.ge [sflag:s15], $0x7D0  }
0x143: {  	[sflag:s15] =	ssyncset.done $0x0  }
0x144: {  	s28 =	simm.s32 $0x8420;
	[sflag:s15] =	ssyncadd.s32 $0xFFFFF830  }
0x145: {  	s22 =	simm.s32 $0x540;
	v3 =	vld [tilespmem:s28+$0x20]  }
0x146: {  	v7 =	vld [tilespmem:s22+$0x130]  }
0x147: {  	v4 =	vld [tilespmem:s22+$0xFFFFFEC0]  }
0x148: {  	v5 =	vld [tilespmem:s22+$0xFFFFFED0]  }
0x149: {  	v6 =	vld [tilespmem:s22+$0xFFFFFEE0]  }
0x14a: {  	v1 =	vld [tilespmem:s22+$0xFFFFFEF0]  }
0x14b: {  	v0 =	vld [tilespmem:s22+$0xFFFFFF00]  }
0x14c: {  	v8 =	vld [tilespmem:s28+$0xFFFFFFF0]  }
0x14d: {  	v2 =	vld [tilespmem:s22+$0xFFFFFF40]  }
0x14e: {  	v9 =	vld [tilespmem:s22+$0xFFFFFF50]  }
0x14f: {  	v10 =	vld [tilespmem:s22+$0xFFFFFF60]  }
0x150: {  	v11 =	vld [tilespmem:s22+$0xFFFFFF70]  }
0x151: {  	v12 =	vld [tilespmem:s22+$0xFFFFFF80]  }
0x152: {  	v14 =	vld [tilespmem:s22+$0xFFFFFF90]  }
0x153: {  	v15 =	vld [tilespmem:s22+$0xFFFFFFA0]  }
0x154: {  	v16 =	vld [tilespmem:s28+$0x0]  }
0x155: {  	v17 =	vld [tilespmem:s22+$0xFFFFFFC0]  }
0x156: {  	v18 =	vld [tilespmem:s22+$0xFFFFFFD0];
	v13 =	vmul.f32 v2, v8  }
0x157: {  	v19 =	vld [tilespmem:s22+$0x20];
	v7 =	vmul.f32 v7, v3  }
0x158: {  	v63 =	vld [tilespmem:s22+$0xE0];
	v9 =	vmul.f32 v9, v8;
	[tilespmem:s22+$0xFFFFFF40] =	vst v13  }
0x159: {  	v2 =	vld [tilespmem:s22+$0xFFFFFF10];
	v14 =	vmul.f32 v14, v8;
	[tilespmem:s22+$0x130] =	vst v7  }
0x15a: {  	v13 =	vld [tilespmem:s22+$0xFFFFFFB0];
	[tilespmem:s22+$0xFFFFFF50] =	vst v9;
	v9 =	vmul.f32 v11, v8  }
0x15b: {  	v7 =	vmul.f32 v10, v8;
	v10 =	vld [tilespmem:s22+$0xFFFFFFE0];
	[tilespmem:s22+$0xFFFFFF90] =	vst v14  }
0x15c: {  	v11 =	vld [tilespmem:s22+$0xFFFFFFF0];
	[tilespmem:s22+$0xFFFFFF70] =	vst v9;
	v9 =	vmul.f32 v17, v16  }
0x15d: {  	v14 =	vld [tilespmem:s28+$0x10];
	[tilespmem:s22+$0xFFFFFF60] =	vst v7;
	v7 =	vmul.f32 v12, v8  }
0x15e: {  	v12 =	vld [tilespmem:s22+$0x0];
	[tilespmem:s22+$0xFFFFFFC0] =	vst v9;
	v9 =	vmul.f32 v15, v8  }
0x15f: {  	v17 =	vld [tilespmem:s22+$0x10];
	[tilespmem:s22+$0xFFFFFF80] =	vst v7;
	v8 =	vmul.f32 v13, v8  }
0x160: {  	v13 =	vld [tilespmem:s22+$0x30];
	[tilespmem:s22+$0xFFFFFFA0] =	vst v9;
	v9 =	vmul.f32 v18, v16  }
0x161: {  	[tilespmem:s22+$0xFFFFFFB0] =	vst v8;
	v8 =	vmul.f32 v10, v16;
	v10 =	vld [tilespmem:s22+$0x40]  }
0x162: {  	v7 =	vld [tilespmem:s22+$0xFFFFFF20];
	[tilespmem:s22+$0xFFFFFFD0] =	vst v9;
	v9 =	vmul.f32 v11, v16  }
0x163: {  	v11 =	vld [tilespmem:s22+$0x50];
	[tilespmem:s22+$0xFFFFFFE0] =	vst v8;
	v8 =	vmul.f32 v12, v16  }
0x164: {  	v12 =	vld [tilespmem:s22+$0x60];
	[tilespmem:s22+$0xFFFFFFF0] =	vst v9;
	v9 =	vmul.f32 v17, v16  }
0x165: {  	v15 =	vld [tilespmem:s22+$0x70];
	v13 =	vmul.f32 v13, v16;
	[tilespmem:s22+$0x0] =	vst v8  }
0x166: {  	v17 =	vld [tilespmem:s22+$0x80];
	[tilespmem:s22+$0x10] =	vst v9;
	v9 =	vmul.f32 v10, v14  }
0x167: {  	v8 =	vmul.f32 v19, v16;
	v10 =	vld [tilespmem:s22+$0x90];
	[tilespmem:s22+$0x30] =	vst v13  }
0x168: {  	v16 =	vld [tilespmem:s22+$0xA0];
	[tilespmem:s22+$0x40] =	vst v9;
	v9 =	vmul.f32 v11, v14  }
0x169: {  	[tilespmem:s22+$0x20] =	vst v8;
	v11 =	vmul.f32 v12, v14;
	v12 =	vld [tilespmem:s22+$0xB0]  }
0x16a: {  	[tilespmem:s22+$0x50] =	vst v9;
	v9 =	vmul.f32 v15, v14;
	v15 =	vld [tilespmem:s22+$0xC0]  }
0x16b: {  	[tilespmem:s22+$0x60] =	vst v11;
	v11 =	vmul.f32 v17, v14;
	v17 =	vld [tilespmem:s22+$0xD0]  }
0x16c: {  	v13 =	vld [tilespmem:s22+$0xF0];
	[tilespmem:s22+$0x70] =	vst v9;
	v9 =	vmul.f32 v10, v14  }
0x16d: {  	v8 =	vld [tilespmem:s22+$0xFFFFFF30];
	[tilespmem:s22+$0x80] =	vst v11;
	v11 =	vmul.f32 v16, v14  }
0x16e: {  	v10 =	vld [tilespmem:s22+$0x100];
	[tilespmem:s22+$0x90] =	vst v9;
	v9 =	vmul.f32 v12, v14  }
0x16f: {  	[tilespmem:s22+$0xA0] =	vst v11;
	v11 =	vld [tilespmem:s22+$0x110];
	v15 =	vmul.f32 v15, v3  }
0x170: {  	v12 =	vld [tilespmem:s22+$0x120];
	v14 =	vmul.f32 v17, v3;
	[tilespmem:s22+$0xB0] =	vst v9  }
0x171: {  	s29 =	simm.s32 $0x540;
	s23 =	simm.s32 $0x0;
	v9 =	vld [tilespmem:s28+$0xFFFFFFE0];
	s28 =	simm.s32 $0x8470;
	[tilespmem:s22+$0xC0] =	vst v15;
	v15 =	vmul.f32 v63, v3  }
.LBB2_7:
0x172: {  	v16 =	vld [tilespmem:s28+$0x20];
	[tilespmem:s22+$0xD0] =	vst v14;
	v13 =	vmul.f32 v13, v3;
	s29 =	sadd.s32 $0x280, s29  }
0x173: {  	s23 =	sadd.s32 $0x5, s23;
	v14 =	vld [tilespmem:s29+$0x130];
	[tilespmem:s22+$0xE0] =	vst v15;
	v10 =	vmul.f32 v10, v3  }
0x174: {  	p0 =	slt.u32 s23, $0x78;
	v15 =	vld [tilespmem:s29+$0xFFFFFEC0];
	[tilespmem:s22+$0xF0] =	vst v13;
	v11 =	vmul.f32 v11, v3  }
0x175: {  	v13 =	vld [tilespmem:s29+$0xFFFFFED0];
	[tilespmem:s22+$0x100] =	vst v10;
	v12 =	vmul.f32 v12, v3  }
0x176: {  	v10 =	vld [tilespmem:s29+$0xFFFFFEE0];
	v18 =	vmul.f32 v4, v9;
	v5 =	vmul.f32 v5, v9;
	[tilespmem:s22+$0x110] =	vst v11  }
0x177: {  	v6 =	vmul.f32 v6, v9;
	v11 =	vmul.f32 v1, v9;
	v1 =	vld [tilespmem:s29+$0xFFFFFEF0];
	[tilespmem:s22+$0x120] =	vst v12;
	v3 =	vmov v16  }
0x178: {  	v12 =	vmul.f32 v14, v3;
	[tilespmem:s22+$0xFFFFFEC0] =	vst v18;
	v14 =	vmul.f32 v0, v9;
	v0 =	vld [tilespmem:s29+$0xFFFFFF00]  }
0x179: {  	v17 =	vmul.f32 v7, v9;
	v16 =	vmul.f32 v2, v9;
	[tilespmem:s22+$0xFFFFFED0] =	vst v5;
	v2 =	vld [tilespmem:s29+$0xFFFFFF10];
	v4 =	vmov v15  }
0x17a: {  	v9 =	vmul.f32 v8, v9;
	v7 =	vld [tilespmem:s29+$0xFFFFFF20];
	[tilespmem:s29+$0x130] =	vst v12;
	v5 =	vmov v13  }
0x17b: {  	v8 =	vld [tilespmem:s29+$0xFFFFFF30];
	[tilespmem:s22+$0xFFFFFEE0] =	vst v6;
	v6 =	vmov v10  }
0x17c: {  	v10 =	vld [tilespmem:s28+$0xFFFFFFF0];
	[tilespmem:s22+$0xFFFFFEF0] =	vst v11  }
0x17d: {  	v11 =	vld [tilespmem:s29+$0xFFFFFF40];
	[tilespmem:s22+$0xFFFFFF00] =	vst v14  }
0x17e: {  	v12 =	vld [tilespmem:s29+$0xFFFFFF50];
	[tilespmem:s22+$0xFFFFFF10] =	vst v16  }
0x17f: {  	v13 =	vld [tilespmem:s29+$0xFFFFFF60];
	[tilespmem:s22+$0xFFFFFF20] =	vst v17  }
0x180: {  	v14 =	vld [tilespmem:s29+$0xFFFFFF70];
	[tilespmem:s22+$0xFFFFFF30] =	vst v9;
	s22 =	smov.u32 s29  }
0x181: {  	v9 =	vld [tilespmem:s29+$0xFFFFFF80]  }
0x182: {  	v11 =	vmul.f32 v11, v10;
	v15 =	vld [tilespmem:s29+$0xFFFFFF90]  }
0x183: {  	v12 =	vmul.f32 v12, v10;
	v16 =	vld [tilespmem:s29+$0xFFFFFFA0]  }
0x184: {  	[tilespmem:s29+$0xFFFFFF40] =	vst v11;
	v11 =	vmul.f32 v13, v10;
	v13 =	vld [tilespmem:s29+$0xFFFFFFB0]  }
0x185: {  	[tilespmem:s29+$0xFFFFFF50] =	vst v12;
	v12 =	vmul.f32 v14, v10;
	v14 =	vld [tilespmem:s28+$0x0]  }
0x186: {  	[tilespmem:s29+$0xFFFFFF60] =	vst v11;
	v9 =	vmul.f32 v9, v10;
	v11 =	vld [tilespmem:s29+$0xFFFFFFC0]  }
0x187: {  	[tilespmem:s29+$0xFFFFFF70] =	vst v12;
	v12 =	vmul.f32 v15, v10;
	v15 =	vld [tilespmem:s29+$0xFFFFFFD0]  }
0x188: {  	[tilespmem:s29+$0xFFFFFF80] =	vst v9;
	v9 =	vmul.f32 v16, v10;
	v16 =	vld [tilespmem:s29+$0xFFFFFFE0]  }
0x189: {  	[tilespmem:s29+$0xFFFFFF90] =	vst v12;
	v10 =	vmul.f32 v13, v10;
	v12 =	vld [tilespmem:s29+$0xFFFFFFF0]  }
0x18a: {  	[tilespmem:s29+$0xFFFFFFA0] =	vst v9;
	v9 =	vld [tilespmem:s29+$0x0]  }
0x18b: {  	[tilespmem:s29+$0xFFFFFFB0] =	vst v10;
	v10 =	vmul.f32 v11, v14;
	v11 =	vld [tilespmem:s29+$0x10]  }
0x18c: {  	v13 =	vmul.f32 v15, v14;
	v15 =	vld [tilespmem:s29+$0x20]  }
0x18d: {  	[tilespmem:s29+$0xFFFFFFC0] =	vst v10;
	v10 =	vmul.f32 v16, v14;
	v16 =	vld [tilespmem:s29+$0x30]  }
0x18e: {  	[tilespmem:s29+$0xFFFFFFD0] =	vst v13;
	v12 =	vmul.f32 v12, v14;
	v17 =	vld [tilespmem:s28+$0x10]  }
0x18f: {  	[tilespmem:s29+$0xFFFFFFE0] =	vst v10;
	v9 =	vmul.f32 v9, v14;
	v10 =	vld [tilespmem:s29+$0x40]  }
0x190: {  	[tilespmem:s29+$0xFFFFFFF0] =	vst v12;
	v11 =	vmul.f32 v11, v14;
	v12 =	vld [tilespmem:s29+$0x50]  }
0x191: {  	[tilespmem:s29+$0x0] =	vst v9;
	v9 =	vmul.f32 v15, v14;
	v13 =	vld [tilespmem:s29+$0x60]  }
0x192: {  	[tilespmem:s29+$0x10] =	vst v11;
	v11 =	vmul.f32 v16, v14;
	v14 =	vld [tilespmem:s29+$0x70]  }
0x193: {  	[tilespmem:s29+$0x20] =	vst v9;
	v9 =	vld [tilespmem:s29+$0x80]  }
0x194: {  	[tilespmem:s29+$0x30] =	vst v11;
	v10 =	vmul.f32 v10, v17;
	v11 =	vld [tilespmem:s29+$0x90]  }
0x195: {  	v12 =	vmul.f32 v12, v17;
	v15 =	vld [tilespmem:s29+$0xA0]  }
0x196: {  	[tilespmem:s29+$0x40] =	vst v10;
	v10 =	vmul.f32 v13, v17;
	v16 =	vld [tilespmem:s29+$0xB0]  }
0x197: {  	[tilespmem:s29+$0x50] =	vst v12;
	v12 =	vmul.f32 v14, v17;
	v14 =	vld [tilespmem:s29+$0xC0]  }
0x198: {  	[tilespmem:s29+$0x60] =	vst v10;
	v9 =	vmul.f32 v9, v17;
	v18 =	vld [tilespmem:s29+$0xD0]  }
0x199: {  	[tilespmem:s29+$0x70] =	vst v12;
	v10 =	vmul.f32 v11, v17;
	v19 =	vld [tilespmem:s29+$0xE0]  }
.Ltmp2:
0x19a: {  	[tilespmem:s29+$0x80] =	vst v9;
	v9 =	vmul.f32 v15, v17;
	v13 =	vld [tilespmem:s29+$0xF0];
	(pc) =	sbr.rel @p0 .LBB2_7-.Ltmp2, $4  }
0x19b: {  	[tilespmem:s29+$0x90] =	vst v10;
	v12 =	vmul.f32 v16, v17;
	v10 =	vld [tilespmem:s29+$0x100]  }
0x19c: {  	[tilespmem:s29+$0xA0] =	vst v9;
	v15 =	vmul.f32 v14, v3;
	v11 =	vld [tilespmem:s29+$0x110]  }
0x19d: {  	[tilespmem:s29+$0xB0] =	vst v12;
	v14 =	vmul.f32 v18, v3;
	v12 =	vld [tilespmem:s29+$0x120]  }
0x19e: {  	v9 =	vld [tilespmem:s28+$0xFFFFFFE0];
	[tilespmem:s29+$0xC0] =	vst v15;
	v15 =	vmul.f32 v19, v3;
	s28 =	sadd.s32 $0x50, s28  }
0x19f: {  	[tilespmem:s22+$0xD0] =	vst v14;
	v13 =	vmul.f32 v13, v3  }
0x1a0: {  	[tilespmem:s22+$0xE0] =	vst v15;
	v10 =	vmul.f32 v10, v3  }
0x1a1: {  	[tilespmem:s22+$0xF0] =	vst v13;
	v11 =	vmul.f32 v11, v3  }
0x1a2: {  	[tilespmem:s22+$0x100] =	vst v10;
	v3 =	vmul.f32 v12, v3  }
0x1a3: {  	v4 =	vmul.f32 v4, v9;
	[tilespmem:s22+$0x110] =	vst v11  }
0x1a4: {  	v5 =	vmul.f32 v5, v9;
	[tilespmem:s22+$0x120] =	vst v3  }
0x1a5: {  	v1 =	vmul.f32 v1, v9;
	[tilespmem:s22+$0xFFFFFEC0] =	vst v4  }
0x1a6: {  	v0 =	vmul.f32 v0, v9;
	[tilespmem:s22+$0xFFFFFED0] =	vst v5  }
0x1a7: {  	v2 =	vmul.f32 v2, v9;
	[tilespmem:s22+$0xFFFFFEF0] =	vst v1  }
0x1a8: {  	v3 =	vmul.f32 v6, v9;
	[tilespmem:s22+$0xFFFFFF00] =	vst v0  }
0x1a9: {  	v1 =	vmul.f32 v7, v9;
	[tilespmem:s22+$0xFFFFFF10] =	vst v2  }
0x1aa: {  	v0 =	vmul.f32 v8, v9;
	[tilespmem:s22+$0xFFFFFEE0] =	vst v3  }
0x1ab: {  	[tilespmem:s22+$0xFFFFFF20] =	vst v1  }
0x1ac: {  	[tilespmem:s22+$0xFFFFFF30] =	vst v0  }
0x1ad: {  	_ =	swait.ge [sflag:s10], $0x3E80  }
0x1ae: {  	[sflag:s10] =	ssyncset.done $0x0  }
0x1af: {  	[sflag:s10] =	ssyncadd.s32 $0xFFFFC180  }
0x1b0: {  	_ =	swait.ge [sflag:s11], $0x80  }
0x1b1: {  	[sflag:s11] =	ssyncset.done $0x0  }
0x1b2: {  	[sflag:s11] =	ssyncadd.s32 $0xFFFFFF80  }
0x1b3: {  	_ =	swait.ge [sflag:s11], $0x80  }
0x1b4: {  	[sflag:s11] =	ssyncset.done $0x0  }
0x1b5: {  	s20 =	smul.u32 $0xFA, s20;
	[sflag:s11] =	ssyncadd.s32 $0xFFFFFF80  }
0x1b6: {  	[tilespmem:s17], [sflag:$0x6] =	stream.indirect.gather [hbm4b:s21+s12], $0x80, s4, s12, $0xb8;
	[tilespmem:$0x1D400] =	vst v63  }
0x1b7: {  	s20 =	sadd.s32 s1, s20  }
0x1b8: {  	[tilespmem:s8], [sflag:$0x6] =	stream.linear.gather [hbm4b:s20+s3], $0x7D0, $0x38;
	[tilespmem:$0x1D400] =	vst v63  }
0x1b9: {  	p0 =	seq.s32 s18, $0x13;
	s20 =	rddreg [dreg:$0x15]  }
0x1ba: {  	s20 =	sadd.s32 @!p0 s19, s20  }
0x1bb: {  	s22 =	sshll.u32 @!p0 s20, $0x4  }
0x1bc: {  	s28 =	simm.s32 @!p0 $0x0;
	s23 =	sadd.s32 @!p0 s5, s22  }
0x1bd: {  	[tilespmem:s28], [sflag:$0x1] =	stream.linear.gather @!p0 [hbm4b:s23+s28], $0x80, $0x38;
	[tilespmem:$0x1D400] =	vst v63  }
0x1be: {  	s22 =	sadd.s32 @!p0 s6, s22;
	s23 =	simm.s32 @!p0 $0x200  }
0x1bf: {  	[tilespmem:s23], [sflag:$0x1] =	stream.linear.gather @!p0 [hbm4b:s22+s28], $0x80, $0x38;
	[tilespmem:$0x1D400] =	vst v63  }
0x1c0: {  	_ = 	snop  }
0x1c1: {  	[spmem:s2] =	stream.indirect.scatter.add.f32 [tilespmem:s13], [sflag:$0x7], $0x80, s25, s12, $0xb8;
	[tilespmem:$0x1D400] =	vst v63  }
0x1c2: {  	_ =	swait.ge [sflag:s9], $0x3E80  }
0x1c3: {  	[sflag:s9] =	ssyncset.done $0x0  }
0x1c4: {  	[sflag:s9] =	ssyncadd.s32 $0xFFFFC180  }
0x1c5: {  	_ =	swait.ge [sflag:s9], $0x7D0  }
0x1c6: {  	[sflag:s9] =	ssyncset.done $0x0  }
0x1c7: {  	s28 =	simm.s32 $0x8C20;
	[sflag:s9] =	ssyncadd.s32 $0xFFFFF830  }
0x1c8: {  	s22 =	simm.s32 $0x4540;
	v3 =	vld [tilespmem:s28+$0x20]  }
0x1c9: {  	v7 =	vld [tilespmem:s22+$0x130]  }
0x1ca: {  	v4 =	vld [tilespmem:s22+$0xFFFFFEC0]  }
0x1cb: {  	v5 =	vld [tilespmem:s22+$0xFFFFFED0]  }
0x1cc: {  	v6 =	vld [tilespmem:s22+$0xFFFFFEE0]  }
0x1cd: {  	v1 =	vld [tilespmem:s22+$0xFFFFFEF0]  }
0x1ce: {  	v0 =	vld [tilespmem:s22+$0xFFFFFF00]  }
0x1cf: {  	v8 =	vld [tilespmem:s28+$0xFFFFFFF0]  }
0x1d0: {  	v2 =	vld [tilespmem:s22+$0xFFFFFF40]  }
0x1d1: {  	v9 =	vld [tilespmem:s22+$0xFFFFFF50]  }
0x1d2: {  	v10 =	vld [tilespmem:s22+$0xFFFFFF60]  }
0x1d3: {  	v11 =	vld [tilespmem:s22+$0xFFFFFF70]  }
0x1d4: {  	v12 =	vld [tilespmem:s22+$0xFFFFFF80]  }
0x1d5: {  	v14 =	vld [tilespmem:s22+$0xFFFFFF90]  }
0x1d6: {  	v15 =	vld [tilespmem:s22+$0xFFFFFFA0]  }
0x1d7: {  	v16 =	vld [tilespmem:s28+$0x0]  }
0x1d8: {  	v17 =	vld [tilespmem:s22+$0xFFFFFFC0]  }
0x1d9: {  	v18 =	vld [tilespmem:s22+$0xFFFFFFD0];
	v13 =	vmul.f32 v2, v8  }
0x1da: {  	v19 =	vld [tilespmem:s22+$0x20];
	v7 =	vmul.f32 v7, v3  }
0x1db: {  	v63 =	vld [tilespmem:s22+$0xE0];
	v9 =	vmul.f32 v9, v8;
	[tilespmem:s22+$0xFFFFFF40] =	vst v13  }
0x1dc: {  	v2 =	vld [tilespmem:s22+$0xFFFFFF10];
	v14 =	vmul.f32 v14, v8;
	[tilespmem:s22+$0x130] =	vst v7  }
0x1dd: {  	v13 =	vld [tilespmem:s22+$0xFFFFFFB0];
	[tilespmem:s22+$0xFFFFFF50] =	vst v9;
	v9 =	vmul.f32 v11, v8  }
0x1de: {  	v7 =	vmul.f32 v10, v8;
	v10 =	vld [tilespmem:s22+$0xFFFFFFE0];
	[tilespmem:s22+$0xFFFFFF90] =	vst v14  }
0x1df: {  	v11 =	vld [tilespmem:s22+$0xFFFFFFF0];
	[tilespmem:s22+$0xFFFFFF70] =	vst v9;
	v9 =	vmul.f32 v17, v16  }
0x1e0: {  	v14 =	vld [tilespmem:s28+$0x10];
	[tilespmem:s22+$0xFFFFFF60] =	vst v7;
	v7 =	vmul.f32 v12, v8  }
0x1e1: {  	v12 =	vld [tilespmem:s22+$0x0];
	[tilespmem:s22+$0xFFFFFFC0] =	vst v9;
	v9 =	vmul.f32 v15, v8  }
0x1e2: {  	v17 =	vld [tilespmem:s22+$0x10];
	[tilespmem:s22+$0xFFFFFF80] =	vst v7;
	v8 =	vmul.f32 v13, v8  }
0x1e3: {  	v13 =	vld [tilespmem:s22+$0x30];
	[tilespmem:s22+$0xFFFFFFA0] =	vst v9;
	v9 =	vmul.f32 v18, v16  }
0x1e4: {  	[tilespmem:s22+$0xFFFFFFB0] =	vst v8;
	v8 =	vmul.f32 v10, v16;
	v10 =	vld [tilespmem:s22+$0x40]  }
0x1e5: {  	v7 =	vld [tilespmem:s22+$0xFFFFFF20];
	[tilespmem:s22+$0xFFFFFFD0] =	vst v9;
	v9 =	vmul.f32 v11, v16  }
0x1e6: {  	v11 =	vld [tilespmem:s22+$0x50];
	[tilespmem:s22+$0xFFFFFFE0] =	vst v8;
	v8 =	vmul.f32 v12, v16  }
0x1e7: {  	v12 =	vld [tilespmem:s22+$0x60];
	[tilespmem:s22+$0xFFFFFFF0] =	vst v9;
	v9 =	vmul.f32 v17, v16  }
0x1e8: {  	v15 =	vld [tilespmem:s22+$0x70];
	v13 =	vmul.f32 v13, v16;
	[tilespmem:s22+$0x0] =	vst v8  }
0x1e9: {  	v17 =	vld [tilespmem:s22+$0x80];
	[tilespmem:s22+$0x10] =	vst v9;
	v9 =	vmul.f32 v10, v14  }
0x1ea: {  	v8 =	vmul.f32 v19, v16;
	v10 =	vld [tilespmem:s22+$0x90];
	[tilespmem:s22+$0x30] =	vst v13  }
0x1eb: {  	v16 =	vld [tilespmem:s22+$0xA0];
	[tilespmem:s22+$0x40] =	vst v9;
	v9 =	vmul.f32 v11, v14  }
0x1ec: {  	[tilespmem:s22+$0x20] =	vst v8;
	v11 =	vmul.f32 v12, v14;
	v12 =	vld [tilespmem:s22+$0xB0]  }
0x1ed: {  	[tilespmem:s22+$0x50] =	vst v9;
	v9 =	vmul.f32 v15, v14;
	v15 =	vld [tilespmem:s22+$0xC0]  }
0x1ee: {  	[tilespmem:s22+$0x60] =	vst v11;
	v11 =	vmul.f32 v17, v14;
	v17 =	vld [tilespmem:s22+$0xD0]  }
0x1ef: {  	v13 =	vld [tilespmem:s22+$0xF0];
	[tilespmem:s22+$0x70] =	vst v9;
	v9 =	vmul.f32 v10, v14  }
0x1f0: {  	v8 =	vld [tilespmem:s22+$0xFFFFFF30];
	[tilespmem:s22+$0x80] =	vst v11;
	v11 =	vmul.f32 v16, v14  }
0x1f1: {  	v10 =	vld [tilespmem:s22+$0x100];
	[tilespmem:s22+$0x90] =	vst v9;
	v9 =	vmul.f32 v12, v14  }
0x1f2: {  	[tilespmem:s22+$0xA0] =	vst v11;
	v11 =	vld [tilespmem:s22+$0x110];
	v15 =	vmul.f32 v15, v3  }
0x1f3: {  	v12 =	vld [tilespmem:s22+$0x120];
	v14 =	vmul.f32 v17, v3;
	[tilespmem:s22+$0xB0] =	vst v9  }
0x1f4: {  	s29 =	simm.s32 $0x4540;
	s23 =	simm.s32 $0x0;
	v9 =	vld [tilespmem:s28+$0xFFFFFFE0];
	s28 =	simm.s32 $0x8C70;
	[tilespmem:s22+$0xC0] =	vst v15;
	v15 =	vmul.f32 v63, v3  }
.LBB2_9:
0x1f5: {  	v16 =	vld [tilespmem:s28+$0x20];
	[tilespmem:s22+$0xD0] =	vst v14;
	v13 =	vmul.f32 v13, v3;
	s29 =	sadd.s32 $0x280, s29  }
0x1f6: {  	s23 =	sadd.s32 $0x5, s23;
	v14 =	vld [tilespmem:s29+$0x130];
	[tilespmem:s22+$0xE0] =	vst v15;
	v10 =	vmul.f32 v10, v3  }
0x1f7: {  	p1 =	slt.u32 s23, $0x78;
	v15 =	vld [tilespmem:s29+$0xFFFFFEC0];
	[tilespmem:s22+$0xF0] =	vst v13;
	v11 =	vmul.f32 v11, v3  }
0x1f8: {  	v13 =	vld [tilespmem:s29+$0xFFFFFED0];
	[tilespmem:s22+$0x100] =	vst v10;
	v12 =	vmul.f32 v12, v3  }
0x1f9: {  	v10 =	vld [tilespmem:s29+$0xFFFFFEE0];
	v18 =	vmul.f32 v4, v9;
	v5 =	vmul.f32 v5, v9;
	[tilespmem:s22+$0x110] =	vst v11  }
0x1fa: {  	v6 =	vmul.f32 v6, v9;
	v11 =	vmul.f32 v1, v9;
	v1 =	vld [tilespmem:s29+$0xFFFFFEF0];
	[tilespmem:s22+$0x120] =	vst v12;
	v3 =	vmov v16  }
0x1fb: {  	v12 =	vmul.f32 v14, v3;
	[tilespmem:s22+$0xFFFFFEC0] =	vst v18;
	v14 =	vmul.f32 v0, v9;
	v0 =	vld [tilespmem:s29+$0xFFFFFF00]  }
0x1fc: {  	v17 =	vmul.f32 v7, v9;
	v16 =	vmul.f32 v2, v9;
	[tilespmem:s22+$0xFFFFFED0] =	vst v5;
	v2 =	vld [tilespmem:s29+$0xFFFFFF10];
	v4 =	vmov v15  }
0x1fd: {  	v9 =	vmul.f32 v8, v9;
	v7 =	vld [tilespmem:s29+$0xFFFFFF20];
	[tilespmem:s29+$0x130] =	vst v12;
	v5 =	vmov v13  }
0x1fe: {  	v8 =	vld [tilespmem:s29+$0xFFFFFF30];
	[tilespmem:s22+$0xFFFFFEE0] =	vst v6;
	v6 =	vmov v10  }
0x1ff: {  	v10 =	vld [tilespmem:s28+$0xFFFFFFF0];
	[tilespmem:s22+$0xFFFFFEF0] =	vst v11  }
0x200: {  	v11 =	vld [tilespmem:s29+$0xFFFFFF40];
	[tilespmem:s22+$0xFFFFFF00] =	vst v14  }
0x201: {  	v12 =	vld [tilespmem:s29+$0xFFFFFF50];
	[tilespmem:s22+$0xFFFFFF10] =	vst v16  }
0x202: {  	v13 =	vld [tilespmem:s29+$0xFFFFFF60];
	[tilespmem:s22+$0xFFFFFF20] =	vst v17  }
0x203: {  	v14 =	vld [tilespmem:s29+$0xFFFFFF70];
	[tilespmem:s22+$0xFFFFFF30] =	vst v9;
	s22 =	smov.u32 s29  }
0x204: {  	v9 =	vld [tilespmem:s29+$0xFFFFFF80]  }
0x205: {  	v11 =	vmul.f32 v11, v10;
	v15 =	vld [tilespmem:s29+$0xFFFFFF90]  }
0x206: {  	v12 =	vmul.f32 v12, v10;
	v16 =	vld [tilespmem:s29+$0xFFFFFFA0]  }
0x207: {  	[tilespmem:s29+$0xFFFFFF40] =	vst v11;
	v11 =	vmul.f32 v13, v10;
	v13 =	vld [tilespmem:s29+$0xFFFFFFB0]  }
0x208: {  	[tilespmem:s29+$0xFFFFFF50] =	vst v12;
	v12 =	vmul.f32 v14, v10;
	v14 =	vld [tilespmem:s28+$0x0]  }
0x209: {  	[tilespmem:s29+$0xFFFFFF60] =	vst v11;
	v9 =	vmul.f32 v9, v10;
	v11 =	vld [tilespmem:s29+$0xFFFFFFC0]  }
0x20a: {  	[tilespmem:s29+$0xFFFFFF70] =	vst v12;
	v12 =	vmul.f32 v15, v10;
	v15 =	vld [tilespmem:s29+$0xFFFFFFD0]  }
0x20b: {  	[tilespmem:s29+$0xFFFFFF80] =	vst v9;
	v9 =	vmul.f32 v16, v10;
	v16 =	vld [tilespmem:s29+$0xFFFFFFE0]  }
0x20c: {  	[tilespmem:s29+$0xFFFFFF90] =	vst v12;
	v10 =	vmul.f32 v13, v10;
	v12 =	vld [tilespmem:s29+$0xFFFFFFF0]  }
0x20d: {  	[tilespmem:s29+$0xFFFFFFA0] =	vst v9;
	v9 =	vld [tilespmem:s29+$0x0]  }
0x20e: {  	[tilespmem:s29+$0xFFFFFFB0] =	vst v10;
	v10 =	vmul.f32 v11, v14;
	v11 =	vld [tilespmem:s29+$0x10]  }
0x20f: {  	v13 =	vmul.f32 v15, v14;
	v15 =	vld [tilespmem:s29+$0x20]  }
0x210: {  	[tilespmem:s29+$0xFFFFFFC0] =	vst v10;
	v10 =	vmul.f32 v16, v14;
	v16 =	vld [tilespmem:s29+$0x30]  }
0x211: {  	[tilespmem:s29+$0xFFFFFFD0] =	vst v13;
	v12 =	vmul.f32 v12, v14;
	v17 =	vld [tilespmem:s28+$0x10]  }
0x212: {  	[tilespmem:s29+$0xFFFFFFE0] =	vst v10;
	v9 =	vmul.f32 v9, v14;
	v10 =	vld [tilespmem:s29+$0x40]  }
0x213: {  	[tilespmem:s29+$0xFFFFFFF0] =	vst v12;
	v11 =	vmul.f32 v11, v14;
	v12 =	vld [tilespmem:s29+$0x50]  }
0x214: {  	[tilespmem:s29+$0x0] =	vst v9;
	v9 =	vmul.f32 v15, v14;
	v13 =	vld [tilespmem:s29+$0x60]  }
0x215: {  	[tilespmem:s29+$0x10] =	vst v11;
	v11 =	vmul.f32 v16, v14;
	v14 =	vld [tilespmem:s29+$0x70]  }
0x216: {  	[tilespmem:s29+$0x20] =	vst v9;
	v9 =	vld [tilespmem:s29+$0x80]  }
0x217: {  	[tilespmem:s29+$0x30] =	vst v11;
	v10 =	vmul.f32 v10, v17;
	v11 =	vld [tilespmem:s29+$0x90]  }
0x218: {  	v12 =	vmul.f32 v12, v17;
	v15 =	vld [tilespmem:s29+$0xA0]  }
0x219: {  	[tilespmem:s29+$0x40] =	vst v10;
	v10 =	vmul.f32 v13, v17;
	v16 =	vld [tilespmem:s29+$0xB0]  }
0x21a: {  	[tilespmem:s29+$0x50] =	vst v12;
	v12 =	vmul.f32 v14, v17;
	v14 =	vld [tilespmem:s29+$0xC0]  }
0x21b: {  	[tilespmem:s29+$0x60] =	vst v10;
	v9 =	vmul.f32 v9, v17;
	v18 =	vld [tilespmem:s29+$0xD0]  }
0x21c: {  	[tilespmem:s29+$0x70] =	vst v12;
	v10 =	vmul.f32 v11, v17;
	v19 =	vld [tilespmem:s29+$0xE0]  }
.Ltmp3:
0x21d: {  	[tilespmem:s29+$0x80] =	vst v9;
	v9 =	vmul.f32 v15, v17;
	v13 =	vld [tilespmem:s29+$0xF0];
	(pc) =	sbr.rel @p1 .LBB2_9-.Ltmp3, $4  }
0x21e: {  	[tilespmem:s29+$0x90] =	vst v10;
	v12 =	vmul.f32 v16, v17;
	v10 =	vld [tilespmem:s29+$0x100]  }
0x21f: {  	[tilespmem:s29+$0xA0] =	vst v9;
	v15 =	vmul.f32 v14, v3;
	v11 =	vld [tilespmem:s29+$0x110]  }
0x220: {  	[tilespmem:s29+$0xB0] =	vst v12;
	v14 =	vmul.f32 v18, v3;
	v12 =	vld [tilespmem:s29+$0x120]  }
0x221: {  	v9 =	vld [tilespmem:s28+$0xFFFFFFE0];
	[tilespmem:s29+$0xC0] =	vst v15;
	v15 =	vmul.f32 v19, v3;
	s28 =	sadd.s32 $0x50, s28  }
0x222: {  	[tilespmem:s22+$0xD0] =	vst v14;
	v13 =	vmul.f32 v13, v3  }
0x223: {  	[tilespmem:s22+$0xE0] =	vst v15;
	v10 =	vmul.f32 v10, v3  }
0x224: {  	[tilespmem:s22+$0xF0] =	vst v13;
	v11 =	vmul.f32 v11, v3  }
0x225: {  	[tilespmem:s22+$0x100] =	vst v10;
	v60 =	vmul.f32 v12, v3  }
0x226: {  	v4 =	vmul.f32 v4, v9;
	[tilespmem:s22+$0x110] =	vst v11  }
0x227: {  	v5 =	vmul.f32 v5, v9;
	[tilespmem:s22+$0x120] =	vst v60  }
0x228: {  	v61 =	vmul.f32 v6, v9;
	[tilespmem:s22+$0xFFFFFEC0] =	vst v4  }
0x229: {  	v1 =	vmul.f32 v1, v9;
	[tilespmem:s22+$0xFFFFFED0] =	vst v5  }
0x22a: {  	v0 =	vmul.f32 v0, v9;
	[tilespmem:s22+$0xFFFFFEE0] =	vst v61  }
0x22b: {  	v2 =	vmul.f32 v2, v9;
	[tilespmem:s22+$0xFFFFFEF0] =	vst v1  }
0x22c: {  	v62 =	vmul.f32 v7, v9;
	[tilespmem:s22+$0xFFFFFF00] =	vst v0  }
0x22d: {  	v63 =	vmul.f32 v8, v9;
	[tilespmem:s22+$0xFFFFFF10] =	vst v2  }
0x22e: {  	[tilespmem:s22+$0xFFFFFF20] =	vst v62  }
0x22f: {  	[tilespmem:s22+$0xFFFFFF30] =	vst v63  }
0x230: {  	_ =	swait.ge [sflag:s31], $0x3E80  }
0x231: {  	[sflag:s31] =	ssyncset.done $0x0  }
0x232: {  	s22 =	simm.s32 @!p0 $0x1;
	[sflag:s31] =	ssyncadd.s32 $0xFFFFC180  }
0x233: {  	_ =	swait.ge @!p0 [sflag:s22], $0x80  }
0x234: {  	[sflag:s22] =	ssyncset.done @!p0 $0x0  }
0x235: {  	[sflag:s22] =	ssyncadd.s32 @!p0 $0xFFFFFF80  }
0x236: {  	_ =	swait.ge @!p0 [sflag:s22], $0x80  }
0x237: {  	s23 =	simm.s32 @!p0 $0x0;
	s28 =	simm.s32 @!p0 $0x400;
	[sflag:s22] =	ssyncset.done @!p0 $0x0  }
0x238: {  	s20 =	smul.u32 @!p0 $0xFA, s20;
	[sflag:s22] =	ssyncadd.s32 @!p0 $0xFFFFFF80;
	s22 =	simm.s32 @!p0 $0x7D  }
0x239: {  	[tilespmem:s28], [sflag:$0x5] =	stream.indirect.gather @!p0 [hbm4b:s21+s22], $0x80, s23, s22, $0xb8;
	[tilespmem:$0x1D400] =	vst v63  }
0x23a: {  	s20 =	sadd.s32 @!p0 s1, s20;
	s22 =	simm.s32 @!p0 $0x8400  }
0x23b: {  	[tilespmem:s22], [sflag:$0x5] =	stream.linear.gather @!p0 [hbm4b:s20+s23], $0x7D0, $0x38;
	[tilespmem:$0x1D400] =	vst v63  }
0x23c: {  	s20 =	rddreg [dreg:$0x16]  }
0x23d: {  	s19 =	sadd.s32 @!p0 s19, s20  }
0x23e: {  	s19 =	sshll.u32 @!p0 s19, $0x4  }
0x23f: {  	s22 =	simm.s32 @!p0 $0x80;
	s20 =	sadd.s32 @!p0 s5, s19  }
0x240: {  	[tilespmem:s22], [sflag:$0x2] =	stream.linear.gather @!p0 [hbm4b:s20+s23], $0x80, $0x38;
	[tilespmem:$0x1D400] =	vst v63  }
0x241: {  	s18 =	sadd.s32 $0x1, s18;
	s19 =	sadd.s32 @!p0 s6, s19;
	s20 =	simm.s32 @!p0 $0x280  }
0x242: {  	[tilespmem:s20], [sflag:$0x2] =	stream.linear.gather @!p0 [hbm4b:s19+s23], $0x80, $0x38;
	[tilespmem:$0x1D400] =	vst v63  }
0x243: {  	p0 =	sne.s32 s18, $0x14  }
.Ltmp4:
0x244: {  	_ = 	snop;
	(pc) =	sbr.rel @p0 .LBB2_2-.Ltmp4, $4  }
0x245: {  	[spmem:s2] =	stream.indirect.scatter.add.f32 [tilespmem:s17], [sflag:$0x8], $0x80, s7, s12, $0xb8;
	[tilespmem:$0x1D400] =	vst v63  }
0x246: {  	_ =	swait.ge [sflag:s10], $0x3E80  }
0x247: {  	[sflag:s10] =	ssyncset.done $0x0  }
0x248: {  	[sflag:s10] =	ssyncadd.s32 $0xFFFFC180  }
0x249: {  	[bflag:$0x0] =	sbarrier.arrive $0xFFFF;
	s18 =	simm.s32 $0x0  }
.LBB2_12:
0x24a: {  	s19 =	sshll.u32 s18, $0x7;
	s20 =	rddreg [dreg:$0x7]  }
0x24b: {  	s20 =	sadd.s32 s20, s19  }
0x24c: {  	s19 =	sshll.u32 s20, $0x7  }
0x24d: {  	s22 =	sadd.s32 s19, s2  }
0x24e: {  	[tilespmem:s13], [sflag:$0x9] =	stream.linear.gather [spmem:s22], $0x4000, $0x38;
	[tilespmem:$0x1D400] =	vst v63  }
0x24f: {  	_ =	swait.ge [sflag:s30], $0x4000  }
0x250: {  	s20 =	sshll.u32 s20, $0x1;
	[sflag:s30] =	ssyncset.done $0x0;
	s23 =	rddreg [dreg:$0x4]  }
0x251: {  	[sflag:s30] =	ssyncadd.s32 $0xFFFFC000;
	s22 =	sadd.s32 s23, s20  }
0x252: {  	[tilespmem:s14], [sflag:$0x9] =	stream.linear.gather [hbm4b:s22+s3], $0x800, $0x38;
	[tilespmem:$0x1D400] =	vst v63  }
0x253: {  	_ =	swait.ge [sflag:s30], $0x800  }
0x254: {  	[sflag:s30] =	ssyncset.done $0x0;
	s23 =	rddreg [dreg:$0x11]  }
0x255: {  	[sflag:s30] =	ssyncadd.s32 $0xFFFFF800;
	s20 =	sadd.s32 s20, s23  }
0x256: {  	[tilespmem:s8], [sflag:$0x9] =	stream.linear.gather [hbm4b:s20+s3], $0x800, $0x38;
	[tilespmem:$0x1D400] =	vst v63  }
0x257: {  	_ =	swait.ge [sflag:s30], $0x800  }
0x258: {  	[sflag:s30] =	ssyncset.done $0x0  }
0x259: {  	s23 =	simm.s32 $0x8420;
	[sflag:s30] =	ssyncadd.s32 $0xFFFFF800  }
0x25a: {  	s22 =	simm.s32 $0x8C20;
	v0 =	vld [tilespmem:s23+$0x10]  }
0x25b: {  	v1 =	vld [tilespmem:s22+$0x10]  }
0x25c: {  	v2 =	vld [tilespmem:s22+$0xFFFFFFE0]  }
0x25d: {  	v3 =	vld [tilespmem:s23+$0xFFFFFFF0]  }
0x25e: {  	v4 =	vld [tilespmem:s22+$0xFFFFFFF0]  }
0x25f: {  	v5 =	vld [tilespmem:s23+$0x0]  }
0x260: {  	v6 =	vld [tilespmem:s22+$0x0]  }
0x261: {  	v7 =	vld [tilespmem:s23+$0xFFFFFFE0];
	_ =	sdelay $0x1  }
0x262: {  	v0 =	vadd.f32 v1, v0  }
0x263: {  	v1 =	vadd.f32 v4, v3  }
0x264: {  	v3 =	vadd.f32 v6, v5;
	(erf) = vrcp.f32 v0  }
0x265: {  	v2 =	vadd.f32 v2, v7;
	(erf) = vrcp.f32 v1  }
0x266: {  	s20 =	simm.s32 $0x500;
	(erf) = vrcp.f32 v3  }
0x267: {  	v8 =	vld [tilespmem:s20+$0xFFFFFF30];
	(erf) = vrcp.f32 v2  }
0x268: {  	v9 =	vld [tilespmem:s20+$0xFFFFFF40]  }
0x269: {  	v11 =	vld [tilespmem:s20+$0xFFFFFF50]  }
0x26a: {  	v13 =	vld [tilespmem:s20+$0xFFFFFF60]  }
0x26b: {  	v14 =	vld [tilespmem:s20+$0xFFFFFF70]  }
0x26c: {  	v4 =	vld [tilespmem:s20+$0xF0]  }
0x26d: {  	v5 =	vld [tilespmem:s20+$0xFFFFFF00];
	v10 =	vpop (erf)  }
0x26e: {  	v6 =	vld [tilespmem:s20+$0xFFFFFF10];
	v12 =	vpop (erf)  }
0x26f: {  	v7 =	vld [tilespmem:s20+$0xFFFFFF20];
	vm0 =	vgt.f32 v0, $0.0e+00;
	v15 =	vpop (erf)  }
0x270: {  	v16 =	vld [tilespmem:s20+$0xFFFFFF90];
	vm1 =	vgt.f32 v2, $0.0e+00;
	v0 =	vnsel vm0, $0x0, v10;
	v10 =	vpop (erf)  }
0x271: {  	v17 =	vld [tilespmem:s20+$0xFFFFFFA0];
	v4 =	vmul.f32 v4, v0;
	v10 =	vnsel vm1, $0x0, v10  }
0x272: {  	v18 =	vld [tilespmem:s20+$0xFFFFFFF0];
	v5 =	vmul.f32 v10, v5  }
0x273: {  	v2 =	vld [tilespmem:s20+$0xFFFFFF80];
	[tilespmem:s20+$0xF0] =	vst v4;
	v4 =	vmul.f32 v10, v6  }
0x274: {  	v6 =	vld [tilespmem:s20+$0xFFFFFFB0];
	v7 =	vmul.f32 v7, v10;
	[tilespmem:s20+$0xFFFFFF00] =	vst v5  }
0x275: {  	vm14 =	vgt.f32 v1, $0.0e+00;
	v8 =	vmul.f32 v8, v10;
	v1 =	vmul.f32 v13, v10;
	v13 =	vld [tilespmem:s20+$0x30];
	[tilespmem:s20+$0xFFFFFF10] =	vst v4  }
0x276: {  	v9 =	vmul.f32 v9, v10;
	v5 =	vld [tilespmem:s20+$0xFFFFFFC0];
	[tilespmem:s20+$0xFFFFFF20] =	vst v7  }
0x277: {  	v11 =	vmul.f32 v11, v10;
	v4 =	vld [tilespmem:s20+$0xFFFFFFD0];
	[tilespmem:s20+$0xFFFFFF30] =	vst v8  }
0x278: {  	v7 =	vld [tilespmem:s20+$0xFFFFFFE0];
	[tilespmem:s20+$0xFFFFFF40] =	vst v9  }
0x279: {  	v9 =	vld [tilespmem:s20+$0x0];
	v8 =	vmul.f32 v14, v10;
	v10 =	vnsel vm14, $0x0, v12;
	[tilespmem:s20+$0xFFFFFF50] =	vst v11  }
0x27a: {  	v11 =	vld [tilespmem:s20+$0x10];
	[tilespmem:s20+$0xFFFFFF60] =	vst v1;
	v2 =	vmul.f32 v10, v2  }
0x27b: {  	v12 =	vld [tilespmem:s20+$0x20];
	v1 =	vmul.f32 v10, v16;
	[tilespmem:s20+$0xFFFFFF70] =	vst v8  }
0x27c: {  	v14 =	vmul.f32 v17, v10;
	v62 =	vmul.f32 v6, v10;
	[tilespmem:s20+$0xFFFFFF80] =	vst v2;
	v2 =	vld [tilespmem:s20+$0x40]  }
0x27d: {  	vm15 =	vgt.f32 v3, $0.0e+00;
	v3 =	vld [tilespmem:s20+$0x50];
	[tilespmem:s20+$0xFFFFFF90] =	vst v1;
	v63 =	vmul.f32 v5, v10;
	v6 =	vmul.f32 v4, v10  }
0x27e: {  	v1 =	vnsel vm15, $0x0, v15;
	[tilespmem:s20+$0xFFFFFFA0] =	vst v14;
	v8 =	vmul.f32 v7, v10;
	v7 =	vmul.f32 v18, v10;
	v4 =	vld [tilespmem:s20+$0x60]  }
0x27f: {  	v9 =	vmul.f32 v1, v9;
	v10 =	vmul.f32 v1, v11;
	[tilespmem:s20+$0xFFFFFFB0] =	vst v62;
	v5 =	vld [tilespmem:s20+$0x70]  }
0x280: {  	s28 =	simm.s32 $0x0;
	s29 =	simm.s32 $0x8460;
	s23 =	simm.s32 $0x500;
	v12 =	vmul.f32 v12, v1;
	v11 =	vmul.f32 v13, v1;
	v13 =	vld [tilespmem:s20+$0x80];
	[tilespmem:s20+$0xFFFFFFC0] =	vst v63  }
.LBB2_13:
0x281: {  	v14 =	vld [tilespmem:s29+$0x10];
	[tilespmem:s20+$0xFFFFFFD0] =	vst v6;
	v2 =	vmul.f32 v2, v1;
	s22 =	sadd.s32 $0x40, s22  }
0x282: {  	s28 =	sadd.s32 $0x4, s28;
	v6 =	vld [tilespmem:s22+$0x10];
	[tilespmem:s20+$0xFFFFFFE0] =	vst v8;
	v3 =	vmul.f32 v3, v1  }
0x283: {  	p0 =	slt.u32 s28, $0x7C;
	v8 =	vld [tilespmem:s22+$0xFFFFFFE0];
	[tilespmem:s20+$0xFFFFFFF0] =	vst v7;
	v4 =	vmul.f32 v4, v1  }
0x284: {  	v7 =	vld [tilespmem:s29+$0xFFFFFFF0];
	[tilespmem:s20+$0x0] =	vst v9;
	v1 =	vmul.f32 v5, v1  }
0x285: {  	v5 =	vld [tilespmem:s22+$0xFFFFFFF0];
	[tilespmem:s20+$0x10] =	vst v10;
	v9 =	vmul.f32 v0, v13  }
0x286: {  	v10 =	vld [tilespmem:s29+$0x0];
	[tilespmem:s20+$0x20] =	vst v12  }
0x287: {  	v12 =	vld [tilespmem:s22+$0x0];
	v6 =	vadd.f32 v6, v14;
	[tilespmem:s20+$0x30] =	vst v11  }
0x288: {  	v11 =	vld [tilespmem:s29+$0xFFFFFFE0];
	[tilespmem:s20+$0x40] =	vst v2  }
0x289: {  	(erf) = vrcp.f32 v6;
	[tilespmem:s20+$0x50] =	vst v3;
	v2 =	vld [tilespmem:s20+$0x90]  }
0x28a: {  	v3 =	vadd.f32 v5, v7;
	[tilespmem:s20+$0x60] =	vst v4;
	v4 =	vld [tilespmem:s20+$0xA0]  }
0x28b: {  	[tilespmem:s20+$0x70] =	vst v1;
	v1 =	vld [tilespmem:s20+$0xB0]  }
0x28c: {  	vm0 =	vgt.f32 v3, $0.0e+00;
	v5 =	vadd.f32 v12, v10;
	(erf) = vrcp.f32 v3;
	[tilespmem:s20+$0x80] =	vst v9;
	v3 =	vld [tilespmem:s20+$0xC0]  }
0x28d: {  	v7 =	vadd.f32 v8, v11;
	v8 =	vld [tilespmem:s20+$0xD0]  }
0x28e: {  	s20 =	sadd.s32 $0x200, s20;
	vm1 =	vgt.f32 v5, $0.0e+00;
	(erf) = vrcp.f32 v5;
	v2 =	vmul.f32 v0, v2;
	v5 =	vld [tilespmem:s23+$0xE0]  }
0x28f: {  	vm2 =	vgt.f32 v7, $0.0e+00;
	v9 =	vld [tilespmem:s20+$0xF0];
	(erf) = vrcp.f32 v7;
	v4 =	vmul.f32 v4, v0  }
0x290: {  	v7 =	vld [tilespmem:s20+$0xFFFFFF00];
	[tilespmem:s23+$0x90] =	vst v2;
	v1 =	vmul.f32 v1, v0  }
0x291: {  	v2 =	vld [tilespmem:s20+$0xFFFFFF10];
	[tilespmem:s23+$0xA0] =	vst v4;
	v3 =	vmul.f32 v3, v0  }
0x292: {  	vm3 =	vgt.f32 v6, $0.0e+00;
	v4 =	vld [tilespmem:s20+$0xFFFFFF20];
	v6 =	vpop (erf);
	[tilespmem:s23+$0xB0] =	vst v1;
	v10 =	vmul.f32 v8, v0  }
0x293: {  	v8 =	vld [tilespmem:s20+$0xFFFFFF30];
	[tilespmem:s23+$0xC0] =	vst v3;
	v3 =	vmul.f32 v5, v0;
	v0 =	vnsel vm3, $0x0, v6  }
0x294: {  	v5 =	vld [tilespmem:s20+$0xFFFFFF40];
	v6 =	vmul.f32 v9, v0;
	[tilespmem:s23+$0xD0] =	vst v10  }
0x295: {  	v9 =	vld [tilespmem:s20+$0xFFFFFF50];
	v1 =	vpop (erf);
	[tilespmem:s23+$0xE0] =	vst v3;
	s23 =	smov.u32 s20  }
0x296: {  	v3 =	vld [tilespmem:s20+$0xFFFFFF60];
	v10 =	vnsel vm0, $0x0, v1;
	[tilespmem:s20+$0xF0] =	vst v6  }
0x297: {  	v6 =	vld [tilespmem:s20+$0xFFFFFF70];
	v1 =	vpop (erf)  }
0x298: {  	v11 =	vld [tilespmem:s20+$0xFFFFFF80];
	v1 =	vnsel vm1, $0x0, v1;
	v12 =	vpop (erf)  }
0x299: {  	v12 =	vnsel vm2, $0x0, v12;
	v13 =	vld [tilespmem:s20+$0xFFFFFF90]  }
0x29a: {  	v7 =	vmul.f32 v12, v7;
	v2 =	vmul.f32 v12, v2;
	v14 =	vld [tilespmem:s20+$0xFFFFFFA0]  }
0x29b: {  	v4 =	vmul.f32 v4, v12;
	v8 =	vmul.f32 v8, v12;
	v15 =	vld [tilespmem:s20+$0xFFFFFFB0]  }
0x29c: {  	v5 =	vmul.f32 v5, v12;
	[tilespmem:s20+$0xFFFFFF00] =	vst v7;
	v7 =	vmul.f32 v9, v12;
	v9 =	vld [tilespmem:s20+$0xFFFFFFC0]  }
0x29d: {  	[tilespmem:s20+$0xFFFFFF10] =	vst v2;
	v2 =	vmul.f32 v3, v12;
	v3 =	vmul.f32 v6, v12;
	v6 =	vld [tilespmem:s20+$0xFFFFFFD0]  }
0x29e: {  	[tilespmem:s20+$0xFFFFFF20] =	vst v4;
	v4 =	vmul.f32 v10, v11;
	v11 =	vmul.f32 v10, v13;
	v12 =	vld [tilespmem:s20+$0xFFFFFFE0]  }
0x29f: {  	[tilespmem:s20+$0xFFFFFF30] =	vst v8;
	v13 =	vmul.f32 v14, v10;
	v14 =	vld [tilespmem:s20+$0xFFFFFFF0]  }
0x2a0: {  	[tilespmem:s20+$0xFFFFFF40] =	vst v5;
	v5 =	vmul.f32 v15, v10;
	v15 =	vld [tilespmem:s20+$0x0]  }
0x2a1: {  	[tilespmem:s20+$0xFFFFFF50] =	vst v7;
	v16 =	vmul.f32 v9, v10;
	v17 =	vld [tilespmem:s20+$0x10]  }
0x2a2: {  	[tilespmem:s20+$0xFFFFFF60] =	vst v2;
	v6 =	vmul.f32 v6, v10;
	v18 =	vld [tilespmem:s20+$0x20]  }
0x2a3: {  	[tilespmem:s20+$0xFFFFFF70] =	vst v3;
	v8 =	vmul.f32 v12, v10;
	v19 =	vld [tilespmem:s20+$0x30]  }
.Ltmp5:
0x2a4: {  	[tilespmem:s20+$0xFFFFFF80] =	vst v4;
	v7 =	vmul.f32 v14, v10;
	v2 =	vld [tilespmem:s20+$0x40];
	(pc) =	sbr.rel @p0 .LBB2_13-.Ltmp5, $4  }
0x2a5: {  	[tilespmem:s20+$0xFFFFFF90] =	vst v11;
	v9 =	vmul.f32 v1, v15;
	v3 =	vld [tilespmem:s20+$0x50]  }
0x2a6: {  	[tilespmem:s20+$0xFFFFFFA0] =	vst v13;
	v10 =	vmul.f32 v1, v17;
	v4 =	vld [tilespmem:s20+$0x60]  }
0x2a7: {  	[tilespmem:s20+$0xFFFFFFB0] =	vst v5;
	v12 =	vmul.f32 v18, v1;
	v5 =	vld [tilespmem:s20+$0x70]  }
0x2a8: {  	s29 =	sadd.s32 $0x40, s29;
	[tilespmem:s20+$0xFFFFFFC0] =	vst v16;
	v11 =	vmul.f32 v19, v1;
	v13 =	vld [tilespmem:s20+$0x80]  }
0x2a9: {  	[tilespmem:s20+$0xFFFFFFD0] =	vst v6  }
0x2aa: {  	[tilespmem:s20+$0xFFFFFFE0] =	vst v8  }
0x2ab: {  	[tilespmem:s20+$0xFFFFFFF0] =	vst v7  }
0x2ac: {  	[tilespmem:s20+$0x0] =	vst v9  }
0x2ad: {  	[tilespmem:s20+$0x10] =	vst v10  }
0x2ae: {  	v50 =	vld [tilespmem:s20+$0x90];
	[tilespmem:s20+$0x20] =	vst v12;
	v2 =	vmul.f32 v2, v1  }
0x2af: {  	v52 =	vld [tilespmem:s20+$0xA0];
	[tilespmem:s20+$0x30] =	vst v11;
	v3 =	vmul.f32 v3, v1  }
0x2b0: {  	v53 =	vld [tilespmem:s20+$0xB0];
	[tilespmem:s20+$0x40] =	vst v2;
	v51 =	vmul.f32 v0, v13  }
0x2b1: {  	v54 =	vld [tilespmem:s20+$0xC0];
	v4 =	vmul.f32 v4, v1;
	[tilespmem:s20+$0x50] =	vst v3  }
0x2b2: {  	v56 =	vld [tilespmem:s20+$0xD0];
	v55 =	vmul.f32 v5, v1;
	[tilespmem:s20+$0x80] =	vst v51  }
0x2b3: {  	[tilespmem:s20+$0x60] =	vst v4;
	v57 =	vmul.f32 v0, v50;
	v58 =	vld [tilespmem:s23+$0xE0]  }
0x2b4: {  	[tilespmem:s20+$0x70] =	vst v55;
	v59 =	vmul.f32 v52, v0  }
0x2b5: {  	v60 =	vmul.f32 v53, v0;
	[tilespmem:s23+$0x90] =	vst v57  }
0x2b6: {  	v61 =	vmul.f32 v54, v0;
	[tilespmem:s23+$0xA0] =	vst v59  }
0x2b7: {  	v62 =	vmul.f32 v56, v0;
	[tilespmem:s23+$0xB0] =	vst v60  }
0x2b8: {  	[tilespmem:s23+$0xC0] =	vst v61;
	v63 =	vmul.f32 v58, v0  }
0x2b9: {  	s20 =	rddreg [dreg:$0x12];
	[tilespmem:s23+$0xD0] =	vst v62  }
0x2ba: {  	s18 =	sadd.s32 $0x1, s18;
	s19 =	sadd.s32 s20, s19;
	[tilespmem:s23+$0xE0] =	vst v63  }
0x2bb: {  	p0 =	sne.s32 s18, $0x5;
	s19 =	sshrl.u32 s19, $0x3;
	s29 =	rddreg [dreg:$0x6]  }
.Ltmp6:
0x2bc: {  	s19 =	sadd.s32 s29, s19;
	(pc) =	sbr.rel @p0 .LBB2_12-.Ltmp6, $4  }
0x2bd: {  	[hbm4b:s19+s3] =	stream.linear.scatter [tilespmem:s13], [sflag:$0x9], $0x4000, $0x38;
	[tilespmem:$0x1D400] =	vst v63  }
0x2be: {  	_ =	swait.ge [sflag:s30], $0x4000  }
0x2bf: {  	[sflag:s30] =	ssyncset.done $0x0  }
0x2c0: {  	[sflag:s30] =	ssyncadd.s32 $0xFFFFC000  }
0x2c1: {  	s19 =	rddreg [dreg:$0x17]  }
0x2c2: {  	s18 =	rddreg [dreg:$0x13];
	s19 =	sadd.s32 $0x1, s19  }
0x2c3: {  	p0 =	sne.s32 s19, s18  }
.Ltmp7:
0x2c4: {  	_ = 	snop;
	(pc) =	sbr.rel @p0 .LBB2_1-.Ltmp7, $1  }
0x2c5: {  	_ =	sdelay $0x3  }
0x2c6: {  	_ =	sfence.sel $0x180000  }
0x2c7: {  	[bflag:$0x0] =	sbarrier.arrive $0xFFFF  }
0x2c8: {  	_ =	strace $0x9000004A  }
0x2c9: {  	s0 =	stileid.u32;
	[bflag:$0x2] =	sbarrier.arrive $0xFFFF  }
0x2ca: {  	p0 =	sne.s32 s0, $0x0;
	s0 =	rddreg [dreg:$0x3]  }
0x2cb: {  	s0 =	sadd.s32 @!p0 $0x100000, s0  }
0x2cc: {  	[sflag:s0] =	ssyncadd.tile.s32 @!p0 $0x1;
	_ =	shalt  }
.Lfunc_end2:
_tile_overlayer_lowered:
.L_overlay_start_2:
0x2cd: {  	(tag) =	ssettag $0x2  }
0x2ce: {  	s0 =	rddreg [dreg:$0x0];
	s2 =	stileid.u32  }
0x2cf: {  	s1 =	rddreg [dreg:$0x1];
	p0 =	sne.s32 s2, $0x0  }
0x2d0: {  	s3 =	rddreg [dreg:$0x2];
	[bflag:$0x3] =	sbarrier.arrive $0xFFFF;
	s2 =	simm.s32 @!p0 $0x1C09  }
0x2d1: {  	[timem:s3], [sflag:s2] =	dma.local @!p0 [hbm:s0], s1  }
0x2d2: {  	s0 =	simm.s32 @!p0 $0x9  }
0x2d3: {  	_ =	swait.ge @!p0 [sflag:s0], s1  }
0x2d4: {  	s1 =	ssub.s32 @!p0 $0x0, s1;
	[sflag:s0] =	ssyncset.done @!p0 $0x0  }
0x2d5: {  	[sflag:s0] =	ssyncadd.s32 @!p0 s1  }
0x2d6: {  	[bflag:$0x3] =	sbarrier.arrive $0xFFFF  }
0x2d7: {  	_ =	shalt  }

</sc_bundles>
